<compile_context>
chip_gen: v7x
topology: tpu7x:2x2x1
jax: 0.10.2.dev20260603
libtpu: 0.0.44.dev20260713+nightly
codegen_flags: <defaults>
</compile_context>

<pallas_src>
import functools

import jax
import jax.numpy as jnp
from jax import lax
from jax.experimental import pallas as pl
from jax.experimental.pallas import tpu as pltpu
from jax.experimental.pallas import tpu_sc as plsc

NW = 32
CHUNK = 4096
NBUFS = 4
SAMP = 4096


def _sc_body(N, C, SEGS, NBUF, SAMP_PAD, samp_hbm, idx_hbm, mask_hbm, pos_hbm,
             out_hbm, samp_v, *scr):
    bufs = tuple((scr[4 * i], scr[4 * i + 1], scr[4 * i + 2], scr[4 * i + 3])
                 for i in range(NBUF))
    acc_e, acc_x, acc_y, out_v = scr[4 * NBUF:4 * NBUF + 4]
    cid = lax.axis_index("c")
    sid = lax.axis_index("s")
    w = sid * 2 + cid
    lane = lax.iota(jnp.int32, 16)
    zf = jnp.zeros((16,), jnp.float32)

    def zero_body(j, _):
        acc_e[pl.ds(j * 16, 16)] = zf
        acc_x[pl.ds(j * 16, 16)] = zf
        acc_y[pl.ds(j * 16, 16)] = zf
        return 0

    lax.fori_loop(0, SEGS // 16, zero_body, 0)
    for i in range(NBUF):
        bufs[i][0][pl.ds(C, 16)] = jnp.zeros((16,), jnp.int32)

    g_lo = w * SEGS
    g_hi = g_lo + SEGS

    pltpu.sync_copy(samp_hbm, samp_v)
    zi = jnp.zeros((16,), jnp.int32)

    def cnt_body(j, carry):
        c1, c2 = carry
        v = samp_v[pl.ds(j * 16, 16)]
        c1 = c1 + jnp.where(v < g_lo, 1, 0)
        c2 = c2 + jnp.where(v < g_hi, 1, 0)
        return (c1, c2)

    c1v, c2v = lax.fori_loop(0, SAMP_PAD // 16, cnt_body, (zi, zi), unroll=4)
    cnt1 = jnp.sum(c1v)
    cnt2 = jnp.sum(c2v)
    a_lo = jnp.maximum(cnt1 - 1, 0) * SAMP
    e_lo = a_lo
    e_hi = jnp.minimum(cnt2 * SAMP, N)
    n_chunks = (e_hi - a_lo + (C - 1)) // C

    def chunk_w0(k):
        return pl.multiple_of(jnp.minimum(a_lo + k * C, N - C), 128)

    def start_chunk(k, b):
        iv, mv, pv, sem = bufs[b]
        w0 = chunk_w0(k)
        pltpu.async_copy(idx_hbm.at[pl.ds(w0, C)], iv.at[pl.ds(0, C)], sem)
        pltpu.async_copy(mask_hbm.at[pl.ds(w0, C)], mv, sem)
        pltpu.async_copy(pos_hbm.at[pl.ds(pl.multiple_of(2 * w0, 256), 2 * C)],
                         pv, sem)

    def wait_chunk(b):
        iv, mv, pv, sem = bufs[b]
        pltpu.make_async_copy(idx_hbm.at[pl.ds(0, C)], iv.at[pl.ds(0, C)],
                              sem).wait()
        pltpu.make_async_copy(mask_hbm.at[pl.ds(0, C)], mv, sem).wait()
        pltpu.make_async_copy(pos_hbm.at[pl.ds(0, 2 * C)], pv, sem).wait()

    last = lane == 15
    notlast = jnp.logical_not(last)

    def process_chunk(k, b):
        iv, mv, pv, _ = bufs[b]
        c0 = a_lo + k * C
        w0 = chunk_w0(k)
        clean = (c0 >= e_lo + SAMP) & (c0 + C <= e_hi - SAMP)

        def scat(li, li1, ce, cx, cy, m_p, m_m):
            plsc.addupdate_scatter(acc_e, [li], ce, mask=m_p)
            plsc.addupdate_scatter(acc_x, [li], cx, mask=m_p)
            plsc.addupdate_scatter(acc_y, [li], cy, mask=m_p)
            plsc.addupdate_scatter(acc_e, [li1], -ce, mask=m_m)
            plsc.addupdate_scatter(acc_x, [li1], -cx, mask=m_m)
            plsc.addupdate_scatter(acc_y, [li1], -cy, mask=m_m)

        def vec_fast(j, _):
            ii = j * 16
            vi = iv[pl.ds(ii, 16)]
            vi1 = iv[pl.ds(ii + 1, 16)]
            e = jnp.exp(mv[pl.ds(ii, 16)])
            xb = 2 * ii - (ii % 128)
            x = pv[pl.ds(xb, 16)]
            y = pv[pl.ds(xb + 128, 16)]
            ce = plsc.cumsum(e)
            cx = plsc.cumsum(e * x)
            cy = plsc.cumsum(e * y)
            bnd = vi != vi1
            scat(vi - g_lo, vi1 - g_lo, ce, cx, cy, bnd | last, bnd & notlast)
            return 0

        def vec_edge(j, _):
            ii = j * 16
            vi = iv[pl.ds(ii, 16)]
            vi1 = iv[pl.ds(ii + 1, 16)]
            posp = w0 + ii + lane
            valid = (posp >= c0) & (posp < e_hi)
            e = jnp.where(valid, jnp.exp(mv[pl.ds(ii, 16)]), 0.0)
            xb = 2 * ii - (ii % 128)
            x = pv[pl.ds(xb, 16)]
            y = pv[pl.ds(xb + 128, 16)]
            ce = plsc.cumsum(e)
            cx = plsc.cumsum(e * x)
            cy = plsc.cumsum(e * y)
            bnd = vi != vi1
            inr = (vi >= g_lo) & (vi < g_hi)
            inr1 = (vi1 >= g_lo) & (vi1 < g_hi)
            scat(vi - g_lo, vi1 - g_lo, ce, cx, cy,
                 (bnd | last) & inr, bnd & notlast & inr1)
            return 0

        @pl.when(clean)
        def _():
            lax.fori_loop(0, C // 16, vec_fast, 0, unroll=4)

        @pl.when(jnp.logical_not(clean))
        def _():
            lax.fori_loop(0, C // 16, vec_edge, 0, unroll=2)

    for i in range(NBUF - 1):
        @pl.when(i < n_chunks)
        def _(i=i):
            start_chunk(i, i)

    def outer(k2, _):
        for b in range(NBUF):
            k = NBUF * k2 + b

            @pl.when(k < n_chunks)
            def _(k=k, b=b):
                wait_chunk(b)

                @pl.when(k + NBUF - 1 < n_chunks)
                def _():
                    start_chunk(k + NBUF - 1, (b + NBUF - 1) % NBUF)

                process_chunk(k, b)
        return 0

    lax.fori_loop(0, (n_chunks + NBUF - 1) // NBUF, outer, 0)

    def fin_body(j, _):
        s = acc_e[pl.ds(j * 16, 16)]
        vx = acc_x[pl.ds(j * 16, 16)]
        vy = acc_y[pl.ds(j * 16, 16)]
        nz = s != 0.0
        den = jnp.where(nz, s, 1.0)
        cxo = jnp.where(nz, vx / den, 0.0)
        cyo = jnp.where(nz, vy / den, 0.0)
        xo = 256 * (j // 8) + 16 * (j % 8)
        out_v[pl.ds(xo, 16)] = cxo
        out_v[pl.ds(xo + 128, 16)] = cyo
        return 0

    lax.fori_loop(0, SEGS // 16, fin_body, 0)
    pltpu.sync_copy(out_v, out_hbm.at[pl.ds(w * (2 * SEGS), 2 * SEGS)])


@functools.lru_cache(maxsize=None)
def _make_sc_call(N, G):
    SEGS = (-(-G // NW) + 127) // 128 * 128
    G_PAD = NW * SEGS
    C = CHUNK
    NBUF = NBUFS
    SAMP_PAD = (-(-N // SAMP) + 15) // 16 * 16
    mesh = plsc.VectorSubcoreMesh(core_axis_name="c", subcore_axis_name="s",
                                  num_cores=2, num_subcores=16)
    buf_scratch = []
    for _ in range(NBUF):
        buf_scratch += [
            pltpu.VMEM((C + 16,), jnp.int32),
            pltpu.VMEM((C,), jnp.float32),
            pltpu.VMEM((2 * C,), jnp.float32),
            pltpu.SemaphoreType.DMA,
        ]
    kern = pl.kernel(
        functools.partial(_sc_body, N, C, SEGS, NBUF, SAMP_PAD),
        out_type=jax.ShapeDtypeStruct((2 * G_PAD,), jnp.float32),
        mesh=mesh,
        compiler_params=pltpu.CompilerParams(needs_layout_passes=False),
        scratch_types=[pltpu.VMEM((SAMP_PAD,), jnp.int32)] + buf_scratch + [
            pltpu.VMEM((SEGS,), jnp.float32),
            pltpu.VMEM((SEGS,), jnp.float32),
            pltpu.VMEM((SEGS,), jnp.float32),
            pltpu.VMEM((2 * SEGS,), jnp.float32),
        ],
    )
    return kern, SAMP_PAD


def _tc_body(R, feat_ref, w_ref, u_ref, t_ref, b_ref, logit_ref, lzp_ref):
    x = feat_ref[...]
    wv = w_ref[...]
    acc = lax.dot_general(x, wv, (((1,), (0,)), ((), ())),
                          preferred_element_type=jnp.float32)
    acc = acc[:, :1].reshape(R // 128, 128)
    logit = 8.8 * jnp.tanh(acc + b_ref[0, 0])
    u = u_ref[...]
    noise = jnp.log(u) - jnp.log1p(-u)
    sl = (logit + noise) / t_ref[0, 0]
    logit_ref[...] = logit
    lzp_ref[...] = jax.nn.log_sigmoid(sl)


def kernel(glimpse__feature, glimpse_member__local_pos, glimpse_member__log_mask,
           glimpse_member__glimpse_index, temperature, W, b):
    G = glimpse__feature.shape[0]
    N = glimpse_member__glimpse_index.shape[0]

    idx = glimpse_member__glimpse_index.astype(jnp.int32)
    maskf = glimpse_member__log_mask.reshape(N)
    posb = (glimpse_member__local_pos
            .reshape(N // 128, 128, 2)
            .transpose(0, 2, 1)
            .reshape(2 * N))

    sc_call, samp_pad = _make_sc_call(N, G)
    n_samp = -(-N // SAMP)
    samp = jnp.concatenate(
        [idx[::SAMP],
         jnp.full((samp_pad - n_samp,), jnp.int32(2**31 - 1))])
    member_flat = sc_call(samp, idx, maskf, posb)
    g_pad = member_flat.shape[0] // 2
    member_center = (member_flat
                     .reshape(g_pad // 128, 2, 128)
                     .transpose(0, 2, 1)
                     .reshape(g_pad, 2)[:G])

    R = 2048
    g_up = pl.cdiv(G, R) * R
    u = jax.random.uniform(jax.random.key(42), (G,),
                           minval=1e-6, maxval=1.0 - 1e-6)
    u2d = jnp.concatenate(
        [u, jnp.full((g_up - G,), 0.5, jnp.float32)]).reshape(g_up // 128, 128)
    t2 = temperature.reshape(1, 1)
    b2 = b.reshape(1, 1)
    wp = jnp.pad(W.T, ((0, 0), (0, 127)))
    logit2, lzp2 = pl.pallas_call(
        functools.partial(_tc_body, R),
        grid=(g_up // R,),
        in_specs=[
            pl.BlockSpec((R, 256), lambda i: (i, 0)),
            pl.BlockSpec((256, 128), lambda i: (0, 0)),
            pl.BlockSpec((R // 128, 128), lambda i: (i, 0)),
            pl.BlockSpec((1, 1), lambda i: (0, 0)),
            pl.BlockSpec((1, 1), lambda i: (0, 0)),
        ],
        out_specs=[
            pl.BlockSpec((R // 128, 128), lambda i: (i, 0)),
            pl.BlockSpec((R // 128, 128), lambda i: (i, 0)),
        ],
        out_shape=[
            jax.ShapeDtypeStruct((g_up // 128, 128), jnp.float32),
            jax.ShapeDtypeStruct((g_up // 128, 128), jnp.float32),
        ],
    )(glimpse__feature, wp, u2d, t2, b2)

    return (lzp2.reshape(g_up)[:G], logit2.reshape(g_up)[:G], member_center)

# --- scband reference (transcript-rebuilt; emitter-appended) ---
"""Pipeline reference for scband-spairglimpse-zpres-mlp-64269890617423 (READ-ONLY COPY).

The authoritative reference and input builder live on the scoring server;
editing this copy changes nothing except your own understanding.
"""

import jax, jax.numpy as jnp
import numpy as np

G = 100000
N = 6400000

def setup_inputs(seed: int = 0) -> dict:
    key = jax.random.key(seed)
    k1, k2, k3, k4, k5, k6 = jax.random.split(key, 6)
    glimpse__feature = jax.random.normal(k1, (G, 256), dtype=jnp.float32)
    glimpse_member__local_pos = jax.random.normal(k2, (N, 2), dtype=jnp.float32)
    glimpse_member__log_mask = jax.random.normal(k3, (N, 1), dtype=jnp.float32)
    glimpse_member__glimpse_index = jnp.sort(jax.random.randint(k4, (N,), 0, G, dtype=jnp.int64))
    temperature = jnp.ones((), dtype=jnp.float32)
    # learned params of z_pres_linear: Linear(256 -> 1)
    W = jax.random.normal(k5, (1, 256), dtype=jnp.float32) * 0.05
    b = jnp.zeros((1,), dtype=jnp.float32)
    return {
        'glimpse__feature': glimpse__feature,
        'glimpse_member__local_pos': glimpse_member__local_pos,
        'glimpse_member__log_mask': glimpse_member__log_mask,
        'glimpse_member__glimpse_index': glimpse_member__glimpse_index,
        'temperature': temperature,
        'W': W,
        'b': b,
    }

def _scatter_log_softmax(log_mask, idx, num_segments):
    seg_max = jax.ops.segment_max(log_mask, idx, num_segments=num_segments)
    seg_max = jnp.where(jnp.isfinite(seg_max), seg_max, 0.0)
    shifted = log_mask - seg_max[idx]
    seg_sum = jax.ops.segment_sum(jnp.exp(shifted), idx, num_segments=num_segments)
    return shifted - jnp.log(seg_sum[idx])

def reference(glimpse__feature, glimpse_member__local_pos, glimpse_member__log_mask, glimpse_member__glimpse_index, temperature, W, b):
    num_glimpses = glimpse__feature.shape[0]
    idx = glimpse_member__glimpse_index
    # scatter_log_softmax over members grouped by glimpse, then exp
    log_norm = _scatter_log_softmax(glimpse_member__log_mask, idx, num_glimpses)
    normalized_mask = jnp.exp(log_norm)  # [N, 1]
    weighted_pos = glimpse_member__local_pos * normalized_mask  # broadcast [N,2]
    member_center = jax.ops.segment_sum(weighted_pos, idx, num_segments=num_glimpses)  # [G,2]
    # z_pres linear head
    logit_pres = glimpse__feature @ W.T + b  # [G, 1]
    logit_pres = 8.8 * jnp.tanh(logit_pres[:, 0])  # [G]
    # LogitRelaxedBernoulli rsample (reparameterized, fixed noise key)
    u = jax.random.uniform(jax.random.key(42), logit_pres.shape, minval=1e-6, maxval=1.0 - 1e-6)
    logistic_noise = jnp.log(u) - jnp.log1p(-u)
    sample_logits = (logit_pres + logistic_noise) / temperature
    log_z_pres = jax.nn.log_sigmoid(sample_logits)
    # pres_post (Bernoulli dist) is fully determined by logit_pres; return arrays only
    return (log_z_pres, logit_pres, member_center)

if __name__ == "__main__":
    import jax
    _d = setup_inputs()
    print(jax.jit(kernel)(*tuple(_d.values())))

</pallas_src>

<mosaic_0001>
#map = affine_map<(d0, d1) -> (0)>
module attributes {stable_mosaic.version = 14 : i64} {
  func.func @_sc_body(%arg0: i32, %arg1: i32, %arg2: memref<1568xi32, #tpu.memory_space<hbm>>, %arg3: memref<6400000xi32, #tpu.memory_space<hbm>>, %arg4: memref<6400000xf32, #tpu.memory_space<hbm>>, %arg5: memref<12800000xf32, #tpu.memory_space<hbm>>, %arg6: memref<204800xf32, #tpu.memory_space<hbm>>, %arg7: memref<1568xi32, #tpu.memory_space<vmem>>, %arg8: memref<4112xi32, #tpu.memory_space<vmem>>, %arg9: memref<4096xf32, #tpu.memory_space<vmem>>, %arg10: memref<8192xf32, #tpu.memory_space<vmem>>, %arg11: memref<!tpu.dma_semaphore, #tpu.memory_space<semaphore_mem>>, %arg12: memref<4112xi32, #tpu.memory_space<vmem>>, %arg13: memref<4096xf32, #tpu.memory_space<vmem>>, %arg14: memref<8192xf32, #tpu.memory_space<vmem>>, %arg15: memref<!tpu.dma_semaphore, #tpu.memory_space<semaphore_mem>>, %arg16: memref<4112xi32, #tpu.memory_space<vmem>>, %arg17: memref<4096xf32, #tpu.memory_space<vmem>>, %arg18: memref<8192xf32, #tpu.memory_space<vmem>>, %arg19: memref<!tpu.dma_semaphore, #tpu.memory_space<semaphore_mem>>, %arg20: memref<4112xi32, #tpu.memory_space<vmem>>, %arg21: memref<4096xf32, #tpu.memory_space<vmem>>, %arg22: memref<8192xf32, #tpu.memory_space<vmem>>, %arg23: memref<!tpu.dma_semaphore, #tpu.memory_space<semaphore_mem>>, %arg24: memref<3200xf32, #tpu.memory_space<vmem>>, %arg25: memref<3200xf32, #tpu.memory_space<vmem>>, %arg26: memref<3200xf32, #tpu.memory_space<vmem>>, %arg27: memref<6400xf32, #tpu.memory_space<vmem>>) attributes {dimension_semantics = [#tpu.dimension_semantics<core_parallel>, #tpu.dimension_semantics<subcore_parallel>], iteration_bounds = array<i64: 2, 16>, scalar_prefetch = 0 : i64, scratch_operands = 21 : i64, tpu.core_type = #tpu.core_type<sc_vector_subcore>, window_params = [{transform_indices = #map}, {transform_indices = #map}, {transform_indices = #map}, {transform_indices = #map}, {transform_indices = #map}]} {
    %mul3A = arith.constant 2 : i32
    %mul3A_0 = arith.muli %arg1, %mul3A : i32
    %add3A = arith.addi %mul3A_0, %arg0 : i32
    %iota3A = tpu.iota {dimensions = array<i32: 0>} : vector<16xi32>
    %broadcast_in_dim3A = arith.constant 0.000000e+00 : f32
    %broadcast_in_dim3A_1 = vector.broadcast %broadcast_in_dim3A : f32 to vector<16xf32>
    %scan3A = arith.constant 0 : i32
    %scan3A_2 = arith.constant 0 : i32
    %scan3A_3 = arith.constant 200 : i32
    %scan3A_4 = arith.addi %scan3A_2, %scan3A_3 : i32
    %scan3A_5 = arith.constant 1 : i32
    %scan3A_6 = scf.for %scan3A_174 = %scan3A_2 to %scan3A_4 step %scan3A_5 iter_args(%scan3A_175 = %scan3A) -> (i32)  : i32 {
      %mul3A_176 = arith.constant 16 : i32
      %mul3A_177 = arith.muli %scan3A_174, %mul3A_176 : i32
      %swap3A_178 = arith.index_cast %mul3A_177 : i32 to index
      %swap3A_179 = tpu.vector_load %arg24[%swap3A_178] {strides = array<i32>} : memref<3200xf32, #tpu.memory_space<vmem>>, vector<16xf32>,
      tpu.vector_store %arg24[%swap3A_178], %broadcast_in_dim3A_1 {strides = array<i32>} : memref<3200xf32, #tpu.memory_space<vmem>>, vector<16xf32>,
      %mul3A_180 = arith.constant 16 : i32
      %mul3A_181 = arith.muli %scan3A_174, %mul3A_180 : i32
      %swap3A_182 = arith.index_cast %mul3A_181 : i32 to index
      %swap3A_183 = tpu.vector_load %arg25[%swap3A_182] {strides = array<i32>} : memref<3200xf32, #tpu.memory_space<vmem>>, vector<16xf32>,
      tpu.vector_store %arg25[%swap3A_182], %broadcast_in_dim3A_1 {strides = array<i32>} : memref<3200xf32, #tpu.memory_space<vmem>>, vector<16xf32>,
      %mul3A_184 = arith.constant 16 : i32
      %mul3A_185 = arith.muli %scan3A_174, %mul3A_184 : i32
      %swap3A_186 = arith.index_cast %mul3A_185 : i32 to index
      %swap3A_187 = tpu.vector_load %arg26[%swap3A_186] {strides = array<i32>} : memref<3200xf32, #tpu.memory_space<vmem>>, vector<16xf32>,
      tpu.vector_store %arg26[%swap3A_186], %broadcast_in_dim3A_1 {strides = array<i32>} : memref<3200xf32, #tpu.memory_space<vmem>>, vector<16xf32>,
      %scan3A_188 = arith.constant 0 : i32
      scf.yield %scan3A_188 : i32
    }
    %scan3A_7 = arith.constant 200 : i32
    %broadcast_in_dim3A_8 = arith.constant 0 : i32
    %broadcast_in_dim3A_9 = vector.broadcast %broadcast_in_dim3A_8 : i32 to vector<16xi32>
    %swap3A = arith.constant 4096 : index
    %swap3A_10 = tpu.vector_load %arg8[%swap3A] {strides = array<i32>} : memref<4112xi32, #tpu.memory_space<vmem>>, vector<16xi32>,
    tpu.vector_store %arg8[%swap3A], %broadcast_in_dim3A_9 {strides = array<i32>} : memref<4112xi32, #tpu.memory_space<vmem>>, vector<16xi32>,
    %broadcast_in_dim3A_11 = arith.constant 0 : i32
    %broadcast_in_dim3A_12 = vector.broadcast %broadcast_in_dim3A_11 : i32 to vector<16xi32>
    %swap3A_13 = arith.constant 4096 : index
    %swap3A_14 = tpu.vector_load %arg12[%swap3A_13] {strides = array<i32>} : memref<4112xi32, #tpu.memory_space<vmem>>, vector<16xi32>,
    tpu.vector_store %arg12[%swap3A_13], %broadcast_in_dim3A_12 {strides = array<i32>} : memref<4112xi32, #tpu.memory_space<vmem>>, vector<16xi32>,
    %broadcast_in_dim3A_15 = arith.constant 0 : i32
    %broadcast_in_dim3A_16 = vector.broadcast %broadcast_in_dim3A_15 : i32 to vector<16xi32>
    %swap3A_17 = arith.constant 4096 : index
    %swap3A_18 = tpu.vector_load %arg16[%swap3A_17] {strides = array<i32>} : memref<4112xi32, #tpu.memory_space<vmem>>, vector<16xi32>,
    tpu.vector_store %arg16[%swap3A_17], %broadcast_in_dim3A_16 {strides = array<i32>} : memref<4112xi32, #tpu.memory_space<vmem>>, vector<16xi32>,
    %broadcast_in_dim3A_19 = arith.constant 0 : i32
    %broadcast_in_dim3A_20 = vector.broadcast %broadcast_in_dim3A_19 : i32 to vector<16xi32>
    %swap3A_21 = arith.constant 4096 : index
    %swap3A_22 = tpu.vector_load %arg20[%swap3A_21] {strides = array<i32>} : memref<4112xi32, #tpu.memory_space<vmem>>, vector<16xi32>,
    tpu.vector_store %arg20[%swap3A_21], %broadcast_in_dim3A_20 {strides = array<i32>} : memref<4112xi32, #tpu.memory_space<vmem>>, vector<16xi32>,
    %mul3A_23 = arith.constant 3200 : i32
    %mul3A_24 = arith.muli %add3A, %mul3A_23 : i32
    %add3A_25 = arith.constant 3200 : i32
    %add3A_26 = arith.addi %mul3A_24, %add3A_25 : i32
    "tpu.region"() ({
      %run_scoped3A = tpu.sem_alloc : memref<!tpu.dma_semaphore, #tpu.memory_space<semaphore_mem>>
      tpu.enqueue_dma source(%arg2 : memref<1568xi32, #tpu.memory_space<hbm>>) target(%arg7 : memref<1568xi32, #tpu.memory_space<vmem>>) target_semaphore(%run_scoped3A : memref<!tpu.dma_semaphore, #tpu.memory_space<semaphore_mem>>)
      tpu.wait_dma2 semaphore(%run_scoped3A : memref<!tpu.dma_semaphore, #tpu.memory_space<semaphore_mem>>) src(%arg2 : memref<1568xi32, #tpu.memory_space<hbm>>) dst(%arg7 : memref<1568xi32, #tpu.memory_space<vmem>>)
      tpu.yield
    }) : () -> ()
    %broadcast_in_dim3A_27 = arith.constant 0 : i32
    %broadcast_in_dim3A_28 = vector.broadcast %broadcast_in_dim3A_27 : i32 to vector<16xi32>
    %scan3A_29 = arith.constant 0 : i32
    %scan3A_30 = arith.constant 96 : i32
    %scan3A_31 = arith.addi %scan3A_29, %scan3A_30 : i32
    %scan3A_32 = arith.constant 4 : i32
    %scan3A_33:2 = scf.for %scan3A_174 = %scan3A_29 to %scan3A_31 step %scan3A_32 iter_args(%scan3A_175 = %broadcast_in_dim3A_28, %scan3A_176 = %broadcast_in_dim3A_28) -> (vector<16xi32>, vector<16xi32>)  : i32 {
      %mul3A_177 = arith.constant 16 : i32
      %mul3A_178 = arith.muli %scan3A_174, %mul3A_177 : i32
      %get3A_179 = arith.index_cast %mul3A_178 : i32 to index
      %get3A_180 = tpu.vector_load %arg7[%get3A_179] {strides = array<i32>} : memref<1568xi32, #tpu.memory_space<vmem>>, vector<16xi32>,
      %lt3A_181 = vector.broadcast %mul3A_24 : i32 to vector<16xi32>
      %lt3A_182 = arith.cmpi slt, %get3A_180, %lt3A_181 : vector<16xi32>
      %jit3A_183 = arith.constant 1 : i32
      %jit3A_184 = arith.constant 0 : i32
      %broadcast_in_dim3A_185 = vector.broadcast %jit3A_183 : i32 to vector<16xi32>
      %broadcast_in_dim3A_186 = vector.broadcast %jit3A_184 : i32 to vector<16xi32>
      %select_n3A_187 = arith.select %lt3A_182, %broadcast_in_dim3A_185, %broadcast_in_dim3A_186 : vector<16xi1>, vector<16xi32>
      %add3A_188 = arith.addi %scan3A_175, %select_n3A_187 : vector<16xi32>
      %lt3A_189 = vector.broadcast %add3A_26 : i32 to vector<16xi32>
      %lt3A_190 = arith.cmpi slt, %get3A_180, %lt3A_189 : vector<16xi32>
      %jit3A_191 = arith.constant 1 : i32
      %jit3A_192 = arith.constant 0 : i32
      %broadcast_in_dim3A_193 = vector.broadcast %jit3A_191 : i32 to vector<16xi32>
      %broadcast_in_dim3A_194 = vector.broadcast %jit3A_192 : i32 to vector<16xi32>
      %select_n3A_195 = arith.select %lt3A_190, %broadcast_in_dim3A_193, %broadcast_in_dim3A_194 : vector<16xi1>, vector<16xi32>
      %add3A_196 = arith.addi %scan3A_176, %select_n3A_195 : vector<16xi32>
      %scan3A_197 = arith.constant 1 : i32
      %scan3A_198 = arith.addi %scan3A_174, %scan3A_197 : i32
      %mul3A_199 = arith.constant 16 : i32
      %mul3A_200 = arith.muli %scan3A_198, %mul3A_199 : i32
      %get3A_201 = arith.index_cast %mul3A_200 : i32 to index
      %get3A_202 = tpu.vector_load %arg7[%get3A_201] {strides = array<i32>} : memref<1568xi32, #tpu.memory_space<vmem>>, vector<16xi32>,
      %lt3A_203 = vector.broadcast %mul3A_24 : i32 to vector<16xi32>
      %lt3A_204 = arith.cmpi slt, %get3A_202, %lt3A_203 : vector<16xi32>
      %jit3A_205 = arith.constant 1 : i32
      %jit3A_206 = arith.constant 0 : i32
      %broadcast_in_dim3A_207 = vector.broadcast %jit3A_205 : i32 to vector<16xi32>
      %broadcast_in_dim3A_208 = vector.broadcast %jit3A_206 : i32 to vector<16xi32>
      %select_n3A_209 = arith.select %lt3A_204, %broadcast_in_dim3A_207, %broadcast_in_dim3A_208 : vector<16xi1>, vector<16xi32>
      %add3A_210 = arith.addi %add3A_188, %select_n3A_209 : vector<16xi32>
      %lt3A_211 = vector.broadcast %add3A_26 : i32 to vector<16xi32>
      %lt3A_212 = arith.cmpi slt, %get3A_202, %lt3A_211 : vector<16xi32>
      %jit3A_213 = arith.constant 1 : i32
      %jit3A_214 = arith.constant 0 : i32
      %broadcast_in_dim3A_215 = vector.broadcast %jit3A_213 : i32 to vector<16xi32>
      %broadcast_in_dim3A_216 = vector.broadcast %jit3A_214 : i32 to vector<16xi32>
      %select_n3A_217 = arith.select %lt3A_212, %broadcast_in_dim3A_215, %broadcast_in_dim3A_216 : vector<16xi1>, vector<16xi32>
      %add3A_218 = arith.addi %add3A_196, %select_n3A_217 : vector<16xi32>
      %scan3A_219 = arith.constant 2 : i32
      %scan3A_220 = arith.addi %scan3A_174, %scan3A_219 : i32
      %mul3A_221 = arith.constant 16 : i32
      %mul3A_222 = arith.muli %scan3A_220, %mul3A_221 : i32
      %get3A_223 = arith.index_cast %mul3A_222 : i32 to index
      %get3A_224 = tpu.vector_load %arg7[%get3A_223] {strides = array<i32>} : memref<1568xi32, #tpu.memory_space<vmem>>, vector<16xi32>,
      %lt3A_225 = vector.broadcast %mul3A_24 : i32 to vector<16xi32>
      %lt3A_226 = arith.cmpi slt, %get3A_224, %lt3A_225 : vector<16xi32>
      %jit3A_227 = arith.constant 1 : i32
      %jit3A_228 = arith.constant 0 : i32
      %broadcast_in_dim3A_229 = vector.broadcast %jit3A_227 : i32 to vector<16xi32>
      %broadcast_in_dim3A_230 = vector.broadcast %jit3A_228 : i32 to vector<16xi32>
      %select_n3A_231 = arith.select %lt3A_226, %broadcast_in_dim3A_229, %broadcast_in_dim3A_230 : vector<16xi1>, vector<16xi32>
      %add3A_232 = arith.addi %add3A_210, %select_n3A_231 : vector<16xi32>
      %lt3A_233 = vector.broadcast %add3A_26 : i32 to vector<16xi32>
      %lt3A_234 = arith.cmpi slt, %get3A_224, %lt3A_233 : vector<16xi32>
      %jit3A_235 = arith.constant 1 : i32
      %jit3A_236 = arith.constant 0 : i32
      %broadcast_in_dim3A_237 = vector.broadcast %jit3A_235 : i32 to vector<16xi32>
      %broadcast_in_dim3A_238 = vector.broadcast %jit3A_236 : i32 to vector<16xi32>
      %select_n3A_239 = arith.select %lt3A_234, %broadcast_in_dim3A_237, %broadcast_in_dim3A_238 : vector<16xi1>, vector<16xi32>
      %add3A_240 = arith.addi %add3A_218, %select_n3A_239 : vector<16xi32>
      %scan3A_241 = arith.constant 3 : i32
      %scan3A_242 = arith.addi %scan3A_174, %scan3A_241 : i32
      %mul3A_243 = arith.constant 16 : i32
      %mul3A_244 = arith.muli %scan3A_242, %mul3A_243 : i32
      %get3A_245 = arith.index_cast %mul3A_244 : i32 to index
      %get3A_246 = tpu.vector_load %arg7[%get3A_245] {strides = array<i32>} : memref<1568xi32, #tpu.memory_space<vmem>>, vector<16xi32>,
      %lt3A_247 = vector.broadcast %mul3A_24 : i32 to vector<16xi32>
      %lt3A_248 = arith.cmpi slt, %get3A_246, %lt3A_247 : vector<16xi32>
      %jit3A_249 = arith.constant 1 : i32
      %jit3A_250 = arith.constant 0 : i32
      %broadcast_in_dim3A_251 = vector.broadcast %jit3A_249 : i32 to vector<16xi32>
      %broadcast_in_dim3A_252 = vector.broadcast %jit3A_250 : i32 to vector<16xi32>
      %select_n3A_253 = arith.select %lt3A_248, %broadcast_in_dim3A_251, %broadcast_in_dim3A_252 : vector<16xi1>, vector<16xi32>
      %add3A_254 = arith.addi %add3A_232, %select_n3A_253 : vector<16xi32>
      %lt3A_255 = vector.broadcast %add3A_26 : i32 to vector<16xi32>
      %lt3A_256 = arith.cmpi slt, %get3A_246, %lt3A_255 : vector<16xi32>
      %jit3A_257 = arith.constant 1 : i32
      %jit3A_258 = arith.constant 0 : i32
      %broadcast_in_dim3A_259 = vector.broadcast %jit3A_257 : i32 to vector<16xi32>
      %broadcast_in_dim3A_260 = vector.broadcast %jit3A_258 : i32 to vector<16xi32>
      %select_n3A_261 = arith.select %lt3A_256, %broadcast_in_dim3A_259, %broadcast_in_dim3A_260 : vector<16xi1>, vector<16xi32>
      %add3A_262 = arith.addi %add3A_240, %select_n3A_261 : vector<16xi32>
      scf.yield %add3A_254, %add3A_262 : vector<16xi32>, vector<16xi32>
    }
    %scan3A_34 = arith.constant 96 : i32
    %scan3A_35 = arith.addi %scan3A_29, %scan3A_34 : i32
    %mul3A_36 = arith.constant 16 : i32
    %mul3A_37 = arith.muli %scan3A_35, %mul3A_36 : i32
    %get3A = arith.index_cast %mul3A_37 : i32 to index
    %get3A_38 = tpu.vector_load %arg7[%get3A] {strides = array<i32>} : memref<1568xi32, #tpu.memory_space<vmem>>, vector<16xi32>,
    %lt3A = vector.broadcast %mul3A_24 : i32 to vector<16xi32>
    %lt3A_39 = arith.cmpi slt, %get3A_38, %lt3A : vector<16xi32>
    %jit3A = arith.constant 1 : i32
    %jit3A_40 = arith.constant 0 : i32
    %broadcast_in_dim3A_41 = vector.broadcast %jit3A : i32 to vector<16xi32>
    %broadcast_in_dim3A_42 = vector.broadcast %jit3A_40 : i32 to vector<16xi32>
    %select_n3A = arith.select %lt3A_39, %broadcast_in_dim3A_41, %broadcast_in_dim3A_42 : vector<16xi1>, vector<16xi32>
    %add3A_43 = arith.addi %scan3A_33#0, %select_n3A : vector<16xi32>
    %lt3A_44 = vector.broadcast %add3A_26 : i32 to vector<16xi32>
    %lt3A_45 = arith.cmpi slt, %get3A_38, %lt3A_44 : vector<16xi32>
    %jit3A_46 = arith.constant 1 : i32
    %jit3A_47 = arith.constant 0 : i32
    %broadcast_in_dim3A_48 = vector.broadcast %jit3A_46 : i32 to vector<16xi32>
    %broadcast_in_dim3A_49 = vector.broadcast %jit3A_47 : i32 to vector<16xi32>
    %select_n3A_50 = arith.select %lt3A_45, %broadcast_in_dim3A_48, %broadcast_in_dim3A_49 : vector<16xi1>, vector<16xi32>
    %add3A_51 = arith.addi %scan3A_33#1, %select_n3A_50 : vector<16xi32>
    %scan3A_52 = arith.constant 97 : i32
    %scan3A_53 = arith.addi %scan3A_29, %scan3A_52 : i32
    %mul3A_54 = arith.constant 16 : i32
    %mul3A_55 = arith.muli %scan3A_53, %mul3A_54 : i32
    %get3A_56 = arith.index_cast %mul3A_55 : i32 to index
    %get3A_57 = tpu.vector_load %arg7[%get3A_56] {strides = array<i32>} : memref<1568xi32, #tpu.memory_space<vmem>>, vector<16xi32>,
    %lt3A_58 = vector.broadcast %mul3A_24 : i32 to vector<16xi32>
    %lt3A_59 = arith.cmpi slt, %get3A_57, %lt3A_58 : vector<16xi32>
    %jit3A_60 = arith.constant 1 : i32
    %jit3A_61 = arith.constant 0 : i32
    %broadcast_in_dim3A_62 = vector.broadcast %jit3A_60 : i32 to vector<16xi32>
    %broadcast_in_dim3A_63 = vector.broadcast %jit3A_61 : i32 to vector<16xi32>
    %select_n3A_64 = arith.select %lt3A_59, %broadcast_in_dim3A_62, %broadcast_in_dim3A_63 : vector<16xi1>, vector<16xi32>
    %add3A_65 = arith.addi %add3A_43, %select_n3A_64 : vector<16xi32>
    %lt3A_66 = vector.broadcast %add3A_26 : i32 to vector<16xi32>
    %lt3A_67 = arith.cmpi slt, %get3A_57, %lt3A_66 : vector<16xi32>
    %jit3A_68 = arith.constant 1 : i32
    %jit3A_69 = arith.constant 0 : i32
    %broadcast_in_dim3A_70 = vector.broadcast %jit3A_68 : i32 to vector<16xi32>
    %broadcast_in_dim3A_71 = vector.broadcast %jit3A_69 : i32 to vector<16xi32>
    %select_n3A_72 = arith.select %lt3A_67, %broadcast_in_dim3A_70, %broadcast_in_dim3A_71 : vector<16xi1>, vector<16xi32>
    %add3A_73 = arith.addi %add3A_51, %select_n3A_72 : vector<16xi32>
    %scan3A_74 = arith.constant 98 : i32
    %reduce_sum3A = arith.constant true
    %reduce_sum3A_75 = vector.broadcast %reduce_sum3A : i1 to vector<16xi1>
    %reduce_sum3A_76 = tpu.scan <sum>, %add3A_65 masked %reduce_sum3A_75 : vector<16xi32>, vector<16xi1> -> vector<16xi32>
    %reduce_sum3A_77 = vector.extract %reduce_sum3A_76[15] : i32 from vector<16xi32>
    %reduce_sum3A_78 = arith.constant true
    %reduce_sum3A_79 = vector.broadcast %reduce_sum3A_78 : i1 to vector<16xi1>
    %reduce_sum3A_80 = tpu.scan <sum>, %add3A_73 masked %reduce_sum3A_79 : vector<16xi32>, vector<16xi1> -> vector<16xi32>
    %reduce_sum3A_81 = vector.extract %reduce_sum3A_80[15] : i32 from vector<16xi32>
    %sub3A = arith.constant 1 : i32
    %sub3A_82 = arith.subi %reduce_sum3A_77, %sub3A : i32
    %max3A = arith.constant 0 : i32
    %max3A_83 = arith.maxsi %sub3A_82, %max3A : i32
    %mul3A_84 = arith.constant 4096 : i32
    %mul3A_85 = arith.muli %max3A_83, %mul3A_84 : i32
    %mul3A_86 = arith.constant 4096 : i32
    %mul3A_87 = arith.muli %reduce_sum3A_81, %mul3A_86 : i32
    %min3A = arith.constant 6400000 : i32
    %min3A_88 = arith.minsi %mul3A_87, %min3A : i32
    %sub3A_89 = arith.subi %min3A_88, %mul3A_85 : i32
    %add3A_90 = arith.constant 4095 : i32
    %add3A_91 = arith.addi %sub3A_89, %add3A_90 : i32
    %jit3A_92 = arith.constant 4096 : i32
    %div3A = arith.divsi %add3A_91, %jit3A_92 : i32
    %sign3A = arith.constant 0 : i32
    %sign3A_93 = arith.cmpi sgt, %add3A_91, %sign3A : i32
    %sign3A_94 = arith.extui %sign3A_93 : i1 to i32
    %sign3A_95 = arith.constant 0 : i32
    %sign3A_96 = arith.cmpi slt, %add3A_91, %sign3A_95 : i32
    %sign3A_97 = arith.extui %sign3A_96 : i1 to i32
    %sign3A_98 = arith.subi %sign3A_94, %sign3A_97 : i32
    %sign3A_99 = arith.constant 0 : i32
    %sign3A_100 = arith.cmpi sgt, %jit3A_92, %sign3A_99 : i32
    %sign3A_101 = arith.extui %sign3A_100 : i1 to i32
    %sign3A_102 = arith.constant 0 : i32
    %sign3A_103 = arith.cmpi slt, %jit3A_92, %sign3A_102 : i32
    %sign3A_104 = arith.extui %sign3A_103 : i1 to i32
    %sign3A_105 = arith.subi %sign3A_101, %sign3A_104 : i32
    %ne3A = arith.cmpi ne, %sign3A_98, %sign3A_105 : i32
    %rem3A = arith.remsi %add3A_91, %jit3A_92 : i32
    %ne3A_106 = arith.constant 0 : i32
    %ne3A_107 = arith.cmpi ne, %rem3A, %ne3A_106 : i32
    %and3A = arith.andi %ne3A, %ne3A_107 : i1
    %sub3A_108 = arith.constant 1 : i32
    %sub3A_109 = arith.subi %div3A, %sub3A_108 : i32
    %select_n3A_110 = arith.select %and3A, %sub3A_109, %div3A : i32
    %eq3A = arith.constant 15 : i32
    %eq3A_111 = vector.broadcast %eq3A : i32 to vector<16xi32>
    %eq3A_112 = arith.cmpi eq, %iota3A, %eq3A_111 : vector<16xi32>
    %not3A = arith.constant dense<true> : vector<16xi1>
    %not3A_113 = arith.xori %eq3A_112, %not3A : vector<16xi1>
    %gt3A = arith.constant 0 : i32
    %gt3A_114 = arith.cmpi sgt, %select_n3A_110, %gt3A : i32
    %convert_element_type3A = arith.extui %gt3A_114 : i1 to i32
    %cond3A = arith.constant 0 : i32
    %cond3A_115 = arith.cmpi ne, %convert_element_type3A, %cond3A : i32
    scf.if %cond3A_115 {
      %add3A_174 = arith.constant 0 : i32
      %add3A_175 = arith.addi %mul3A_85, %add3A_174 : i32
      %min3A_176 = arith.constant 6395904 : i32
      %min3A_177 = arith.minsi %add3A_175, %min3A_176 : i32
      %multiple_of3A = tpu.assume_multiple %min3A_177, 128 : i32
      %dma_start3A = arith.constant 0 : i32
      %dma_start3A_178 = tpu.memref_slice %arg8[%dma_start3A] : memref<4112xi32, #tpu.memory_space<vmem>> -> memref<4096xi32, #tpu.memory_space<vmem>>
      %dma_start3A_179 = tpu.memref_slice %arg3[%multiple_of3A] : memref<6400000xi32, #tpu.memory_space<hbm>> -> memref<4096xi32, #tpu.memory_space<hbm>>
      %dma_start3A_180 = arith.constant 0 : i32
      %dma_start3A_181 = tpu.memref_slice %arg8[%dma_start3A_180] : memref<4112xi32, #tpu.memory_space<vmem>> -> memref<4096xi32, #tpu.memory_space<vmem>>
      %dma_start3A_182 = tpu.memref_slice %arg3[%multiple_of3A] : memref<6400000xi32, #tpu.memory_space<hbm>> -> memref<4096xi32, #tpu.memory_space<hbm>>
      tpu.enqueue_dma source(%dma_start3A_182 : memref<4096xi32, #tpu.memory_space<hbm>>) target(%dma_start3A_181 : memref<4096xi32, #tpu.memory_space<vmem>>) target_semaphore(%arg11 : memref<!tpu.dma_semaphore, #tpu.memory_space<semaphore_mem>>)
      %dma_start3A_183 = tpu.memref_slice %arg4[%multiple_of3A] : memref<6400000xf32, #tpu.memory_space<hbm>> -> memref<4096xf32, #tpu.memory_space<hbm>>
      %dma_start3A_184 = tpu.memref_slice %arg4[%multiple_of3A] : memref<6400000xf32, #tpu.memory_space<hbm>> -> memref<4096xf32, #tpu.memory_space<hbm>>
      tpu.enqueue_dma source(%dma_start3A_184 : memref<4096xf32, #tpu.memory_space<hbm>>) target(%arg9 : memref<4096xf32, #tpu.memory_space<vmem>>) target_semaphore(%arg11 : memref<!tpu.dma_semaphore, #tpu.memory_space<semaphore_mem>>)
      %mul3A_185 = arith.constant 2 : i32
      %mul3A_186 = arith.muli %mul3A_185, %multiple_of3A : i32
      %multiple_of3A_187 = tpu.assume_multiple %mul3A_186, 256 : i32
      %dma_start3A_188 = tpu.memref_slice %arg5[%multiple_of3A_187] : memref<12800000xf32, #tpu.memory_space<hbm>> -> memref<8192xf32, #tpu.memory_space<hbm>>
      %dma_start3A_189 = tpu.memref_slice %arg5[%multiple_of3A_187] : memref<12800000xf32, #tpu.memory_space<hbm>> -> memref<8192xf32, #tpu.memory_space<hbm>>
      tpu.enqueue_dma source(%dma_start3A_189 : memref<8192xf32, #tpu.memory_space<hbm>>) target(%arg10 : memref<8192xf32, #tpu.memory_space<vmem>>) target_semaphore(%arg11 : memref<!tpu.dma_semaphore, #tpu.memory_space<semaphore_mem>>)
    } else {
    }
    %gt3A_116 = arith.constant 1 : i32
    %gt3A_117 = arith.cmpi sgt, %select_n3A_110, %gt3A_116 : i32
    %convert_element_type3A_118 = arith.extui %gt3A_117 : i1 to i32
    %cond3A_119 = arith.constant 0 : i32
    %cond3A_120 = arith.cmpi ne, %convert_element_type3A_118, %cond3A_119 : i32
    scf.if %cond3A_120 {
      %add3A_174 = arith.constant 4096 : i32
      %add3A_175 = arith.addi %mul3A_85, %add3A_174 : i32
      %min3A_176 = arith.constant 6395904 : i32
      %min3A_177 = arith.minsi %add3A_175, %min3A_176 : i32
      %multiple_of3A = tpu.assume_multiple %min3A_177, 128 : i32
      %dma_start3A = arith.constant 0 : i32
      %dma_start3A_178 = tpu.memref_slice %arg12[%dma_start3A] : memref<4112xi32, #tpu.memory_space<vmem>> -> memref<4096xi32, #tpu.memory_space<vmem>>
      %dma_start3A_179 = tpu.memref_slice %arg3[%multiple_of3A] : memref<6400000xi32, #tpu.memory_space<hbm>> -> memref<4096xi32, #tpu.memory_space<hbm>>
      %dma_start3A_180 = arith.constant 0 : i32
      %dma_start3A_181 = tpu.memref_slice %arg12[%dma_start3A_180] : memref<4112xi32, #tpu.memory_space<vmem>> -> memref<4096xi32, #tpu.memory_space<vmem>>
      %dma_start3A_182 = tpu.memref_slice %arg3[%multiple_of3A] : memref<6400000xi32, #tpu.memory_space<hbm>> -> memref<4096xi32, #tpu.memory_space<hbm>>
      tpu.enqueue_dma source(%dma_start3A_182 : memref<4096xi32, #tpu.memory_space<hbm>>) target(%dma_start3A_181 : memref<4096xi32, #tpu.memory_space<vmem>>) target_semaphore(%arg15 : memref<!tpu.dma_semaphore, #tpu.memory_space<semaphore_mem>>)
      %dma_start3A_183 = tpu.memref_slice %arg4[%multiple_of3A] : memref<6400000xf32, #tpu.memory_space<hbm>> -> memref<4096xf32, #tpu.memory_space<hbm>>
      %dma_start3A_184 = tpu.memref_slice %arg4[%multiple_of3A] : memref<6400000xf32, #tpu.memory_space<hbm>> -> memref<4096xf32, #tpu.memory_space<hbm>>
      tpu.enqueue_dma source(%dma_start3A_184 : memref<4096xf32, #tpu.memory_space<hbm>>) target(%arg13 : memref<4096xf32, #tpu.memory_space<vmem>>) target_semaphore(%arg15 : memref<!tpu.dma_semaphore, #tpu.memory_space<semaphore_mem>>)
      %mul3A_185 = arith.constant 2 : i32
      %mul3A_186 = arith.muli %mul3A_185, %multiple_of3A : i32
      %multiple_of3A_187 = tpu.assume_multiple %mul3A_186, 256 : i32
      %dma_start3A_188 = tpu.memref_slice %arg5[%multiple_of3A_187] : memref<12800000xf32, #tpu.memory_space<hbm>> -> memref<8192xf32, #tpu.memory_space<hbm>>
      %dma_start3A_189 = tpu.memref_slice %arg5[%multiple_of3A_187] : memref<12800000xf32, #tpu.memory_space<hbm>> -> memref<8192xf32, #tpu.memory_space<hbm>>
      tpu.enqueue_dma source(%dma_start3A_189 : memref<8192xf32, #tpu.memory_space<hbm>>) target(%arg14 : memref<8192xf32, #tpu.memory_space<vmem>>) target_semaphore(%arg15 : memref<!tpu.dma_semaphore, #tpu.memory_space<semaphore_mem>>)
    } else {
    }
    %gt3A_121 = arith.constant 2 : i32
    %gt3A_122 = arith.cmpi sgt, %select_n3A_110, %gt3A_121 : i32
    %convert_element_type3A_123 = arith.extui %gt3A_122 : i1 to i32
    %cond3A_124 = arith.constant 0 : i32
    %cond3A_125 = arith.cmpi ne, %convert_element_type3A_123, %cond3A_124 : i32
    scf.if %cond3A_125 {
      %add3A_174 = arith.constant 8192 : i32
      %add3A_175 = arith.addi %mul3A_85, %add3A_174 : i32
      %min3A_176 = arith.constant 6395904 : i32
      %min3A_177 = arith.minsi %add3A_175, %min3A_176 : i32
      %multiple_of3A = tpu.assume_multiple %min3A_177, 128 : i32
      %dma_start3A = arith.constant 0 : i32
      %dma_start3A_178 = tpu.memref_slice %arg16[%dma_start3A] : memref<4112xi32, #tpu.memory_space<vmem>> -> memref<4096xi32, #tpu.memory_space<vmem>>
      %dma_start3A_179 = tpu.memref_slice %arg3[%multiple_of3A] : memref<6400000xi32, #tpu.memory_space<hbm>> -> memref<4096xi32, #tpu.memory_space<hbm>>
      %dma_start3A_180 = arith.constant 0 : i32
      %dma_start3A_181 = tpu.memref_slice %arg16[%dma_start3A_180] : memref<4112xi32, #tpu.memory_space<vmem>> -> memref<4096xi32, #tpu.memory_space<vmem>>
      %dma_start3A_182 = tpu.memref_slice %arg3[%multiple_of3A] : memref<6400000xi32, #tpu.memory_space<hbm>> -> memref<4096xi32, #tpu.memory_space<hbm>>
      tpu.enqueue_dma source(%dma_start3A_182 : memref<4096xi32, #tpu.memory_space<hbm>>) target(%dma_start3A_181 : memref<4096xi32, #tpu.memory_space<vmem>>) target_semaphore(%arg19 : memref<!tpu.dma_semaphore, #tpu.memory_space<semaphore_mem>>)
      %dma_start3A_183 = tpu.memref_slice %arg4[%multiple_of3A] : memref<6400000xf32, #tpu.memory_space<hbm>> -> memref<4096xf32, #tpu.memory_space<hbm>>
      %dma_start3A_184 = tpu.memref_slice %arg4[%multiple_of3A] : memref<6400000xf32, #tpu.memory_space<hbm>> -> memref<4096xf32, #tpu.memory_space<hbm>>
      tpu.enqueue_dma source(%dma_start3A_184 : memref<4096xf32, #tpu.memory_space<hbm>>) target(%arg17 : memref<4096xf32, #tpu.memory_space<vmem>>) target_semaphore(%arg19 : memref<!tpu.dma_semaphore, #tpu.memory_space<semaphore_mem>>)
      %mul3A_185 = arith.constant 2 : i32
      %mul3A_186 = arith.muli %mul3A_185, %multiple_of3A : i32
      %multiple_of3A_187 = tpu.assume_multiple %mul3A_186, 256 : i32
      %dma_start3A_188 = tpu.memref_slice %arg5[%multiple_of3A_187] : memref<12800000xf32, #tpu.memory_space<hbm>> -> memref<8192xf32, #tpu.memory_space<hbm>>
      %dma_start3A_189 = tpu.memref_slice %arg5[%multiple_of3A_187] : memref<12800000xf32, #tpu.memory_space<hbm>> -> memref<8192xf32, #tpu.memory_space<hbm>>
      tpu.enqueue_dma source(%dma_start3A_189 : memref<8192xf32, #tpu.memory_space<hbm>>) target(%arg18 : memref<8192xf32, #tpu.memory_space<vmem>>) target_semaphore(%arg19 : memref<!tpu.dma_semaphore, #tpu.memory_space<semaphore_mem>>)
    } else {
    }
    %add3A_126 = arith.constant 4 : i32
    %add3A_127 = arith.addi %select_n3A_110, %add3A_126 : i32
    %sub3A_128 = arith.constant 1 : i32
    %sub3A_129 = arith.subi %add3A_127, %sub3A_128 : i32
    %jit3A_130 = arith.constant 4 : i32
    %div3A_131 = arith.divsi %sub3A_129, %jit3A_130 : i32
    %sign3A_132 = arith.constant 0 : i32
    %sign3A_133 = arith.cmpi sgt, %sub3A_129, %sign3A_132 : i32
    %sign3A_134 = arith.extui %sign3A_133 : i1 to i32
    %sign3A_135 = arith.constant 0 : i32
    %sign3A_136 = arith.cmpi slt, %sub3A_129, %sign3A_135 : i32
    %sign3A_137 = arith.extui %sign3A_136 : i1 to i32
    %sign3A_138 = arith.subi %sign3A_134, %sign3A_137 : i32
    %sign3A_139 = arith.constant 0 : i32
    %sign3A_140 = arith.cmpi sgt, %jit3A_130, %sign3A_139 : i32
    %sign3A_141 = arith.extui %sign3A_140 : i1 to i32
    %sign3A_142 = arith.constant 0 : i32
    %sign3A_143 = arith.cmpi slt, %jit3A_130, %sign3A_142 : i32
    %sign3A_144 = arith.extui %sign3A_143 : i1 to i32
    %sign3A_145 = arith.subi %sign3A_141, %sign3A_144 : i32
    %ne3A_146 = arith.cmpi ne, %sign3A_138, %sign3A_145 : i32
    %rem3A_147 = arith.remsi %sub3A_129, %jit3A_130 : i32
    %ne3A_148 = arith.constant 0 : i32
    %ne3A_149 = arith.cmpi ne, %rem3A_147, %ne3A_148 : i32
    %and3A_150 = arith.andi %ne3A_146, %ne3A_149 : i1
    %sub3A_151 = arith.constant 1 : i32
    %sub3A_152 = arith.subi %div3A_131, %sub3A_151 : i32
    %select_n3A_153 = arith.select %and3A_150, %sub3A_152, %div3A_131 : i32
    %while3A = arith.constant 0 : i32
    %while3A_154 = arith.constant 0 : i32
    %while3A_155 = arith.subi %select_n3A_153, %while3A : i32
    %while3A_156 = arith.addi %while3A, %while3A_155 : i32
    %while3A_157 = arith.constant 1 : i32
    %while3A_158 = arith.divsi %while3A_155, %while3A_157 : i32
    %while3A_159 = arith.muli %while3A_158, %while3A_157 : i32
    %while3A_160 = arith.addi %while3A, %while3A_159 : i32
    %while3A_161 = arith.constant 1 : i32
    %while3A_162 = scf.for %while3A_174 = %while3A to %while3A_160 step %while3A_161 iter_args(%while3A_175 = %while3A_154) -> (i32)  : i32 {
      %mul3A_176 = arith.constant 4 : i32
      %mul3A_177 = arith.muli %mul3A_176, %while3A_174 : i32
      %add3A_178 = arith.constant 0 : i32
      %add3A_179 = arith.addi %mul3A_177, %add3A_178 : i32
      %lt3A_180 = arith.cmpi slt, %add3A_179, %select_n3A_110 : i32
      %convert_element_type3A_181 = arith.extui %lt3A_180 : i1 to i32
      %cond3A_182 = arith.constant 0 : i32
      %cond3A_183 = arith.cmpi ne, %convert_element_type3A_181, %cond3A_182 : i32
      scf.if %cond3A_183 {
        %dma_wait3A = arith.constant 0 : i32
        %dma_wait3A_209 = tpu.memref_slice %arg8[%dma_wait3A] : memref<4112xi32, #tpu.memory_space<vmem>> -> memref<4096xi32, #tpu.memory_space<vmem>>
        %dma_wait3A_210 = arith.constant 0 : i32
        %dma_wait3A_211 = tpu.memref_slice %arg3[%dma_wait3A_210] : memref<6400000xi32, #tpu.memory_space<hbm>> -> memref<4096xi32, #tpu.memory_space<hbm>>
        %dma_wait3A_212 = arith.constant 0 : i32
        %dma_wait3A_213 = tpu.memref_slice %arg8[%dma_wait3A_212] : memref<4112xi32, #tpu.memory_space<vmem>> -> memref<4096xi32, #tpu.memory_space<vmem>>
        %dma_wait3A_214 = arith.constant 0 : i32
        %dma_wait3A_215 = tpu.memref_slice %arg3[%dma_wait3A_214] : memref<6400000xi32, #tpu.memory_space<hbm>> -> memref<4096xi32, #tpu.memory_space<hbm>>
        tpu.wait_dma2 semaphore(%arg11 : memref<!tpu.dma_semaphore, #tpu.memory_space<semaphore_mem>>) src(%dma_wait3A_215 : memref<4096xi32, #tpu.memory_space<hbm>>) dst(%dma_wait3A_213 : memref<4096xi32, #tpu.memory_space<vmem>>)
        %dma_wait3A_216 = arith.constant 0 : i32
        %dma_wait3A_217 = tpu.memref_slice %arg4[%dma_wait3A_216] : memref<6400000xf32, #tpu.memory_space<hbm>> -> memref<4096xf32, #tpu.memory_space<hbm>>
        %dma_wait3A_218 = arith.constant 0 : i32
        %dma_wait3A_219 = tpu.memref_slice %arg4[%dma_wait3A_218] : memref<6400000xf32, #tpu.memory_space<hbm>> -> memref<4096xf32, #tpu.memory_space<hbm>>
        tpu.wait_dma2 semaphore(%arg11 : memref<!tpu.dma_semaphore, #tpu.memory_space<semaphore_mem>>) src(%dma_wait3A_219 : memref<4096xf32, #tpu.memory_space<hbm>>) dst(%arg9 : memref<4096xf32, #tpu.memory_space<vmem>>)
        %dma_wait3A_220 = arith.constant 0 : i32
        %dma_wait3A_221 = tpu.memref_slice %arg5[%dma_wait3A_220] : memref<12800000xf32, #tpu.memory_space<hbm>> -> memref<8192xf32, #tpu.memory_space<hbm>>
        %dma_wait3A_222 = arith.constant 0 : i32
        %dma_wait3A_223 = tpu.memref_slice %arg5[%dma_wait3A_222] : memref<12800000xf32, #tpu.memory_space<hbm>> -> memref<8192xf32, #tpu.memory_space<hbm>>
        tpu.wait_dma2 semaphore(%arg11 : memref<!tpu.dma_semaphore, #tpu.memory_space<semaphore_mem>>) src(%dma_wait3A_223 : memref<8192xf32, #tpu.memory_space<hbm>>) dst(%arg10 : memref<8192xf32, #tpu.memory_space<vmem>>)
        %add3A_224 = arith.constant 4 : i32
        %add3A_225 = arith.addi %add3A_179, %add3A_224 : i32
        %sub3A_226 = arith.constant 1 : i32
        %sub3A_227 = arith.subi %add3A_225, %sub3A_226 : i32
        %lt3A_228 = arith.cmpi slt, %sub3A_227, %select_n3A_110 : i32
        %convert_element_type3A_229 = arith.extui %lt3A_228 : i1 to i32
        %cond3A_230 = arith.constant 0 : i32
        %cond3A_231 = arith.cmpi ne, %convert_element_type3A_229, %cond3A_230 : i32
        scf.if %cond3A_231 {
          %add3A_255 = arith.constant 4 : i32
          %add3A_256 = arith.addi %add3A_179, %add3A_255 : i32
          %sub3A_257 = arith.constant 1 : i32
          %sub3A_258 = arith.subi %add3A_256, %sub3A_257 : i32
          %mul3A_259 = arith.constant 4096 : i32
          %mul3A_260 = arith.muli %sub3A_258, %mul3A_259 : i32
          %add3A_261 = arith.addi %mul3A_85, %mul3A_260 : i32
          %min3A_262 = arith.constant 6395904 : i32
          %min3A_263 = arith.minsi %add3A_261, %min3A_262 : i32
          %multiple_of3A_264 = tpu.assume_multiple %min3A_263, 128 : i32
          %dma_start3A = arith.constant 0 : i32
          %dma_start3A_265 = tpu.memref_slice %arg20[%dma_start3A] : memref<4112xi32, #tpu.memory_space<vmem>> -> memref<4096xi32, #tpu.memory_space<vmem>>
          %dma_start3A_266 = tpu.memref_slice %arg3[%multiple_of3A_264] : memref<6400000xi32, #tpu.memory_space<hbm>> -> memref<4096xi32, #tpu.memory_space<hbm>>
          %dma_start3A_267 = arith.constant 0 : i32
          %dma_start3A_268 = tpu.memref_slice %arg20[%dma_start3A_267] : memref<4112xi32, #tpu.memory_space<vmem>> -> memref<4096xi32, #tpu.memory_space<vmem>>
          %dma_start3A_269 = tpu.memref_slice %arg3[%multiple_of3A_264] : memref<6400000xi32, #tpu.memory_space<hbm>> -> memref<4096xi32, #tpu.memory_space<hbm>>
          tpu.enqueue_dma source(%dma_start3A_269 : memref<4096xi32, #tpu.memory_space<hbm>>) target(%dma_start3A_268 : memref<4096xi32, #tpu.memory_space<vmem>>) target_semaphore(%arg23 : memref<!tpu.dma_semaphore, #tpu.memory_space<semaphore_mem>>)
          %dma_start3A_270 = tpu.memref_slice %arg4[%multiple_of3A_264] : memref<6400000xf32, #tpu.memory_space<hbm>> -> memref<4096xf32, #tpu.memory_space<hbm>>
          %dma_start3A_271 = tpu.memref_slice %arg4[%multiple_of3A_264] : memref<6400000xf32, #tpu.memory_space<hbm>> -> memref<4096xf32, #tpu.memory_space<hbm>>
          tpu.enqueue_dma source(%dma_start3A_271 : memref<4096xf32, #tpu.memory_space<hbm>>) target(%arg21 : memref<4096xf32, #tpu.memory_space<vmem>>) target_semaphore(%arg23 : memref<!tpu.dma_semaphore, #tpu.memory_space<semaphore_mem>>)
          %mul3A_272 = arith.constant 2 : i32
          %mul3A_273 = arith.muli %mul3A_272, %multiple_of3A_264 : i32
          %multiple_of3A_274 = tpu.assume_multiple %mul3A_273, 256 : i32
          %dma_start3A_275 = tpu.memref_slice %arg5[%multiple_of3A_274] : memref<12800000xf32, #tpu.memory_space<hbm>> -> memref<8192xf32, #tpu.memory_space<hbm>>
          %dma_start3A_276 = tpu.memref_slice %arg5[%multiple_of3A_274] : memref<12800000xf32, #tpu.memory_space<hbm>> -> memref<8192xf32, #tpu.memory_space<hbm>>
          tpu.enqueue_dma source(%dma_start3A_276 : memref<8192xf32, #tpu.memory_space<hbm>>) target(%arg22 : memref<8192xf32, #tpu.memory_space<vmem>>) target_semaphore(%arg23 : memref<!tpu.dma_semaphore, #tpu.memory_space<semaphore_mem>>)
        } else {
        }
        %mul3A_232 = arith.constant 4096 : i32
        %mul3A_233 = arith.muli %add3A_179, %mul3A_232 : i32
        %add3A_234 = arith.addi %mul3A_85, %mul3A_233 : i32
        %mul3A_235 = arith.constant 4096 : i32
        %mul3A_236 = arith.muli %add3A_179, %mul3A_235 : i32
        %add3A_237 = arith.addi %mul3A_85, %mul3A_236 : i32
        %min3A_238 = arith.constant 6395904 : i32
        %min3A_239 = arith.minsi %add3A_237, %min3A_238 : i32
        %multiple_of3A = tpu.assume_multiple %min3A_239, 128 : i32
        %add3A_240 = arith.constant 4096 : i32
        %add3A_241 = arith.addi %mul3A_85, %add3A_240 : i32
        %ge3A = arith.cmpi sge, %add3A_234, %add3A_241 : i32
        %add3A_242 = arith.constant 4096 : i32
        %add3A_243 = arith.addi %add3A_234, %add3A_242 : i32
        %sub3A_244 = arith.constant 4096 : i32
        %sub3A_245 = arith.subi %min3A_88, %sub3A_244 : i32
        %le3A = arith.cmpi sle, %add3A_243, %sub3A_245 : i32
        %and3A_246 = arith.andi %ge3A, %le3A : i1
        %convert_element_type3A_247 = arith.extui %and3A_246 : i1 to i32
        %cond3A_248 = arith.constant 0 : i32
        %cond3A_249 = arith.cmpi ne, %convert_element_type3A_247, %cond3A_248 : i32
        scf.if %cond3A_249 {
          %scan3A_255 = arith.constant 0 : i32
          %scan3A_256 = arith.constant 0 : i32
          %scan3A_257 = arith.constant 256 : i32
          %scan3A_258 = arith.addi %scan3A_256, %scan3A_257 : i32
          %scan3A_259 = arith.constant 4 : i32
          %scan3A_260 = scf.for %scan3A_262 = %scan3A_256 to %scan3A_258 step %scan3A_259 iter_args(%scan3A_263 = %scan3A_255) -> (i32)  : i32 {
            %mul3A_264 = arith.constant 16 : i32
            %mul3A_265 = arith.muli %scan3A_262, %mul3A_264 : i32
            %get3A_266 = arith.index_cast %mul3A_265 : i32 to index
            %get3A_267 = tpu.vector_load %arg8[%get3A_266] {strides = array<i32>} : memref<4112xi32, #tpu.memory_space<vmem>>, vector<16xi32>,
            %add3A_268 = arith.constant 1 : i32
            %add3A_269 = arith.addi %mul3A_265, %add3A_268 : i32
            %get3A_270 = arith.index_cast %add3A_269 : i32 to index
            %get3A_271 = tpu.vector_load %arg8[%get3A_270] {strides = array<i32>} : memref<4112xi32, #tpu.memory_space<vmem>>, vector<16xi32>,
            %get3A_272 = arith.index_cast %mul3A_265 : i32 to index
            %get3A_273 = tpu.vector_load %arg9[%get3A_272] {strides = array<i32>} : memref<4096xf32, #tpu.memory_space<vmem>>, vector<16xf32>,
            %exp3A = math.exp %get3A_273 : vector<16xf32>
            %mul3A_274 = arith.constant 2 : i32
            %mul3A_275 = arith.muli %mul3A_274, %mul3A_265 : i32
            %jit3A_276 = arith.constant 128 : i32
            %eq3A_277 = arith.constant 0 : i32
            %eq3A_278 = arith.cmpi eq, %jit3A_276, %eq3A_277 : i32
            %jit3A_279 = arith.constant 1 : i32
            %select_n3A_280 = arith.select %eq3A_278, %jit3A_279, %jit3A_276 : i32
            %rem3A_281 = arith.remsi %mul3A_265, %select_n3A_280 : i32
            %ne3A_282 = arith.constant 0 : i32
            %ne3A_283 = arith.cmpi ne, %rem3A_281, %ne3A_282 : i32
            %lt3A_284 = arith.constant 0 : i32
            %lt3A_285 = arith.cmpi slt, %rem3A_281, %lt3A_284 : i32
            %lt3A_286 = arith.constant 0 : i32
            %lt3A_287 = arith.cmpi slt, %select_n3A_280, %lt3A_286 : i32
            %ne3A_288 = arith.xori %lt3A_285, %lt3A_287 : i1
            %and3A_289 = arith.andi %ne3A_288, %ne3A_283 : i1
            %add3A_290 = arith.addi %rem3A_281, %select_n3A_280 : i32
            %select_n3A_291 = arith.select %and3A_289, %add3A_290, %rem3A_281 : i32
            %sub3A_292 = arith.subi %mul3A_275, %select_n3A_291 : i32
            %get3A_293 = arith.index_cast %sub3A_292 : i32 to index
            %get3A_294 = tpu.vector_load %arg10[%get3A_293] {strides = array<i32>} : memref<8192xf32, #tpu.memory_space<vmem>>, vector<16xf32>,
            %add3A_295 = arith.constant 128 : i32
            %add3A_296 = arith.addi %sub3A_292, %add3A_295 : i32
            %get3A_297 = arith.index_cast %add3A_296 : i32 to index
            %get3A_298 = tpu.vector_load %arg10[%get3A_297] {strides = array<i32>} : memref<8192xf32, #tpu.memory_space<vmem>>, vector<16xf32>,
            %broadcast_in_dim3A_299 = arith.constant true
            %broadcast_in_dim3A_300 = vector.broadcast %broadcast_in_dim3A_299 : i1 to vector<16xi1>
            %masked_cumsum3A = tpu.scan <sum>, %exp3A masked %broadcast_in_dim3A_300 : vector<16xf32>, vector<16xi1> -> vector<16xf32>
            %mul3A_301 = arith.mulf %exp3A, %get3A_294 : vector<16xf32>
            %broadcast_in_dim3A_302 = arith.constant true
            %broadcast_in_dim3A_303 = vector.broadcast %broadcast_in_dim3A_302 : i1 to vector<16xi1>
            %masked_cumsum3A_304 = tpu.scan <sum>, %mul3A_301 masked %broadcast_in_dim3A_303 : vector<16xf32>, vector<16xi1> -> vector<16xf32>
            %mul3A_305 = arith.mulf %exp3A, %get3A_298 : vector<16xf32>
            %broadcast_in_dim3A_306 = arith.constant true
            %broadcast_in_dim3A_307 = vector.broadcast %broadcast_in_dim3A_306 : i1 to vector<16xi1>
            %masked_cumsum3A_308 = tpu.scan <sum>, %mul3A_305 masked %broadcast_in_dim3A_307 : vector<16xf32>, vector<16xi1> -> vector<16xf32>
            %ne3A_309 = arith.cmpi ne, %get3A_267, %get3A_271 : vector<16xi32>
            %sub3A_310 = vector.broadcast %mul3A_24 : i32 to vector<16xi32>
            %sub3A_311 = arith.subi %get3A_267, %sub3A_310 : vector<16xi32>
            %sub3A_312 = vector.broadcast %mul3A_24 : i32 to vector<16xi32>
            %sub3A_313 = arith.subi %get3A_271, %sub3A_312 : vector<16xi32>
            %or3A = arith.ori %ne3A_309, %eq3A_112 : vector<16xi1>
            %and3A_314 = arith.andi %ne3A_309, %not3A_113 : vector<16xi1>
            tpu.vector_store_idx %arg24[%sub3A_311], %masked_cumsum3A masked %or3A {add = true} : memref<3200xf32, #tpu.memory_space<vmem>>[vector<16xi32>], vector<16xf32>, vector<16xi1>
            tpu.vector_store_idx %arg25[%sub3A_311], %masked_cumsum3A_304 masked %or3A {add = true} : memref<3200xf32, #tpu.memory_space<vmem>>[vector<16xi32>], vector<16xf32>, vector<16xi1>
            tpu.vector_store_idx %arg26[%sub3A_311], %masked_cumsum3A_308 masked %or3A {add = true} : memref<3200xf32, #tpu.memory_space<vmem>>[vector<16xi32>], vector<16xf32>, vector<16xi1>
            %neg3A = arith.constant 0.000000e+00 : f32
            %neg3A_315 = vector.broadcast %neg3A : f32 to vector<16xf32>
            %neg3A_316 = arith.subf %neg3A_315, %masked_cumsum3A : vector<16xf32>
            tpu.vector_store_idx %arg24[%sub3A_313], %neg3A_316 masked %and3A_314 {add = true} : memref<3200xf32, #tpu.memory_space<vmem>>[vector<16xi32>], vector<16xf32>, vector<16xi1>
            %neg3A_317 = arith.constant 0.000000e+00 : f32
            %neg3A_318 = vector.broadcast %neg3A_317 : f32 to vector<16xf32>
            %neg3A_319 = arith.subf %neg3A_318, %masked_cumsum3A_304 : vector<16xf32>
            tpu.vector_store_idx %arg25[%sub3A_313], %neg3A_319 masked %and3A_314 {add = true} : memref<3200xf32, #tpu.memory_space<vmem>>[vector<16xi32>], vector<16xf32>, vector<16xi1>
            %neg3A_320 = arith.constant 0.000000e+00 : f32
            %neg3A_321 = vector.broadcast %neg3A_320 : f32 to vector<16xf32>
            %neg3A_322 = arith.subf %neg3A_321, %masked_cumsum3A_308 : vector<16xf32>
            tpu.vector_store_idx %arg26[%sub3A_313], %neg3A_322 masked %and3A_314 {add = true} : memref<3200xf32, #tpu.memory_space<vmem>>[vector<16xi32>], vector<16xf32>, vector<16xi1>
            %scan3A_323 = arith.constant 0 : i32
            %scan3A_324 = arith.constant 1 : i32
            %scan3A_325 = arith.addi %scan3A_262, %scan3A_324 : i32
            %mul3A_326 = arith.constant 16 : i32
            %mul3A_327 = arith.muli %scan3A_325, %mul3A_326 : i32
            %get3A_328 = arith.index_cast %mul3A_327 : i32 to index
            %get3A_329 = tpu.vector_load %arg8[%get3A_328] {strides = array<i32>} : memref<4112xi32, #tpu.memory_space<vmem>>, vector<16xi32>,
            %add3A_330 = arith.constant 1 : i32
            %add3A_331 = arith.addi %mul3A_327, %add3A_330 : i32
            %get3A_332 = arith.index_cast %add3A_331 : i32 to index
            %get3A_333 = tpu.vector_load %arg8[%get3A_332] {strides = array<i32>} : memref<4112xi32, #tpu.memory_space<vmem>>, vector<16xi32>,
            %get3A_334 = arith.index_cast %mul3A_327 : i32 to index
            %get3A_335 = tpu.vector_load %arg9[%get3A_334] {strides = array<i32>} : memref<4096xf32, #tpu.memory_space<vmem>>, vector<16xf32>,
            %exp3A_336 = math.exp %get3A_335 : vector<16xf32>
            %mul3A_337 = arith.constant 2 : i32
            %mul3A_338 = arith.muli %mul3A_337, %mul3A_327 : i32
            %jit3A_339 = arith.constant 128 : i32
            %eq3A_340 = arith.constant 0 : i32
            %eq3A_341 = arith.cmpi eq, %jit3A_339, %eq3A_340 : i32
            %jit3A_342 = arith.constant 1 : i32
            %select_n3A_343 = arith.select %eq3A_341, %jit3A_342, %jit3A_339 : i32
            %rem3A_344 = arith.remsi %mul3A_327, %select_n3A_343 : i32
            %ne3A_345 = arith.constant 0 : i32
            %ne3A_346 = arith.cmpi ne, %rem3A_344, %ne3A_345 : i32
            %lt3A_347 = arith.constant 0 : i32
            %lt3A_348 = arith.cmpi slt, %rem3A_344, %lt3A_347 : i32
            %lt3A_349 = arith.constant 0 : i32
            %lt3A_350 = arith.cmpi slt, %select_n3A_343, %lt3A_349 : i32
            %ne3A_351 = arith.xori %lt3A_348, %lt3A_350 : i1
            %and3A_352 = arith.andi %ne3A_351, %ne3A_346 : i1
            %add3A_353 = arith.addi %rem3A_344, %select_n3A_343 : i32
            %select_n3A_354 = arith.select %and3A_352, %add3A_353, %rem3A_344 : i32
            %sub3A_355 = arith.subi %mul3A_338, %select_n3A_354 : i32
            %get3A_356 = arith.index_cast %sub3A_355 : i32 to index
            %get3A_357 = tpu.vector_load %arg10[%get3A_356] {strides = array<i32>} : memref<8192xf32, #tpu.memory_space<vmem>>, vector<16xf32>,
            %add3A_358 = arith.constant 128 : i32
            %add3A_359 = arith.addi %sub3A_355, %add3A_358 : i32
            %get3A_360 = arith.index_cast %add3A_359 : i32 to index
            %get3A_361 = tpu.vector_load %arg10[%get3A_360] {strides = array<i32>} : memref<8192xf32, #tpu.memory_space<vmem>>, vector<16xf32>,
            %broadcast_in_dim3A_362 = arith.constant true
            %broadcast_in_dim3A_363 = vector.broadcast %broadcast_in_dim3A_362 : i1 to vector<16xi1>
            %masked_cumsum3A_364 = tpu.scan <sum>, %exp3A_336 masked %broadcast_in_dim3A_363 : vector<16xf32>, vector<16xi1> -> vector<16xf32>
            %mul3A_365 = arith.mulf %exp3A_336, %get3A_357 : vector<16xf32>
            %broadcast_in_dim3A_366 = arith.constant true
            %broadcast_in_dim3A_367 = vector.broadcast %broadcast_in_dim3A_366 : i1 to vector<16xi1>
            %masked_cumsum3A_368 = tpu.scan <sum>, %mul3A_365 masked %broadcast_in_dim3A_367 : vector<16xf32>, vector<16xi1> -> vector<16xf32>
            %mul3A_369 = arith.mulf %exp3A_336, %get3A_361 : vector<16xf32>
            %broadcast_in_dim3A_370 = arith.constant true
            %broadcast_in_dim3A_371 = vector.broadcast %broadcast_in_dim3A_370 : i1 to vector<16xi1>
            %masked_cumsum3A_372 = tpu.scan <sum>, %mul3A_369 masked %broadcast_in_dim3A_371 : vector<16xf32>, vector<16xi1> -> vector<16xf32>
            %ne3A_373 = arith.cmpi ne, %get3A_329, %get3A_333 : vector<16xi32>
            %sub3A_374 = vector.broadcast %mul3A_24 : i32 to vector<16xi32>
            %sub3A_375 = arith.subi %get3A_329, %sub3A_374 : vector<16xi32>
            %sub3A_376 = vector.broadcast %mul3A_24 : i32 to vector<16xi32>
            %sub3A_377 = arith.subi %get3A_333, %sub3A_376 : vector<16xi32>
            %or3A_378 = arith.ori %ne3A_373, %eq3A_112 : vector<16xi1>
            %and3A_379 = arith.andi %ne3A_373, %not3A_113 : vector<16xi1>
            tpu.vector_store_idx %arg24[%sub3A_375], %masked_cumsum3A_364 masked %or3A_378 {add = true} : memref<3200xf32, #tpu.memory_space<vmem>>[vector<16xi32>], vector<16xf32>, vector<16xi1>
            tpu.vector_store_idx %arg25[%sub3A_375], %masked_cumsum3A_368 masked %or3A_378 {add = true} : memref<3200xf32, #tpu.memory_space<vmem>>[vector<16xi32>], vector<16xf32>, vector<16xi1>
            tpu.vector_store_idx %arg26[%sub3A_375], %masked_cumsum3A_372 masked %or3A_378 {add = true} : memref<3200xf32, #tpu.memory_space<vmem>>[vector<16xi32>], vector<16xf32>, vector<16xi1>
            %neg3A_380 = arith.constant 0.000000e+00 : f32
            %neg3A_381 = vector.broadcast %neg3A_380 : f32 to vector<16xf32>
            %neg3A_382 = arith.subf %neg3A_381, %masked_cumsum3A_364 : vector<16xf32>
            tpu.vector_store_idx %arg24[%sub3A_377], %neg3A_382 masked %and3A_379 {add = true} : memref<3200xf32, #tpu.memory_space<vmem>>[vector<16xi32>], vector<16xf32>, vector<16xi1>
            %neg3A_383 = arith.constant 0.000000e+00 : f32
            %neg3A_384 = vector.broadcast %neg3A_383 : f32 to vector<16xf32>
            %neg3A_385 = arith.subf %neg3A_384, %masked_cumsum3A_368 : vector<16xf32>
            tpu.vector_store_idx %arg25[%sub3A_377], %neg3A_385 masked %and3A_379 {add = true} : memref<3200xf32, #tpu.memory_space<vmem>>[vector<16xi32>], vector<16xf32>, vector<16xi1>
            %neg3A_386 = arith.constant 0.000000e+00 : f32
            %neg3A_387 = vector.broadcast %neg3A_386 : f32 to vector<16xf32>
            %neg3A_388 = arith.subf %neg3A_387, %masked_cumsum3A_372 : vector<16xf32>
            tpu.vector_store_idx %arg26[%sub3A_377], %neg3A_388 masked %and3A_379 {add = true} : memref<3200xf32, #tpu.memory_space<vmem>>[vector<16xi32>], vector<16xf32>, vector<16xi1>
            %scan3A_389 = arith.constant 0 : i32
            %scan3A_390 = arith.constant 2 : i32
            %scan3A_391 = arith.addi %scan3A_262, %scan3A_390 : i32
            %mul3A_392 = arith.constant 16 : i32
            %mul3A_393 = arith.muli %scan3A_391, %mul3A_392 : i32
            %get3A_394 = arith.index_cast %mul3A_393 : i32 to index
            %get3A_395 = tpu.vector_load %arg8[%get3A_394] {strides = array<i32>} : memref<4112xi32, #tpu.memory_space<vmem>>, vector<16xi32>,
            %add3A_396 = arith.constant 1 : i32
            %add3A_397 = arith.addi %mul3A_393, %add3A_396 : i32
            %get3A_398 = arith.index_cast %add3A_397 : i32 to index
            %get3A_399 = tpu.vector_load %arg8[%get3A_398] {strides = array<i32>} : memref<4112xi32, #tpu.memory_space<vmem>>, vector<16xi32>,
            %get3A_400 = arith.index_cast %mul3A_393 : i32 to index
            %get3A_401 = tpu.vector_load %arg9[%get3A_400] {strides = array<i32>} : memref<4096xf32, #tpu.memory_space<vmem>>, vector<16xf32>,
            %exp3A_402 = math.exp %get3A_401 : vector<16xf32>
            %mul3A_403 = arith.constant 2 : i32
            %mul3A_404 = arith.muli %mul3A_403, %mul3A_393 : i32
            %jit3A_405 = arith.constant 128 : i32
            %eq3A_406 = arith.constant 0 : i32
            %eq3A_407 = arith.cmpi eq, %jit3A_405, %eq3A_406 : i32
            %jit3A_408 = arith.constant 1 : i32
            %select_n3A_409 = arith.select %eq3A_407, %jit3A_408, %jit3A_405 : i32
            %rem3A_410 = arith.remsi %mul3A_393, %select_n3A_409 : i32
            %ne3A_411 = arith.constant 0 : i32
            %ne3A_412 = arith.cmpi ne, %rem3A_410, %ne3A_411 : i32
            %lt3A_413 = arith.constant 0 : i32
            %lt3A_414 = arith.cmpi slt, %rem3A_410, %lt3A_413 : i32
            %lt3A_415 = arith.constant 0 : i32
            %lt3A_416 = arith.cmpi slt, %select_n3A_409, %lt3A_415 : i32
            %ne3A_417 = arith.xori %lt3A_414, %lt3A_416 : i1
            %and3A_418 = arith.andi %ne3A_417, %ne3A_412 : i1
            %add3A_419 = arith.addi %rem3A_410, %select_n3A_409 : i32
            %select_n3A_420 = arith.select %and3A_418, %add3A_419, %rem3A_410 : i32
            %sub3A_421 = arith.subi %mul3A_404, %select_n3A_420 : i32
            %get3A_422 = arith.index_cast %sub3A_421 : i32 to index
            %get3A_423 = tpu.vector_load %arg10[%get3A_422] {strides = array<i32>} : memref<8192xf32, #tpu.memory_space<vmem>>, vector<16xf32>,
            %add3A_424 = arith.constant 128 : i32
            %add3A_425 = arith.addi %sub3A_421, %add3A_424 : i32
            %get3A_426 = arith.index_cast %add3A_425 : i32 to index
            %get3A_427 = tpu.vector_load %arg10[%get3A_426] {strides = array<i32>} : memref<8192xf32, #tpu.memory_space<vmem>>, vector<16xf32>,
            %broadcast_in_dim3A_428 = arith.constant true
            %broadcast_in_dim3A_429 = vector.broadcast %broadcast_in_dim3A_428 : i1 to vector<16xi1>
            %masked_cumsum3A_430 = tpu.scan <sum>, %exp3A_402 masked %broadcast_in_dim3A_429 : vector<16xf32>, vector<16xi1> -> vector<16xf32>
            %mul3A_431 = arith.mulf %exp3A_402, %get3A_423 : vector<16xf32>
            %broadcast_in_dim3A_432 = arith.constant true
            %broadcast_in_dim3A_433 = vector.broadcast %broadcast_in_dim3A_432 : i1 to vector<16xi1>
            %masked_cumsum3A_434 = tpu.scan <sum>, %mul3A_431 masked %broadcast_in_dim3A_433 : vector<16xf32>, vector<16xi1> -> vector<16xf32>
            %mul3A_435 = arith.mulf %exp3A_402, %get3A_427 : vector<16xf32>
            %broadcast_in_dim3A_436 = arith.constant true
            %broadcast_in_dim3A_437 = vector.broadcast %broadcast_in_dim3A_436 : i1 to vector<16xi1>
            %masked_cumsum3A_438 = tpu.scan <sum>, %mul3A_435 masked %broadcast_in_dim3A_437 : vector<16xf32>, vector<16xi1> -> vector<16xf32>
            %ne3A_439 = arith.cmpi ne, %get3A_395, %get3A_399 : vector<16xi32>
            %sub3A_440 = vector.broadcast %mul3A_24 : i32 to vector<16xi32>
            %sub3A_441 = arith.subi %get3A_395, %sub3A_440 : vector<16xi32>
            %sub3A_442 = vector.broadcast %mul3A_24 : i32 to vector<16xi32>
            %sub3A_443 = arith.subi %get3A_399, %sub3A_442 : vector<16xi32>
            %or3A_444 = arith.ori %ne3A_439, %eq3A_112 : vector<16xi1>
            %and3A_445 = arith.andi %ne3A_439, %not3A_113 : vector<16xi1>
            tpu.vector_store_idx %arg24[%sub3A_441], %masked_cumsum3A_430 masked %or3A_444 {add = true} : memref<3200xf32, #tpu.memory_space<vmem>>[vector<16xi32>], vector<16xf32>, vector<16xi1>
            tpu.vector_store_idx %arg25[%sub3A_441], %masked_cumsum3A_434 masked %or3A_444 {add = true} : memref<3200xf32, #tpu.memory_space<vmem>>[vector<16xi32>], vector<16xf32>, vector<16xi1>
            tpu.vector_store_idx %arg26[%sub3A_441], %masked_cumsum3A_438 masked %or3A_444 {add = true} : memref<3200xf32, #tpu.memory_space<vmem>>[vector<16xi32>], vector<16xf32>, vector<16xi1>
            %neg3A_446 = arith.constant 0.000000e+00 : f32
            %neg3A_447 = vector.broadcast %neg3A_446 : f32 to vector<16xf32>
            %neg3A_448 = arith.subf %neg3A_447, %masked_cumsum3A_430 : vector<16xf32>
            tpu.vector_store_idx %arg24[%sub3A_443], %neg3A_448 masked %and3A_445 {add = true} : memref<3200xf32, #tpu.memory_space<vmem>>[vector<16xi32>], vector<16xf32>, vector<16xi1>
            %neg3A_449 = arith.constant 0.000000e+00 : f32
            %neg3A_450 = vector.broadcast %neg3A_449 : f32 to vector<16xf32>
            %neg3A_451 = arith.subf %neg3A_450, %masked_cumsum3A_434 : vector<16xf32>
            tpu.vector_store_idx %arg25[%sub3A_443], %neg3A_451 masked %and3A_445 {add = true} : memref<3200xf32, #tpu.memory_space<vmem>>[vector<16xi32>], vector<16xf32>, vector<16xi1>
            %neg3A_452 = arith.constant 0.000000e+00 : f32
            %neg3A_453 = vector.broadcast %neg3A_452 : f32 to vector<16xf32>
            %neg3A_454 = arith.subf %neg3A_453, %masked_cumsum3A_438 : vector<16xf32>
            tpu.vector_store_idx %arg26[%sub3A_443], %neg3A_454 masked %and3A_445 {add = true} : memref<3200xf32, #tpu.memory_space<vmem>>[vector<16xi32>], vector<16xf32>, vector<16xi1>
            %scan3A_455 = arith.constant 0 : i32
            %scan3A_456 = arith.constant 3 : i32
            %scan3A_457 = arith.addi %scan3A_262, %scan3A_456 : i32
            %mul3A_458 = arith.constant 16 : i32
            %mul3A_459 = arith.muli %scan3A_457, %mul3A_458 : i32
            %get3A_460 = arith.index_cast %mul3A_459 : i32 to index
            %get3A_461 = tpu.vector_load %arg8[%get3A_460] {strides = array<i32>} : memref<4112xi32, #tpu.memory_space<vmem>>, vector<16xi32>,
            %add3A_462 = arith.constant 1 : i32
            %add3A_463 = arith.addi %mul3A_459, %add3A_462 : i32
            %get3A_464 = arith.index_cast %add3A_463 : i32 to index
            %get3A_465 = tpu.vector_load %arg8[%get3A_464] {strides = array<i32>} : memref<4112xi32, #tpu.memory_space<vmem>>, vector<16xi32>,
            %get3A_466 = arith.index_cast %mul3A_459 : i32 to index
            %get3A_467 = tpu.vector_load %arg9[%get3A_466] {strides = array<i32>} : memref<4096xf32, #tpu.memory_space<vmem>>, vector<16xf32>,
            %exp3A_468 = math.exp %get3A_467 : vector<16xf32>
            %mul3A_469 = arith.constant 2 : i32
            %mul3A_470 = arith.muli %mul3A_469, %mul3A_459 : i32
            %jit3A_471 = arith.constant 128 : i32
            %eq3A_472 = arith.constant 0 : i32
            %eq3A_473 = arith.cmpi eq, %jit3A_471, %eq3A_472 : i32
            %jit3A_474 = arith.constant 1 : i32
            %select_n3A_475 = arith.select %eq3A_473, %jit3A_474, %jit3A_471 : i32
            %rem3A_476 = arith.remsi %mul3A_459, %select_n3A_475 : i32
            %ne3A_477 = arith.constant 0 : i32
            %ne3A_478 = arith.cmpi ne, %rem3A_476, %ne3A_477 : i32
            %lt3A_479 = arith.constant 0 : i32
            %lt3A_480 = arith.cmpi slt, %rem3A_476, %lt3A_479 : i32
            %lt3A_481 = arith.constant 0 : i32
            %lt3A_482 = arith.cmpi slt, %select_n3A_475, %lt3A_481 : i32
            %ne3A_483 = arith.xori %lt3A_480, %lt3A_482 : i1
            %and3A_484 = arith.andi %ne3A_483, %ne3A_478 : i1
            %add3A_485 = arith.addi %rem3A_476, %select_n3A_475 : i32
            %select_n3A_486 = arith.select %and3A_484, %add3A_485, %rem3A_476 : i32
            %sub3A_487 = arith.subi %mul3A_470, %select_n3A_486 : i32
            %get3A_488 = arith.index_cast %sub3A_487 : i32 to index
            %get3A_489 = tpu.vector_load %arg10[%get3A_488] {strides = array<i32>} : memref<8192xf32, #tpu.memory_space<vmem>>, vector<16xf32>,
            %add3A_490 = arith.constant 128 : i32
            %add3A_491 = arith.addi %sub3A_487, %add3A_490 : i32
            %get3A_492 = arith.index_cast %add3A_491 : i32 to index
            %get3A_493 = tpu.vector_load %arg10[%get3A_492] {strides = array<i32>} : memref<8192xf32, #tpu.memory_space<vmem>>, vector<16xf32>,
            %broadcast_in_dim3A_494 = arith.constant true
            %broadcast_in_dim3A_495 = vector.broadcast %broadcast_in_dim3A_494 : i1 to vector<16xi1>
            %masked_cumsum3A_496 = tpu.scan <sum>, %exp3A_468 masked %broadcast_in_dim3A_495 : vector<16xf32>, vector<16xi1> -> vector<16xf32>
            %mul3A_497 = arith.mulf %exp3A_468, %get3A_489 : vector<16xf32>
            %broadcast_in_dim3A_498 = arith.constant true
            %broadcast_in_dim3A_499 = vector.broadcast %broadcast_in_dim3A_498 : i1 to vector<16xi1>
            %masked_cumsum3A_500 = tpu.scan <sum>, %mul3A_497 masked %broadcast_in_dim3A_499 : vector<16xf32>, vector<16xi1> -> vector<16xf32>
            %mul3A_501 = arith.mulf %exp3A_468, %get3A_493 : vector<16xf32>
            %broadcast_in_dim3A_502 = arith.constant true
            %broadcast_in_dim3A_503 = vector.broadcast %broadcast_in_dim3A_502 : i1 to vector<16xi1>
            %masked_cumsum3A_504 = tpu.scan <sum>, %mul3A_501 masked %broadcast_in_dim3A_503 : vector<16xf32>, vector<16xi1> -> vector<16xf32>
            %ne3A_505 = arith.cmpi ne, %get3A_461, %get3A_465 : vector<16xi32>
            %sub3A_506 = vector.broadcast %mul3A_24 : i32 to vector<16xi32>
            %sub3A_507 = arith.subi %get3A_461, %sub3A_506 : vector<16xi32>
            %sub3A_508 = vector.broadcast %mul3A_24 : i32 to vector<16xi32>
            %sub3A_509 = arith.subi %get3A_465, %sub3A_508 : vector<16xi32>
            %or3A_510 = arith.ori %ne3A_505, %eq3A_112 : vector<16xi1>
            %and3A_511 = arith.andi %ne3A_505, %not3A_113 : vector<16xi1>
            tpu.vector_store_idx %arg24[%sub3A_507], %masked_cumsum3A_496 masked %or3A_510 {add = true} : memref<3200xf32, #tpu.memory_space<vmem>>[vector<16xi32>], vector<16xf32>, vector<16xi1>
            tpu.vector_store_idx %arg25[%sub3A_507], %masked_cumsum3A_500 masked %or3A_510 {add = true} : memref<3200xf32, #tpu.memory_space<vmem>>[vector<16xi32>], vector<16xf32>, vector<16xi1>
            tpu.vector_store_idx %arg26[%sub3A_507], %masked_cumsum3A_504 masked %or3A_510 {add = true} : memref<3200xf32, #tpu.memory_space<vmem>>[vector<16xi32>], vector<16xf32>, vector<16xi1>
            %neg3A_512 = arith.constant 0.000000e+00 : f32
            %neg3A_513 = vector.broadcast %neg3A_512 : f32 to vector<16xf32>
            %neg3A_514 = arith.subf %neg3A_513, %masked_cumsum3A_496 : vector<16xf32>
            tpu.vector_store_idx %arg24[%sub3A_509], %neg3A_514 masked %and3A_511 {add = true} : memref<3200xf32, #tpu.memory_space<vmem>>[vector<16xi32>], vector<16xf32>, vector<16xi1>
            %neg3A_515 = arith.constant 0.000000e+00 : f32
            %neg3A_516 = vector.broadcast %neg3A_515 : f32 to vector<16xf32>
            %neg3A_517 = arith.subf %neg3A_516, %masked_cumsum3A_500 : vector<16xf32>
            tpu.vector_store_idx %arg25[%sub3A_509], %neg3A_517 masked %and3A_511 {add = true} : memref<3200xf32, #tpu.memory_space<vmem>>[vector<16xi32>], vector<16xf32>, vector<16xi1>
            %neg3A_518 = arith.constant 0.000000e+00 : f32
            %neg3A_519 = vector.broadcast %neg3A_518 : f32 to vector<16xf32>
            %neg3A_520 = arith.subf %neg3A_519, %masked_cumsum3A_504 : vector<16xf32>
            tpu.vector_store_idx %arg26[%sub3A_509], %neg3A_520 masked %and3A_511 {add = true} : memref<3200xf32, #tpu.memory_space<vmem>>[vector<16xi32>], vector<16xf32>, vector<16xi1>
            %scan3A_521 = arith.constant 0 : i32
            scf.yield %scan3A_521 : i32
          }
          %scan3A_261 = arith.constant 256 : i32
        } else {
        }
        %not3A_250 = arith.constant true
        %not3A_251 = arith.xori %and3A_246, %not3A_250 : i1
        %convert_element_type3A_252 = arith.extui %not3A_251 : i1 to i32
        %cond3A_253 = arith.constant 0 : i32
        %cond3A_254 = arith.cmpi ne, %convert_element_type3A_252, %cond3A_253 : i32
        scf.if %cond3A_254 {
          %scan3A_255 = arith.constant 0 : i32
          %scan3A_256 = arith.constant 0 : i32
          %scan3A_257 = arith.constant 256 : i32
          %scan3A_258 = arith.addi %scan3A_256, %scan3A_257 : i32
          %scan3A_259 = arith.constant 2 : i32
          %scan3A_260 = scf.for %scan3A_262 = %scan3A_256 to %scan3A_258 step %scan3A_259 iter_args(%scan3A_263 = %scan3A_255) -> (i32)  : i32 {
            %mul3A_264 = arith.constant 16 : i32
            %mul3A_265 = arith.muli %scan3A_262, %mul3A_264 : i32
            %get3A_266 = arith.index_cast %mul3A_265 : i32 to index
            %get3A_267 = tpu.vector_load %arg8[%get3A_266] {strides = array<i32>} : memref<4112xi32, #tpu.memory_space<vmem>>, vector<16xi32>,
            %add3A_268 = arith.constant 1 : i32
            %add3A_269 = arith.addi %mul3A_265, %add3A_268 : i32
            %get3A_270 = arith.index_cast %add3A_269 : i32 to index
            %get3A_271 = tpu.vector_load %arg8[%get3A_270] {strides = array<i32>} : memref<4112xi32, #tpu.memory_space<vmem>>, vector<16xi32>,
            %add3A_272 = arith.addi %multiple_of3A, %mul3A_265 : i32
            %add3A_273 = vector.broadcast %add3A_272 : i32 to vector<16xi32>
            %add3A_274 = arith.addi %add3A_273, %iota3A : vector<16xi32>
            %ge3A_275 = vector.broadcast %add3A_234 : i32 to vector<16xi32>
            %ge3A_276 = arith.cmpi sge, %add3A_274, %ge3A_275 : vector<16xi32>
            %lt3A_277 = vector.broadcast %min3A_88 : i32 to vector<16xi32>
            %lt3A_278 = arith.cmpi slt, %add3A_274, %lt3A_277 : vector<16xi32>
            %and3A_279 = arith.andi %ge3A_276, %lt3A_278 : vector<16xi1>
            %get3A_280 = arith.index_cast %mul3A_265 : i32 to index
            %get3A_281 = tpu.vector_load %arg9[%get3A_280] {strides = array<i32>} : memref<4096xf32, #tpu.memory_space<vmem>>, vector<16xf32>,
            %exp3A = math.exp %get3A_281 : vector<16xf32>
            %jit3A_282 = arith.constant 0.000000e+00 : f32
            %broadcast_in_dim3A_283 = vector.broadcast %jit3A_282 : f32 to vector<16xf32>
            %select_n3A_284 = arith.select %and3A_279, %exp3A, %broadcast_in_dim3A_283 : vector<16xi1>, vector<16xf32>
            %mul3A_285 = arith.constant 2 : i32
            %mul3A_286 = arith.muli %mul3A_285, %mul3A_265 : i32
            %jit3A_287 = arith.constant 128 : i32
            %eq3A_288 = arith.constant 0 : i32
            %eq3A_289 = arith.cmpi eq, %jit3A_287, %eq3A_288 : i32
            %jit3A_290 = arith.constant 1 : i32
            %select_n3A_291 = arith.select %eq3A_289, %jit3A_290, %jit3A_287 : i32
            %rem3A_292 = arith.remsi %mul3A_265, %select_n3A_291 : i32
            %ne3A_293 = arith.constant 0 : i32
            %ne3A_294 = arith.cmpi ne, %rem3A_292, %ne3A_293 : i32
            %lt3A_295 = arith.constant 0 : i32
            %lt3A_296 = arith.cmpi slt, %rem3A_292, %lt3A_295 : i32
            %lt3A_297 = arith.constant 0 : i32
            %lt3A_298 = arith.cmpi slt, %select_n3A_291, %lt3A_297 : i32
            %ne3A_299 = arith.xori %lt3A_296, %lt3A_298 : i1
            %and3A_300 = arith.andi %ne3A_299, %ne3A_294 : i1
            %add3A_301 = arith.addi %rem3A_292, %select_n3A_291 : i32
            %select_n3A_302 = arith.select %and3A_300, %add3A_301, %rem3A_292 : i32
            %sub3A_303 = arith.subi %mul3A_286, %select_n3A_302 : i32
            %get3A_304 = arith.index_cast %sub3A_303 : i32 to index
            %get3A_305 = tpu.vector_load %arg10[%get3A_304] {strides = array<i32>} : memref<8192xf32, #tpu.memory_space<vmem>>, vector<16xf32>,
            %add3A_306 = arith.constant 128 : i32
            %add3A_307 = arith.addi %sub3A_303, %add3A_306 : i32
            %get3A_308 = arith.index_cast %add3A_307 : i32 to index
            %get3A_309 = tpu.vector_load %arg10[%get3A_308] {strides = array<i32>} : memref<8192xf32, #tpu.memory_space<vmem>>, vector<16xf32>,
            %broadcast_in_dim3A_310 = arith.constant true
            %broadcast_in_dim3A_311 = vector.broadcast %broadcast_in_dim3A_310 : i1 to vector<16xi1>
            %masked_cumsum3A = tpu.scan <sum>, %select_n3A_284 masked %broadcast_in_dim3A_311 : vector<16xf32>, vector<16xi1> -> vector<16xf32>
            %mul3A_312 = arith.mulf %select_n3A_284, %get3A_305 : vector<16xf32>
            %broadcast_in_dim3A_313 = arith.constant true
            %broadcast_in_dim3A_314 = vector.broadcast %broadcast_in_dim3A_313 : i1 to vector<16xi1>
            %masked_cumsum3A_315 = tpu.scan <sum>, %mul3A_312 masked %broadcast_in_dim3A_314 : vector<16xf32>, vector<16xi1> -> vector<16xf32>
            %mul3A_316 = arith.mulf %select_n3A_284, %get3A_309 : vector<16xf32>
            %broadcast_in_dim3A_317 = arith.constant true
            %broadcast_in_dim3A_318 = vector.broadcast %broadcast_in_dim3A_317 : i1 to vector<16xi1>
            %masked_cumsum3A_319 = tpu.scan <sum>, %mul3A_316 masked %broadcast_in_dim3A_318 : vector<16xf32>, vector<16xi1> -> vector<16xf32>
            %ne3A_320 = arith.cmpi ne, %get3A_267, %get3A_271 : vector<16xi32>
            %ge3A_321 = vector.broadcast %mul3A_24 : i32 to vector<16xi32>
            %ge3A_322 = arith.cmpi sge, %get3A_267, %ge3A_321 : vector<16xi32>
            %lt3A_323 = vector.broadcast %add3A_26 : i32 to vector<16xi32>
            %lt3A_324 = arith.cmpi slt, %get3A_267, %lt3A_323 : vector<16xi32>
            %and3A_325 = arith.andi %ge3A_322, %lt3A_324 : vector<16xi1>
            %ge3A_326 = vector.broadcast %mul3A_24 : i32 to vector<16xi32>
            %ge3A_327 = arith.cmpi sge, %get3A_271, %ge3A_326 : vector<16xi32>
            %lt3A_328 = vector.broadcast %add3A_26 : i32 to vector<16xi32>
            %lt3A_329 = arith.cmpi slt, %get3A_271, %lt3A_328 : vector<16xi32>
            %and3A_330 = arith.andi %ge3A_327, %lt3A_329 : vector<16xi1>
            %sub3A_331 = vector.broadcast %mul3A_24 : i32 to vector<16xi32>
            %sub3A_332 = arith.subi %get3A_267, %sub3A_331 : vector<16xi32>
            %sub3A_333 = vector.broadcast %mul3A_24 : i32 to vector<16xi32>
            %sub3A_334 = arith.subi %get3A_271, %sub3A_333 : vector<16xi32>
            %or3A = arith.ori %ne3A_320, %eq3A_112 : vector<16xi1>
            %and3A_335 = arith.andi %or3A, %and3A_325 : vector<16xi1>
            %and3A_336 = arith.andi %ne3A_320, %not3A_113 : vector<16xi1>
            %and3A_337 = arith.andi %and3A_336, %and3A_330 : vector<16xi1>
            tpu.vector_store_idx %arg24[%sub3A_332], %masked_cumsum3A masked %and3A_335 {add = true} : memref<3200xf32, #tpu.memory_space<vmem>>[vector<16xi32>], vector<16xf32>, vector<16xi1>
            tpu.vector_store_idx %arg25[%sub3A_332], %masked_cumsum3A_315 masked %and3A_335 {add = true} : memref<3200xf32, #tpu.memory_space<vmem>>[vector<16xi32>], vector<16xf32>, vector<16xi1>
            tpu.vector_store_idx %arg26[%sub3A_332], %masked_cumsum3A_319 masked %and3A_335 {add = true} : memref<3200xf32, #tpu.memory_space<vmem>>[vector<16xi32>], vector<16xf32>, vector<16xi1>
            %neg3A = arith.constant 0.000000e+00 : f32
            %neg3A_338 = vector.broadcast %neg3A : f32 to vector<16xf32>
            %neg3A_339 = arith.subf %neg3A_338, %masked_cumsum3A : vector<16xf32>
            tpu.vector_store_idx %arg24[%sub3A_334], %neg3A_339 masked %and3A_337 {add = true} : memref<3200xf32, #tpu.memory_space<vmem>>[vector<16xi32>], vector<16xf32>, vector<16xi1>
            %neg3A_340 = arith.constant 0.000000e+00 : f32
            %neg3A_341 = vector.broadcast %neg3A_340 : f32 to vector<16xf32>
            %neg3A_342 = arith.subf %neg3A_341, %masked_cumsum3A_315 : vector<16xf32>
            tpu.vector_store_idx %arg25[%sub3A_334], %neg3A_342 masked %and3A_337 {add = true} : memref<3200xf32, #tpu.memory_space<vmem>>[vector<16xi32>], vector<16xf32>, vector<16xi1>
            %neg3A_343 = arith.constant 0.000000e+00 : f32
            %neg3A_344 = vector.broadcast %neg3A_343 : f32 to vector<16xf32>
            %neg3A_345 = arith.subf %neg3A_344, %masked_cumsum3A_319 : vector<16xf32>
            tpu.vector_store_idx %arg26[%sub3A_334], %neg3A_345 masked %and3A_337 {add = true} : memref<3200xf32, #tpu.memory_space<vmem>>[vector<16xi32>], vector<16xf32>, vector<16xi1>
            %scan3A_346 = arith.constant 0 : i32
            %scan3A_347 = arith.constant 1 : i32
            %scan3A_348 = arith.addi %scan3A_262, %scan3A_347 : i32
            %mul3A_349 = arith.constant 16 : i32
            %mul3A_350 = arith.muli %scan3A_348, %mul3A_349 : i32
            %get3A_351 = arith.index_cast %mul3A_350 : i32 to index
            %get3A_352 = tpu.vector_load %arg8[%get3A_351] {strides = array<i32>} : memref<4112xi32, #tpu.memory_space<vmem>>, vector<16xi32>,
            %add3A_353 = arith.constant 1 : i32
            %add3A_354 = arith.addi %mul3A_350, %add3A_353 : i32
            %get3A_355 = arith.index_cast %add3A_354 : i32 to index
            %get3A_356 = tpu.vector_load %arg8[%get3A_355] {strides = array<i32>} : memref<4112xi32, #tpu.memory_space<vmem>>, vector<16xi32>,
            %add3A_357 = arith.addi %multiple_of3A, %mul3A_350 : i32
            %add3A_358 = vector.broadcast %add3A_357 : i32 to vector<16xi32>
            %add3A_359 = arith.addi %add3A_358, %iota3A : vector<16xi32>
            %ge3A_360 = vector.broadcast %add3A_234 : i32 to vector<16xi32>
            %ge3A_361 = arith.cmpi sge, %add3A_359, %ge3A_360 : vector<16xi32>
            %lt3A_362 = vector.broadcast %min3A_88 : i32 to vector<16xi32>
            %lt3A_363 = arith.cmpi slt, %add3A_359, %lt3A_362 : vector<16xi32>
            %and3A_364 = arith.andi %ge3A_361, %lt3A_363 : vector<16xi1>
            %get3A_365 = arith.index_cast %mul3A_350 : i32 to index
            %get3A_366 = tpu.vector_load %arg9[%get3A_365] {strides = array<i32>} : memref<4096xf32, #tpu.memory_space<vmem>>, vector<16xf32>,
            %exp3A_367 = math.exp %get3A_366 : vector<16xf32>
            %jit3A_368 = arith.constant 0.000000e+00 : f32
            %broadcast_in_dim3A_369 = vector.broadcast %jit3A_368 : f32 to vector<16xf32>
            %select_n3A_370 = arith.select %and3A_364, %exp3A_367, %broadcast_in_dim3A_369 : vector<16xi1>, vector<16xf32>
            %mul3A_371 = arith.constant 2 : i32
            %mul3A_372 = arith.muli %mul3A_371, %mul3A_350 : i32
            %jit3A_373 = arith.constant 128 : i32
            %eq3A_374 = arith.constant 0 : i32
            %eq3A_375 = arith.cmpi eq, %jit3A_373, %eq3A_374 : i32
            %jit3A_376 = arith.constant 1 : i32
            %select_n3A_377 = arith.select %eq3A_375, %jit3A_376, %jit3A_373 : i32
            %rem3A_378 = arith.remsi %mul3A_350, %select_n3A_377 : i32
            %ne3A_379 = arith.constant 0 : i32
            %ne3A_380 = arith.cmpi ne, %rem3A_378, %ne3A_379 : i32
            %lt3A_381 = arith.constant 0 : i32
            %lt3A_382 = arith.cmpi slt, %rem3A_378, %lt3A_381 : i32
            %lt3A_383 = arith.constant 0 : i32
            %lt3A_384 = arith.cmpi slt, %select_n3A_377, %lt3A_383 : i32
            %ne3A_385 = arith.xori %lt3A_382, %lt3A_384 : i1
            %and3A_386 = arith.andi %ne3A_385, %ne3A_380 : i1
            %add3A_387 = arith.addi %rem3A_378, %select_n3A_377 : i32
            %select_n3A_388 = arith.select %and3A_386, %add3A_387, %rem3A_378 : i32
            %sub3A_389 = arith.subi %mul3A_372, %select_n3A_388 : i32
            %get3A_390 = arith.index_cast %sub3A_389 : i32 to index
            %get3A_391 = tpu.vector_load %arg10[%get3A_390] {strides = array<i32>} : memref<8192xf32, #tpu.memory_space<vmem>>, vector<16xf32>,
            %add3A_392 = arith.constant 128 : i32
            %add3A_393 = arith.addi %sub3A_389, %add3A_392 : i32
            %get3A_394 = arith.index_cast %add3A_393 : i32 to index
            %get3A_395 = tpu.vector_load %arg10[%get3A_394] {strides = array<i32>} : memref<8192xf32, #tpu.memory_space<vmem>>, vector<16xf32>,
            %broadcast_in_dim3A_396 = arith.constant true
            %broadcast_in_dim3A_397 = vector.broadcast %broadcast_in_dim3A_396 : i1 to vector<16xi1>
            %masked_cumsum3A_398 = tpu.scan <sum>, %select_n3A_370 masked %broadcast_in_dim3A_397 : vector<16xf32>, vector<16xi1> -> vector<16xf32>
            %mul3A_399 = arith.mulf %select_n3A_370, %get3A_391 : vector<16xf32>
            %broadcast_in_dim3A_400 = arith.constant true
            %broadcast_in_dim3A_401 = vector.broadcast %broadcast_in_dim3A_400 : i1 to vector<16xi1>
            %masked_cumsum3A_402 = tpu.scan <sum>, %mul3A_399 masked %broadcast_in_dim3A_401 : vector<16xf32>, vector<16xi1> -> vector<16xf32>
            %mul3A_403 = arith.mulf %select_n3A_370, %get3A_395 : vector<16xf32>
            %broadcast_in_dim3A_404 = arith.constant true
            %broadcast_in_dim3A_405 = vector.broadcast %broadcast_in_dim3A_404 : i1 to vector<16xi1>
            %masked_cumsum3A_406 = tpu.scan <sum>, %mul3A_403 masked %broadcast_in_dim3A_405 : vector<16xf32>, vector<16xi1> -> vector<16xf32>
            %ne3A_407 = arith.cmpi ne, %get3A_352, %get3A_356 : vector<16xi32>
            %ge3A_408 = vector.broadcast %mul3A_24 : i32 to vector<16xi32>
            %ge3A_409 = arith.cmpi sge, %get3A_352, %ge3A_408 : vector<16xi32>
            %lt3A_410 = vector.broadcast %add3A_26 : i32 to vector<16xi32>
            %lt3A_411 = arith.cmpi slt, %get3A_352, %lt3A_410 : vector<16xi32>
            %and3A_412 = arith.andi %ge3A_409, %lt3A_411 : vector<16xi1>
            %ge3A_413 = vector.broadcast %mul3A_24 : i32 to vector<16xi32>
            %ge3A_414 = arith.cmpi sge, %get3A_356, %ge3A_413 : vector<16xi32>
            %lt3A_415 = vector.broadcast %add3A_26 : i32 to vector<16xi32>
            %lt3A_416 = arith.cmpi slt, %get3A_356, %lt3A_415 : vector<16xi32>
            %and3A_417 = arith.andi %ge3A_414, %lt3A_416 : vector<16xi1>
            %sub3A_418 = vector.broadcast %mul3A_24 : i32 to vector<16xi32>
            %sub3A_419 = arith.subi %get3A_352, %sub3A_418 : vector<16xi32>
            %sub3A_420 = vector.broadcast %mul3A_24 : i32 to vector<16xi32>
            %sub3A_421 = arith.subi %get3A_356, %sub3A_420 : vector<16xi32>
            %or3A_422 = arith.ori %ne3A_407, %eq3A_112 : vector<16xi1>
            %and3A_423 = arith.andi %or3A_422, %and3A_412 : vector<16xi1>
            %and3A_424 = arith.andi %ne3A_407, %not3A_113 : vector<16xi1>
            %and3A_425 = arith.andi %and3A_424, %and3A_417 : vector<16xi1>
            tpu.vector_store_idx %arg24[%sub3A_419], %masked_cumsum3A_398 masked %and3A_423 {add = true} : memref<3200xf32, #tpu.memory_space<vmem>>[vector<16xi32>], vector<16xf32>, vector<16xi1>
            tpu.vector_store_idx %arg25[%sub3A_419], %masked_cumsum3A_402 masked %and3A_423 {add = true} : memref<3200xf32, #tpu.memory_space<vmem>>[vector<16xi32>], vector<16xf32>, vector<16xi1>
            tpu.vector_store_idx %arg26[%sub3A_419], %masked_cumsum3A_406 masked %and3A_423 {add = true} : memref<3200xf32, #tpu.memory_space<vmem>>[vector<16xi32>], vector<16xf32>, vector<16xi1>
            %neg3A_426 = arith.constant 0.000000e+00 : f32
            %neg3A_427 = vector.broadcast %neg3A_426 : f32 to vector<16xf32>
            %neg3A_428 = arith.subf %neg3A_427, %masked_cumsum3A_398 : vector<16xf32>
            tpu.vector_store_idx %arg24[%sub3A_421], %neg3A_428 masked %and3A_425 {add = true} : memref<3200xf32, #tpu.memory_space<vmem>>[vector<16xi32>], vector<16xf32>, vector<16xi1>
            %neg3A_429 = arith.constant 0.000000e+00 : f32
            %neg3A_430 = vector.broadcast %neg3A_429 : f32 to vector<16xf32>
            %neg3A_431 = arith.subf %neg3A_430, %masked_cumsum3A_402 : vector<16xf32>
            tpu.vector_store_idx %arg25[%sub3A_421], %neg3A_431 masked %and3A_425 {add = true} : memref<3200xf32, #tpu.memory_space<vmem>>[vector<16xi32>], vector<16xf32>, vector<16xi1>
            %neg3A_432 = arith.constant 0.000000e+00 : f32
            %neg3A_433 = vector.broadcast %neg3A_432 : f32 to vector<16xf32>
            %neg3A_434 = arith.subf %neg3A_433, %masked_cumsum3A_406 : vector<16xf32>
            tpu.vector_store_idx %arg26[%sub3A_421], %neg3A_434 masked %and3A_425 {add = true} : memref<3200xf32, #tpu.memory_space<vmem>>[vector<16xi32>], vector<16xf32>, vector<16xi1>
            %scan3A_435 = arith.constant 0 : i32
            scf.yield %scan3A_435 : i32
          }
          %scan3A_261 = arith.constant 256 : i32
        } else {
        }
      } else {
      }
      %mul3A_184 = arith.constant 4 : i32
      %mul3A_185 = arith.muli %mul3A_184, %while3A_174 : i32
      %add3A_186 = arith.constant 1 : i32
      %add3A_187 = arith.addi %mul3A_185, %add3A_186 : i32
      %lt3A_188 = arith.cmpi slt, %add3A_187, %select_n3A_110 : i32
      %convert_element_type3A_189 = arith.extui %lt3A_188 : i1 to i32
      %cond3A_190 = arith.constant 0 : i32
      %cond3A_191 = arith.cmpi ne, %convert_element_type3A_189, %cond3A_190 : i32
      scf.if %cond3A_191 {
        %dma_wait3A = arith.constant 0 : i32
        %dma_wait3A_209 = tpu.memref_slice %arg12[%dma_wait3A] : memref<4112xi32, #tpu.memory_space<vmem>> -> memref<4096xi32, #tpu.memory_space<vmem>>
        %dma_wait3A_210 = arith.constant 0 : i32
        %dma_wait3A_211 = tpu.memref_slice %arg3[%dma_wait3A_210] : memref<6400000xi32, #tpu.memory_space<hbm>> -> memref<4096xi32, #tpu.memory_space<hbm>>
        %dma_wait3A_212 = arith.constant 0 : i32
        %dma_wait3A_213 = tpu.memref_slice %arg12[%dma_wait3A_212] : memref<4112xi32, #tpu.memory_space<vmem>> -> memref<4096xi32, #tpu.memory_space<vmem>>
        %dma_wait3A_214 = arith.constant 0 : i32
        %dma_wait3A_215 = tpu.memref_slice %arg3[%dma_wait3A_214] : memref<6400000xi32, #tpu.memory_space<hbm>> -> memref<4096xi32, #tpu.memory_space<hbm>>
        tpu.wait_dma2 semaphore(%arg15 : memref<!tpu.dma_semaphore, #tpu.memory_space<semaphore_mem>>) src(%dma_wait3A_215 : memref<4096xi32, #tpu.memory_space<hbm>>) dst(%dma_wait3A_213 : memref<4096xi32, #tpu.memory_space<vmem>>)
        %dma_wait3A_216 = arith.constant 0 : i32
        %dma_wait3A_217 = tpu.memref_slice %arg4[%dma_wait3A_216] : memref<6400000xf32, #tpu.memory_space<hbm>> -> memref<4096xf32, #tpu.memory_space<hbm>>
        %dma_wait3A_218 = arith.constant 0 : i32
        %dma_wait3A_219 = tpu.memref_slice %arg4[%dma_wait3A_218] : memref<6400000xf32, #tpu.memory_space<hbm>> -> memref<4096xf32, #tpu.memory_space<hbm>>
        tpu.wait_dma2 semaphore(%arg15 : memref<!tpu.dma_semaphore, #tpu.memory_space<semaphore_mem>>) src(%dma_wait3A_219 : memref<4096xf32, #tpu.memory_space<hbm>>) dst(%arg13 : memref<4096xf32, #tpu.memory_space<vmem>>)
        %dma_wait3A_220 = arith.constant 0 : i32
        %dma_wait3A_221 = tpu.memref_slice %arg5[%dma_wait3A_220] : memref<12800000xf32, #tpu.memory_space<hbm>> -> memref<8192xf32, #tpu.memory_space<hbm>>
        %dma_wait3A_222 = arith.constant 0 : i32
        %dma_wait3A_223 = tpu.memref_slice %arg5[%dma_wait3A_222] : memref<12800000xf32, #tpu.memory_space<hbm>> -> memref<8192xf32, #tpu.memory_space<hbm>>
        tpu.wait_dma2 semaphore(%arg15 : memref<!tpu.dma_semaphore, #tpu.memory_space<semaphore_mem>>) src(%dma_wait3A_223 : memref<8192xf32, #tpu.memory_space<hbm>>) dst(%arg14 : memref<8192xf32, #tpu.memory_space<vmem>>)
        %add3A_224 = arith.constant 4 : i32
        %add3A_225 = arith.addi %add3A_187, %add3A_224 : i32
        %sub3A_226 = arith.constant 1 : i32
        %sub3A_227 = arith.subi %add3A_225, %sub3A_226 : i32
        %lt3A_228 = arith.cmpi slt, %sub3A_227, %select_n3A_110 : i32
        %convert_element_type3A_229 = arith.extui %lt3A_228 : i1 to i32
        %cond3A_230 = arith.constant 0 : i32
        %cond3A_231 = arith.cmpi ne, %convert_element_type3A_229, %cond3A_230 : i32
        scf.if %cond3A_231 {
          %add3A_255 = arith.constant 4 : i32
          %add3A_256 = arith.addi %add3A_187, %add3A_255 : i32
          %sub3A_257 = arith.constant 1 : i32
          %sub3A_258 = arith.subi %add3A_256, %sub3A_257 : i32
          %mul3A_259 = arith.constant 4096 : i32
          %mul3A_260 = arith.muli %sub3A_258, %mul3A_259 : i32
          %add3A_261 = arith.addi %mul3A_85, %mul3A_260 : i32
          %min3A_262 = arith.constant 6395904 : i32
          %min3A_263 = arith.minsi %add3A_261, %min3A_262 : i32
          %multiple_of3A_264 = tpu.assume_multiple %min3A_263, 128 : i32
          %dma_start3A = arith.constant 0 : i32
          %dma_start3A_265 = tpu.memref_slice %arg8[%dma_start3A] : memref<4112xi32, #tpu.memory_space<vmem>> -> memref<4096xi32, #tpu.memory_space<vmem>>
          %dma_start3A_266 = tpu.memref_slice %arg3[%multiple_of3A_264] : memref<6400000xi32, #tpu.memory_space<hbm>> -> memref<4096xi32, #tpu.memory_space<hbm>>
          %dma_start3A_267 = arith.constant 0 : i32
          %dma_start3A_268 = tpu.memref_slice %arg8[%dma_start3A_267] : memref<4112xi32, #tpu.memory_space<vmem>> -> memref<4096xi32, #tpu.memory_space<vmem>>
          %dma_start3A_269 = tpu.memref_slice %arg3[%multiple_of3A_264] : memref<6400000xi32, #tpu.memory_space<hbm>> -> memref<4096xi32, #tpu.memory_space<hbm>>
          tpu.enqueue_dma source(%dma_start3A_269 : memref<4096xi32, #tpu.memory_space<hbm>>) target(%dma_start3A_268 : memref<4096xi32, #tpu.memory_space<vmem>>) target_semaphore(%arg11 : memref<!tpu.dma_semaphore, #tpu.memory_space<semaphore_mem>>)
          %dma_start3A_270 = tpu.memref_slice %arg4[%multiple_of3A_264] : memref<6400000xf32, #tpu.memory_space<hbm>> -> memref<4096xf32, #tpu.memory_space<hbm>>
          %dma_start3A_271 = tpu.memref_slice %arg4[%multiple_of3A_264] : memref<6400000xf32, #tpu.memory_space<hbm>> -> memref<4096xf32, #tpu.memory_space<hbm>>
          tpu.enqueue_dma source(%dma_start3A_271 : memref<4096xf32, #tpu.memory_space<hbm>>) target(%arg9 : memref<4096xf32, #tpu.memory_space<vmem>>) target_semaphore(%arg11 : memref<!tpu.dma_semaphore, #tpu.memory_space<semaphore_mem>>)
          %mul3A_272 = arith.constant 2 : i32
          %mul3A_273 = arith.muli %mul3A_272, %multiple_of3A_264 : i32
          %multiple_of3A_274 = tpu.assume_multiple %mul3A_273, 256 : i32
          %dma_start3A_275 = tpu.memref_slice %arg5[%multiple_of3A_274] : memref<12800000xf32, #tpu.memory_space<hbm>> -> memref<8192xf32, #tpu.memory_space<hbm>>
          %dma_start3A_276 = tpu.memref_slice %arg5[%multiple_of3A_274] : memref<12800000xf32, #tpu.memory_space<hbm>> -> memref<8192xf32, #tpu.memory_space<hbm>>
          tpu.enqueue_dma source(%dma_start3A_276 : memref<8192xf32, #tpu.memory_space<hbm>>) target(%arg10 : memref<8192xf32, #tpu.memory_space<vmem>>) target_semaphore(%arg11 : memref<!tpu.dma_semaphore, #tpu.memory_space<semaphore_mem>>)
        } else {
        }
        %mul3A_232 = arith.constant 4096 : i32
        %mul3A_233 = arith.muli %add3A_187, %mul3A_232 : i32
        %add3A_234 = arith.addi %mul3A_85, %mul3A_233 : i32
        %mul3A_235 = arith.constant 4096 : i32
        %mul3A_236 = arith.muli %add3A_187, %mul3A_235 : i32
        %add3A_237 = arith.addi %mul3A_85, %mul3A_236 : i32
        %min3A_238 = arith.constant 6395904 : i32
        %min3A_239 = arith.minsi %add3A_237, %min3A_238 : i32
        %multiple_of3A = tpu.assume_multiple %min3A_239, 128 : i32
        %add3A_240 = arith.constant 4096 : i32
        %add3A_241 = arith.addi %mul3A_85, %add3A_240 : i32
        %ge3A = arith.cmpi sge, %add3A_234, %add3A_241 : i32
        %add3A_242 = arith.constant 4096 : i32
        %add3A_243 = arith.addi %add3A_234, %add3A_242 : i32
        %sub3A_244 = arith.constant 4096 : i32
        %sub3A_245 = arith.subi %min3A_88, %sub3A_244 : i32
        %le3A = arith.cmpi sle, %add3A_243, %sub3A_245 : i32
        %and3A_246 = arith.andi %ge3A, %le3A : i1
        %convert_element_type3A_247 = arith.extui %and3A_246 : i1 to i32
        %cond3A_248 = arith.constant 0 : i32
        %cond3A_249 = arith.cmpi ne, %convert_element_type3A_247, %cond3A_248 : i32
        scf.if %cond3A_249 {
          %scan3A_255 = arith.constant 0 : i32
          %scan3A_256 = arith.constant 0 : i32
          %scan3A_257 = arith.constant 256 : i32
          %scan3A_258 = arith.addi %scan3A_256, %scan3A_257 : i32
          %scan3A_259 = arith.constant 4 : i32
          %scan3A_260 = scf.for %scan3A_262 = %scan3A_256 to %scan3A_258 step %scan3A_259 iter_args(%scan3A_263 = %scan3A_255) -> (i32)  : i32 {
            %mul3A_264 = arith.constant 16 : i32
            %mul3A_265 = arith.muli %scan3A_262, %mul3A_264 : i32
            %get3A_266 = arith.index_cast %mul3A_265 : i32 to index
            %get3A_267 = tpu.vector_load %arg12[%get3A_266] {strides = array<i32>} : memref<4112xi32, #tpu.memory_space<vmem>>, vector<16xi32>,
            %add3A_268 = arith.constant 1 : i32
            %add3A_269 = arith.addi %mul3A_265, %add3A_268 : i32
            %get3A_270 = arith.index_cast %add3A_269 : i32 to index
            %get3A_271 = tpu.vector_load %arg12[%get3A_270] {strides = array<i32>} : memref<4112xi32, #tpu.memory_space<vmem>>, vector<16xi32>,
            %get3A_272 = arith.index_cast %mul3A_265 : i32 to index
            %get3A_273 = tpu.vector_load %arg13[%get3A_272] {strides = array<i32>} : memref<4096xf32, #tpu.memory_space<vmem>>, vector<16xf32>,
            %exp3A = math.exp %get3A_273 : vector<16xf32>
            %mul3A_274 = arith.constant 2 : i32
            %mul3A_275 = arith.muli %mul3A_274, %mul3A_265 : i32
            %jit3A_276 = arith.constant 128 : i32
            %eq3A_277 = arith.constant 0 : i32
            %eq3A_278 = arith.cmpi eq, %jit3A_276, %eq3A_277 : i32
            %jit3A_279 = arith.constant 1 : i32
            %select_n3A_280 = arith.select %eq3A_278, %jit3A_279, %jit3A_276 : i32
            %rem3A_281 = arith.remsi %mul3A_265, %select_n3A_280 : i32
            %ne3A_282 = arith.constant 0 : i32
            %ne3A_283 = arith.cmpi ne, %rem3A_281, %ne3A_282 : i32
            %lt3A_284 = arith.constant 0 : i32
            %lt3A_285 = arith.cmpi slt, %rem3A_281, %lt3A_284 : i32
            %lt3A_286 = arith.constant 0 : i32
            %lt3A_287 = arith.cmpi slt, %select_n3A_280, %lt3A_286 : i32
            %ne3A_288 = arith.xori %lt3A_285, %lt3A_287 : i1
            %and3A_289 = arith.andi %ne3A_288, %ne3A_283 : i1
            %add3A_290 = arith.addi %rem3A_281, %select_n3A_280 : i32
            %select_n3A_291 = arith.select %and3A_289, %add3A_290, %rem3A_281 : i32
            %sub3A_292 = arith.subi %mul3A_275, %select_n3A_291 : i32
            %get3A_293 = arith.index_cast %sub3A_292 : i32 to index
            %get3A_294 = tpu.vector_load %arg14[%get3A_293] {strides = array<i32>} : memref<8192xf32, #tpu.memory_space<vmem>>, vector<16xf32>,
            %add3A_295 = arith.constant 128 : i32
            %add3A_296 = arith.addi %sub3A_292, %add3A_295 : i32
            %get3A_297 = arith.index_cast %add3A_296 : i32 to index
            %get3A_298 = tpu.vector_load %arg14[%get3A_297] {strides = array<i32>} : memref<8192xf32, #tpu.memory_space<vmem>>, vector<16xf32>,
            %broadcast_in_dim3A_299 = arith.constant true
            %broadcast_in_dim3A_300 = vector.broadcast %broadcast_in_dim3A_299 : i1 to vector<16xi1>
            %masked_cumsum3A = tpu.scan <sum>, %exp3A masked %broadcast_in_dim3A_300 : vector<16xf32>, vector<16xi1> -> vector<16xf32>
            %mul3A_301 = arith.mulf %exp3A, %get3A_294 : vector<16xf32>
            %broadcast_in_dim3A_302 = arith.constant true
            %broadcast_in_dim3A_303 = vector.broadcast %broadcast_in_dim3A_302 : i1 to vector<16xi1>
            %masked_cumsum3A_304 = tpu.scan <sum>, %mul3A_301 masked %broadcast_in_dim3A_303 : vector<16xf32>, vector<16xi1> -> vector<16xf32>
            %mul3A_305 = arith.mulf %exp3A, %get3A_298 : vector<16xf32>
            %broadcast_in_dim3A_306 = arith.constant true
            %broadcast_in_dim3A_307 = vector.broadcast %broadcast_in_dim3A_306 : i1 to vector<16xi1>
            %masked_cumsum3A_308 = tpu.scan <sum>, %mul3A_305 masked %broadcast_in_dim3A_307 : vector<16xf32>, vector<16xi1> -> vector<16xf32>
            %ne3A_309 = arith.cmpi ne, %get3A_267, %get3A_271 : vector<16xi32>
            %sub3A_310 = vector.broadcast %mul3A_24 : i32 to vector<16xi32>
            %sub3A_311 = arith.subi %get3A_267, %sub3A_310 : vector<16xi32>
            %sub3A_312 = vector.broadcast %mul3A_24 : i32 to vector<16xi32>
            %sub3A_313 = arith.subi %get3A_271, %sub3A_312 : vector<16xi32>
            %or3A = arith.ori %ne3A_309, %eq3A_112 : vector<16xi1>
            %and3A_314 = arith.andi %ne3A_309, %not3A_113 : vector<16xi1>
            tpu.vector_store_idx %arg24[%sub3A_311], %masked_cumsum3A masked %or3A {add = true} : memref<3200xf32, #tpu.memory_space<vmem>>[vector<16xi32>], vector<16xf32>, vector<16xi1>
            tpu.vector_store_idx %arg25[%sub3A_311], %masked_cumsum3A_304 masked %or3A {add = true} : memref<3200xf32, #tpu.memory_space<vmem>>[vector<16xi32>], vector<16xf32>, vector<16xi1>
            tpu.vector_store_idx %arg26[%sub3A_311], %masked_cumsum3A_308 masked %or3A {add = true} : memref<3200xf32, #tpu.memory_space<vmem>>[vector<16xi32>], vector<16xf32>, vector<16xi1>
            %neg3A = arith.constant 0.000000e+00 : f32
            %neg3A_315 = vector.broadcast %neg3A : f32 to vector<16xf32>
            %neg3A_316 = arith.subf %neg3A_315, %masked_cumsum3A : vector<16xf32>
            tpu.vector_store_idx %arg24[%sub3A_313], %neg3A_316 masked %and3A_314 {add = true} : memref<3200xf32, #tpu.memory_space<vmem>>[vector<16xi32>], vector<16xf32>, vector<16xi1>
            %neg3A_317 = arith.constant 0.000000e+00 : f32
            %neg3A_318 = vector.broadcast %neg3A_317 : f32 to vector<16xf32>
            %neg3A_319 = arith.subf %neg3A_318, %masked_cumsum3A_304 : vector<16xf32>
            tpu.vector_store_idx %arg25[%sub3A_313], %neg3A_319 masked %and3A_314 {add = true} : memref<3200xf32, #tpu.memory_space<vmem>>[vector<16xi32>], vector<16xf32>, vector<16xi1>
            %neg3A_320 = arith.constant 0.000000e+00 : f32
            %neg3A_321 = vector.broadcast %neg3A_320 : f32 to vector<16xf32>
            %neg3A_322 = arith.subf %neg3A_321, %masked_cumsum3A_308 : vector<16xf32>
            tpu.vector_store_idx %arg26[%sub3A_313], %neg3A_322 masked %and3A_314 {add = true} : memref<3200xf32, #tpu.memory_space<vmem>>[vector<16xi32>], vector<16xf32>, vector<16xi1>
            %scan3A_323 = arith.constant 0 : i32
            %scan3A_324 = arith.constant 1 : i32
            %scan3A_325 = arith.addi %scan3A_262, %scan3A_324 : i32
            %mul3A_326 = arith.constant 16 : i32
            %mul3A_327 = arith.muli %scan3A_325, %mul3A_326 : i32
            %get3A_328 = arith.index_cast %mul3A_327 : i32 to index
            %get3A_329 = tpu.vector_load %arg12[%get3A_328] {strides = array<i32>} : memref<4112xi32, #tpu.memory_space<vmem>>, vector<16xi32>,
            %add3A_330 = arith.constant 1 : i32
            %add3A_331 = arith.addi %mul3A_327, %add3A_330 : i32
            %get3A_332 = arith.index_cast %add3A_331 : i32 to index
            %get3A_333 = tpu.vector_load %arg12[%get3A_332] {strides = array<i32>} : memref<4112xi32, #tpu.memory_space<vmem>>, vector<16xi32>,
            %get3A_334 = arith.index_cast %mul3A_327 : i32 to index
            %get3A_335 = tpu.vector_load %arg13[%get3A_334] {strides = array<i32>} : memref<4096xf32, #tpu.memory_space<vmem>>, vector<16xf32>,
            %exp3A_336 = math.exp %get3A_335 : vector<16xf32>
            %mul3A_337 = arith.constant 2 : i32
            %mul3A_338 = arith.muli %mul3A_337, %mul3A_327 : i32
            %jit3A_339 = arith.constant 128 : i32
            %eq3A_340 = arith.constant 0 : i32
            %eq3A_341 = arith.cmpi eq, %jit3A_339, %eq3A_340 : i32
            %jit3A_342 = arith.constant 1 : i32
            %select_n3A_343 = arith.select %eq3A_341, %jit3A_342, %jit3A_339 : i32
            %rem3A_344 = arith.remsi %mul3A_327, %select_n3A_343 : i32
            %ne3A_345 = arith.constant 0 : i32
            %ne3A_346 = arith.cmpi ne, %rem3A_344, %ne3A_345 : i32
            %lt3A_347 = arith.constant 0 : i32
            %lt3A_348 = arith.cmpi slt, %rem3A_344, %lt3A_347 : i32
            %lt3A_349 = arith.constant 0 : i32
            %lt3A_350 = arith.cmpi slt, %select_n3A_343, %lt3A_349 : i32
            %ne3A_351 = arith.xori %lt3A_348, %lt3A_350 : i1
            %and3A_352 = arith.andi %ne3A_351, %ne3A_346 : i1
            %add3A_353 = arith.addi %rem3A_344, %select_n3A_343 : i32
            %select_n3A_354 = arith.select %and3A_352, %add3A_353, %rem3A_344 : i32
            %sub3A_355 = arith.subi %mul3A_338, %select_n3A_354 : i32
            %get3A_356 = arith.index_cast %sub3A_355 : i32 to index
            %get3A_357 = tpu.vector_load %arg14[%get3A_356] {strides = array<i32>} : memref<8192xf32, #tpu.memory_space<vmem>>, vector<16xf32>,
            %add3A_358 = arith.constant 128 : i32
            %add3A_359 = arith.addi %sub3A_355, %add3A_358 : i32
            %get3A_360 = arith.index_cast %add3A_359 : i32 to index
            %get3A_361 = tpu.vector_load %arg14[%get3A_360] {strides = array<i32>} : memref<8192xf32, #tpu.memory_space<vmem>>, vector<16xf32>,
            %broadcast_in_dim3A_362 = arith.constant true
            %broadcast_in_dim3A_363 = vector.broadcast %broadcast_in_dim3A_362 : i1 to vector<16xi1>
            %masked_cumsum3A_364 = tpu.scan <sum>, %exp3A_336 masked %broadcast_in_dim3A_363 : vector<16xf32>, vector<16xi1> -> vector<16xf32>
            %mul3A_365 = arith.mulf %exp3A_336, %get3A_357 : vector<16xf32>
            %broadcast_in_dim3A_366 = arith.constant true
            %broadcast_in_dim3A_367 = vector.broadcast %broadcast_in_dim3A_366 : i1 to vector<16xi1>
            %masked_cumsum3A_368 = tpu.scan <sum>, %mul3A_365 masked %broadcast_in_dim3A_367 : vector<16xf32>, vector<16xi1> -> vector<16xf32>
            %mul3A_369 = arith.mulf %exp3A_336, %get3A_361 : vector<16xf32>
            %broadcast_in_dim3A_370 = arith.constant true
            %broadcast_in_dim3A_371 = vector.broadcast %broadcast_in_dim3A_370 : i1 to vector<16xi1>
            %masked_cumsum3A_372 = tpu.scan <sum>, %mul3A_369 masked %broadcast_in_dim3A_371 : vector<16xf32>, vector<16xi1> -> vector<16xf32>
            %ne3A_373 = arith.cmpi ne, %get3A_329, %get3A_333 : vector<16xi32>
            %sub3A_374 = vector.broadcast %mul3A_24 : i32 to vector<16xi32>
            %sub3A_375 = arith.subi %get3A_329, %sub3A_374 : vector<16xi32>
            %sub3A_376 = vector.broadcast %mul3A_24 : i32 to vector<16xi32>
            %sub3A_377 = arith.subi %get3A_333, %sub3A_376 : vector<16xi32>
            %or3A_378 = arith.ori %ne3A_373, %eq3A_112 : vector<16xi1>
            %and3A_379 = arith.andi %ne3A_373, %not3A_113 : vector<16xi1>
            tpu.vector_store_idx %arg24[%sub3A_375], %masked_cumsum3A_364 masked %or3A_378 {add = true} : memref<3200xf32, #tpu.memory_space<vmem>>[vector<16xi32>], vector<16xf32>, vector<16xi1>
            tpu.vector_store_idx %arg25[%sub3A_375], %masked_cumsum3A_368 masked %or3A_378 {add = true} : memref<3200xf32, #tpu.memory_space<vmem>>[vector<16xi32>], vector<16xf32>, vector<16xi1>
            tpu.vector_store_idx %arg26[%sub3A_375], %masked_cumsum3A_372 masked %or3A_378 {add = true} : memref<3200xf32, #tpu.memory_space<vmem>>[vector<16xi32>], vector<16xf32>, vector<16xi1>
            %neg3A_380 = arith.constant 0.000000e+00 : f32
            %neg3A_381 = vector.broadcast %neg3A_380 : f32 to vector<16xf32>
            %neg3A_382 = arith.subf %neg3A_381, %masked_cumsum3A_364 : vector<16xf32>
            tpu.vector_store_idx %arg24[%sub3A_377], %neg3A_382 masked %and3A_379 {add = true} : memref<3200xf32, #tpu.memory_space<vmem>>[vector<16xi32>], vector<16xf32>, vector<16xi1>
            %neg3A_383 = arith.constant 0.000000e+00 : f32
            %neg3A_384 = vector.broadcast %neg3A_383 : f32 to vector<16xf32>
            %neg3A_385 = arith.subf %neg3A_384, %masked_cumsum3A_368 : vector<16xf32>
            tpu.vector_store_idx %arg25[%sub3A_377], %neg3A_385 masked %and3A_379 {add = true} : memref<3200xf32, #tpu.memory_space<vmem>>[vector<16xi32>], vector<16xf32>, vector<16xi1>
            %neg3A_386 = arith.constant 0.000000e+00 : f32
            %neg3A_387 = vector.broadcast %neg3A_386 : f32 to vector<16xf32>
            %neg3A_388 = arith.subf %neg3A_387, %masked_cumsum3A_372 : vector<16xf32>
            tpu.vector_store_idx %arg26[%sub3A_377], %neg3A_388 masked %and3A_379 {add = true} : memref<3200xf32, #tpu.memory_space<vmem>>[vector<16xi32>], vector<16xf32>, vector<16xi1>
            %scan3A_389 = arith.constant 0 : i32
            %scan3A_390 = arith.constant 2 : i32
            %scan3A_391 = arith.addi %scan3A_262, %scan3A_390 : i32
            %mul3A_392 = arith.constant 16 : i32
            %mul3A_393 = arith.muli %scan3A_391, %mul3A_392 : i32
            %get3A_394 = arith.index_cast %mul3A_393 : i32 to index
            %get3A_395 = tpu.vector_load %arg12[%get3A_394] {strides = array<i32>} : memref<4112xi32, #tpu.memory_space<vmem>>, vector<16xi32>,
            %add3A_396 = arith.constant 1 : i32
            %add3A_397 = arith.addi %mul3A_393, %add3A_396 : i32
            %get3A_398 = arith.index_cast %add3A_397 : i32 to index
            %get3A_399 = tpu.vector_load %arg12[%get3A_398] {strides = array<i32>} : memref<4112xi32, #tpu.memory_space<vmem>>, vector<16xi32>,
            %get3A_400 = arith.index_cast %mul3A_393 : i32 to index
            %get3A_401 = tpu.vector_load %arg13[%get3A_400] {strides = array<i32>} : memref<4096xf32, #tpu.memory_space<vmem>>, vector<16xf32>,
            %exp3A_402 = math.exp %get3A_401 : vector<16xf32>
            %mul3A_403 = arith.constant 2 : i32
            %mul3A_404 = arith.muli %mul3A_403, %mul3A_393 : i32
            %jit3A_405 = arith.constant 128 : i32
            %eq3A_406 = arith.constant 0 : i32
            %eq3A_407 = arith.cmpi eq, %jit3A_405, %eq3A_406 : i32
            %jit3A_408 = arith.constant 1 : i32
            %select_n3A_409 = arith.select %eq3A_407, %jit3A_408, %jit3A_405 : i32
            %rem3A_410 = arith.remsi %mul3A_393, %select_n3A_409 : i32
            %ne3A_411 = arith.constant 0 : i32
            %ne3A_412 = arith.cmpi ne, %rem3A_410, %ne3A_411 : i32
            %lt3A_413 = arith.constant 0 : i32
            %lt3A_414 = arith.cmpi slt, %rem3A_410, %lt3A_413 : i32
            %lt3A_415 = arith.constant 0 : i32
            %lt3A_416 = arith.cmpi slt, %select_n3A_409, %lt3A_415 : i32
            %ne3A_417 = arith.xori %lt3A_414, %lt3A_416 : i1
            %and3A_418 = arith.andi %ne3A_417, %ne3A_412 : i1
            %add3A_419 = arith.addi %rem3A_410, %select_n3A_409 : i32
            %select_n3A_420 = arith.select %and3A_418, %add3A_419, %rem3A_410 : i32
            %sub3A_421 = arith.subi %mul3A_404, %select_n3A_420 : i32
            %get3A_422 = arith.index_cast %sub3A_421 : i32 to index
            %get3A_423 = tpu.vector_load %arg14[%get3A_422] {strides = array<i32>} : memref<8192xf32, #tpu.memory_space<vmem>>, vector<16xf32>,
            %add3A_424 = arith.constant 128 : i32
            %add3A_425 = arith.addi %sub3A_421, %add3A_424 : i32
            %get3A_426 = arith.index_cast %add3A_425 : i32 to index
            %get3A_427 = tpu.vector_load %arg14[%get3A_426] {strides = array<i32>} : memref<8192xf32, #tpu.memory_space<vmem>>, vector<16xf32>,
            %broadcast_in_dim3A_428 = arith.constant true
            %broadcast_in_dim3A_429 = vector.broadcast %broadcast_in_dim3A_428 : i1 to vector<16xi1>
            %masked_cumsum3A_430 = tpu.scan <sum>, %exp3A_402 masked %broadcast_in_dim3A_429 : vector<16xf32>, vector<16xi1> -> vector<16xf32>
            %mul3A_431 = arith.mulf %exp3A_402, %get3A_423 : vector<16xf32>
            %broadcast_in_dim3A_432 = arith.constant true
            %broadcast_in_dim3A_433 = vector.broadcast %broadcast_in_dim3A_432 : i1 to vector<16xi1>
            %masked_cumsum3A_434 = tpu.scan <sum>, %mul3A_431 masked %broadcast_in_dim3A_433 : vector<16xf32>, vector<16xi1> -> vector<16xf32>
            %mul3A_435 = arith.mulf %exp3A_402, %get3A_427 : vector<16xf32>
            %broadcast_in_dim3A_436 = arith.constant true
            %broadcast_in_dim3A_437 = vector.broadcast %broadcast_in_dim3A_436 : i1 to vector<16xi1>
            %masked_cumsum3A_438 = tpu.scan <sum>, %mul3A_435 masked %broadcast_in_dim3A_437 : vector<16xf32>, vector<16xi1> -> vector<16xf32>
            %ne3A_439 = arith.cmpi ne, %get3A_395, %get3A_399 : vector<16xi32>
            %sub3A_440 = vector.broadcast %mul3A_24 : i32 to vector<16xi32>
            %sub3A_441 = arith.subi %get3A_395, %sub3A_440 : vector<16xi32>
            %sub3A_442 = vector.broadcast %mul3A_24 : i32 to vector<16xi32>
            %sub3A_443 = arith.subi %get3A_399, %sub3A_442 : vector<16xi32>
            %or3A_444 = arith.ori %ne3A_439, %eq3A_112 : vector<16xi1>
            %and3A_445 = arith.andi %ne3A_439, %not3A_113 : vector<16xi1>
            tpu.vector_store_idx %arg24[%sub3A_441], %masked_cumsum3A_430 masked %or3A_444 {add = true} : memref<3200xf32, #tpu.memory_space<vmem>>[vector<16xi32>], vector<16xf32>, vector<16xi1>
            tpu.vector_store_idx %arg25[%sub3A_441], %masked_cumsum3A_434 masked %or3A_444 {add = true} : memref<3200xf32, #tpu.memory_space<vmem>>[vector<16xi32>], vector<16xf32>, vector<16xi1>
            tpu.vector_store_idx %arg26[%sub3A_441], %masked_cumsum3A_438 masked %or3A_444 {add = true} : memref<3200xf32, #tpu.memory_space<vmem>>[vector<16xi32>], vector<16xf32>, vector<16xi1>
            %neg3A_446 = arith.constant 0.000000e+00 : f32
            %neg3A_447 = vector.broadcast %neg3A_446 : f32 to vector<16xf32>
            %neg3A_448 = arith.subf %neg3A_447, %masked_cumsum3A_430 : vector<16xf32>
            tpu.vector_store_idx %arg24[%sub3A_443], %neg3A_448 masked %and3A_445 {add = true} : memref<3200xf32, #tpu.memory_space<vmem>>[vector<16xi32>], vector<16xf32>, vector<16xi1>
            %neg3A_449 = arith.constant 0.000000e+00 : f32
            %neg3A_450 = vector.broadcast %neg3A_449 : f32 to vector<16xf32>
            %neg3A_451 = arith.subf %neg3A_450, %masked_cumsum3A_434 : vector<16xf32>
            tpu.vector_store_idx %arg25[%sub3A_443], %neg3A_451 masked %and3A_445 {add = true} : memref<3200xf32, #tpu.memory_space<vmem>>[vector<16xi32>], vector<16xf32>, vector<16xi1>
            %neg3A_452 = arith.constant 0.000000e+00 : f32
            %neg3A_453 = vector.broadcast %neg3A_452 : f32 to vector<16xf32>
            %neg3A_454 = arith.subf %neg3A_453, %masked_cumsum3A_438 : vector<16xf32>
            tpu.vector_store_idx %arg26[%sub3A_443], %neg3A_454 masked %and3A_445 {add = true} : memref<3200xf32, #tpu.memory_space<vmem>>[vector<16xi32>], vector<16xf32>, vector<16xi1>
            %scan3A_455 = arith.constant 0 : i32
            %scan3A_456 = arith.constant 3 : i32
            %scan3A_457 = arith.addi %scan3A_262, %scan3A_456 : i32
            %mul3A_458 = arith.constant 16 : i32
            %mul3A_459 = arith.muli %scan3A_457, %mul3A_458 : i32
            %get3A_460 = arith.index_cast %mul3A_459 : i32 to index
            %get3A_461 = tpu.vector_load %arg12[%get3A_460] {strides = array<i32>} : memref<4112xi32, #tpu.memory_space<vmem>>, vector<16xi32>,
            %add3A_462 = arith.constant 1 : i32
            %add3A_463 = arith.addi %mul3A_459, %add3A_462 : i32
            %get3A_464 = arith.index_cast %add3A_463 : i32 to index
            %get3A_465 = tpu.vector_load %arg12[%get3A_464] {strides = array<i32>} : memref<4112xi32, #tpu.memory_space<vmem>>, vector<16xi32>,
            %get3A_466 = arith.index_cast %mul3A_459 : i32 to index
            %get3A_467 = tpu.vector_load %arg13[%get3A_466] {strides = array<i32>} : memref<4096xf32, #tpu.memory_space<vmem>>, vector<16xf32>,
            %exp3A_468 = math.exp %get3A_467 : vector<16xf32>
            %mul3A_469 = arith.constant 2 : i32
            %mul3A_470 = arith.muli %mul3A_469, %mul3A_459 : i32
            %jit3A_471 = arith.constant 128 : i32
            %eq3A_472 = arith.constant 0 : i32
            %eq3A_473 = arith.cmpi eq, %jit3A_471, %eq3A_472 : i32
            %jit3A_474 = arith.constant 1 : i32
            %select_n3A_475 = arith.select %eq3A_473, %jit3A_474, %jit3A_471 : i32
            %rem3A_476 = arith.remsi %mul3A_459, %select_n3A_475 : i32
            %ne3A_477 = arith.constant 0 : i32
            %ne3A_478 = arith.cmpi ne, %rem3A_476, %ne3A_477 : i32
            %lt3A_479 = arith.constant 0 : i32
            %lt3A_480 = arith.cmpi slt, %rem3A_476, %lt3A_479 : i32
            %lt3A_481 = arith.constant 0 : i32
            %lt3A_482 = arith.cmpi slt, %select_n3A_475, %lt3A_481 : i32
            %ne3A_483 = arith.xori %lt3A_480, %lt3A_482 : i1
            %and3A_484 = arith.andi %ne3A_483, %ne3A_478 : i1
            %add3A_485 = arith.addi %rem3A_476, %select_n3A_475 : i32
            %select_n3A_486 = arith.select %and3A_484, %add3A_485, %rem3A_476 : i32
            %sub3A_487 = arith.subi %mul3A_470, %select_n3A_486 : i32
            %get3A_488 = arith.index_cast %sub3A_487 : i32 to index
            %get3A_489 = tpu.vector_load %arg14[%get3A_488] {strides = array<i32>} : memref<8192xf32, #tpu.memory_space<vmem>>, vector<16xf32>,
            %add3A_490 = arith.constant 128 : i32
            %add3A_491 = arith.addi %sub3A_487, %add3A_490 : i32
            %get3A_492 = arith.index_cast %add3A_491 : i32 to index
            %get3A_493 = tpu.vector_load %arg14[%get3A_492] {strides = array<i32>} : memref<8192xf32, #tpu.memory_space<vmem>>, vector<16xf32>,
            %broadcast_in_dim3A_494 = arith.constant true
            %broadcast_in_dim3A_495 = vector.broadcast %broadcast_in_dim3A_494 : i1 to vector<16xi1>
            %masked_cumsum3A_496 = tpu.scan <sum>, %exp3A_468 masked %broadcast_in_dim3A_495 : vector<16xf32>, vector<16xi1> -> vector<16xf32>
            %mul3A_497 = arith.mulf %exp3A_468, %get3A_489 : vector<16xf32>
            %broadcast_in_dim3A_498 = arith.constant true
            %broadcast_in_dim3A_499 = vector.broadcast %broadcast_in_dim3A_498 : i1 to vector<16xi1>
            %masked_cumsum3A_500 = tpu.scan <sum>, %mul3A_497 masked %broadcast_in_dim3A_499 : vector<16xf32>, vector<16xi1> -> vector<16xf32>
            %mul3A_501 = arith.mulf %exp3A_468, %get3A_493 : vector<16xf32>
            %broadcast_in_dim3A_502 = arith.constant true
            %broadcast_in_dim3A_503 = vector.broadcast %broadcast_in_dim3A_502 : i1 to vector<16xi1>
            %masked_cumsum3A_504 = tpu.scan <sum>, %mul3A_501 masked %broadcast_in_dim3A_503 : vector<16xf32>, vector<16xi1> -> vector<16xf32>
            %ne3A_505 = arith.cmpi ne, %get3A_461, %get3A_465 : vector<16xi32>
            %sub3A_506 = vector.broadcast %mul3A_24 : i32 to vector<16xi32>
            %sub3A_507 = arith.subi %get3A_461, %sub3A_506 : vector<16xi32>
            %sub3A_508 = vector.broadcast %mul3A_24 : i32 to vector<16xi32>
            %sub3A_509 = arith.subi %get3A_465, %sub3A_508 : vector<16xi32>
            %or3A_510 = arith.ori %ne3A_505, %eq3A_112 : vector<16xi1>
            %and3A_511 = arith.andi %ne3A_505, %not3A_113 : vector<16xi1>
            tpu.vector_store_idx %arg24[%sub3A_507], %masked_cumsum3A_496 masked %or3A_510 {add = true} : memref<3200xf32, #tpu.memory_space<vmem>>[vector<16xi32>], vector<16xf32>, vector<16xi1>
            tpu.vector_store_idx %arg25[%sub3A_507], %masked_cumsum3A_500 masked %or3A_510 {add = true} : memref<3200xf32, #tpu.memory_space<vmem>>[vector<16xi32>], vector<16xf32>, vector<16xi1>
            tpu.vector_store_idx %arg26[%sub3A_507], %masked_cumsum3A_504 masked %or3A_510 {add = true} : memref<3200xf32, #tpu.memory_space<vmem>>[vector<16xi32>], vector<16xf32>, vector<16xi1>
            %neg3A_512 = arith.constant 0.000000e+00 : f32
            %neg3A_513 = vector.broadcast %neg3A_512 : f32 to vector<16xf32>
            %neg3A_514 = arith.subf %neg3A_513, %masked_cumsum3A_496 : vector<16xf32>
            tpu.vector_store_idx %arg24[%sub3A_509], %neg3A_514 masked %and3A_511 {add = true} : memref<3200xf32, #tpu.memory_space<vmem>>[vector<16xi32>], vector<16xf32>, vector<16xi1>
            %neg3A_515 = arith.constant 0.000000e+00 : f32
            %neg3A_516 = vector.broadcast %neg3A_515 : f32 to vector<16xf32>
            %neg3A_517 = arith.subf %neg3A_516, %masked_cumsum3A_500 : vector<16xf32>
            tpu.vector_store_idx %arg25[%sub3A_509], %neg3A_517 masked %and3A_511 {add = true} : memref<3200xf32, #tpu.memory_space<vmem>>[vector<16xi32>], vector<16xf32>, vector<16xi1>
            %neg3A_518 = arith.constant 0.000000e+00 : f32
            %neg3A_519 = vector.broadcast %neg3A_518 : f32 to vector<16xf32>
            %neg3A_520 = arith.subf %neg3A_519, %masked_cumsum3A_504 : vector<16xf32>
            tpu.vector_store_idx %arg26[%sub3A_509], %neg3A_520 masked %and3A_511 {add = true} : memref<3200xf32, #tpu.memory_space<vmem>>[vector<16xi32>], vector<16xf32>, vector<16xi1>
            %scan3A_521 = arith.constant 0 : i32
            scf.yield %scan3A_521 : i32
          }
          %scan3A_261 = arith.constant 256 : i32
        } else {
        }
        %not3A_250 = arith.constant true
        %not3A_251 = arith.xori %and3A_246, %not3A_250 : i1
        %convert_element_type3A_252 = arith.extui %not3A_251 : i1 to i32
        %cond3A_253 = arith.constant 0 : i32
        %cond3A_254 = arith.cmpi ne, %convert_element_type3A_252, %cond3A_253 : i32
        scf.if %cond3A_254 {
          %scan3A_255 = arith.constant 0 : i32
          %scan3A_256 = arith.constant 0 : i32
          %scan3A_257 = arith.constant 256 : i32
          %scan3A_258 = arith.addi %scan3A_256, %scan3A_257 : i32
          %scan3A_259 = arith.constant 2 : i32
          %scan3A_260 = scf.for %scan3A_262 = %scan3A_256 to %scan3A_258 step %scan3A_259 iter_args(%scan3A_263 = %scan3A_255) -> (i32)  : i32 {
            %mul3A_264 = arith.constant 16 : i32
            %mul3A_265 = arith.muli %scan3A_262, %mul3A_264 : i32
            %get3A_266 = arith.index_cast %mul3A_265 : i32 to index
            %get3A_267 = tpu.vector_load %arg12[%get3A_266] {strides = array<i32>} : memref<4112xi32, #tpu.memory_space<vmem>>, vector<16xi32>,
            %add3A_268 = arith.constant 1 : i32
            %add3A_269 = arith.addi %mul3A_265, %add3A_268 : i32
            %get3A_270 = arith.index_cast %add3A_269 : i32 to index
            %get3A_271 = tpu.vector_load %arg12[%get3A_270] {strides = array<i32>} : memref<4112xi32, #tpu.memory_space<vmem>>, vector<16xi32>,
            %add3A_272 = arith.addi %multiple_of3A, %mul3A_265 : i32
            %add3A_273 = vector.broadcast %add3A_272 : i32 to vector<16xi32>
            %add3A_274 = arith.addi %add3A_273, %iota3A : vector<16xi32>
            %ge3A_275 = vector.broadcast %add3A_234 : i32 to vector<16xi32>
            %ge3A_276 = arith.cmpi sge, %add3A_274, %ge3A_275 : vector<16xi32>
            %lt3A_277 = vector.broadcast %min3A_88 : i32 to vector<16xi32>
            %lt3A_278 = arith.cmpi slt, %add3A_274, %lt3A_277 : vector<16xi32>
            %and3A_279 = arith.andi %ge3A_276, %lt3A_278 : vector<16xi1>
            %get3A_280 = arith.index_cast %mul3A_265 : i32 to index
            %get3A_281 = tpu.vector_load %arg13[%get3A_280] {strides = array<i32>} : memref<4096xf32, #tpu.memory_space<vmem>>, vector<16xf32>,
            %exp3A = math.exp %get3A_281 : vector<16xf32>
            %jit3A_282 = arith.constant 0.000000e+00 : f32
            %broadcast_in_dim3A_283 = vector.broadcast %jit3A_282 : f32 to vector<16xf32>
            %select_n3A_284 = arith.select %and3A_279, %exp3A, %broadcast_in_dim3A_283 : vector<16xi1>, vector<16xf32>
            %mul3A_285 = arith.constant 2 : i32
            %mul3A_286 = arith.muli %mul3A_285, %mul3A_265 : i32
            %jit3A_287 = arith.constant 128 : i32
            %eq3A_288 = arith.constant 0 : i32
            %eq3A_289 = arith.cmpi eq, %jit3A_287, %eq3A_288 : i32
            %jit3A_290 = arith.constant 1 : i32
            %select_n3A_291 = arith.select %eq3A_289, %jit3A_290, %jit3A_287 : i32
            %rem3A_292 = arith.remsi %mul3A_265, %select_n3A_291 : i32
            %ne3A_293 = arith.constant 0 : i32
            %ne3A_294 = arith.cmpi ne, %rem3A_292, %ne3A_293 : i32
            %lt3A_295 = arith.constant 0 : i32
            %lt3A_296 = arith.cmpi slt, %rem3A_292, %lt3A_295 : i32
            %lt3A_297 = arith.constant 0 : i32
            %lt3A_298 = arith.cmpi slt, %select_n3A_291, %lt3A_297 : i32
            %ne3A_299 = arith.xori %lt3A_296, %lt3A_298 : i1
            %and3A_300 = arith.andi %ne3A_299, %ne3A_294 : i1
            %add3A_301 = arith.addi %rem3A_292, %select_n3A_291 : i32
            %select_n3A_302 = arith.select %and3A_300, %add3A_301, %rem3A_292 : i32
            %sub3A_303 = arith.subi %mul3A_286, %select_n3A_302 : i32
            %get3A_304 = arith.index_cast %sub3A_303 : i32 to index
            %get3A_305 = tpu.vector_load %arg14[%get3A_304] {strides = array<i32>} : memref<8192xf32, #tpu.memory_space<vmem>>, vector<16xf32>,
            %add3A_306 = arith.constant 128 : i32
            %add3A_307 = arith.addi %sub3A_303, %add3A_306 : i32
            %get3A_308 = arith.index_cast %add3A_307 : i32 to index
            %get3A_309 = tpu.vector_load %arg14[%get3A_308] {strides = array<i32>} : memref<8192xf32, #tpu.memory_space<vmem>>, vector<16xf32>,
            %broadcast_in_dim3A_310 = arith.constant true
            %broadcast_in_dim3A_311 = vector.broadcast %broadcast_in_dim3A_310 : i1 to vector<16xi1>
            %masked_cumsum3A = tpu.scan <sum>, %select_n3A_284 masked %broadcast_in_dim3A_311 : vector<16xf32>, vector<16xi1> -> vector<16xf32>
            %mul3A_312 = arith.mulf %select_n3A_284, %get3A_305 : vector<16xf32>
            %broadcast_in_dim3A_313 = arith.constant true
            %broadcast_in_dim3A_314 = vector.broadcast %broadcast_in_dim3A_313 : i1 to vector<16xi1>
            %masked_cumsum3A_315 = tpu.scan <sum>, %mul3A_312 masked %broadcast_in_dim3A_314 : vector<16xf32>, vector<16xi1> -> vector<16xf32>
            %mul3A_316 = arith.mulf %select_n3A_284, %get3A_309 : vector<16xf32>
            %broadcast_in_dim3A_317 = arith.constant true
            %broadcast_in_dim3A_318 = vector.broadcast %broadcast_in_dim3A_317 : i1 to vector<16xi1>
            %masked_cumsum3A_319 = tpu.scan <sum>, %mul3A_316 masked %broadcast_in_dim3A_318 : vector<16xf32>, vector<16xi1> -> vector<16xf32>
            %ne3A_320 = arith.cmpi ne, %get3A_267, %get3A_271 : vector<16xi32>
            %ge3A_321 = vector.broadcast %mul3A_24 : i32 to vector<16xi32>
            %ge3A_322 = arith.cmpi sge, %get3A_267, %ge3A_321 : vector<16xi32>
            %lt3A_323 = vector.broadcast %add3A_26 : i32 to vector<16xi32>
            %lt3A_324 = arith.cmpi slt, %get3A_267, %lt3A_323 : vector<16xi32>
            %and3A_325 = arith.andi %ge3A_322, %lt3A_324 : vector<16xi1>
            %ge3A_326 = vector.broadcast %mul3A_24 : i32 to vector<16xi32>
            %ge3A_327 = arith.cmpi sge, %get3A_271, %ge3A_326 : vector<16xi32>
            %lt3A_328 = vector.broadcast %add3A_26 : i32 to vector<16xi32>
            %lt3A_329 = arith.cmpi slt, %get3A_271, %lt3A_328 : vector<16xi32>
            %and3A_330 = arith.andi %ge3A_327, %lt3A_329 : vector<16xi1>
            %sub3A_331 = vector.broadcast %mul3A_24 : i32 to vector<16xi32>
            %sub3A_332 = arith.subi %get3A_267, %sub3A_331 : vector<16xi32>
            %sub3A_333 = vector.broadcast %mul3A_24 : i32 to vector<16xi32>
            %sub3A_334 = arith.subi %get3A_271, %sub3A_333 : vector<16xi32>
            %or3A = arith.ori %ne3A_320, %eq3A_112 : vector<16xi1>
            %and3A_335 = arith.andi %or3A, %and3A_325 : vector<16xi1>
            %and3A_336 = arith.andi %ne3A_320, %not3A_113 : vector<16xi1>
            %and3A_337 = arith.andi %and3A_336, %and3A_330 : vector<16xi1>
            tpu.vector_store_idx %arg24[%sub3A_332], %masked_cumsum3A masked %and3A_335 {add = true} : memref<3200xf32, #tpu.memory_space<vmem>>[vector<16xi32>], vector<16xf32>, vector<16xi1>
            tpu.vector_store_idx %arg25[%sub3A_332], %masked_cumsum3A_315 masked %and3A_335 {add = true} : memref<3200xf32, #tpu.memory_space<vmem>>[vector<16xi32>], vector<16xf32>, vector<16xi1>
            tpu.vector_store_idx %arg26[%sub3A_332], %masked_cumsum3A_319 masked %and3A_335 {add = true} : memref<3200xf32, #tpu.memory_space<vmem>>[vector<16xi32>], vector<16xf32>, vector<16xi1>
            %neg3A = arith.constant 0.000000e+00 : f32
            %neg3A_338 = vector.broadcast %neg3A : f32 to vector<16xf32>
            %neg3A_339 = arith.subf %neg3A_338, %masked_cumsum3A : vector<16xf32>
            tpu.vector_store_idx %arg24[%sub3A_334], %neg3A_339 masked %and3A_337 {add = true} : memref<3200xf32, #tpu.memory_space<vmem>>[vector<16xi32>], vector<16xf32>, vector<16xi1>
            %neg3A_340 = arith.constant 0.000000e+00 : f32
            %neg3A_341 = vector.broadcast %neg3A_340 : f32 to vector<16xf32>
            %neg3A_342 = arith.subf %neg3A_341, %masked_cumsum3A_315 : vector<16xf32>
            tpu.vector_store_idx %arg25[%sub3A_334], %neg3A_342 masked %and3A_337 {add = true} : memref<3200xf32, #tpu.memory_space<vmem>>[vector<16xi32>], vector<16xf32>, vector<16xi1>
            %neg3A_343 = arith.constant 0.000000e+00 : f32
            %neg3A_344 = vector.broadcast %neg3A_343 : f32 to vector<16xf32>
            %neg3A_345 = arith.subf %neg3A_344, %masked_cumsum3A_319 : vector<16xf32>
            tpu.vector_store_idx %arg26[%sub3A_334], %neg3A_345 masked %and3A_337 {add = true} : memref<3200xf32, #tpu.memory_space<vmem>>[vector<16xi32>], vector<16xf32>, vector<16xi1>
            %scan3A_346 = arith.constant 0 : i32
            %scan3A_347 = arith.constant 1 : i32
            %scan3A_348 = arith.addi %scan3A_262, %scan3A_347 : i32
            %mul3A_349 = arith.constant 16 : i32
            %mul3A_350 = arith.muli %scan3A_348, %mul3A_349 : i32
            %get3A_351 = arith.index_cast %mul3A_350 : i32 to index
            %get3A_352 = tpu.vector_load %arg12[%get3A_351] {strides = array<i32>} : memref<4112xi32, #tpu.memory_space<vmem>>, vector<16xi32>,
            %add3A_353 = arith.constant 1 : i32
            %add3A_354 = arith.addi %mul3A_350, %add3A_353 : i32
            %get3A_355 = arith.index_cast %add3A_354 : i32 to index
            %get3A_356 = tpu.vector_load %arg12[%get3A_355] {strides = array<i32>} : memref<4112xi32, #tpu.memory_space<vmem>>, vector<16xi32>,
            %add3A_357 = arith.addi %multiple_of3A, %mul3A_350 : i32
            %add3A_358 = vector.broadcast %add3A_357 : i32 to vector<16xi32>
            %add3A_359 = arith.addi %add3A_358, %iota3A : vector<16xi32>
            %ge3A_360 = vector.broadcast %add3A_234 : i32 to vector<16xi32>
            %ge3A_361 = arith.cmpi sge, %add3A_359, %ge3A_360 : vector<16xi32>
            %lt3A_362 = vector.broadcast %min3A_88 : i32 to vector<16xi32>
            %lt3A_363 = arith.cmpi slt, %add3A_359, %lt3A_362 : vector<16xi32>
            %and3A_364 = arith.andi %ge3A_361, %lt3A_363 : vector<16xi1>
            %get3A_365 = arith.index_cast %mul3A_350 : i32 to index
            %get3A_366 = tpu.vector_load %arg13[%get3A_365] {strides = array<i32>} : memref<4096xf32, #tpu.memory_space<vmem>>, vector<16xf32>,
            %exp3A_367 = math.exp %get3A_366 : vector<16xf32>
            %jit3A_368 = arith.constant 0.000000e+00 : f32
            %broadcast_in_dim3A_369 = vector.broadcast %jit3A_368 : f32 to vector<16xf32>
            %select_n3A_370 = arith.select %and3A_364, %exp3A_367, %broadcast_in_dim3A_369 : vector<16xi1>, vector<16xf32>
            %mul3A_371 = arith.constant 2 : i32
            %mul3A_372 = arith.muli %mul3A_371, %mul3A_350 : i32
            %jit3A_373 = arith.constant 128 : i32
            %eq3A_374 = arith.constant 0 : i32
            %eq3A_375 = arith.cmpi eq, %jit3A_373, %eq3A_374 : i32
            %jit3A_376 = arith.constant 1 : i32
            %select_n3A_377 = arith.select %eq3A_375, %jit3A_376, %jit3A_373 : i32
            %rem3A_378 = arith.remsi %mul3A_350, %select_n3A_377 : i32
            %ne3A_379 = arith.constant 0 : i32
            %ne3A_380 = arith.cmpi ne, %rem3A_378, %ne3A_379 : i32
            %lt3A_381 = arith.constant 0 : i32
            %lt3A_382 = arith.cmpi slt, %rem3A_378, %lt3A_381 : i32
            %lt3A_383 = arith.constant 0 : i32
            %lt3A_384 = arith.cmpi slt, %select_n3A_377, %lt3A_383 : i32
            %ne3A_385 = arith.xori %lt3A_382, %lt3A_384 : i1
            %and3A_386 = arith.andi %ne3A_385, %ne3A_380 : i1
            %add3A_387 = arith.addi %rem3A_378, %select_n3A_377 : i32
            %select_n3A_388 = arith.select %and3A_386, %add3A_387, %rem3A_378 : i32
            %sub3A_389 = arith.subi %mul3A_372, %select_n3A_388 : i32
            %get3A_390 = arith.index_cast %sub3A_389 : i32 to index
            %get3A_391 = tpu.vector_load %arg14[%get3A_390] {strides = array<i32>} : memref<8192xf32, #tpu.memory_space<vmem>>, vector<16xf32>,
            %add3A_392 = arith.constant 128 : i32
            %add3A_393 = arith.addi %sub3A_389, %add3A_392 : i32
            %get3A_394 = arith.index_cast %add3A_393 : i32 to index
            %get3A_395 = tpu.vector_load %arg14[%get3A_394] {strides = array<i32>} : memref<8192xf32, #tpu.memory_space<vmem>>, vector<16xf32>,
            %broadcast_in_dim3A_396 = arith.constant true
            %broadcast_in_dim3A_397 = vector.broadcast %broadcast_in_dim3A_396 : i1 to vector<16xi1>
            %masked_cumsum3A_398 = tpu.scan <sum>, %select_n3A_370 masked %broadcast_in_dim3A_397 : vector<16xf32>, vector<16xi1> -> vector<16xf32>
            %mul3A_399 = arith.mulf %select_n3A_370, %get3A_391 : vector<16xf32>
            %broadcast_in_dim3A_400 = arith.constant true
            %broadcast_in_dim3A_401 = vector.broadcast %broadcast_in_dim3A_400 : i1 to vector<16xi1>
            %masked_cumsum3A_402 = tpu.scan <sum>, %mul3A_399 masked %broadcast_in_dim3A_401 : vector<16xf32>, vector<16xi1> -> vector<16xf32>
            %mul3A_403 = arith.mulf %select_n3A_370, %get3A_395 : vector<16xf32>
            %broadcast_in_dim3A_404 = arith.constant true
            %broadcast_in_dim3A_405 = vector.broadcast %broadcast_in_dim3A_404 : i1 to vector<16xi1>
            %masked_cumsum3A_406 = tpu.scan <sum>, %mul3A_403 masked %broadcast_in_dim3A_405 : vector<16xf32>, vector<16xi1> -> vector<16xf32>
            %ne3A_407 = arith.cmpi ne, %get3A_352, %get3A_356 : vector<16xi32>
            %ge3A_408 = vector.broadcast %mul3A_24 : i32 to vector<16xi32>
            %ge3A_409 = arith.cmpi sge, %get3A_352, %ge3A_408 : vector<16xi32>
            %lt3A_410 = vector.broadcast %add3A_26 : i32 to vector<16xi32>
            %lt3A_411 = arith.cmpi slt, %get3A_352, %lt3A_410 : vector<16xi32>
            %and3A_412 = arith.andi %ge3A_409, %lt3A_411 : vector<16xi1>
            %ge3A_413 = vector.broadcast %mul3A_24 : i32 to vector<16xi32>
            %ge3A_414 = arith.cmpi sge, %get3A_356, %ge3A_413 : vector<16xi32>
            %lt3A_415 = vector.broadcast %add3A_26 : i32 to vector<16xi32>
            %lt3A_416 = arith.cmpi slt, %get3A_356, %lt3A_415 : vector<16xi32>
            %and3A_417 = arith.andi %ge3A_414, %lt3A_416 : vector<16xi1>
            %sub3A_418 = vector.broadcast %mul3A_24 : i32 to vector<16xi32>
            %sub3A_419 = arith.subi %get3A_352, %sub3A_418 : vector<16xi32>
            %sub3A_420 = vector.broadcast %mul3A_24 : i32 to vector<16xi32>
            %sub3A_421 = arith.subi %get3A_356, %sub3A_420 : vector<16xi32>
            %or3A_422 = arith.ori %ne3A_407, %eq3A_112 : vector<16xi1>
            %and3A_423 = arith.andi %or3A_422, %and3A_412 : vector<16xi1>
            %and3A_424 = arith.andi %ne3A_407, %not3A_113 : vector<16xi1>
            %and3A_425 = arith.andi %and3A_424, %and3A_417 : vector<16xi1>
            tpu.vector_store_idx %arg24[%sub3A_419], %masked_cumsum3A_398 masked %and3A_423 {add = true} : memref<3200xf32, #tpu.memory_space<vmem>>[vector<16xi32>], vector<16xf32>, vector<16xi1>
            tpu.vector_store_idx %arg25[%sub3A_419], %masked_cumsum3A_402 masked %and3A_423 {add = true} : memref<3200xf32, #tpu.memory_space<vmem>>[vector<16xi32>], vector<16xf32>, vector<16xi1>
            tpu.vector_store_idx %arg26[%sub3A_419], %masked_cumsum3A_406 masked %and3A_423 {add = true} : memref<3200xf32, #tpu.memory_space<vmem>>[vector<16xi32>], vector<16xf32>, vector<16xi1>
            %neg3A_426 = arith.constant 0.000000e+00 : f32
            %neg3A_427 = vector.broadcast %neg3A_426 : f32 to vector<16xf32>
            %neg3A_428 = arith.subf %neg3A_427, %masked_cumsum3A_398 : vector<16xf32>
            tpu.vector_store_idx %arg24[%sub3A_421], %neg3A_428 masked %and3A_425 {add = true} : memref<3200xf32, #tpu.memory_space<vmem>>[vector<16xi32>], vector<16xf32>, vector<16xi1>
            %neg3A_429 = arith.constant 0.000000e+00 : f32
            %neg3A_430 = vector.broadcast %neg3A_429 : f32 to vector<16xf32>
            %neg3A_431 = arith.subf %neg3A_430, %masked_cumsum3A_402 : vector<16xf32>
            tpu.vector_store_idx %arg25[%sub3A_421], %neg3A_431 masked %and3A_425 {add = true} : memref<3200xf32, #tpu.memory_space<vmem>>[vector<16xi32>], vector<16xf32>, vector<16xi1>
            %neg3A_432 = arith.constant 0.000000e+00 : f32
            %neg3A_433 = vector.broadcast %neg3A_432 : f32 to vector<16xf32>
            %neg3A_434 = arith.subf %neg3A_433, %masked_cumsum3A_406 : vector<16xf32>
            tpu.vector_store_idx %arg26[%sub3A_421], %neg3A_434 masked %and3A_425 {add = true} : memref<3200xf32, #tpu.memory_space<vmem>>[vector<16xi32>], vector<16xf32>, vector<16xi1>
            %scan3A_435 = arith.constant 0 : i32
            scf.yield %scan3A_435 : i32
          }
          %scan3A_261 = arith.constant 256 : i32
        } else {
        }
      } else {
      }
      %mul3A_192 = arith.constant 4 : i32
      %mul3A_193 = arith.muli %mul3A_192, %while3A_174 : i32
      %add3A_194 = arith.constant 2 : i32
      %add3A_195 = arith.addi %mul3A_193, %add3A_194 : i32
      %lt3A_196 = arith.cmpi slt, %add3A_195, %select_n3A_110 : i32
      %convert_element_type3A_197 = arith.extui %lt3A_196 : i1 to i32
      %cond3A_198 = arith.constant 0 : i32
      %cond3A_199 = arith.cmpi ne, %convert_element_type3A_197, %cond3A_198 : i32
      scf.if %cond3A_199 {
        %dma_wait3A = arith.constant 0 : i32
        %dma_wait3A_209 = tpu.memref_slice %arg16[%dma_wait3A] : memref<4112xi32, #tpu.memory_space<vmem>> -> memref<4096xi32, #tpu.memory_space<vmem>>
        %dma_wait3A_210 = arith.constant 0 : i32
        %dma_wait3A_211 = tpu.memref_slice %arg3[%dma_wait3A_210] : memref<6400000xi32, #tpu.memory_space<hbm>> -> memref<4096xi32, #tpu.memory_space<hbm>>
        %dma_wait3A_212 = arith.constant 0 : i32
        %dma_wait3A_213 = tpu.memref_slice %arg16[%dma_wait3A_212] : memref<4112xi32, #tpu.memory_space<vmem>> -> memref<4096xi32, #tpu.memory_space<vmem>>
        %dma_wait3A_214 = arith.constant 0 : i32
        %dma_wait3A_215 = tpu.memref_slice %arg3[%dma_wait3A_214] : memref<6400000xi32, #tpu.memory_space<hbm>> -> memref<4096xi32, #tpu.memory_space<hbm>>
        tpu.wait_dma2 semaphore(%arg19 : memref<!tpu.dma_semaphore, #tpu.memory_space<semaphore_mem>>) src(%dma_wait3A_215 : memref<4096xi32, #tpu.memory_space<hbm>>) dst(%dma_wait3A_213 : memref<4096xi32, #tpu.memory_space<vmem>>)
        %dma_wait3A_216 = arith.constant 0 : i32
        %dma_wait3A_217 = tpu.memref_slice %arg4[%dma_wait3A_216] : memref<6400000xf32, #tpu.memory_space<hbm>> -> memref<4096xf32, #tpu.memory_space<hbm>>
        %dma_wait3A_218 = arith.constant 0 : i32
        %dma_wait3A_219 = tpu.memref_slice %arg4[%dma_wait3A_218] : memref<6400000xf32, #tpu.memory_space<hbm>> -> memref<4096xf32, #tpu.memory_space<hbm>>
        tpu.wait_dma2 semaphore(%arg19 : memref<!tpu.dma_semaphore, #tpu.memory_space<semaphore_mem>>) src(%dma_wait3A_219 : memref<4096xf32, #tpu.memory_space<hbm>>) dst(%arg17 : memref<4096xf32, #tpu.memory_space<vmem>>)
        %dma_wait3A_220 = arith.constant 0 : i32
        %dma_wait3A_221 = tpu.memref_slice %arg5[%dma_wait3A_220] : memref<12800000xf32, #tpu.memory_space<hbm>> -> memref<8192xf32, #tpu.memory_space<hbm>>
        %dma_wait3A_222 = arith.constant 0 : i32
        %dma_wait3A_223 = tpu.memref_slice %arg5[%dma_wait3A_222] : memref<12800000xf32, #tpu.memory_space<hbm>> -> memref<8192xf32, #tpu.memory_space<hbm>>
        tpu.wait_dma2 semaphore(%arg19 : memref<!tpu.dma_semaphore, #tpu.memory_space<semaphore_mem>>) src(%dma_wait3A_223 : memref<8192xf32, #tpu.memory_space<hbm>>) dst(%arg18 : memref<8192xf32, #tpu.memory_space<vmem>>)
        %add3A_224 = arith.constant 4 : i32
        %add3A_225 = arith.addi %add3A_195, %add3A_224 : i32
        %sub3A_226 = arith.constant 1 : i32
        %sub3A_227 = arith.subi %add3A_225, %sub3A_226 : i32
        %lt3A_228 = arith.cmpi slt, %sub3A_227, %select_n3A_110 : i32
        %convert_element_type3A_229 = arith.extui %lt3A_228 : i1 to i32
        %cond3A_230 = arith.constant 0 : i32
        %cond3A_231 = arith.cmpi ne, %convert_element_type3A_229, %cond3A_230 : i32
        scf.if %cond3A_231 {
          %add3A_255 = arith.constant 4 : i32
          %add3A_256 = arith.addi %add3A_195, %add3A_255 : i32
          %sub3A_257 = arith.constant 1 : i32
          %sub3A_258 = arith.subi %add3A_256, %sub3A_257 : i32
          %mul3A_259 = arith.constant 4096 : i32
          %mul3A_260 = arith.muli %sub3A_258, %mul3A_259 : i32
          %add3A_261 = arith.addi %mul3A_85, %mul3A_260 : i32
          %min3A_262 = arith.constant 6395904 : i32
          %min3A_263 = arith.minsi %add3A_261, %min3A_262 : i32
          %multiple_of3A_264 = tpu.assume_multiple %min3A_263, 128 : i32
          %dma_start3A = arith.constant 0 : i32
          %dma_start3A_265 = tpu.memref_slice %arg12[%dma_start3A] : memref<4112xi32, #tpu.memory_space<vmem>> -> memref<4096xi32, #tpu.memory_space<vmem>>
          %dma_start3A_266 = tpu.memref_slice %arg3[%multiple_of3A_264] : memref<6400000xi32, #tpu.memory_space<hbm>> -> memref<4096xi32, #tpu.memory_space<hbm>>
          %dma_start3A_267 = arith.constant 0 : i32
          %dma_start3A_268 = tpu.memref_slice %arg12[%dma_start3A_267] : memref<4112xi32, #tpu.memory_space<vmem>> -> memref<4096xi32, #tpu.memory_space<vmem>>
          %dma_start3A_269 = tpu.memref_slice %arg3[%multiple_of3A_264] : memref<6400000xi32, #tpu.memory_space<hbm>> -> memref<4096xi32, #tpu.memory_space<hbm>>
          tpu.enqueue_dma source(%dma_start3A_269 : memref<4096xi32, #tpu.memory_space<hbm>>) target(%dma_start3A_268 : memref<4096xi32, #tpu.memory_space<vmem>>) target_semaphore(%arg15 : memref<!tpu.dma_semaphore, #tpu.memory_space<semaphore_mem>>)
          %dma_start3A_270 = tpu.memref_slice %arg4[%multiple_of3A_264] : memref<6400000xf32, #tpu.memory_space<hbm>> -> memref<4096xf32, #tpu.memory_space<hbm>>
          %dma_start3A_271 = tpu.memref_slice %arg4[%multiple_of3A_264] : memref<6400000xf32, #tpu.memory_space<hbm>> -> memref<4096xf32, #tpu.memory_space<hbm>>
          tpu.enqueue_dma source(%dma_start3A_271 : memref<4096xf32, #tpu.memory_space<hbm>>) target(%arg13 : memref<4096xf32, #tpu.memory_space<vmem>>) target_semaphore(%arg15 : memref<!tpu.dma_semaphore, #tpu.memory_space<semaphore_mem>>)
          %mul3A_272 = arith.constant 2 : i32
          %mul3A_273 = arith.muli %mul3A_272, %multiple_of3A_264 : i32
          %multiple_of3A_274 = tpu.assume_multiple %mul3A_273, 256 : i32
          %dma_start3A_275 = tpu.memref_slice %arg5[%multiple_of3A_274] : memref<12800000xf32, #tpu.memory_space<hbm>> -> memref<8192xf32, #tpu.memory_space<hbm>>
          %dma_start3A_276 = tpu.memref_slice %arg5[%multiple_of3A_274] : memref<12800000xf32, #tpu.memory_space<hbm>> -> memref<8192xf32, #tpu.memory_space<hbm>>
          tpu.enqueue_dma source(%dma_start3A_276 : memref<8192xf32, #tpu.memory_space<hbm>>) target(%arg14 : memref<8192xf32, #tpu.memory_space<vmem>>) target_semaphore(%arg15 : memref<!tpu.dma_semaphore, #tpu.memory_space<semaphore_mem>>)
        } else {
        }
        %mul3A_232 = arith.constant 4096 : i32
        %mul3A_233 = arith.muli %add3A_195, %mul3A_232 : i32
        %add3A_234 = arith.addi %mul3A_85, %mul3A_233 : i32
        %mul3A_235 = arith.constant 4096 : i32
        %mul3A_236 = arith.muli %add3A_195, %mul3A_235 : i32
        %add3A_237 = arith.addi %mul3A_85, %mul3A_236 : i32
        %min3A_238 = arith.constant 6395904 : i32
        %min3A_239 = arith.minsi %add3A_237, %min3A_238 : i32
        %multiple_of3A = tpu.assume_multiple %min3A_239, 128 : i32
        %add3A_240 = arith.constant 4096 : i32
        %add3A_241 = arith.addi %mul3A_85, %add3A_240 : i32
        %ge3A = arith.cmpi sge, %add3A_234, %add3A_241 : i32
        %add3A_242 = arith.constant 4096 : i32
        %add3A_243 = arith.addi %add3A_234, %add3A_242 : i32
        %sub3A_244 = arith.constant 4096 : i32
        %sub3A_245 = arith.subi %min3A_88, %sub3A_244 : i32
        %le3A = arith.cmpi sle, %add3A_243, %sub3A_245 : i32
        %and3A_246 = arith.andi %ge3A, %le3A : i1
        %convert_element_type3A_247 = arith.extui %and3A_246 : i1 to i32
        %cond3A_248 = arith.constant 0 : i32
        %cond3A_249 = arith.cmpi ne, %convert_element_type3A_247, %cond3A_248 : i32
        scf.if %cond3A_249 {
          %scan3A_255 = arith.constant 0 : i32
          %scan3A_256 = arith.constant 0 : i32
          %scan3A_257 = arith.constant 256 : i32
          %scan3A_258 = arith.addi %scan3A_256, %scan3A_257 : i32
          %scan3A_259 = arith.constant 4 : i32
          %scan3A_260 = scf.for %scan3A_262 = %scan3A_256 to %scan3A_258 step %scan3A_259 iter_args(%scan3A_263 = %scan3A_255) -> (i32)  : i32 {
            %mul3A_264 = arith.constant 16 : i32
            %mul3A_265 = arith.muli %scan3A_262, %mul3A_264 : i32
            %get3A_266 = arith.index_cast %mul3A_265 : i32 to index
            %get3A_267 = tpu.vector_load %arg16[%get3A_266] {strides = array<i32>} : memref<4112xi32, #tpu.memory_space<vmem>>, vector<16xi32>,
            %add3A_268 = arith.constant 1 : i32
            %add3A_269 = arith.addi %mul3A_265, %add3A_268 : i32
            %get3A_270 = arith.index_cast %add3A_269 : i32 to index
            %get3A_271 = tpu.vector_load %arg16[%get3A_270] {strides = array<i32>} : memref<4112xi32, #tpu.memory_space<vmem>>, vector<16xi32>,
            %get3A_272 = arith.index_cast %mul3A_265 : i32 to index
            %get3A_273 = tpu.vector_load %arg17[%get3A_272] {strides = array<i32>} : memref<4096xf32, #tpu.memory_space<vmem>>, vector<16xf32>,
            %exp3A = math.exp %get3A_273 : vector<16xf32>
            %mul3A_274 = arith.constant 2 : i32
            %mul3A_275 = arith.muli %mul3A_274, %mul3A_265 : i32
            %jit3A_276 = arith.constant 128 : i32
            %eq3A_277 = arith.constant 0 : i32
            %eq3A_278 = arith.cmpi eq, %jit3A_276, %eq3A_277 : i32
            %jit3A_279 = arith.constant 1 : i32
            %select_n3A_280 = arith.select %eq3A_278, %jit3A_279, %jit3A_276 : i32
            %rem3A_281 = arith.remsi %mul3A_265, %select_n3A_280 : i32
            %ne3A_282 = arith.constant 0 : i32
            %ne3A_283 = arith.cmpi ne, %rem3A_281, %ne3A_282 : i32
            %lt3A_284 = arith.constant 0 : i32
            %lt3A_285 = arith.cmpi slt, %rem3A_281, %lt3A_284 : i32
            %lt3A_286 = arith.constant 0 : i32
            %lt3A_287 = arith.cmpi slt, %select_n3A_280, %lt3A_286 : i32
            %ne3A_288 = arith.xori %lt3A_285, %lt3A_287 : i1
            %and3A_289 = arith.andi %ne3A_288, %ne3A_283 : i1
            %add3A_290 = arith.addi %rem3A_281, %select_n3A_280 : i32
            %select_n3A_291 = arith.select %and3A_289, %add3A_290, %rem3A_281 : i32
            %sub3A_292 = arith.subi %mul3A_275, %select_n3A_291 : i32
            %get3A_293 = arith.index_cast %sub3A_292 : i32 to index
            %get3A_294 = tpu.vector_load %arg18[%get3A_293] {strides = array<i32>} : memref<8192xf32, #tpu.memory_space<vmem>>, vector<16xf32>,
            %add3A_295 = arith.constant 128 : i32
            %add3A_296 = arith.addi %sub3A_292, %add3A_295 : i32
            %get3A_297 = arith.index_cast %add3A_296 : i32 to index
            %get3A_298 = tpu.vector_load %arg18[%get3A_297] {strides = array<i32>} : memref<8192xf32, #tpu.memory_space<vmem>>, vector<16xf32>,
            %broadcast_in_dim3A_299 = arith.constant true
            %broadcast_in_dim3A_300 = vector.broadcast %broadcast_in_dim3A_299 : i1 to vector<16xi1>
            %masked_cumsum3A = tpu.scan <sum>, %exp3A masked %broadcast_in_dim3A_300 : vector<16xf32>, vector<16xi1> -> vector<16xf32>
            %mul3A_301 = arith.mulf %exp3A, %get3A_294 : vector<16xf32>
            %broadcast_in_dim3A_302 = arith.constant true
            %broadcast_in_dim3A_303 = vector.broadcast %broadcast_in_dim3A_302 : i1 to vector<16xi1>
            %masked_cumsum3A_304 = tpu.scan <sum>, %mul3A_301 masked %broadcast_in_dim3A_303 : vector<16xf32>, vector<16xi1> -> vector<16xf32>
            %mul3A_305 = arith.mulf %exp3A, %get3A_298 : vector<16xf32>
            %broadcast_in_dim3A_306 = arith.constant true
            %broadcast_in_dim3A_307 = vector.broadcast %broadcast_in_dim3A_306 : i1 to vector<16xi1>
            %masked_cumsum3A_308 = tpu.scan <sum>, %mul3A_305 masked %broadcast_in_dim3A_307 : vector<16xf32>, vector<16xi1> -> vector<16xf32>
            %ne3A_309 = arith.cmpi ne, %get3A_267, %get3A_271 : vector<16xi32>
            %sub3A_310 = vector.broadcast %mul3A_24 : i32 to vector<16xi32>
            %sub3A_311 = arith.subi %get3A_267, %sub3A_310 : vector<16xi32>
            %sub3A_312 = vector.broadcast %mul3A_24 : i32 to vector<16xi32>
            %sub3A_313 = arith.subi %get3A_271, %sub3A_312 : vector<16xi32>
            %or3A = arith.ori %ne3A_309, %eq3A_112 : vector<16xi1>
            %and3A_314 = arith.andi %ne3A_309, %not3A_113 : vector<16xi1>
            tpu.vector_store_idx %arg24[%sub3A_311], %masked_cumsum3A masked %or3A {add = true} : memref<3200xf32, #tpu.memory_space<vmem>>[vector<16xi32>], vector<16xf32>, vector<16xi1>
            tpu.vector_store_idx %arg25[%sub3A_311], %masked_cumsum3A_304 masked %or3A {add = true} : memref<3200xf32, #tpu.memory_space<vmem>>[vector<16xi32>], vector<16xf32>, vector<16xi1>
            tpu.vector_store_idx %arg26[%sub3A_311], %masked_cumsum3A_308 masked %or3A {add = true} : memref<3200xf32, #tpu.memory_space<vmem>>[vector<16xi32>], vector<16xf32>, vector<16xi1>
            %neg3A = arith.constant 0.000000e+00 : f32
            %neg3A_315 = vector.broadcast %neg3A : f32 to vector<16xf32>
            %neg3A_316 = arith.subf %neg3A_315, %masked_cumsum3A : vector<16xf32>
            tpu.vector_store_idx %arg24[%sub3A_313], %neg3A_316 masked %and3A_314 {add = true} : memref<3200xf32, #tpu.memory_space<vmem>>[vector<16xi32>], vector<16xf32>, vector<16xi1>
            %neg3A_317 = arith.constant 0.000000e+00 : f32
            %neg3A_318 = vector.broadcast %neg3A_317 : f32 to vector<16xf32>
            %neg3A_319 = arith.subf %neg3A_318, %masked_cumsum3A_304 : vector<16xf32>
            tpu.vector_store_idx %arg25[%sub3A_313], %neg3A_319 masked %and3A_314 {add = true} : memref<3200xf32, #tpu.memory_space<vmem>>[vector<16xi32>], vector<16xf32>, vector<16xi1>
            %neg3A_320 = arith.constant 0.000000e+00 : f32
            %neg3A_321 = vector.broadcast %neg3A_320 : f32 to vector<16xf32>
            %neg3A_322 = arith.subf %neg3A_321, %masked_cumsum3A_308 : vector<16xf32>
            tpu.vector_store_idx %arg26[%sub3A_313], %neg3A_322 masked %and3A_314 {add = true} : memref<3200xf32, #tpu.memory_space<vmem>>[vector<16xi32>], vector<16xf32>, vector<16xi1>
            %scan3A_323 = arith.constant 0 : i32
            %scan3A_324 = arith.constant 1 : i32
            %scan3A_325 = arith.addi %scan3A_262, %scan3A_324 : i32
            %mul3A_326 = arith.constant 16 : i32
            %mul3A_327 = arith.muli %scan3A_325, %mul3A_326 : i32
            %get3A_328 = arith.index_cast %mul3A_327 : i32 to index
            %get3A_329 = tpu.vector_load %arg16[%get3A_328] {strides = array<i32>} : memref<4112xi32, #tpu.memory_space<vmem>>, vector<16xi32>,
            %add3A_330 = arith.constant 1 : i32
            %add3A_331 = arith.addi %mul3A_327, %add3A_330 : i32
            %get3A_332 = arith.index_cast %add3A_331 : i32 to index
            %get3A_333 = tpu.vector_load %arg16[%get3A_332] {strides = array<i32>} : memref<4112xi32, #tpu.memory_space<vmem>>, vector<16xi32>,
            %get3A_334 = arith.index_cast %mul3A_327 : i32 to index
            %get3A_335 = tpu.vector_load %arg17[%get3A_334] {strides = array<i32>} : memref<4096xf32, #tpu.memory_space<vmem>>, vector<16xf32>,
            %exp3A_336 = math.exp %get3A_335 : vector<16xf32>
            %mul3A_337 = arith.constant 2 : i32
            %mul3A_338 = arith.muli %mul3A_337, %mul3A_327 : i32
            %jit3A_339 = arith.constant 128 : i32
            %eq3A_340 = arith.constant 0 : i32
            %eq3A_341 = arith.cmpi eq, %jit3A_339, %eq3A_340 : i32
            %jit3A_342 = arith.constant 1 : i32
            %select_n3A_343 = arith.select %eq3A_341, %jit3A_342, %jit3A_339 : i32
            %rem3A_344 = arith.remsi %mul3A_327, %select_n3A_343 : i32
            %ne3A_345 = arith.constant 0 : i32
            %ne3A_346 = arith.cmpi ne, %rem3A_344, %ne3A_345 : i32
            %lt3A_347 = arith.constant 0 : i32
            %lt3A_348 = arith.cmpi slt, %rem3A_344, %lt3A_347 : i32
            %lt3A_349 = arith.constant 0 : i32
            %lt3A_350 = arith.cmpi slt, %select_n3A_343, %lt3A_349 : i32
            %ne3A_351 = arith.xori %lt3A_348, %lt3A_350 : i1
            %and3A_352 = arith.andi %ne3A_351, %ne3A_346 : i1
            %add3A_353 = arith.addi %rem3A_344, %select_n3A_343 : i32
            %select_n3A_354 = arith.select %and3A_352, %add3A_353, %rem3A_344 : i32
            %sub3A_355 = arith.subi %mul3A_338, %select_n3A_354 : i32
            %get3A_356 = arith.index_cast %sub3A_355 : i32 to index
            %get3A_357 = tpu.vector_load %arg18[%get3A_356] {strides = array<i32>} : memref<8192xf32, #tpu.memory_space<vmem>>, vector<16xf32>,
            %add3A_358 = arith.constant 128 : i32
            %add3A_359 = arith.addi %sub3A_355, %add3A_358 : i32
            %get3A_360 = arith.index_cast %add3A_359 : i32 to index
            %get3A_361 = tpu.vector_load %arg18[%get3A_360] {strides = array<i32>} : memref<8192xf32, #tpu.memory_space<vmem>>, vector<16xf32>,
            %broadcast_in_dim3A_362 = arith.constant true
            %broadcast_in_dim3A_363 = vector.broadcast %broadcast_in_dim3A_362 : i1 to vector<16xi1>
            %masked_cumsum3A_364 = tpu.scan <sum>, %exp3A_336 masked %broadcast_in_dim3A_363 : vector<16xf32>, vector<16xi1> -> vector<16xf32>
            %mul3A_365 = arith.mulf %exp3A_336, %get3A_357 : vector<16xf32>
            %broadcast_in_dim3A_366 = arith.constant true
            %broadcast_in_dim3A_367 = vector.broadcast %broadcast_in_dim3A_366 : i1 to vector<16xi1>
            %masked_cumsum3A_368 = tpu.scan <sum>, %mul3A_365 masked %broadcast_in_dim3A_367 : vector<16xf32>, vector<16xi1> -> vector<16xf32>
            %mul3A_369 = arith.mulf %exp3A_336, %get3A_361 : vector<16xf32>
            %broadcast_in_dim3A_370 = arith.constant true
            %broadcast_in_dim3A_371 = vector.broadcast %broadcast_in_dim3A_370 : i1 to vector<16xi1>
            %masked_cumsum3A_372 = tpu.scan <sum>, %mul3A_369 masked %broadcast_in_dim3A_371 : vector<16xf32>, vector<16xi1> -> vector<16xf32>
            %ne3A_373 = arith.cmpi ne, %get3A_329, %get3A_333 : vector<16xi32>
            %sub3A_374 = vector.broadcast %mul3A_24 : i32 to vector<16xi32>
            %sub3A_375 = arith.subi %get3A_329, %sub3A_374 : vector<16xi32>
            %sub3A_376 = vector.broadcast %mul3A_24 : i32 to vector<16xi32>
            %sub3A_377 = arith.subi %get3A_333, %sub3A_376 : vector<16xi32>
            %or3A_378 = arith.ori %ne3A_373, %eq3A_112 : vector<16xi1>
            %and3A_379 = arith.andi %ne3A_373, %not3A_113 : vector<16xi1>
            tpu.vector_store_idx %arg24[%sub3A_375], %masked_cumsum3A_364 masked %or3A_378 {add = true} : memref<3200xf32, #tpu.memory_space<vmem>>[vector<16xi32>], vector<16xf32>, vector<16xi1>
            tpu.vector_store_idx %arg25[%sub3A_375], %masked_cumsum3A_368 masked %or3A_378 {add = true} : memref<3200xf32, #tpu.memory_space<vmem>>[vector<16xi32>], vector<16xf32>, vector<16xi1>
            tpu.vector_store_idx %arg26[%sub3A_375], %masked_cumsum3A_372 masked %or3A_378 {add = true} : memref<3200xf32, #tpu.memory_space<vmem>>[vector<16xi32>], vector<16xf32>, vector<16xi1>
            %neg3A_380 = arith.constant 0.000000e+00 : f32
            %neg3A_381 = vector.broadcast %neg3A_380 : f32 to vector<16xf32>
            %neg3A_382 = arith.subf %neg3A_381, %masked_cumsum3A_364 : vector<16xf32>
            tpu.vector_store_idx %arg24[%sub3A_377], %neg3A_382 masked %and3A_379 {add = true} : memref<3200xf32, #tpu.memory_space<vmem>>[vector<16xi32>], vector<16xf32>, vector<16xi1>
            %neg3A_383 = arith.constant 0.000000e+00 : f32
            %neg3A_384 = vector.broadcast %neg3A_383 : f32 to vector<16xf32>
            %neg3A_385 = arith.subf %neg3A_384, %masked_cumsum3A_368 : vector<16xf32>
            tpu.vector_store_idx %arg25[%sub3A_377], %neg3A_385 masked %and3A_379 {add = true} : memref<3200xf32, #tpu.memory_space<vmem>>[vector<16xi32>], vector<16xf32>, vector<16xi1>
            %neg3A_386 = arith.constant 0.000000e+00 : f32
            %neg3A_387 = vector.broadcast %neg3A_386 : f32 to vector<16xf32>
            %neg3A_388 = arith.subf %neg3A_387, %masked_cumsum3A_372 : vector<16xf32>
            tpu.vector_store_idx %arg26[%sub3A_377], %neg3A_388 masked %and3A_379 {add = true} : memref<3200xf32, #tpu.memory_space<vmem>>[vector<16xi32>], vector<16xf32>, vector<16xi1>
            %scan3A_389 = arith.constant 0 : i32
            %scan3A_390 = arith.constant 2 : i32
            %scan3A_391 = arith.addi %scan3A_262, %scan3A_390 : i32
            %mul3A_392 = arith.constant 16 : i32
            %mul3A_393 = arith.muli %scan3A_391, %mul3A_392 : i32
            %get3A_394 = arith.index_cast %mul3A_393 : i32 to index
            %get3A_395 = tpu.vector_load %arg16[%get3A_394] {strides = array<i32>} : memref<4112xi32, #tpu.memory_space<vmem>>, vector<16xi32>,
            %add3A_396 = arith.constant 1 : i32
            %add3A_397 = arith.addi %mul3A_393, %add3A_396 : i32
            %get3A_398 = arith.index_cast %add3A_397 : i32 to index
            %get3A_399 = tpu.vector_load %arg16[%get3A_398] {strides = array<i32>} : memref<4112xi32, #tpu.memory_space<vmem>>, vector<16xi32>,
            %get3A_400 = arith.index_cast %mul3A_393 : i32 to index
            %get3A_401 = tpu.vector_load %arg17[%get3A_400] {strides = array<i32>} : memref<4096xf32, #tpu.memory_space<vmem>>, vector<16xf32>,
            %exp3A_402 = math.exp %get3A_401 : vector<16xf32>
            %mul3A_403 = arith.constant 2 : i32
            %mul3A_404 = arith.muli %mul3A_403, %mul3A_393 : i32
            %jit3A_405 = arith.constant 128 : i32
            %eq3A_406 = arith.constant 0 : i32
            %eq3A_407 = arith.cmpi eq, %jit3A_405, %eq3A_406 : i32
            %jit3A_408 = arith.constant 1 : i32
            %select_n3A_409 = arith.select %eq3A_407, %jit3A_408, %jit3A_405 : i32
            %rem3A_410 = arith.remsi %mul3A_393, %select_n3A_409 : i32
            %ne3A_411 = arith.constant 0 : i32
            %ne3A_412 = arith.cmpi ne, %rem3A_410, %ne3A_411 : i32
            %lt3A_413 = arith.constant 0 : i32
            %lt3A_414 = arith.cmpi slt, %rem3A_410, %lt3A_413 : i32
            %lt3A_415 = arith.constant 0 : i32
            %lt3A_416 = arith.cmpi slt, %select_n3A_409, %lt3A_415 : i32
            %ne3A_417 = arith.xori %lt3A_414, %lt3A_416 : i1
            %and3A_418 = arith.andi %ne3A_417, %ne3A_412 : i1
            %add3A_419 = arith.addi %rem3A_410, %select_n3A_409 : i32
            %select_n3A_420 = arith.select %and3A_418, %add3A_419, %rem3A_410 : i32
            %sub3A_421 = arith.subi %mul3A_404, %select_n3A_420 : i32
            %get3A_422 = arith.index_cast %sub3A_421 : i32 to index
            %get3A_423 = tpu.vector_load %arg18[%get3A_422] {strides = array<i32>} : memref<8192xf32, #tpu.memory_space<vmem>>, vector<16xf32>,
            %add3A_424 = arith.constant 128 : i32
            %add3A_425 = arith.addi %sub3A_421, %add3A_424 : i32
            %get3A_426 = arith.index_cast %add3A_425 : i32 to index
            %get3A_427 = tpu.vector_load %arg18[%get3A_426] {strides = array<i32>} : memref<8192xf32, #tpu.memory_space<vmem>>, vector<16xf32>,
            %broadcast_in_dim3A_428 = arith.constant true
            %broadcast_in_dim3A_429 = vector.broadcast %broadcast_in_dim3A_428 : i1 to vector<16xi1>
            %masked_cumsum3A_430 = tpu.scan <sum>, %exp3A_402 masked %broadcast_in_dim3A_429 : vector<16xf32>, vector<16xi1> -> vector<16xf32>
            %mul3A_431 = arith.mulf %exp3A_402, %get3A_423 : vector<16xf32>
            %broadcast_in_dim3A_432 = arith.constant true
            %broadcast_in_dim3A_433 = vector.broadcast %broadcast_in_dim3A_432 : i1 to vector<16xi1>
            %masked_cumsum3A_434 = tpu.scan <sum>, %mul3A_431 masked %broadcast_in_dim3A_433 : vector<16xf32>, vector<16xi1> -> vector<16xf32>
            %mul3A_435 = arith.mulf %exp3A_402, %get3A_427 : vector<16xf32>
            %broadcast_in_dim3A_436 = arith.constant true
            %broadcast_in_dim3A_437 = vector.broadcast %broadcast_in_dim3A_436 : i1 to vector<16xi1>
            %masked_cumsum3A_438 = tpu.scan <sum>, %mul3A_435 masked %broadcast_in_dim3A_437 : vector<16xf32>, vector<16xi1> -> vector<16xf32>
            %ne3A_439 = arith.cmpi ne, %get3A_395, %get3A_399 : vector<16xi32>
            %sub3A_440 = vector.broadcast %mul3A_24 : i32 to vector<16xi32>
            %sub3A_441 = arith.subi %get3A_395, %sub3A_440 : vector<16xi32>
            %sub3A_442 = vector.broadcast %mul3A_24 : i32 to vector<16xi32>
            %sub3A_443 = arith.subi %get3A_399, %sub3A_442 : vector<16xi32>
            %or3A_444 = arith.ori %ne3A_439, %eq3A_112 : vector<16xi1>
            %and3A_445 = arith.andi %ne3A_439, %not3A_113 : vector<16xi1>
            tpu.vector_store_idx %arg24[%sub3A_441], %masked_cumsum3A_430 masked %or3A_444 {add = true} : memref<3200xf32, #tpu.memory_space<vmem>>[vector<16xi32>], vector<16xf32>, vector<16xi1>
            tpu.vector_store_idx %arg25[%sub3A_441], %masked_cumsum3A_434 masked %or3A_444 {add = true} : memref<3200xf32, #tpu.memory_space<vmem>>[vector<16xi32>], vector<16xf32>, vector<16xi1>
            tpu.vector_store_idx %arg26[%sub3A_441], %masked_cumsum3A_438 masked %or3A_444 {add = true} : memref<3200xf32, #tpu.memory_space<vmem>>[vector<16xi32>], vector<16xf32>, vector<16xi1>
            %neg3A_446 = arith.constant 0.000000e+00 : f32
            %neg3A_447 = vector.broadcast %neg3A_446 : f32 to vector<16xf32>
            %neg3A_448 = arith.subf %neg3A_447, %masked_cumsum3A_430 : vector<16xf32>
            tpu.vector_store_idx %arg24[%sub3A_443], %neg3A_448 masked %and3A_445 {add = true} : memref<3200xf32, #tpu.memory_space<vmem>>[vector<16xi32>], vector<16xf32>, vector<16xi1>
            %neg3A_449 = arith.constant 0.000000e+00 : f32
            %neg3A_450 = vector.broadcast %neg3A_449 : f32 to vector<16xf32>
            %neg3A_451 = arith.subf %neg3A_450, %masked_cumsum3A_434 : vector<16xf32>
            tpu.vector_store_idx %arg25[%sub3A_443], %neg3A_451 masked %and3A_445 {add = true} : memref<3200xf32, #tpu.memory_space<vmem>>[vector<16xi32>], vector<16xf32>, vector<16xi1>
            %neg3A_452 = arith.constant 0.000000e+00 : f32
            %neg3A_453 = vector.broadcast %neg3A_452 : f32 to vector<16xf32>
            %neg3A_454 = arith.subf %neg3A_453, %masked_cumsum3A_438 : vector<16xf32>
            tpu.vector_store_idx %arg26[%sub3A_443], %neg3A_454 masked %and3A_445 {add = true} : memref<3200xf32, #tpu.memory_space<vmem>>[vector<16xi32>], vector<16xf32>, vector<16xi1>
            %scan3A_455 = arith.constant 0 : i32
            %scan3A_456 = arith.constant 3 : i32
            %scan3A_457 = arith.addi %scan3A_262, %scan3A_456 : i32
            %mul3A_458 = arith.constant 16 : i32
            %mul3A_459 = arith.muli %scan3A_457, %mul3A_458 : i32
            %get3A_460 = arith.index_cast %mul3A_459 : i32 to index
            %get3A_461 = tpu.vector_load %arg16[%get3A_460] {strides = array<i32>} : memref<4112xi32, #tpu.memory_space<vmem>>, vector<16xi32>,
            %add3A_462 = arith.constant 1 : i32
            %add3A_463 = arith.addi %mul3A_459, %add3A_462 : i32
            %get3A_464 = arith.index_cast %add3A_463 : i32 to index
            %get3A_465 = tpu.vector_load %arg16[%get3A_464] {strides = array<i32>} : memref<4112xi32, #tpu.memory_space<vmem>>, vector<16xi32>,
            %get3A_466 = arith.index_cast %mul3A_459 : i32 to index
            %get3A_467 = tpu.vector_load %arg17[%get3A_466] {strides = array<i32>} : memref<4096xf32, #tpu.memory_space<vmem>>, vector<16xf32>,
            %exp3A_468 = math.exp %get3A_467 : vector<16xf32>
            %mul3A_469 = arith.constant 2 : i32
            %mul3A_470 = arith.muli %mul3A_469, %mul3A_459 : i32
            %jit3A_471 = arith.constant 128 : i32
            %eq3A_472 = arith.constant 0 : i32
            %eq3A_473 = arith.cmpi eq, %jit3A_471, %eq3A_472 : i32
            %jit3A_474 = arith.constant 1 : i32
            %select_n3A_475 = arith.select %eq3A_473, %jit3A_474, %jit3A_471 : i32
            %rem3A_476 = arith.remsi %mul3A_459, %select_n3A_475 : i32
            %ne3A_477 = arith.constant 0 : i32
            %ne3A_478 = arith.cmpi ne, %rem3A_476, %ne3A_477 : i32
            %lt3A_479 = arith.constant 0 : i32
            %lt3A_480 = arith.cmpi slt, %rem3A_476, %lt3A_479 : i32
            %lt3A_481 = arith.constant 0 : i32
            %lt3A_482 = arith.cmpi slt, %select_n3A_475, %lt3A_481 : i32
            %ne3A_483 = arith.xori %lt3A_480, %lt3A_482 : i1
            %and3A_484 = arith.andi %ne3A_483, %ne3A_478 : i1
            %add3A_485 = arith.addi %rem3A_476, %select_n3A_475 : i32
            %select_n3A_486 = arith.select %and3A_484, %add3A_485, %rem3A_476 : i32
            %sub3A_487 = arith.subi %mul3A_470, %select_n3A_486 : i32
            %get3A_488 = arith.index_cast %sub3A_487 : i32 to index
            %get3A_489 = tpu.vector_load %arg18[%get3A_488] {strides = array<i32>} : memref<8192xf32, #tpu.memory_space<vmem>>, vector<16xf32>,
            %add3A_490 = arith.constant 128 : i32
            %add3A_491 = arith.addi %sub3A_487, %add3A_490 : i32
            %get3A_492 = arith.index_cast %add3A_491 : i32 to index
            %get3A_493 = tpu.vector_load %arg18[%get3A_492] {strides = array<i32>} : memref<8192xf32, #tpu.memory_space<vmem>>, vector<16xf32>,
            %broadcast_in_dim3A_494 = arith.constant true
            %broadcast_in_dim3A_495 = vector.broadcast %broadcast_in_dim3A_494 : i1 to vector<16xi1>
            %masked_cumsum3A_496 = tpu.scan <sum>, %exp3A_468 masked %broadcast_in_dim3A_495 : vector<16xf32>, vector<16xi1> -> vector<16xf32>
            %mul3A_497 = arith.mulf %exp3A_468, %get3A_489 : vector<16xf32>
            %broadcast_in_dim3A_498 = arith.constant true
            %broadcast_in_dim3A_499 = vector.broadcast %broadcast_in_dim3A_498 : i1 to vector<16xi1>
            %masked_cumsum3A_500 = tpu.scan <sum>, %mul3A_497 masked %broadcast_in_dim3A_499 : vector<16xf32>, vector<16xi1> -> vector<16xf32>
            %mul3A_501 = arith.mulf %exp3A_468, %get3A_493 : vector<16xf32>
            %broadcast_in_dim3A_502 = arith.constant true
            %broadcast_in_dim3A_503 = vector.broadcast %broadcast_in_dim3A_502 : i1 to vector<16xi1>
            %masked_cumsum3A_504 = tpu.scan <sum>, %mul3A_501 masked %broadcast_in_dim3A_503 : vector<16xf32>, vector<16xi1> -> vector<16xf32>
            %ne3A_505 = arith.cmpi ne, %get3A_461, %get3A_465 : vector<16xi32>
            %sub3A_506 = vector.broadcast %mul3A_24 : i32 to vector<16xi32>
            %sub3A_507 = arith.subi %get3A_461, %sub3A_506 : vector<16xi32>
            %sub3A_508 = vector.broadcast %mul3A_24 : i32 to vector<16xi32>
            %sub3A_509 = arith.subi %get3A_465, %sub3A_508 : vector<16xi32>
            %or3A_510 = arith.ori %ne3A_505, %eq3A_112 : vector<16xi1>
            %and3A_511 = arith.andi %ne3A_505, %not3A_113 : vector<16xi1>
            tpu.vector_store_idx %arg24[%sub3A_507], %masked_cumsum3A_496 masked %or3A_510 {add = true} : memref<3200xf32, #tpu.memory_space<vmem>>[vector<16xi32>], vector<16xf32>, vector<16xi1>
            tpu.vector_store_idx %arg25[%sub3A_507], %masked_cumsum3A_500 masked %or3A_510 {add = true} : memref<3200xf32, #tpu.memory_space<vmem>>[vector<16xi32>], vector<16xf32>, vector<16xi1>
            tpu.vector_store_idx %arg26[%sub3A_507], %masked_cumsum3A_504 masked %or3A_510 {add = true} : memref<3200xf32, #tpu.memory_space<vmem>>[vector<16xi32>], vector<16xf32>, vector<16xi1>
            %neg3A_512 = arith.constant 0.000000e+00 : f32
            %neg3A_513 = vector.broadcast %neg3A_512 : f32 to vector<16xf32>
            %neg3A_514 = arith.subf %neg3A_513, %masked_cumsum3A_496 : vector<16xf32>
            tpu.vector_store_idx %arg24[%sub3A_509], %neg3A_514 masked %and3A_511 {add = true} : memref<3200xf32, #tpu.memory_space<vmem>>[vector<16xi32>], vector<16xf32>, vector<16xi1>
            %neg3A_515 = arith.constant 0.000000e+00 : f32
            %neg3A_516 = vector.broadcast %neg3A_515 : f32 to vector<16xf32>
            %neg3A_517 = arith.subf %neg3A_516, %masked_cumsum3A_500 : vector<16xf32>
            tpu.vector_store_idx %arg25[%sub3A_509], %neg3A_517 masked %and3A_511 {add = true} : memref<3200xf32, #tpu.memory_space<vmem>>[vector<16xi32>], vector<16xf32>, vector<16xi1>
            %neg3A_518 = arith.constant 0.000000e+00 : f32
            %neg3A_519 = vector.broadcast %neg3A_518 : f32 to vector<16xf32>
            %neg3A_520 = arith.subf %neg3A_519, %masked_cumsum3A_504 : vector<16xf32>
            tpu.vector_store_idx %arg26[%sub3A_509], %neg3A_520 masked %and3A_511 {add = true} : memref<3200xf32, #tpu.memory_space<vmem>>[vector<16xi32>], vector<16xf32>, vector<16xi1>
            %scan3A_521 = arith.constant 0 : i32
            scf.yield %scan3A_521 : i32
          }
          %scan3A_261 = arith.constant 256 : i32
        } else {
        }
        %not3A_250 = arith.constant true
        %not3A_251 = arith.xori %and3A_246, %not3A_250 : i1
        %convert_element_type3A_252 = arith.extui %not3A_251 : i1 to i32
        %cond3A_253 = arith.constant 0 : i32
        %cond3A_254 = arith.cmpi ne, %convert_element_type3A_252, %cond3A_253 : i32
        scf.if %cond3A_254 {
          %scan3A_255 = arith.constant 0 : i32
          %scan3A_256 = arith.constant 0 : i32
          %scan3A_257 = arith.constant 256 : i32
          %scan3A_258 = arith.addi %scan3A_256, %scan3A_257 : i32
          %scan3A_259 = arith.constant 2 : i32
          %scan3A_260 = scf.for %scan3A_262 = %scan3A_256 to %scan3A_258 step %scan3A_259 iter_args(%scan3A_263 = %scan3A_255) -> (i32)  : i32 {
            %mul3A_264 = arith.constant 16 : i32
            %mul3A_265 = arith.muli %scan3A_262, %mul3A_264 : i32
            %get3A_266 = arith.index_cast %mul3A_265 : i32 to index
            %get3A_267 = tpu.vector_load %arg16[%get3A_266] {strides = array<i32>} : memref<4112xi32, #tpu.memory_space<vmem>>, vector<16xi32>,
            %add3A_268 = arith.constant 1 : i32
            %add3A_269 = arith.addi %mul3A_265, %add3A_268 : i32
            %get3A_270 = arith.index_cast %add3A_269 : i32 to index
            %get3A_271 = tpu.vector_load %arg16[%get3A_270] {strides = array<i32>} : memref<4112xi32, #tpu.memory_space<vmem>>, vector<16xi32>,
            %add3A_272 = arith.addi %multiple_of3A, %mul3A_265 : i32
            %add3A_273 = vector.broadcast %add3A_272 : i32 to vector<16xi32>
            %add3A_274 = arith.addi %add3A_273, %iota3A : vector<16xi32>
            %ge3A_275 = vector.broadcast %add3A_234 : i32 to vector<16xi32>
            %ge3A_276 = arith.cmpi sge, %add3A_274, %ge3A_275 : vector<16xi32>
            %lt3A_277 = vector.broadcast %min3A_88 : i32 to vector<16xi32>
            %lt3A_278 = arith.cmpi slt, %add3A_274, %lt3A_277 : vector<16xi32>
            %and3A_279 = arith.andi %ge3A_276, %lt3A_278 : vector<16xi1>
            %get3A_280 = arith.index_cast %mul3A_265 : i32 to index
            %get3A_281 = tpu.vector_load %arg17[%get3A_280] {strides = array<i32>} : memref<4096xf32, #tpu.memory_space<vmem>>, vector<16xf32>,
            %exp3A = math.exp %get3A_281 : vector<16xf32>
            %jit3A_282 = arith.constant 0.000000e+00 : f32
            %broadcast_in_dim3A_283 = vector.broadcast %jit3A_282 : f32 to vector<16xf32>
            %select_n3A_284 = arith.select %and3A_279, %exp3A, %broadcast_in_dim3A_283 : vector<16xi1>, vector<16xf32>
            %mul3A_285 = arith.constant 2 : i32
            %mul3A_286 = arith.muli %mul3A_285, %mul3A_265 : i32
            %jit3A_287 = arith.constant 128 : i32
            %eq3A_288 = arith.constant 0 : i32
            %eq3A_289 = arith.cmpi eq, %jit3A_287, %eq3A_288 : i32
            %jit3A_290 = arith.constant 1 : i32
            %select_n3A_291 = arith.select %eq3A_289, %jit3A_290, %jit3A_287 : i32
            %rem3A_292 = arith.remsi %mul3A_265, %select_n3A_291 : i32
            %ne3A_293 = arith.constant 0 : i32
            %ne3A_294 = arith.cmpi ne, %rem3A_292, %ne3A_293 : i32
            %lt3A_295 = arith.constant 0 : i32
            %lt3A_296 = arith.cmpi slt, %rem3A_292, %lt3A_295 : i32
            %lt3A_297 = arith.constant 0 : i32
            %lt3A_298 = arith.cmpi slt, %select_n3A_291, %lt3A_297 : i32
            %ne3A_299 = arith.xori %lt3A_296, %lt3A_298 : i1
            %and3A_300 = arith.andi %ne3A_299, %ne3A_294 : i1
            %add3A_301 = arith.addi %rem3A_292, %select_n3A_291 : i32
            %select_n3A_302 = arith.select %and3A_300, %add3A_301, %rem3A_292 : i32
            %sub3A_303 = arith.subi %mul3A_286, %select_n3A_302 : i32
            %get3A_304 = arith.index_cast %sub3A_303 : i32 to index
            %get3A_305 = tpu.vector_load %arg18[%get3A_304] {strides = array<i32>} : memref<8192xf32, #tpu.memory_space<vmem>>, vector<16xf32>,
            %add3A_306 = arith.constant 128 : i32
            %add3A_307 = arith.addi %sub3A_303, %add3A_306 : i32
            %get3A_308 = arith.index_cast %add3A_307 : i32 to index
            %get3A_309 = tpu.vector_load %arg18[%get3A_308] {strides = array<i32>} : memref<8192xf32, #tpu.memory_space<vmem>>, vector<16xf32>,
            %broadcast_in_dim3A_310 = arith.constant true
            %broadcast_in_dim3A_311 = vector.broadcast %broadcast_in_dim3A_310 : i1 to vector<16xi1>
            %masked_cumsum3A = tpu.scan <sum>, %select_n3A_284 masked %broadcast_in_dim3A_311 : vector<16xf32>, vector<16xi1> -> vector<16xf32>
            %mul3A_312 = arith.mulf %select_n3A_284, %get3A_305 : vector<16xf32>
            %broadcast_in_dim3A_313 = arith.constant true
            %broadcast_in_dim3A_314 = vector.broadcast %broadcast_in_dim3A_313 : i1 to vector<16xi1>
            %masked_cumsum3A_315 = tpu.scan <sum>, %mul3A_312 masked %broadcast_in_dim3A_314 : vector<16xf32>, vector<16xi1> -> vector<16xf32>
            %mul3A_316 = arith.mulf %select_n3A_284, %get3A_309 : vector<16xf32>
            %broadcast_in_dim3A_317 = arith.constant true
            %broadcast_in_dim3A_318 = vector.broadcast %broadcast_in_dim3A_317 : i1 to vector<16xi1>
            %masked_cumsum3A_319 = tpu.scan <sum>, %mul3A_316 masked %broadcast_in_dim3A_318 : vector<16xf32>, vector<16xi1> -> vector<16xf32>
            %ne3A_320 = arith.cmpi ne, %get3A_267, %get3A_271 : vector<16xi32>
            %ge3A_321 = vector.broadcast %mul3A_24 : i32 to vector<16xi32>
            %ge3A_322 = arith.cmpi sge, %get3A_267, %ge3A_321 : vector<16xi32>
            %lt3A_323 = vector.broadcast %add3A_26 : i32 to vector<16xi32>
            %lt3A_324 = arith.cmpi slt, %get3A_267, %lt3A_323 : vector<16xi32>
            %and3A_325 = arith.andi %ge3A_322, %lt3A_324 : vector<16xi1>
            %ge3A_326 = vector.broadcast %mul3A_24 : i32 to vector<16xi32>
            %ge3A_327 = arith.cmpi sge, %get3A_271, %ge3A_326 : vector<16xi32>
            %lt3A_328 = vector.broadcast %add3A_26 : i32 to vector<16xi32>
            %lt3A_329 = arith.cmpi slt, %get3A_271, %lt3A_328 : vector<16xi32>
            %and3A_330 = arith.andi %ge3A_327, %lt3A_329 : vector<16xi1>
            %sub3A_331 = vector.broadcast %mul3A_24 : i32 to vector<16xi32>
            %sub3A_332 = arith.subi %get3A_267, %sub3A_331 : vector<16xi32>
            %sub3A_333 = vector.broadcast %mul3A_24 : i32 to vector<16xi32>
            %sub3A_334 = arith.subi %get3A_271, %sub3A_333 : vector<16xi32>
            %or3A = arith.ori %ne3A_320, %eq3A_112 : vector<16xi1>
            %and3A_335 = arith.andi %or3A, %and3A_325 : vector<16xi1>
            %and3A_336 = arith.andi %ne3A_320, %not3A_113 : vector<16xi1>
            %and3A_337 = arith.andi %and3A_336, %and3A_330 : vector<16xi1>
            tpu.vector_store_idx %arg24[%sub3A_332], %masked_cumsum3A masked %and3A_335 {add = true} : memref<3200xf32, #tpu.memory_space<vmem>>[vector<16xi32>], vector<16xf32>, vector<16xi1>
            tpu.vector_store_idx %arg25[%sub3A_332], %masked_cumsum3A_315 masked %and3A_335 {add = true} : memref<3200xf32, #tpu.memory_space<vmem>>[vector<16xi32>], vector<16xf32>, vector<16xi1>
            tpu.vector_store_idx %arg26[%sub3A_332], %masked_cumsum3A_319 masked %and3A_335 {add = true} : memref<3200xf32, #tpu.memory_space<vmem>>[vector<16xi32>], vector<16xf32>, vector<16xi1>
            %neg3A = arith.constant 0.000000e+00 : f32
            %neg3A_338 = vector.broadcast %neg3A : f32 to vector<16xf32>
            %neg3A_339 = arith.subf %neg3A_338, %masked_cumsum3A : vector<16xf32>
            tpu.vector_store_idx %arg24[%sub3A_334], %neg3A_339 masked %and3A_337 {add = true} : memref<3200xf32, #tpu.memory_space<vmem>>[vector<16xi32>], vector<16xf32>, vector<16xi1>
            %neg3A_340 = arith.constant 0.000000e+00 : f32
            %neg3A_341 = vector.broadcast %neg3A_340 : f32 to vector<16xf32>
            %neg3A_342 = arith.subf %neg3A_341, %masked_cumsum3A_315 : vector<16xf32>
            tpu.vector_store_idx %arg25[%sub3A_334], %neg3A_342 masked %and3A_337 {add = true} : memref<3200xf32, #tpu.memory_space<vmem>>[vector<16xi32>], vector<16xf32>, vector<16xi1>
            %neg3A_343 = arith.constant 0.000000e+00 : f32
            %neg3A_344 = vector.broadcast %neg3A_343 : f32 to vector<16xf32>
            %neg3A_345 = arith.subf %neg3A_344, %masked_cumsum3A_319 : vector<16xf32>
            tpu.vector_store_idx %arg26[%sub3A_334], %neg3A_345 masked %and3A_337 {add = true} : memref<3200xf32, #tpu.memory_space<vmem>>[vector<16xi32>], vector<16xf32>, vector<16xi1>
            %scan3A_346 = arith.constant 0 : i32
            %scan3A_347 = arith.constant 1 : i32
            %scan3A_348 = arith.addi %scan3A_262, %scan3A_347 : i32
            %mul3A_349 = arith.constant 16 : i32
            %mul3A_350 = arith.muli %scan3A_348, %mul3A_349 : i32
            %get3A_351 = arith.index_cast %mul3A_350 : i32 to index
            %get3A_352 = tpu.vector_load %arg16[%get3A_351] {strides = array<i32>} : memref<4112xi32, #tpu.memory_space<vmem>>, vector<16xi32>,
            %add3A_353 = arith.constant 1 : i32
            %add3A_354 = arith.addi %mul3A_350, %add3A_353 : i32
            %get3A_355 = arith.index_cast %add3A_354 : i32 to index
            %get3A_356 = tpu.vector_load %arg16[%get3A_355] {strides = array<i32>} : memref<4112xi32, #tpu.memory_space<vmem>>, vector<16xi32>,
            %add3A_357 = arith.addi %multiple_of3A, %mul3A_350 : i32
            %add3A_358 = vector.broadcast %add3A_357 : i32 to vector<16xi32>
            %add3A_359 = arith.addi %add3A_358, %iota3A : vector<16xi32>
            %ge3A_360 = vector.broadcast %add3A_234 : i32 to vector<16xi32>
            %ge3A_361 = arith.cmpi sge, %add3A_359, %ge3A_360 : vector<16xi32>
            %lt3A_362 = vector.broadcast %min3A_88 : i32 to vector<16xi32>
            %lt3A_363 = arith.cmpi slt, %add3A_359, %lt3A_362 : vector<16xi32>
            %and3A_364 = arith.andi %ge3A_361, %lt3A_363 : vector<16xi1>
            %get3A_365 = arith.index_cast %mul3A_350 : i32 to index
            %get3A_366 = tpu.vector_load %arg17[%get3A_365] {strides = array<i32>} : memref<4096xf32, #tpu.memory_space<vmem>>, vector<16xf32>,
            %exp3A_367 = math.exp %get3A_366 : vector<16xf32>
            %jit3A_368 = arith.constant 0.000000e+00 : f32
            %broadcast_in_dim3A_369 = vector.broadcast %jit3A_368 : f32 to vector<16xf32>
            %select_n3A_370 = arith.select %and3A_364, %exp3A_367, %broadcast_in_dim3A_369 : vector<16xi1>, vector<16xf32>
            %mul3A_371 = arith.constant 2 : i32
            %mul3A_372 = arith.muli %mul3A_371, %mul3A_350 : i32
            %jit3A_373 = arith.constant 128 : i32
            %eq3A_374 = arith.constant 0 : i32
            %eq3A_375 = arith.cmpi eq, %jit3A_373, %eq3A_374 : i32
            %jit3A_376 = arith.constant 1 : i32
            %select_n3A_377 = arith.select %eq3A_375, %jit3A_376, %jit3A_373 : i32
            %rem3A_378 = arith.remsi %mul3A_350, %select_n3A_377 : i32
            %ne3A_379 = arith.constant 0 : i32
            %ne3A_380 = arith.cmpi ne, %rem3A_378, %ne3A_379 : i32
            %lt3A_381 = arith.constant 0 : i32
            %lt3A_382 = arith.cmpi slt, %rem3A_378, %lt3A_381 : i32
            %lt3A_383 = arith.constant 0 : i32
            %lt3A_384 = arith.cmpi slt, %select_n3A_377, %lt3A_383 : i32
            %ne3A_385 = arith.xori %lt3A_382, %lt3A_384 : i1
            %and3A_386 = arith.andi %ne3A_385, %ne3A_380 : i1
            %add3A_387 = arith.addi %rem3A_378, %select_n3A_377 : i32
            %select_n3A_388 = arith.select %and3A_386, %add3A_387, %rem3A_378 : i32
            %sub3A_389 = arith.subi %mul3A_372, %select_n3A_388 : i32
            %get3A_390 = arith.index_cast %sub3A_389 : i32 to index
            %get3A_391 = tpu.vector_load %arg18[%get3A_390] {strides = array<i32>} : memref<8192xf32, #tpu.memory_space<vmem>>, vector<16xf32>,
            %add3A_392 = arith.constant 128 : i32
            %add3A_393 = arith.addi %sub3A_389, %add3A_392 : i32
            %get3A_394 = arith.index_cast %add3A_393 : i32 to index
            %get3A_395 = tpu.vector_load %arg18[%get3A_394] {strides = array<i32>} : memref<8192xf32, #tpu.memory_space<vmem>>, vector<16xf32>,
            %broadcast_in_dim3A_396 = arith.constant true
            %broadcast_in_dim3A_397 = vector.broadcast %broadcast_in_dim3A_396 : i1 to vector<16xi1>
            %masked_cumsum3A_398 = tpu.scan <sum>, %select_n3A_370 masked %broadcast_in_dim3A_397 : vector<16xf32>, vector<16xi1> -> vector<16xf32>
            %mul3A_399 = arith.mulf %select_n3A_370, %get3A_391 : vector<16xf32>
            %broadcast_in_dim3A_400 = arith.constant true
            %broadcast_in_dim3A_401 = vector.broadcast %broadcast_in_dim3A_400 : i1 to vector<16xi1>
            %masked_cumsum3A_402 = tpu.scan <sum>, %mul3A_399 masked %broadcast_in_dim3A_401 : vector<16xf32>, vector<16xi1> -> vector<16xf32>
            %mul3A_403 = arith.mulf %select_n3A_370, %get3A_395 : vector<16xf32>
            %broadcast_in_dim3A_404 = arith.constant true
            %broadcast_in_dim3A_405 = vector.broadcast %broadcast_in_dim3A_404 : i1 to vector<16xi1>
            %masked_cumsum3A_406 = tpu.scan <sum>, %mul3A_403 masked %broadcast_in_dim3A_405 : vector<16xf32>, vector<16xi1> -> vector<16xf32>
            %ne3A_407 = arith.cmpi ne, %get3A_352, %get3A_356 : vector<16xi32>
            %ge3A_408 = vector.broadcast %mul3A_24 : i32 to vector<16xi32>
            %ge3A_409 = arith.cmpi sge, %get3A_352, %ge3A_408 : vector<16xi32>
            %lt3A_410 = vector.broadcast %add3A_26 : i32 to vector<16xi32>
            %lt3A_411 = arith.cmpi slt, %get3A_352, %lt3A_410 : vector<16xi32>
            %and3A_412 = arith.andi %ge3A_409, %lt3A_411 : vector<16xi1>
            %ge3A_413 = vector.broadcast %mul3A_24 : i32 to vector<16xi32>
            %ge3A_414 = arith.cmpi sge, %get3A_356, %ge3A_413 : vector<16xi32>
            %lt3A_415 = vector.broadcast %add3A_26 : i32 to vector<16xi32>
            %lt3A_416 = arith.cmpi slt, %get3A_356, %lt3A_415 : vector<16xi32>
            %and3A_417 = arith.andi %ge3A_414, %lt3A_416 : vector<16xi1>
            %sub3A_418 = vector.broadcast %mul3A_24 : i32 to vector<16xi32>
            %sub3A_419 = arith.subi %get3A_352, %sub3A_418 : vector<16xi32>
            %sub3A_420 = vector.broadcast %mul3A_24 : i32 to vector<16xi32>
            %sub3A_421 = arith.subi %get3A_356, %sub3A_420 : vector<16xi32>
            %or3A_422 = arith.ori %ne3A_407, %eq3A_112 : vector<16xi1>
            %and3A_423 = arith.andi %or3A_422, %and3A_412 : vector<16xi1>
            %and3A_424 = arith.andi %ne3A_407, %not3A_113 : vector<16xi1>
            %and3A_425 = arith.andi %and3A_424, %and3A_417 : vector<16xi1>
            tpu.vector_store_idx %arg24[%sub3A_419], %masked_cumsum3A_398 masked %and3A_423 {add = true} : memref<3200xf32, #tpu.memory_space<vmem>>[vector<16xi32>], vector<16xf32>, vector<16xi1>
            tpu.vector_store_idx %arg25[%sub3A_419], %masked_cumsum3A_402 masked %and3A_423 {add = true} : memref<3200xf32, #tpu.memory_space<vmem>>[vector<16xi32>], vector<16xf32>, vector<16xi1>
            tpu.vector_store_idx %arg26[%sub3A_419], %masked_cumsum3A_406 masked %and3A_423 {add = true} : memref<3200xf32, #tpu.memory_space<vmem>>[vector<16xi32>], vector<16xf32>, vector<16xi1>
            %neg3A_426 = arith.constant 0.000000e+00 : f32
            %neg3A_427 = vector.broadcast %neg3A_426 : f32 to vector<16xf32>
            %neg3A_428 = arith.subf %neg3A_427, %masked_cumsum3A_398 : vector<16xf32>
            tpu.vector_store_idx %arg24[%sub3A_421], %neg3A_428 masked %and3A_425 {add = true} : memref<3200xf32, #tpu.memory_space<vmem>>[vector<16xi32>], vector<16xf32>, vector<16xi1>
            %neg3A_429 = arith.constant 0.000000e+00 : f32
            %neg3A_430 = vector.broadcast %neg3A_429 : f32 to vector<16xf32>
            %neg3A_431 = arith.subf %neg3A_430, %masked_cumsum3A_402 : vector<16xf32>
            tpu.vector_store_idx %arg25[%sub3A_421], %neg3A_431 masked %and3A_425 {add = true} : memref<3200xf32, #tpu.memory_space<vmem>>[vector<16xi32>], vector<16xf32>, vector<16xi1>
            %neg3A_432 = arith.constant 0.000000e+00 : f32
            %neg3A_433 = vector.broadcast %neg3A_432 : f32 to vector<16xf32>
            %neg3A_434 = arith.subf %neg3A_433, %masked_cumsum3A_406 : vector<16xf32>
            tpu.vector_store_idx %arg26[%sub3A_421], %neg3A_434 masked %and3A_425 {add = true} : memref<3200xf32, #tpu.memory_space<vmem>>[vector<16xi32>], vector<16xf32>, vector<16xi1>
            %scan3A_435 = arith.constant 0 : i32
            scf.yield %scan3A_435 : i32
          }
          %scan3A_261 = arith.constant 256 : i32
        } else {
        }
      } else {
      }
      %mul3A_200 = arith.constant 4 : i32
      %mul3A_201 = arith.muli %mul3A_200, %while3A_174 : i32
      %add3A_202 = arith.constant 3 : i32
      %add3A_203 = arith.addi %mul3A_201, %add3A_202 : i32
      %lt3A_204 = arith.cmpi slt, %add3A_203, %select_n3A_110 : i32
      %convert_element_type3A_205 = arith.extui %lt3A_204 : i1 to i32
      %cond3A_206 = arith.constant 0 : i32
      %cond3A_207 = arith.cmpi ne, %convert_element_type3A_205, %cond3A_206 : i32
      scf.if %cond3A_207 {
        %dma_wait3A = arith.constant 0 : i32
        %dma_wait3A_209 = tpu.memref_slice %arg20[%dma_wait3A] : memref<4112xi32, #tpu.memory_space<vmem>> -> memref<4096xi32, #tpu.memory_space<vmem>>
        %dma_wait3A_210 = arith.constant 0 : i32
        %dma_wait3A_211 = tpu.memref_slice %arg3[%dma_wait3A_210] : memref<6400000xi32, #tpu.memory_space<hbm>> -> memref<4096xi32, #tpu.memory_space<hbm>>
        %dma_wait3A_212 = arith.constant 0 : i32
        %dma_wait3A_213 = tpu.memref_slice %arg20[%dma_wait3A_212] : memref<4112xi32, #tpu.memory_space<vmem>> -> memref<4096xi32, #tpu.memory_space<vmem>>
        %dma_wait3A_214 = arith.constant 0 : i32
        %dma_wait3A_215 = tpu.memref_slice %arg3[%dma_wait3A_214] : memref<6400000xi32, #tpu.memory_space<hbm>> -> memref<4096xi32, #tpu.memory_space<hbm>>
        tpu.wait_dma2 semaphore(%arg23 : memref<!tpu.dma_semaphore, #tpu.memory_space<semaphore_mem>>) src(%dma_wait3A_215 : memref<4096xi32, #tpu.memory_space<hbm>>) dst(%dma_wait3A_213 : memref<4096xi32, #tpu.memory_space<vmem>>)
        %dma_wait3A_216 = arith.constant 0 : i32
        %dma_wait3A_217 = tpu.memref_slice %arg4[%dma_wait3A_216] : memref<6400000xf32, #tpu.memory_space<hbm>> -> memref<4096xf32, #tpu.memory_space<hbm>>
        %dma_wait3A_218 = arith.constant 0 : i32
        %dma_wait3A_219 = tpu.memref_slice %arg4[%dma_wait3A_218] : memref<6400000xf32, #tpu.memory_space<hbm>> -> memref<4096xf32, #tpu.memory_space<hbm>>
        tpu.wait_dma2 semaphore(%arg23 : memref<!tpu.dma_semaphore, #tpu.memory_space<semaphore_mem>>) src(%dma_wait3A_219 : memref<4096xf32, #tpu.memory_space<hbm>>) dst(%arg21 : memref<4096xf32, #tpu.memory_space<vmem>>)
        %dma_wait3A_220 = arith.constant 0 : i32
        %dma_wait3A_221 = tpu.memref_slice %arg5[%dma_wait3A_220] : memref<12800000xf32, #tpu.memory_space<hbm>> -> memref<8192xf32, #tpu.memory_space<hbm>>
        %dma_wait3A_222 = arith.constant 0 : i32
        %dma_wait3A_223 = tpu.memref_slice %arg5[%dma_wait3A_222] : memref<12800000xf32, #tpu.memory_space<hbm>> -> memref<8192xf32, #tpu.memory_space<hbm>>
        tpu.wait_dma2 semaphore(%arg23 : memref<!tpu.dma_semaphore, #tpu.memory_space<semaphore_mem>>) src(%dma_wait3A_223 : memref<8192xf32, #tpu.memory_space<hbm>>) dst(%arg22 : memref<8192xf32, #tpu.memory_space<vmem>>)
        %add3A_224 = arith.constant 4 : i32
        %add3A_225 = arith.addi %add3A_203, %add3A_224 : i32
        %sub3A_226 = arith.constant 1 : i32
        %sub3A_227 = arith.subi %add3A_225, %sub3A_226 : i32
        %lt3A_228 = arith.cmpi slt, %sub3A_227, %select_n3A_110 : i32
        %convert_element_type3A_229 = arith.extui %lt3A_228 : i1 to i32
        %cond3A_230 = arith.constant 0 : i32
        %cond3A_231 = arith.cmpi ne, %convert_element_type3A_229, %cond3A_230 : i32
        scf.if %cond3A_231 {
          %add3A_255 = arith.constant 4 : i32
          %add3A_256 = arith.addi %add3A_203, %add3A_255 : i32
          %sub3A_257 = arith.constant 1 : i32
          %sub3A_258 = arith.subi %add3A_256, %sub3A_257 : i32
          %mul3A_259 = arith.constant 4096 : i32
          %mul3A_260 = arith.muli %sub3A_258, %mul3A_259 : i32
          %add3A_261 = arith.addi %mul3A_85, %mul3A_260 : i32
          %min3A_262 = arith.constant 6395904 : i32
          %min3A_263 = arith.minsi %add3A_261, %min3A_262 : i32
          %multiple_of3A_264 = tpu.assume_multiple %min3A_263, 128 : i32
          %dma_start3A = arith.constant 0 : i32
          %dma_start3A_265 = tpu.memref_slice %arg16[%dma_start3A] : memref<4112xi32, #tpu.memory_space<vmem>> -> memref<4096xi32, #tpu.memory_space<vmem>>
          %dma_start3A_266 = tpu.memref_slice %arg3[%multiple_of3A_264] : memref<6400000xi32, #tpu.memory_space<hbm>> -> memref<4096xi32, #tpu.memory_space<hbm>>
          %dma_start3A_267 = arith.constant 0 : i32
          %dma_start3A_268 = tpu.memref_slice %arg16[%dma_start3A_267] : memref<4112xi32, #tpu.memory_space<vmem>> -> memref<4096xi32, #tpu.memory_space<vmem>>
          %dma_start3A_269 = tpu.memref_slice %arg3[%multiple_of3A_264] : memref<6400000xi32, #tpu.memory_space<hbm>> -> memref<4096xi32, #tpu.memory_space<hbm>>
          tpu.enqueue_dma source(%dma_start3A_269 : memref<4096xi32, #tpu.memory_space<hbm>>) target(%dma_start3A_268 : memref<4096xi32, #tpu.memory_space<vmem>>) target_semaphore(%arg19 : memref<!tpu.dma_semaphore, #tpu.memory_space<semaphore_mem>>)
          %dma_start3A_270 = tpu.memref_slice %arg4[%multiple_of3A_264] : memref<6400000xf32, #tpu.memory_space<hbm>> -> memref<4096xf32, #tpu.memory_space<hbm>>
          %dma_start3A_271 = tpu.memref_slice %arg4[%multiple_of3A_264] : memref<6400000xf32, #tpu.memory_space<hbm>> -> memref<4096xf32, #tpu.memory_space<hbm>>
          tpu.enqueue_dma source(%dma_start3A_271 : memref<4096xf32, #tpu.memory_space<hbm>>) target(%arg17 : memref<4096xf32, #tpu.memory_space<vmem>>) target_semaphore(%arg19 : memref<!tpu.dma_semaphore, #tpu.memory_space<semaphore_mem>>)
          %mul3A_272 = arith.constant 2 : i32
          %mul3A_273 = arith.muli %mul3A_272, %multiple_of3A_264 : i32
          %multiple_of3A_274 = tpu.assume_multiple %mul3A_273, 256 : i32
          %dma_start3A_275 = tpu.memref_slice %arg5[%multiple_of3A_274] : memref<12800000xf32, #tpu.memory_space<hbm>> -> memref<8192xf32, #tpu.memory_space<hbm>>
          %dma_start3A_276 = tpu.memref_slice %arg5[%multiple_of3A_274] : memref<12800000xf32, #tpu.memory_space<hbm>> -> memref<8192xf32, #tpu.memory_space<hbm>>
          tpu.enqueue_dma source(%dma_start3A_276 : memref<8192xf32, #tpu.memory_space<hbm>>) target(%arg18 : memref<8192xf32, #tpu.memory_space<vmem>>) target_semaphore(%arg19 : memref<!tpu.dma_semaphore, #tpu.memory_space<semaphore_mem>>)
        } else {
        }
        %mul3A_232 = arith.constant 4096 : i32
        %mul3A_233 = arith.muli %add3A_203, %mul3A_232 : i32
        %add3A_234 = arith.addi %mul3A_85, %mul3A_233 : i32
        %mul3A_235 = arith.constant 4096 : i32
        %mul3A_236 = arith.muli %add3A_203, %mul3A_235 : i32
        %add3A_237 = arith.addi %mul3A_85, %mul3A_236 : i32
        %min3A_238 = arith.constant 6395904 : i32
        %min3A_239 = arith.minsi %add3A_237, %min3A_238 : i32
        %multiple_of3A = tpu.assume_multiple %min3A_239, 128 : i32
        %add3A_240 = arith.constant 4096 : i32
        %add3A_241 = arith.addi %mul3A_85, %add3A_240 : i32
        %ge3A = arith.cmpi sge, %add3A_234, %add3A_241 : i32
        %add3A_242 = arith.constant 4096 : i32
        %add3A_243 = arith.addi %add3A_234, %add3A_242 : i32
        %sub3A_244 = arith.constant 4096 : i32
        %sub3A_245 = arith.subi %min3A_88, %sub3A_244 : i32
        %le3A = arith.cmpi sle, %add3A_243, %sub3A_245 : i32
        %and3A_246 = arith.andi %ge3A, %le3A : i1
        %convert_element_type3A_247 = arith.extui %and3A_246 : i1 to i32
        %cond3A_248 = arith.constant 0 : i32
        %cond3A_249 = arith.cmpi ne, %convert_element_type3A_247, %cond3A_248 : i32
        scf.if %cond3A_249 {
          %scan3A_255 = arith.constant 0 : i32
          %scan3A_256 = arith.constant 0 : i32
          %scan3A_257 = arith.constant 256 : i32
          %scan3A_258 = arith.addi %scan3A_256, %scan3A_257 : i32
          %scan3A_259 = arith.constant 4 : i32
          %scan3A_260 = scf.for %scan3A_262 = %scan3A_256 to %scan3A_258 step %scan3A_259 iter_args(%scan3A_263 = %scan3A_255) -> (i32)  : i32 {
            %mul3A_264 = arith.constant 16 : i32
            %mul3A_265 = arith.muli %scan3A_262, %mul3A_264 : i32
            %get3A_266 = arith.index_cast %mul3A_265 : i32 to index
            %get3A_267 = tpu.vector_load %arg20[%get3A_266] {strides = array<i32>} : memref<4112xi32, #tpu.memory_space<vmem>>, vector<16xi32>,
            %add3A_268 = arith.constant 1 : i32
            %add3A_269 = arith.addi %mul3A_265, %add3A_268 : i32
            %get3A_270 = arith.index_cast %add3A_269 : i32 to index
            %get3A_271 = tpu.vector_load %arg20[%get3A_270] {strides = array<i32>} : memref<4112xi32, #tpu.memory_space<vmem>>, vector<16xi32>,
            %get3A_272 = arith.index_cast %mul3A_265 : i32 to index
            %get3A_273 = tpu.vector_load %arg21[%get3A_272] {strides = array<i32>} : memref<4096xf32, #tpu.memory_space<vmem>>, vector<16xf32>,
            %exp3A = math.exp %get3A_273 : vector<16xf32>
            %mul3A_274 = arith.constant 2 : i32
            %mul3A_275 = arith.muli %mul3A_274, %mul3A_265 : i32
            %jit3A_276 = arith.constant 128 : i32
            %eq3A_277 = arith.constant 0 : i32
            %eq3A_278 = arith.cmpi eq, %jit3A_276, %eq3A_277 : i32
            %jit3A_279 = arith.constant 1 : i32
            %select_n3A_280 = arith.select %eq3A_278, %jit3A_279, %jit3A_276 : i32
            %rem3A_281 = arith.remsi %mul3A_265, %select_n3A_280 : i32
            %ne3A_282 = arith.constant 0 : i32
            %ne3A_283 = arith.cmpi ne, %rem3A_281, %ne3A_282 : i32
            %lt3A_284 = arith.constant 0 : i32
            %lt3A_285 = arith.cmpi slt, %rem3A_281, %lt3A_284 : i32
            %lt3A_286 = arith.constant 0 : i32
            %lt3A_287 = arith.cmpi slt, %select_n3A_280, %lt3A_286 : i32
            %ne3A_288 = arith.xori %lt3A_285, %lt3A_287 : i1
            %and3A_289 = arith.andi %ne3A_288, %ne3A_283 : i1
            %add3A_290 = arith.addi %rem3A_281, %select_n3A_280 : i32
            %select_n3A_291 = arith.select %and3A_289, %add3A_290, %rem3A_281 : i32
            %sub3A_292 = arith.subi %mul3A_275, %select_n3A_291 : i32
            %get3A_293 = arith.index_cast %sub3A_292 : i32 to index
            %get3A_294 = tpu.vector_load %arg22[%get3A_293] {strides = array<i32>} : memref<8192xf32, #tpu.memory_space<vmem>>, vector<16xf32>,
            %add3A_295 = arith.constant 128 : i32
            %add3A_296 = arith.addi %sub3A_292, %add3A_295 : i32
            %get3A_297 = arith.index_cast %add3A_296 : i32 to index
            %get3A_298 = tpu.vector_load %arg22[%get3A_297] {strides = array<i32>} : memref<8192xf32, #tpu.memory_space<vmem>>, vector<16xf32>,
            %broadcast_in_dim3A_299 = arith.constant true
            %broadcast_in_dim3A_300 = vector.broadcast %broadcast_in_dim3A_299 : i1 to vector<16xi1>
            %masked_cumsum3A = tpu.scan <sum>, %exp3A masked %broadcast_in_dim3A_300 : vector<16xf32>, vector<16xi1> -> vector<16xf32>
            %mul3A_301 = arith.mulf %exp3A, %get3A_294 : vector<16xf32>
            %broadcast_in_dim3A_302 = arith.constant true
            %broadcast_in_dim3A_303 = vector.broadcast %broadcast_in_dim3A_302 : i1 to vector<16xi1>
            %masked_cumsum3A_304 = tpu.scan <sum>, %mul3A_301 masked %broadcast_in_dim3A_303 : vector<16xf32>, vector<16xi1> -> vector<16xf32>
            %mul3A_305 = arith.mulf %exp3A, %get3A_298 : vector<16xf32>
            %broadcast_in_dim3A_306 = arith.constant true
            %broadcast_in_dim3A_307 = vector.broadcast %broadcast_in_dim3A_306 : i1 to vector<16xi1>
            %masked_cumsum3A_308 = tpu.scan <sum>, %mul3A_305 masked %broadcast_in_dim3A_307 : vector<16xf32>, vector<16xi1> -> vector<16xf32>
            %ne3A_309 = arith.cmpi ne, %get3A_267, %get3A_271 : vector<16xi32>
            %sub3A_310 = vector.broadcast %mul3A_24 : i32 to vector<16xi32>
            %sub3A_311 = arith.subi %get3A_267, %sub3A_310 : vector<16xi32>
            %sub3A_312 = vector.broadcast %mul3A_24 : i32 to vector<16xi32>
            %sub3A_313 = arith.subi %get3A_271, %sub3A_312 : vector<16xi32>
            %or3A = arith.ori %ne3A_309, %eq3A_112 : vector<16xi1>
            %and3A_314 = arith.andi %ne3A_309, %not3A_113 : vector<16xi1>
            tpu.vector_store_idx %arg24[%sub3A_311], %masked_cumsum3A masked %or3A {add = true} : memref<3200xf32, #tpu.memory_space<vmem>>[vector<16xi32>], vector<16xf32>, vector<16xi1>
            tpu.vector_store_idx %arg25[%sub3A_311], %masked_cumsum3A_304 masked %or3A {add = true} : memref<3200xf32, #tpu.memory_space<vmem>>[vector<16xi32>], vector<16xf32>, vector<16xi1>
            tpu.vector_store_idx %arg26[%sub3A_311], %masked_cumsum3A_308 masked %or3A {add = true} : memref<3200xf32, #tpu.memory_space<vmem>>[vector<16xi32>], vector<16xf32>, vector<16xi1>
            %neg3A = arith.constant 0.000000e+00 : f32
            %neg3A_315 = vector.broadcast %neg3A : f32 to vector<16xf32>
            %neg3A_316 = arith.subf %neg3A_315, %masked_cumsum3A : vector<16xf32>
            tpu.vector_store_idx %arg24[%sub3A_313], %neg3A_316 masked %and3A_314 {add = true} : memref<3200xf32, #tpu.memory_space<vmem>>[vector<16xi32>], vector<16xf32>, vector<16xi1>
            %neg3A_317 = arith.constant 0.000000e+00 : f32
            %neg3A_318 = vector.broadcast %neg3A_317 : f32 to vector<16xf32>
            %neg3A_319 = arith.subf %neg3A_318, %masked_cumsum3A_304 : vector<16xf32>
            tpu.vector_store_idx %arg25[%sub3A_313], %neg3A_319 masked %and3A_314 {add = true} : memref<3200xf32, #tpu.memory_space<vmem>>[vector<16xi32>], vector<16xf32>, vector<16xi1>
            %neg3A_320 = arith.constant 0.000000e+00 : f32
            %neg3A_321 = vector.broadcast %neg3A_320 : f32 to vector<16xf32>
            %neg3A_322 = arith.subf %neg3A_321, %masked_cumsum3A_308 : vector<16xf32>
            tpu.vector_store_idx %arg26[%sub3A_313], %neg3A_322 masked %and3A_314 {add = true} : memref<3200xf32, #tpu.memory_space<vmem>>[vector<16xi32>], vector<16xf32>, vector<16xi1>
            %scan3A_323 = arith.constant 0 : i32
            %scan3A_324 = arith.constant 1 : i32
            %scan3A_325 = arith.addi %scan3A_262, %scan3A_324 : i32
            %mul3A_326 = arith.constant 16 : i32
            %mul3A_327 = arith.muli %scan3A_325, %mul3A_326 : i32
            %get3A_328 = arith.index_cast %mul3A_327 : i32 to index
            %get3A_329 = tpu.vector_load %arg20[%get3A_328] {strides = array<i32>} : memref<4112xi32, #tpu.memory_space<vmem>>, vector<16xi32>,
            %add3A_330 = arith.constant 1 : i32
            %add3A_331 = arith.addi %mul3A_327, %add3A_330 : i32
            %get3A_332 = arith.index_cast %add3A_331 : i32 to index
            %get3A_333 = tpu.vector_load %arg20[%get3A_332] {strides = array<i32>} : memref<4112xi32, #tpu.memory_space<vmem>>, vector<16xi32>,
            %get3A_334 = arith.index_cast %mul3A_327 : i32 to index
            %get3A_335 = tpu.vector_load %arg21[%get3A_334] {strides = array<i32>} : memref<4096xf32, #tpu.memory_space<vmem>>, vector<16xf32>,
            %exp3A_336 = math.exp %get3A_335 : vector<16xf32>
            %mul3A_337 = arith.constant 2 : i32
            %mul3A_338 = arith.muli %mul3A_337, %mul3A_327 : i32
            %jit3A_339 = arith.constant 128 : i32
            %eq3A_340 = arith.constant 0 : i32
            %eq3A_341 = arith.cmpi eq, %jit3A_339, %eq3A_340 : i32
            %jit3A_342 = arith.constant 1 : i32
            %select_n3A_343 = arith.select %eq3A_341, %jit3A_342, %jit3A_339 : i32
            %rem3A_344 = arith.remsi %mul3A_327, %select_n3A_343 : i32
            %ne3A_345 = arith.constant 0 : i32
            %ne3A_346 = arith.cmpi ne, %rem3A_344, %ne3A_345 : i32
            %lt3A_347 = arith.constant 0 : i32
            %lt3A_348 = arith.cmpi slt, %rem3A_344, %lt3A_347 : i32
            %lt3A_349 = arith.constant 0 : i32
            %lt3A_350 = arith.cmpi slt, %select_n3A_343, %lt3A_349 : i32
            %ne3A_351 = arith.xori %lt3A_348, %lt3A_350 : i1
            %and3A_352 = arith.andi %ne3A_351, %ne3A_346 : i1
            %add3A_353 = arith.addi %rem3A_344, %select_n3A_343 : i32
            %select_n3A_354 = arith.select %and3A_352, %add3A_353, %rem3A_344 : i32
            %sub3A_355 = arith.subi %mul3A_338, %select_n3A_354 : i32
            %get3A_356 = arith.index_cast %sub3A_355 : i32 to index
            %get3A_357 = tpu.vector_load %arg22[%get3A_356] {strides = array<i32>} : memref<8192xf32, #tpu.memory_space<vmem>>, vector<16xf32>,
            %add3A_358 = arith.constant 128 : i32
            %add3A_359 = arith.addi %sub3A_355, %add3A_358 : i32
            %get3A_360 = arith.index_cast %add3A_359 : i32 to index
            %get3A_361 = tpu.vector_load %arg22[%get3A_360] {strides = array<i32>} : memref<8192xf32, #tpu.memory_space<vmem>>, vector<16xf32>,
            %broadcast_in_dim3A_362 = arith.constant true
            %broadcast_in_dim3A_363 = vector.broadcast %broadcast_in_dim3A_362 : i1 to vector<16xi1>
            %masked_cumsum3A_364 = tpu.scan <sum>, %exp3A_336 masked %broadcast_in_dim3A_363 : vector<16xf32>, vector<16xi1> -> vector<16xf32>
            %mul3A_365 = arith.mulf %exp3A_336, %get3A_357 : vector<16xf32>
            %broadcast_in_dim3A_366 = arith.constant true
            %broadcast_in_dim3A_367 = vector.broadcast %broadcast_in_dim3A_366 : i1 to vector<16xi1>
            %masked_cumsum3A_368 = tpu.scan <sum>, %mul3A_365 masked %broadcast_in_dim3A_367 : vector<16xf32>, vector<16xi1> -> vector<16xf32>
            %mul3A_369 = arith.mulf %exp3A_336, %get3A_361 : vector<16xf32>
            %broadcast_in_dim3A_370 = arith.constant true
            %broadcast_in_dim3A_371 = vector.broadcast %broadcast_in_dim3A_370 : i1 to vector<16xi1>
            %masked_cumsum3A_372 = tpu.scan <sum>, %mul3A_369 masked %broadcast_in_dim3A_371 : vector<16xf32>, vector<16xi1> -> vector<16xf32>
            %ne3A_373 = arith.cmpi ne, %get3A_329, %get3A_333 : vector<16xi32>
            %sub3A_374 = vector.broadcast %mul3A_24 : i32 to vector<16xi32>
            %sub3A_375 = arith.subi %get3A_329, %sub3A_374 : vector<16xi32>
            %sub3A_376 = vector.broadcast %mul3A_24 : i32 to vector<16xi32>
            %sub3A_377 = arith.subi %get3A_333, %sub3A_376 : vector<16xi32>
            %or3A_378 = arith.ori %ne3A_373, %eq3A_112 : vector<16xi1>
            %and3A_379 = arith.andi %ne3A_373, %not3A_113 : vector<16xi1>
            tpu.vector_store_idx %arg24[%sub3A_375], %masked_cumsum3A_364 masked %or3A_378 {add = true} : memref<3200xf32, #tpu.memory_space<vmem>>[vector<16xi32>], vector<16xf32>, vector<16xi1>
            tpu.vector_store_idx %arg25[%sub3A_375], %masked_cumsum3A_368 masked %or3A_378 {add = true} : memref<3200xf32, #tpu.memory_space<vmem>>[vector<16xi32>], vector<16xf32>, vector<16xi1>
            tpu.vector_store_idx %arg26[%sub3A_375], %masked_cumsum3A_372 masked %or3A_378 {add = true} : memref<3200xf32, #tpu.memory_space<vmem>>[vector<16xi32>], vector<16xf32>, vector<16xi1>
            %neg3A_380 = arith.constant 0.000000e+00 : f32
            %neg3A_381 = vector.broadcast %neg3A_380 : f32 to vector<16xf32>
            %neg3A_382 = arith.subf %neg3A_381, %masked_cumsum3A_364 : vector<16xf32>
            tpu.vector_store_idx %arg24[%sub3A_377], %neg3A_382 masked %and3A_379 {add = true} : memref<3200xf32, #tpu.memory_space<vmem>>[vector<16xi32>], vector<16xf32>, vector<16xi1>
            %neg3A_383 = arith.constant 0.000000e+00 : f32
            %neg3A_384 = vector.broadcast %neg3A_383 : f32 to vector<16xf32>
            %neg3A_385 = arith.subf %neg3A_384, %masked_cumsum3A_368 : vector<16xf32>
            tpu.vector_store_idx %arg25[%sub3A_377], %neg3A_385 masked %and3A_379 {add = true} : memref<3200xf32, #tpu.memory_space<vmem>>[vector<16xi32>], vector<16xf32>, vector<16xi1>
            %neg3A_386 = arith.constant 0.000000e+00 : f32
            %neg3A_387 = vector.broadcast %neg3A_386 : f32 to vector<16xf32>
            %neg3A_388 = arith.subf %neg3A_387, %masked_cumsum3A_372 : vector<16xf32>
            tpu.vector_store_idx %arg26[%sub3A_377], %neg3A_388 masked %and3A_379 {add = true} : memref<3200xf32, #tpu.memory_space<vmem>>[vector<16xi32>], vector<16xf32>, vector<16xi1>
            %scan3A_389 = arith.constant 0 : i32
            %scan3A_390 = arith.constant 2 : i32
            %scan3A_391 = arith.addi %scan3A_262, %scan3A_390 : i32
            %mul3A_392 = arith.constant 16 : i32
            %mul3A_393 = arith.muli %scan3A_391, %mul3A_392 : i32
            %get3A_394 = arith.index_cast %mul3A_393 : i32 to index
            %get3A_395 = tpu.vector_load %arg20[%get3A_394] {strides = array<i32>} : memref<4112xi32, #tpu.memory_space<vmem>>, vector<16xi32>,
            %add3A_396 = arith.constant 1 : i32
            %add3A_397 = arith.addi %mul3A_393, %add3A_396 : i32
            %get3A_398 = arith.index_cast %add3A_397 : i32 to index
            %get3A_399 = tpu.vector_load %arg20[%get3A_398] {strides = array<i32>} : memref<4112xi32, #tpu.memory_space<vmem>>, vector<16xi32>,
            %get3A_400 = arith.index_cast %mul3A_393 : i32 to index
            %get3A_401 = tpu.vector_load %arg21[%get3A_400] {strides = array<i32>} : memref<4096xf32, #tpu.memory_space<vmem>>, vector<16xf32>,
            %exp3A_402 = math.exp %get3A_401 : vector<16xf32>
            %mul3A_403 = arith.constant 2 : i32
            %mul3A_404 = arith.muli %mul3A_403, %mul3A_393 : i32
            %jit3A_405 = arith.constant 128 : i32
            %eq3A_406 = arith.constant 0 : i32
            %eq3A_407 = arith.cmpi eq, %jit3A_405, %eq3A_406 : i32
            %jit3A_408 = arith.constant 1 : i32
            %select_n3A_409 = arith.select %eq3A_407, %jit3A_408, %jit3A_405 : i32
            %rem3A_410 = arith.remsi %mul3A_393, %select_n3A_409 : i32
            %ne3A_411 = arith.constant 0 : i32
            %ne3A_412 = arith.cmpi ne, %rem3A_410, %ne3A_411 : i32
            %lt3A_413 = arith.constant 0 : i32
            %lt3A_414 = arith.cmpi slt, %rem3A_410, %lt3A_413 : i32
            %lt3A_415 = arith.constant 0 : i32
            %lt3A_416 = arith.cmpi slt, %select_n3A_409, %lt3A_415 : i32
            %ne3A_417 = arith.xori %lt3A_414, %lt3A_416 : i1
            %and3A_418 = arith.andi %ne3A_417, %ne3A_412 : i1
            %add3A_419 = arith.addi %rem3A_410, %select_n3A_409 : i32
            %select_n3A_420 = arith.select %and3A_418, %add3A_419, %rem3A_410 : i32
            %sub3A_421 = arith.subi %mul3A_404, %select_n3A_420 : i32
            %get3A_422 = arith.index_cast %sub3A_421 : i32 to index
            %get3A_423 = tpu.vector_load %arg22[%get3A_422] {strides = array<i32>} : memref<8192xf32, #tpu.memory_space<vmem>>, vector<16xf32>,
            %add3A_424 = arith.constant 128 : i32
            %add3A_425 = arith.addi %sub3A_421, %add3A_424 : i32
            %get3A_426 = arith.index_cast %add3A_425 : i32 to index
            %get3A_427 = tpu.vector_load %arg22[%get3A_426] {strides = array<i32>} : memref<8192xf32, #tpu.memory_space<vmem>>, vector<16xf32>,
            %broadcast_in_dim3A_428 = arith.constant true
            %broadcast_in_dim3A_429 = vector.broadcast %broadcast_in_dim3A_428 : i1 to vector<16xi1>
            %masked_cumsum3A_430 = tpu.scan <sum>, %exp3A_402 masked %broadcast_in_dim3A_429 : vector<16xf32>, vector<16xi1> -> vector<16xf32>
            %mul3A_431 = arith.mulf %exp3A_402, %get3A_423 : vector<16xf32>
            %broadcast_in_dim3A_432 = arith.constant true
            %broadcast_in_dim3A_433 = vector.broadcast %broadcast_in_dim3A_432 : i1 to vector<16xi1>
            %masked_cumsum3A_434 = tpu.scan <sum>, %mul3A_431 masked %broadcast_in_dim3A_433 : vector<16xf32>, vector<16xi1> -> vector<16xf32>
            %mul3A_435 = arith.mulf %exp3A_402, %get3A_427 : vector<16xf32>
            %broadcast_in_dim3A_436 = arith.constant true
            %broadcast_in_dim3A_437 = vector.broadcast %broadcast_in_dim3A_436 : i1 to vector<16xi1>
            %masked_cumsum3A_438 = tpu.scan <sum>, %mul3A_435 masked %broadcast_in_dim3A_437 : vector<16xf32>, vector<16xi1> -> vector<16xf32>
            %ne3A_439 = arith.cmpi ne, %get3A_395, %get3A_399 : vector<16xi32>
            %sub3A_440 = vector.broadcast %mul3A_24 : i32 to vector<16xi32>
            %sub3A_441 = arith.subi %get3A_395, %sub3A_440 : vector<16xi32>
            %sub3A_442 = vector.broadcast %mul3A_24 : i32 to vector<16xi32>
            %sub3A_443 = arith.subi %get3A_399, %sub3A_442 : vector<16xi32>
            %or3A_444 = arith.ori %ne3A_439, %eq3A_112 : vector<16xi1>
            %and3A_445 = arith.andi %ne3A_439, %not3A_113 : vector<16xi1>
            tpu.vector_store_idx %arg24[%sub3A_441], %masked_cumsum3A_430 masked %or3A_444 {add = true} : memref<3200xf32, #tpu.memory_space<vmem>>[vector<16xi32>], vector<16xf32>, vector<16xi1>
            tpu.vector_store_idx %arg25[%sub3A_441], %masked_cumsum3A_434 masked %or3A_444 {add = true} : memref<3200xf32, #tpu.memory_space<vmem>>[vector<16xi32>], vector<16xf32>, vector<16xi1>
            tpu.vector_store_idx %arg26[%sub3A_441], %masked_cumsum3A_438 masked %or3A_444 {add = true} : memref<3200xf32, #tpu.memory_space<vmem>>[vector<16xi32>], vector<16xf32>, vector<16xi1>
            %neg3A_446 = arith.constant 0.000000e+00 : f32
            %neg3A_447 = vector.broadcast %neg3A_446 : f32 to vector<16xf32>
            %neg3A_448 = arith.subf %neg3A_447, %masked_cumsum3A_430 : vector<16xf32>
            tpu.vector_store_idx %arg24[%sub3A_443], %neg3A_448 masked %and3A_445 {add = true} : memref<3200xf32, #tpu.memory_space<vmem>>[vector<16xi32>], vector<16xf32>, vector<16xi1>
            %neg3A_449 = arith.constant 0.000000e+00 : f32
            %neg3A_450 = vector.broadcast %neg3A_449 : f32 to vector<16xf32>
            %neg3A_451 = arith.subf %neg3A_450, %masked_cumsum3A_434 : vector<16xf32>
            tpu.vector_store_idx %arg25[%sub3A_443], %neg3A_451 masked %and3A_445 {add = true} : memref<3200xf32, #tpu.memory_space<vmem>>[vector<16xi32>], vector<16xf32>, vector<16xi1>
            %neg3A_452 = arith.constant 0.000000e+00 : f32
            %neg3A_453 = vector.broadcast %neg3A_452 : f32 to vector<16xf32>
            %neg3A_454 = arith.subf %neg3A_453, %masked_cumsum3A_438 : vector<16xf32>
            tpu.vector_store_idx %arg26[%sub3A_443], %neg3A_454 masked %and3A_445 {add = true} : memref<3200xf32, #tpu.memory_space<vmem>>[vector<16xi32>], vector<16xf32>, vector<16xi1>
            %scan3A_455 = arith.constant 0 : i32
            %scan3A_456 = arith.constant 3 : i32
            %scan3A_457 = arith.addi %scan3A_262, %scan3A_456 : i32
            %mul3A_458 = arith.constant 16 : i32
            %mul3A_459 = arith.muli %scan3A_457, %mul3A_458 : i32
            %get3A_460 = arith.index_cast %mul3A_459 : i32 to index
            %get3A_461 = tpu.vector_load %arg20[%get3A_460] {strides = array<i32>} : memref<4112xi32, #tpu.memory_space<vmem>>, vector<16xi32>,
            %add3A_462 = arith.constant 1 : i32
            %add3A_463 = arith.addi %mul3A_459, %add3A_462 : i32
            %get3A_464 = arith.index_cast %add3A_463 : i32 to index
            %get3A_465 = tpu.vector_load %arg20[%get3A_464] {strides = array<i32>} : memref<4112xi32, #tpu.memory_space<vmem>>, vector<16xi32>,
            %get3A_466 = arith.index_cast %mul3A_459 : i32 to index
            %get3A_467 = tpu.vector_load %arg21[%get3A_466] {strides = array<i32>} : memref<4096xf32, #tpu.memory_space<vmem>>, vector<16xf32>,
            %exp3A_468 = math.exp %get3A_467 : vector<16xf32>
            %mul3A_469 = arith.constant 2 : i32
            %mul3A_470 = arith.muli %mul3A_469, %mul3A_459 : i32
            %jit3A_471 = arith.constant 128 : i32
            %eq3A_472 = arith.constant 0 : i32
            %eq3A_473 = arith.cmpi eq, %jit3A_471, %eq3A_472 : i32
            %jit3A_474 = arith.constant 1 : i32
            %select_n3A_475 = arith.select %eq3A_473, %jit3A_474, %jit3A_471 : i32
            %rem3A_476 = arith.remsi %mul3A_459, %select_n3A_475 : i32
            %ne3A_477 = arith.constant 0 : i32
            %ne3A_478 = arith.cmpi ne, %rem3A_476, %ne3A_477 : i32
            %lt3A_479 = arith.constant 0 : i32
            %lt3A_480 = arith.cmpi slt, %rem3A_476, %lt3A_479 : i32
            %lt3A_481 = arith.constant 0 : i32
            %lt3A_482 = arith.cmpi slt, %select_n3A_475, %lt3A_481 : i32
            %ne3A_483 = arith.xori %lt3A_480, %lt3A_482 : i1
            %and3A_484 = arith.andi %ne3A_483, %ne3A_478 : i1
            %add3A_485 = arith.addi %rem3A_476, %select_n3A_475 : i32
            %select_n3A_486 = arith.select %and3A_484, %add3A_485, %rem3A_476 : i32
            %sub3A_487 = arith.subi %mul3A_470, %select_n3A_486 : i32
            %get3A_488 = arith.index_cast %sub3A_487 : i32 to index
            %get3A_489 = tpu.vector_load %arg22[%get3A_488] {strides = array<i32>} : memref<8192xf32, #tpu.memory_space<vmem>>, vector<16xf32>,
            %add3A_490 = arith.constant 128 : i32
            %add3A_491 = arith.addi %sub3A_487, %add3A_490 : i32
            %get3A_492 = arith.index_cast %add3A_491 : i32 to index
            %get3A_493 = tpu.vector_load %arg22[%get3A_492] {strides = array<i32>} : memref<8192xf32, #tpu.memory_space<vmem>>, vector<16xf32>,
            %broadcast_in_dim3A_494 = arith.constant true
            %broadcast_in_dim3A_495 = vector.broadcast %broadcast_in_dim3A_494 : i1 to vector<16xi1>
            %masked_cumsum3A_496 = tpu.scan <sum>, %exp3A_468 masked %broadcast_in_dim3A_495 : vector<16xf32>, vector<16xi1> -> vector<16xf32>
            %mul3A_497 = arith.mulf %exp3A_468, %get3A_489 : vector<16xf32>
            %broadcast_in_dim3A_498 = arith.constant true
            %broadcast_in_dim3A_499 = vector.broadcast %broadcast_in_dim3A_498 : i1 to vector<16xi1>
            %masked_cumsum3A_500 = tpu.scan <sum>, %mul3A_497 masked %broadcast_in_dim3A_499 : vector<16xf32>, vector<16xi1> -> vector<16xf32>
            %mul3A_501 = arith.mulf %exp3A_468, %get3A_493 : vector<16xf32>
            %broadcast_in_dim3A_502 = arith.constant true
            %broadcast_in_dim3A_503 = vector.broadcast %broadcast_in_dim3A_502 : i1 to vector<16xi1>
            %masked_cumsum3A_504 = tpu.scan <sum>, %mul3A_501 masked %broadcast_in_dim3A_503 : vector<16xf32>, vector<16xi1> -> vector<16xf32>
            %ne3A_505 = arith.cmpi ne, %get3A_461, %get3A_465 : vector<16xi32>
            %sub3A_506 = vector.broadcast %mul3A_24 : i32 to vector<16xi32>
            %sub3A_507 = arith.subi %get3A_461, %sub3A_506 : vector<16xi32>
            %sub3A_508 = vector.broadcast %mul3A_24 : i32 to vector<16xi32>
            %sub3A_509 = arith.subi %get3A_465, %sub3A_508 : vector<16xi32>
            %or3A_510 = arith.ori %ne3A_505, %eq3A_112 : vector<16xi1>
            %and3A_511 = arith.andi %ne3A_505, %not3A_113 : vector<16xi1>
            tpu.vector_store_idx %arg24[%sub3A_507], %masked_cumsum3A_496 masked %or3A_510 {add = true} : memref<3200xf32, #tpu.memory_space<vmem>>[vector<16xi32>], vector<16xf32>, vector<16xi1>
            tpu.vector_store_idx %arg25[%sub3A_507], %masked_cumsum3A_500 masked %or3A_510 {add = true} : memref<3200xf32, #tpu.memory_space<vmem>>[vector<16xi32>], vector<16xf32>, vector<16xi1>
            tpu.vector_store_idx %arg26[%sub3A_507], %masked_cumsum3A_504 masked %or3A_510 {add = true} : memref<3200xf32, #tpu.memory_space<vmem>>[vector<16xi32>], vector<16xf32>, vector<16xi1>
            %neg3A_512 = arith.constant 0.000000e+00 : f32
            %neg3A_513 = vector.broadcast %neg3A_512 : f32 to vector<16xf32>
            %neg3A_514 = arith.subf %neg3A_513, %masked_cumsum3A_496 : vector<16xf32>
            tpu.vector_store_idx %arg24[%sub3A_509], %neg3A_514 masked %and3A_511 {add = true} : memref<3200xf32, #tpu.memory_space<vmem>>[vector<16xi32>], vector<16xf32>, vector<16xi1>
            %neg3A_515 = arith.constant 0.000000e+00 : f32
            %neg3A_516 = vector.broadcast %neg3A_515 : f32 to vector<16xf32>
            %neg3A_517 = arith.subf %neg3A_516, %masked_cumsum3A_500 : vector<16xf32>
            tpu.vector_store_idx %arg25[%sub3A_509], %neg3A_517 masked %and3A_511 {add = true} : memref<3200xf32, #tpu.memory_space<vmem>>[vector<16xi32>], vector<16xf32>, vector<16xi1>
            %neg3A_518 = arith.constant 0.000000e+00 : f32
            %neg3A_519 = vector.broadcast %neg3A_518 : f32 to vector<16xf32>
            %neg3A_520 = arith.subf %neg3A_519, %masked_cumsum3A_504 : vector<16xf32>
            tpu.vector_store_idx %arg26[%sub3A_509], %neg3A_520 masked %and3A_511 {add = true} : memref<3200xf32, #tpu.memory_space<vmem>>[vector<16xi32>], vector<16xf32>, vector<16xi1>
            %scan3A_521 = arith.constant 0 : i32
            scf.yield %scan3A_521 : i32
          }
          %scan3A_261 = arith.constant 256 : i32
        } else {
        }
        %not3A_250 = arith.constant true
        %not3A_251 = arith.xori %and3A_246, %not3A_250 : i1
        %convert_element_type3A_252 = arith.extui %not3A_251 : i1 to i32
        %cond3A_253 = arith.constant 0 : i32
        %cond3A_254 = arith.cmpi ne, %convert_element_type3A_252, %cond3A_253 : i32
        scf.if %cond3A_254 {
          %scan3A_255 = arith.constant 0 : i32
          %scan3A_256 = arith.constant 0 : i32
          %scan3A_257 = arith.constant 256 : i32
          %scan3A_258 = arith.addi %scan3A_256, %scan3A_257 : i32
          %scan3A_259 = arith.constant 2 : i32
          %scan3A_260 = scf.for %scan3A_262 = %scan3A_256 to %scan3A_258 step %scan3A_259 iter_args(%scan3A_263 = %scan3A_255) -> (i32)  : i32 {
            %mul3A_264 = arith.constant 16 : i32
            %mul3A_265 = arith.muli %scan3A_262, %mul3A_264 : i32
            %get3A_266 = arith.index_cast %mul3A_265 : i32 to index
            %get3A_267 = tpu.vector_load %arg20[%get3A_266] {strides = array<i32>} : memref<4112xi32, #tpu.memory_space<vmem>>, vector<16xi32>,
            %add3A_268 = arith.constant 1 : i32
            %add3A_269 = arith.addi %mul3A_265, %add3A_268 : i32
            %get3A_270 = arith.index_cast %add3A_269 : i32 to index
            %get3A_271 = tpu.vector_load %arg20[%get3A_270] {strides = array<i32>} : memref<4112xi32, #tpu.memory_space<vmem>>, vector<16xi32>,
            %add3A_272 = arith.addi %multiple_of3A, %mul3A_265 : i32
            %add3A_273 = vector.broadcast %add3A_272 : i32 to vector<16xi32>
            %add3A_274 = arith.addi %add3A_273, %iota3A : vector<16xi32>
            %ge3A_275 = vector.broadcast %add3A_234 : i32 to vector<16xi32>
            %ge3A_276 = arith.cmpi sge, %add3A_274, %ge3A_275 : vector<16xi32>
            %lt3A_277 = vector.broadcast %min3A_88 : i32 to vector<16xi32>
            %lt3A_278 = arith.cmpi slt, %add3A_274, %lt3A_277 : vector<16xi32>
            %and3A_279 = arith.andi %ge3A_276, %lt3A_278 : vector<16xi1>
            %get3A_280 = arith.index_cast %mul3A_265 : i32 to index
            %get3A_281 = tpu.vector_load %arg21[%get3A_280] {strides = array<i32>} : memref<4096xf32, #tpu.memory_space<vmem>>, vector<16xf32>,
            %exp3A = math.exp %get3A_281 : vector<16xf32>
            %jit3A_282 = arith.constant 0.000000e+00 : f32
            %broadcast_in_dim3A_283 = vector.broadcast %jit3A_282 : f32 to vector<16xf32>
            %select_n3A_284 = arith.select %and3A_279, %exp3A, %broadcast_in_dim3A_283 : vector<16xi1>, vector<16xf32>
            %mul3A_285 = arith.constant 2 : i32
            %mul3A_286 = arith.muli %mul3A_285, %mul3A_265 : i32
            %jit3A_287 = arith.constant 128 : i32
            %eq3A_288 = arith.constant 0 : i32
            %eq3A_289 = arith.cmpi eq, %jit3A_287, %eq3A_288 : i32
            %jit3A_290 = arith.constant 1 : i32
            %select_n3A_291 = arith.select %eq3A_289, %jit3A_290, %jit3A_287 : i32
            %rem3A_292 = arith.remsi %mul3A_265, %select_n3A_291 : i32
            %ne3A_293 = arith.constant 0 : i32
            %ne3A_294 = arith.cmpi ne, %rem3A_292, %ne3A_293 : i32
            %lt3A_295 = arith.constant 0 : i32
            %lt3A_296 = arith.cmpi slt, %rem3A_292, %lt3A_295 : i32
            %lt3A_297 = arith.constant 0 : i32
            %lt3A_298 = arith.cmpi slt, %select_n3A_291, %lt3A_297 : i32
            %ne3A_299 = arith.xori %lt3A_296, %lt3A_298 : i1
            %and3A_300 = arith.andi %ne3A_299, %ne3A_294 : i1
            %add3A_301 = arith.addi %rem3A_292, %select_n3A_291 : i32
            %select_n3A_302 = arith.select %and3A_300, %add3A_301, %rem3A_292 : i32
            %sub3A_303 = arith.subi %mul3A_286, %select_n3A_302 : i32
            %get3A_304 = arith.index_cast %sub3A_303 : i32 to index
            %get3A_305 = tpu.vector_load %arg22[%get3A_304] {strides = array<i32>} : memref<8192xf32, #tpu.memory_space<vmem>>, vector<16xf32>,
            %add3A_306 = arith.constant 128 : i32
            %add3A_307 = arith.addi %sub3A_303, %add3A_306 : i32
            %get3A_308 = arith.index_cast %add3A_307 : i32 to index
            %get3A_309 = tpu.vector_load %arg22[%get3A_308] {strides = array<i32>} : memref<8192xf32, #tpu.memory_space<vmem>>, vector<16xf32>,
            %broadcast_in_dim3A_310 = arith.constant true
            %broadcast_in_dim3A_311 = vector.broadcast %broadcast_in_dim3A_310 : i1 to vector<16xi1>
            %masked_cumsum3A = tpu.scan <sum>, %select_n3A_284 masked %broadcast_in_dim3A_311 : vector<16xf32>, vector<16xi1> -> vector<16xf32>
            %mul3A_312 = arith.mulf %select_n3A_284, %get3A_305 : vector<16xf32>
            %broadcast_in_dim3A_313 = arith.constant true
            %broadcast_in_dim3A_314 = vector.broadcast %broadcast_in_dim3A_313 : i1 to vector<16xi1>
            %masked_cumsum3A_315 = tpu.scan <sum>, %mul3A_312 masked %broadcast_in_dim3A_314 : vector<16xf32>, vector<16xi1> -> vector<16xf32>
            %mul3A_316 = arith.mulf %select_n3A_284, %get3A_309 : vector<16xf32>
            %broadcast_in_dim3A_317 = arith.constant true
            %broadcast_in_dim3A_318 = vector.broadcast %broadcast_in_dim3A_317 : i1 to vector<16xi1>
            %masked_cumsum3A_319 = tpu.scan <sum>, %mul3A_316 masked %broadcast_in_dim3A_318 : vector<16xf32>, vector<16xi1> -> vector<16xf32>
            %ne3A_320 = arith.cmpi ne, %get3A_267, %get3A_271 : vector<16xi32>
            %ge3A_321 = vector.broadcast %mul3A_24 : i32 to vector<16xi32>
            %ge3A_322 = arith.cmpi sge, %get3A_267, %ge3A_321 : vector<16xi32>
            %lt3A_323 = vector.broadcast %add3A_26 : i32 to vector<16xi32>
            %lt3A_324 = arith.cmpi slt, %get3A_267, %lt3A_323 : vector<16xi32>
            %and3A_325 = arith.andi %ge3A_322, %lt3A_324 : vector<16xi1>
            %ge3A_326 = vector.broadcast %mul3A_24 : i32 to vector<16xi32>
            %ge3A_327 = arith.cmpi sge, %get3A_271, %ge3A_326 : vector<16xi32>
            %lt3A_328 = vector.broadcast %add3A_26 : i32 to vector<16xi32>
            %lt3A_329 = arith.cmpi slt, %get3A_271, %lt3A_328 : vector<16xi32>
            %and3A_330 = arith.andi %ge3A_327, %lt3A_329 : vector<16xi1>
            %sub3A_331 = vector.broadcast %mul3A_24 : i32 to vector<16xi32>
            %sub3A_332 = arith.subi %get3A_267, %sub3A_331 : vector<16xi32>
            %sub3A_333 = vector.broadcast %mul3A_24 : i32 to vector<16xi32>
            %sub3A_334 = arith.subi %get3A_271, %sub3A_333 : vector<16xi32>
            %or3A = arith.ori %ne3A_320, %eq3A_112 : vector<16xi1>
            %and3A_335 = arith.andi %or3A, %and3A_325 : vector<16xi1>
            %and3A_336 = arith.andi %ne3A_320, %not3A_113 : vector<16xi1>
            %and3A_337 = arith.andi %and3A_336, %and3A_330 : vector<16xi1>
            tpu.vector_store_idx %arg24[%sub3A_332], %masked_cumsum3A masked %and3A_335 {add = true} : memref<3200xf32, #tpu.memory_space<vmem>>[vector<16xi32>], vector<16xf32>, vector<16xi1>
            tpu.vector_store_idx %arg25[%sub3A_332], %masked_cumsum3A_315 masked %and3A_335 {add = true} : memref<3200xf32, #tpu.memory_space<vmem>>[vector<16xi32>], vector<16xf32>, vector<16xi1>
            tpu.vector_store_idx %arg26[%sub3A_332], %masked_cumsum3A_319 masked %and3A_335 {add = true} : memref<3200xf32, #tpu.memory_space<vmem>>[vector<16xi32>], vector<16xf32>, vector<16xi1>
            %neg3A = arith.constant 0.000000e+00 : f32
            %neg3A_338 = vector.broadcast %neg3A : f32 to vector<16xf32>
            %neg3A_339 = arith.subf %neg3A_338, %masked_cumsum3A : vector<16xf32>
            tpu.vector_store_idx %arg24[%sub3A_334], %neg3A_339 masked %and3A_337 {add = true} : memref<3200xf32, #tpu.memory_space<vmem>>[vector<16xi32>], vector<16xf32>, vector<16xi1>
            %neg3A_340 = arith.constant 0.000000e+00 : f32
            %neg3A_341 = vector.broadcast %neg3A_340 : f32 to vector<16xf32>
            %neg3A_342 = arith.subf %neg3A_341, %masked_cumsum3A_315 : vector<16xf32>
            tpu.vector_store_idx %arg25[%sub3A_334], %neg3A_342 masked %and3A_337 {add = true} : memref<3200xf32, #tpu.memory_space<vmem>>[vector<16xi32>], vector<16xf32>, vector<16xi1>
            %neg3A_343 = arith.constant 0.000000e+00 : f32
            %neg3A_344 = vector.broadcast %neg3A_343 : f32 to vector<16xf32>
            %neg3A_345 = arith.subf %neg3A_344, %masked_cumsum3A_319 : vector<16xf32>
            tpu.vector_store_idx %arg26[%sub3A_334], %neg3A_345 masked %and3A_337 {add = true} : memref<3200xf32, #tpu.memory_space<vmem>>[vector<16xi32>], vector<16xf32>, vector<16xi1>
            %scan3A_346 = arith.constant 0 : i32
            %scan3A_347 = arith.constant 1 : i32
            %scan3A_348 = arith.addi %scan3A_262, %scan3A_347 : i32
            %mul3A_349 = arith.constant 16 : i32
            %mul3A_350 = arith.muli %scan3A_348, %mul3A_349 : i32
            %get3A_351 = arith.index_cast %mul3A_350 : i32 to index
            %get3A_352 = tpu.vector_load %arg20[%get3A_351] {strides = array<i32>} : memref<4112xi32, #tpu.memory_space<vmem>>, vector<16xi32>,
            %add3A_353 = arith.constant 1 : i32
            %add3A_354 = arith.addi %mul3A_350, %add3A_353 : i32
            %get3A_355 = arith.index_cast %add3A_354 : i32 to index
            %get3A_356 = tpu.vector_load %arg20[%get3A_355] {strides = array<i32>} : memref<4112xi32, #tpu.memory_space<vmem>>, vector<16xi32>,
            %add3A_357 = arith.addi %multiple_of3A, %mul3A_350 : i32
            %add3A_358 = vector.broadcast %add3A_357 : i32 to vector<16xi32>
            %add3A_359 = arith.addi %add3A_358, %iota3A : vector<16xi32>
            %ge3A_360 = vector.broadcast %add3A_234 : i32 to vector<16xi32>
            %ge3A_361 = arith.cmpi sge, %add3A_359, %ge3A_360 : vector<16xi32>
            %lt3A_362 = vector.broadcast %min3A_88 : i32 to vector<16xi32>
            %lt3A_363 = arith.cmpi slt, %add3A_359, %lt3A_362 : vector<16xi32>
            %and3A_364 = arith.andi %ge3A_361, %lt3A_363 : vector<16xi1>
            %get3A_365 = arith.index_cast %mul3A_350 : i32 to index
            %get3A_366 = tpu.vector_load %arg21[%get3A_365] {strides = array<i32>} : memref<4096xf32, #tpu.memory_space<vmem>>, vector<16xf32>,
            %exp3A_367 = math.exp %get3A_366 : vector<16xf32>
            %jit3A_368 = arith.constant 0.000000e+00 : f32
            %broadcast_in_dim3A_369 = vector.broadcast %jit3A_368 : f32 to vector<16xf32>
            %select_n3A_370 = arith.select %and3A_364, %exp3A_367, %broadcast_in_dim3A_369 : vector<16xi1>, vector<16xf32>
            %mul3A_371 = arith.constant 2 : i32
            %mul3A_372 = arith.muli %mul3A_371, %mul3A_350 : i32
            %jit3A_373 = arith.constant 128 : i32
            %eq3A_374 = arith.constant 0 : i32
            %eq3A_375 = arith.cmpi eq, %jit3A_373, %eq3A_374 : i32
            %jit3A_376 = arith.constant 1 : i32
            %select_n3A_377 = arith.select %eq3A_375, %jit3A_376, %jit3A_373 : i32
            %rem3A_378 = arith.remsi %mul3A_350, %select_n3A_377 : i32
            %ne3A_379 = arith.constant 0 : i32
            %ne3A_380 = arith.cmpi ne, %rem3A_378, %ne3A_379 : i32
            %lt3A_381 = arith.constant 0 : i32
            %lt3A_382 = arith.cmpi slt, %rem3A_378, %lt3A_381 : i32
            %lt3A_383 = arith.constant 0 : i32
            %lt3A_384 = arith.cmpi slt, %select_n3A_377, %lt3A_383 : i32
            %ne3A_385 = arith.xori %lt3A_382, %lt3A_384 : i1
            %and3A_386 = arith.andi %ne3A_385, %ne3A_380 : i1
            %add3A_387 = arith.addi %rem3A_378, %select_n3A_377 : i32
            %select_n3A_388 = arith.select %and3A_386, %add3A_387, %rem3A_378 : i32
            %sub3A_389 = arith.subi %mul3A_372, %select_n3A_388 : i32
            %get3A_390 = arith.index_cast %sub3A_389 : i32 to index
            %get3A_391 = tpu.vector_load %arg22[%get3A_390] {strides = array<i32>} : memref<8192xf32, #tpu.memory_space<vmem>>, vector<16xf32>,
            %add3A_392 = arith.constant 128 : i32
            %add3A_393 = arith.addi %sub3A_389, %add3A_392 : i32
            %get3A_394 = arith.index_cast %add3A_393 : i32 to index
            %get3A_395 = tpu.vector_load %arg22[%get3A_394] {strides = array<i32>} : memref<8192xf32, #tpu.memory_space<vmem>>, vector<16xf32>,
            %broadcast_in_dim3A_396 = arith.constant true
            %broadcast_in_dim3A_397 = vector.broadcast %broadcast_in_dim3A_396 : i1 to vector<16xi1>
            %masked_cumsum3A_398 = tpu.scan <sum>, %select_n3A_370 masked %broadcast_in_dim3A_397 : vector<16xf32>, vector<16xi1> -> vector<16xf32>
            %mul3A_399 = arith.mulf %select_n3A_370, %get3A_391 : vector<16xf32>
            %broadcast_in_dim3A_400 = arith.constant true
            %broadcast_in_dim3A_401 = vector.broadcast %broadcast_in_dim3A_400 : i1 to vector<16xi1>
            %masked_cumsum3A_402 = tpu.scan <sum>, %mul3A_399 masked %broadcast_in_dim3A_401 : vector<16xf32>, vector<16xi1> -> vector<16xf32>
            %mul3A_403 = arith.mulf %select_n3A_370, %get3A_395 : vector<16xf32>
            %broadcast_in_dim3A_404 = arith.constant true
            %broadcast_in_dim3A_405 = vector.broadcast %broadcast_in_dim3A_404 : i1 to vector<16xi1>
            %masked_cumsum3A_406 = tpu.scan <sum>, %mul3A_403 masked %broadcast_in_dim3A_405 : vector<16xf32>, vector<16xi1> -> vector<16xf32>
            %ne3A_407 = arith.cmpi ne, %get3A_352, %get3A_356 : vector<16xi32>
            %ge3A_408 = vector.broadcast %mul3A_24 : i32 to vector<16xi32>
            %ge3A_409 = arith.cmpi sge, %get3A_352, %ge3A_408 : vector<16xi32>
            %lt3A_410 = vector.broadcast %add3A_26 : i32 to vector<16xi32>
            %lt3A_411 = arith.cmpi slt, %get3A_352, %lt3A_410 : vector<16xi32>
            %and3A_412 = arith.andi %ge3A_409, %lt3A_411 : vector<16xi1>
            %ge3A_413 = vector.broadcast %mul3A_24 : i32 to vector<16xi32>
            %ge3A_414 = arith.cmpi sge, %get3A_356, %ge3A_413 : vector<16xi32>
            %lt3A_415 = vector.broadcast %add3A_26 : i32 to vector<16xi32>
            %lt3A_416 = arith.cmpi slt, %get3A_356, %lt3A_415 : vector<16xi32>
            %and3A_417 = arith.andi %ge3A_414, %lt3A_416 : vector<16xi1>
            %sub3A_418 = vector.broadcast %mul3A_24 : i32 to vector<16xi32>
            %sub3A_419 = arith.subi %get3A_352, %sub3A_418 : vector<16xi32>
            %sub3A_420 = vector.broadcast %mul3A_24 : i32 to vector<16xi32>
            %sub3A_421 = arith.subi %get3A_356, %sub3A_420 : vector<16xi32>
            %or3A_422 = arith.ori %ne3A_407, %eq3A_112 : vector<16xi1>
            %and3A_423 = arith.andi %or3A_422, %and3A_412 : vector<16xi1>
            %and3A_424 = arith.andi %ne3A_407, %not3A_113 : vector<16xi1>
            %and3A_425 = arith.andi %and3A_424, %and3A_417 : vector<16xi1>
            tpu.vector_store_idx %arg24[%sub3A_419], %masked_cumsum3A_398 masked %and3A_423 {add = true} : memref<3200xf32, #tpu.memory_space<vmem>>[vector<16xi32>], vector<16xf32>, vector<16xi1>
            tpu.vector_store_idx %arg25[%sub3A_419], %masked_cumsum3A_402 masked %and3A_423 {add = true} : memref<3200xf32, #tpu.memory_space<vmem>>[vector<16xi32>], vector<16xf32>, vector<16xi1>
            tpu.vector_store_idx %arg26[%sub3A_419], %masked_cumsum3A_406 masked %and3A_423 {add = true} : memref<3200xf32, #tpu.memory_space<vmem>>[vector<16xi32>], vector<16xf32>, vector<16xi1>
            %neg3A_426 = arith.constant 0.000000e+00 : f32
            %neg3A_427 = vector.broadcast %neg3A_426 : f32 to vector<16xf32>
            %neg3A_428 = arith.subf %neg3A_427, %masked_cumsum3A_398 : vector<16xf32>
            tpu.vector_store_idx %arg24[%sub3A_421], %neg3A_428 masked %and3A_425 {add = true} : memref<3200xf32, #tpu.memory_space<vmem>>[vector<16xi32>], vector<16xf32>, vector<16xi1>
            %neg3A_429 = arith.constant 0.000000e+00 : f32
            %neg3A_430 = vector.broadcast %neg3A_429 : f32 to vector<16xf32>
            %neg3A_431 = arith.subf %neg3A_430, %masked_cumsum3A_402 : vector<16xf32>
            tpu.vector_store_idx %arg25[%sub3A_421], %neg3A_431 masked %and3A_425 {add = true} : memref<3200xf32, #tpu.memory_space<vmem>>[vector<16xi32>], vector<16xf32>, vector<16xi1>
            %neg3A_432 = arith.constant 0.000000e+00 : f32
            %neg3A_433 = vector.broadcast %neg3A_432 : f32 to vector<16xf32>
            %neg3A_434 = arith.subf %neg3A_433, %masked_cumsum3A_406 : vector<16xf32>
            tpu.vector_store_idx %arg26[%sub3A_421], %neg3A_434 masked %and3A_425 {add = true} : memref<3200xf32, #tpu.memory_space<vmem>>[vector<16xi32>], vector<16xf32>, vector<16xi1>
            %scan3A_435 = arith.constant 0 : i32
            scf.yield %scan3A_435 : i32
          }
          %scan3A_261 = arith.constant 256 : i32
        } else {
        }
      } else {
      }
      %while3A_208 = arith.constant 0 : i32
      scf.yield %while3A_208 : i32
    }
    %while3A_163 = arith.constant 1 : i32
    %while3A_164 = scf.for %while3A_174 = %while3A_160 to %while3A_156 step %while3A_163 iter_args(%while3A_175 = %while3A_162) -> (i32)  : i32 {
      %mul3A_176 = arith.constant 4 : i32
      %mul3A_177 = arith.muli %mul3A_176, %while3A_174 : i32
      %add3A_178 = arith.constant 0 : i32
      %add3A_179 = arith.addi %mul3A_177, %add3A_178 : i32
      %lt3A_180 = arith.cmpi slt, %add3A_179, %select_n3A_110 : i32
      %convert_element_type3A_181 = arith.extui %lt3A_180 : i1 to i32
      %cond3A_182 = arith.constant 0 : i32
      %cond3A_183 = arith.cmpi ne, %convert_element_type3A_181, %cond3A_182 : i32
      scf.if %cond3A_183 {
        %dma_wait3A = arith.constant 0 : i32
        %dma_wait3A_209 = tpu.memref_slice %arg8[%dma_wait3A] : memref<4112xi32, #tpu.memory_space<vmem>> -> memref<4096xi32, #tpu.memory_space<vmem>>
        %dma_wait3A_210 = arith.constant 0 : i32
        %dma_wait3A_211 = tpu.memref_slice %arg3[%dma_wait3A_210] : memref<6400000xi32, #tpu.memory_space<hbm>> -> memref<4096xi32, #tpu.memory_space<hbm>>
        %dma_wait3A_212 = arith.constant 0 : i32
        %dma_wait3A_213 = tpu.memref_slice %arg8[%dma_wait3A_212] : memref<4112xi32, #tpu.memory_space<vmem>> -> memref<4096xi32, #tpu.memory_space<vmem>>
        %dma_wait3A_214 = arith.constant 0 : i32
        %dma_wait3A_215 = tpu.memref_slice %arg3[%dma_wait3A_214] : memref<6400000xi32, #tpu.memory_space<hbm>> -> memref<4096xi32, #tpu.memory_space<hbm>>
        tpu.wait_dma2 semaphore(%arg11 : memref<!tpu.dma_semaphore, #tpu.memory_space<semaphore_mem>>) src(%dma_wait3A_215 : memref<4096xi32, #tpu.memory_space<hbm>>) dst(%dma_wait3A_213 : memref<4096xi32, #tpu.memory_space<vmem>>)
        %dma_wait3A_216 = arith.constant 0 : i32
        %dma_wait3A_217 = tpu.memref_slice %arg4[%dma_wait3A_216] : memref<6400000xf32, #tpu.memory_space<hbm>> -> memref<4096xf32, #tpu.memory_space<hbm>>
        %dma_wait3A_218 = arith.constant 0 : i32
        %dma_wait3A_219 = tpu.memref_slice %arg4[%dma_wait3A_218] : memref<6400000xf32, #tpu.memory_space<hbm>> -> memref<4096xf32, #tpu.memory_space<hbm>>
        tpu.wait_dma2 semaphore(%arg11 : memref<!tpu.dma_semaphore, #tpu.memory_space<semaphore_mem>>) src(%dma_wait3A_219 : memref<4096xf32, #tpu.memory_space<hbm>>) dst(%arg9 : memref<4096xf32, #tpu.memory_space<vmem>>)
        %dma_wait3A_220 = arith.constant 0 : i32
        %dma_wait3A_221 = tpu.memref_slice %arg5[%dma_wait3A_220] : memref<12800000xf32, #tpu.memory_space<hbm>> -> memref<8192xf32, #tpu.memory_space<hbm>>
        %dma_wait3A_222 = arith.constant 0 : i32
        %dma_wait3A_223 = tpu.memref_slice %arg5[%dma_wait3A_222] : memref<12800000xf32, #tpu.memory_space<hbm>> -> memref<8192xf32, #tpu.memory_space<hbm>>
        tpu.wait_dma2 semaphore(%arg11 : memref<!tpu.dma_semaphore, #tpu.memory_space<semaphore_mem>>) src(%dma_wait3A_223 : memref<8192xf32, #tpu.memory_space<hbm>>) dst(%arg10 : memref<8192xf32, #tpu.memory_space<vmem>>)
        %add3A_224 = arith.constant 4 : i32
        %add3A_225 = arith.addi %add3A_179, %add3A_224 : i32
        %sub3A_226 = arith.constant 1 : i32
        %sub3A_227 = arith.subi %add3A_225, %sub3A_226 : i32
        %lt3A_228 = arith.cmpi slt, %sub3A_227, %select_n3A_110 : i32
        %convert_element_type3A_229 = arith.extui %lt3A_228 : i1 to i32
        %cond3A_230 = arith.constant 0 : i32
        %cond3A_231 = arith.cmpi ne, %convert_element_type3A_229, %cond3A_230 : i32
        scf.if %cond3A_231 {
          %add3A_255 = arith.constant 4 : i32
          %add3A_256 = arith.addi %add3A_179, %add3A_255 : i32
          %sub3A_257 = arith.constant 1 : i32
          %sub3A_258 = arith.subi %add3A_256, %sub3A_257 : i32
          %mul3A_259 = arith.constant 4096 : i32
          %mul3A_260 = arith.muli %sub3A_258, %mul3A_259 : i32
          %add3A_261 = arith.addi %mul3A_85, %mul3A_260 : i32
          %min3A_262 = arith.constant 6395904 : i32
          %min3A_263 = arith.minsi %add3A_261, %min3A_262 : i32
          %multiple_of3A_264 = tpu.assume_multiple %min3A_263, 128 : i32
          %dma_start3A = arith.constant 0 : i32
          %dma_start3A_265 = tpu.memref_slice %arg20[%dma_start3A] : memref<4112xi32, #tpu.memory_space<vmem>> -> memref<4096xi32, #tpu.memory_space<vmem>>
          %dma_start3A_266 = tpu.memref_slice %arg3[%multiple_of3A_264] : memref<6400000xi32, #tpu.memory_space<hbm>> -> memref<4096xi32, #tpu.memory_space<hbm>>
          %dma_start3A_267 = arith.constant 0 : i32
          %dma_start3A_268 = tpu.memref_slice %arg20[%dma_start3A_267] : memref<4112xi32, #tpu.memory_space<vmem>> -> memref<4096xi32, #tpu.memory_space<vmem>>
          %dma_start3A_269 = tpu.memref_slice %arg3[%multiple_of3A_264] : memref<6400000xi32, #tpu.memory_space<hbm>> -> memref<4096xi32, #tpu.memory_space<hbm>>
          tpu.enqueue_dma source(%dma_start3A_269 : memref<4096xi32, #tpu.memory_space<hbm>>) target(%dma_start3A_268 : memref<4096xi32, #tpu.memory_space<vmem>>) target_semaphore(%arg23 : memref<!tpu.dma_semaphore, #tpu.memory_space<semaphore_mem>>)
          %dma_start3A_270 = tpu.memref_slice %arg4[%multiple_of3A_264] : memref<6400000xf32, #tpu.memory_space<hbm>> -> memref<4096xf32, #tpu.memory_space<hbm>>
          %dma_start3A_271 = tpu.memref_slice %arg4[%multiple_of3A_264] : memref<6400000xf32, #tpu.memory_space<hbm>> -> memref<4096xf32, #tpu.memory_space<hbm>>
          tpu.enqueue_dma source(%dma_start3A_271 : memref<4096xf32, #tpu.memory_space<hbm>>) target(%arg21 : memref<4096xf32, #tpu.memory_space<vmem>>) target_semaphore(%arg23 : memref<!tpu.dma_semaphore, #tpu.memory_space<semaphore_mem>>)
          %mul3A_272 = arith.constant 2 : i32
          %mul3A_273 = arith.muli %mul3A_272, %multiple_of3A_264 : i32
          %multiple_of3A_274 = tpu.assume_multiple %mul3A_273, 256 : i32
          %dma_start3A_275 = tpu.memref_slice %arg5[%multiple_of3A_274] : memref<12800000xf32, #tpu.memory_space<hbm>> -> memref<8192xf32, #tpu.memory_space<hbm>>
          %dma_start3A_276 = tpu.memref_slice %arg5[%multiple_of3A_274] : memref<12800000xf32, #tpu.memory_space<hbm>> -> memref<8192xf32, #tpu.memory_space<hbm>>
          tpu.enqueue_dma source(%dma_start3A_276 : memref<8192xf32, #tpu.memory_space<hbm>>) target(%arg22 : memref<8192xf32, #tpu.memory_space<vmem>>) target_semaphore(%arg23 : memref<!tpu.dma_semaphore, #tpu.memory_space<semaphore_mem>>)
        } else {
        }
        %mul3A_232 = arith.constant 4096 : i32
        %mul3A_233 = arith.muli %add3A_179, %mul3A_232 : i32
        %add3A_234 = arith.addi %mul3A_85, %mul3A_233 : i32
        %mul3A_235 = arith.constant 4096 : i32
        %mul3A_236 = arith.muli %add3A_179, %mul3A_235 : i32
        %add3A_237 = arith.addi %mul3A_85, %mul3A_236 : i32
        %min3A_238 = arith.constant 6395904 : i32
        %min3A_239 = arith.minsi %add3A_237, %min3A_238 : i32
        %multiple_of3A = tpu.assume_multiple %min3A_239, 128 : i32
        %add3A_240 = arith.constant 4096 : i32
        %add3A_241 = arith.addi %mul3A_85, %add3A_240 : i32
        %ge3A = arith.cmpi sge, %add3A_234, %add3A_241 : i32
        %add3A_242 = arith.constant 4096 : i32
        %add3A_243 = arith.addi %add3A_234, %add3A_242 : i32
        %sub3A_244 = arith.constant 4096 : i32
        %sub3A_245 = arith.subi %min3A_88, %sub3A_244 : i32
        %le3A = arith.cmpi sle, %add3A_243, %sub3A_245 : i32
        %and3A_246 = arith.andi %ge3A, %le3A : i1
        %convert_element_type3A_247 = arith.extui %and3A_246 : i1 to i32
        %cond3A_248 = arith.constant 0 : i32
        %cond3A_249 = arith.cmpi ne, %convert_element_type3A_247, %cond3A_248 : i32
        scf.if %cond3A_249 {
          %scan3A_255 = arith.constant 0 : i32
          %scan3A_256 = arith.constant 0 : i32
          %scan3A_257 = arith.constant 256 : i32
          %scan3A_258 = arith.addi %scan3A_256, %scan3A_257 : i32
          %scan3A_259 = arith.constant 4 : i32
          %scan3A_260 = scf.for %scan3A_262 = %scan3A_256 to %scan3A_258 step %scan3A_259 iter_args(%scan3A_263 = %scan3A_255) -> (i32)  : i32 {
            %mul3A_264 = arith.constant 16 : i32
            %mul3A_265 = arith.muli %scan3A_262, %mul3A_264 : i32
            %get3A_266 = arith.index_cast %mul3A_265 : i32 to index
            %get3A_267 = tpu.vector_load %arg8[%get3A_266] {strides = array<i32>} : memref<4112xi32, #tpu.memory_space<vmem>>, vector<16xi32>,
            %add3A_268 = arith.constant 1 : i32
            %add3A_269 = arith.addi %mul3A_265, %add3A_268 : i32
            %get3A_270 = arith.index_cast %add3A_269 : i32 to index
            %get3A_271 = tpu.vector_load %arg8[%get3A_270] {strides = array<i32>} : memref<4112xi32, #tpu.memory_space<vmem>>, vector<16xi32>,
            %get3A_272 = arith.index_cast %mul3A_265 : i32 to index
            %get3A_273 = tpu.vector_load %arg9[%get3A_272] {strides = array<i32>} : memref<4096xf32, #tpu.memory_space<vmem>>, vector<16xf32>,
            %exp3A = math.exp %get3A_273 : vector<16xf32>
            %mul3A_274 = arith.constant 2 : i32
            %mul3A_275 = arith.muli %mul3A_274, %mul3A_265 : i32
            %jit3A_276 = arith.constant 128 : i32
            %eq3A_277 = arith.constant 0 : i32
            %eq3A_278 = arith.cmpi eq, %jit3A_276, %eq3A_277 : i32
            %jit3A_279 = arith.constant 1 : i32
            %select_n3A_280 = arith.select %eq3A_278, %jit3A_279, %jit3A_276 : i32
            %rem3A_281 = arith.remsi %mul3A_265, %select_n3A_280 : i32
            %ne3A_282 = arith.constant 0 : i32
            %ne3A_283 = arith.cmpi ne, %rem3A_281, %ne3A_282 : i32
            %lt3A_284 = arith.constant 0 : i32
            %lt3A_285 = arith.cmpi slt, %rem3A_281, %lt3A_284 : i32
            %lt3A_286 = arith.constant 0 : i32
            %lt3A_287 = arith.cmpi slt, %select_n3A_280, %lt3A_286 : i32
            %ne3A_288 = arith.xori %lt3A_285, %lt3A_287 : i1
            %and3A_289 = arith.andi %ne3A_288, %ne3A_283 : i1
            %add3A_290 = arith.addi %rem3A_281, %select_n3A_280 : i32
            %select_n3A_291 = arith.select %and3A_289, %add3A_290, %rem3A_281 : i32
            %sub3A_292 = arith.subi %mul3A_275, %select_n3A_291 : i32
            %get3A_293 = arith.index_cast %sub3A_292 : i32 to index
            %get3A_294 = tpu.vector_load %arg10[%get3A_293] {strides = array<i32>} : memref<8192xf32, #tpu.memory_space<vmem>>, vector<16xf32>,
            %add3A_295 = arith.constant 128 : i32
            %add3A_296 = arith.addi %sub3A_292, %add3A_295 : i32
            %get3A_297 = arith.index_cast %add3A_296 : i32 to index
            %get3A_298 = tpu.vector_load %arg10[%get3A_297] {strides = array<i32>} : memref<8192xf32, #tpu.memory_space<vmem>>, vector<16xf32>,
            %broadcast_in_dim3A_299 = arith.constant true
            %broadcast_in_dim3A_300 = vector.broadcast %broadcast_in_dim3A_299 : i1 to vector<16xi1>
            %masked_cumsum3A = tpu.scan <sum>, %exp3A masked %broadcast_in_dim3A_300 : vector<16xf32>, vector<16xi1> -> vector<16xf32>
            %mul3A_301 = arith.mulf %exp3A, %get3A_294 : vector<16xf32>
            %broadcast_in_dim3A_302 = arith.constant true
            %broadcast_in_dim3A_303 = vector.broadcast %broadcast_in_dim3A_302 : i1 to vector<16xi1>
            %masked_cumsum3A_304 = tpu.scan <sum>, %mul3A_301 masked %broadcast_in_dim3A_303 : vector<16xf32>, vector<16xi1> -> vector<16xf32>
            %mul3A_305 = arith.mulf %exp3A, %get3A_298 : vector<16xf32>
            %broadcast_in_dim3A_306 = arith.constant true
            %broadcast_in_dim3A_307 = vector.broadcast %broadcast_in_dim3A_306 : i1 to vector<16xi1>
            %masked_cumsum3A_308 = tpu.scan <sum>, %mul3A_305 masked %broadcast_in_dim3A_307 : vector<16xf32>, vector<16xi1> -> vector<16xf32>
            %ne3A_309 = arith.cmpi ne, %get3A_267, %get3A_271 : vector<16xi32>
            %sub3A_310 = vector.broadcast %mul3A_24 : i32 to vector<16xi32>
            %sub3A_311 = arith.subi %get3A_267, %sub3A_310 : vector<16xi32>
            %sub3A_312 = vector.broadcast %mul3A_24 : i32 to vector<16xi32>
            %sub3A_313 = arith.subi %get3A_271, %sub3A_312 : vector<16xi32>
            %or3A = arith.ori %ne3A_309, %eq3A_112 : vector<16xi1>
            %and3A_314 = arith.andi %ne3A_309, %not3A_113 : vector<16xi1>
            tpu.vector_store_idx %arg24[%sub3A_311], %masked_cumsum3A masked %or3A {add = true} : memref<3200xf32, #tpu.memory_space<vmem>>[vector<16xi32>], vector<16xf32>, vector<16xi1>
            tpu.vector_store_idx %arg25[%sub3A_311], %masked_cumsum3A_304 masked %or3A {add = true} : memref<3200xf32, #tpu.memory_space<vmem>>[vector<16xi32>], vector<16xf32>, vector<16xi1>
            tpu.vector_store_idx %arg26[%sub3A_311], %masked_cumsum3A_308 masked %or3A {add = true} : memref<3200xf32, #tpu.memory_space<vmem>>[vector<16xi32>], vector<16xf32>, vector<16xi1>
            %neg3A = arith.constant 0.000000e+00 : f32
            %neg3A_315 = vector.broadcast %neg3A : f32 to vector<16xf32>
            %neg3A_316 = arith.subf %neg3A_315, %masked_cumsum3A : vector<16xf32>
            tpu.vector_store_idx %arg24[%sub3A_313], %neg3A_316 masked %and3A_314 {add = true} : memref<3200xf32, #tpu.memory_space<vmem>>[vector<16xi32>], vector<16xf32>, vector<16xi1>
            %neg3A_317 = arith.constant 0.000000e+00 : f32
            %neg3A_318 = vector.broadcast %neg3A_317 : f32 to vector<16xf32>
            %neg3A_319 = arith.subf %neg3A_318, %masked_cumsum3A_304 : vector<16xf32>
            tpu.vector_store_idx %arg25[%sub3A_313], %neg3A_319 masked %and3A_314 {add = true} : memref<3200xf32, #tpu.memory_space<vmem>>[vector<16xi32>], vector<16xf32>, vector<16xi1>
            %neg3A_320 = arith.constant 0.000000e+00 : f32
            %neg3A_321 = vector.broadcast %neg3A_320 : f32 to vector<16xf32>
            %neg3A_322 = arith.subf %neg3A_321, %masked_cumsum3A_308 : vector<16xf32>
            tpu.vector_store_idx %arg26[%sub3A_313], %neg3A_322 masked %and3A_314 {add = true} : memref<3200xf32, #tpu.memory_space<vmem>>[vector<16xi32>], vector<16xf32>, vector<16xi1>
            %scan3A_323 = arith.constant 0 : i32
            %scan3A_324 = arith.constant 1 : i32
            %scan3A_325 = arith.addi %scan3A_262, %scan3A_324 : i32
            %mul3A_326 = arith.constant 16 : i32
            %mul3A_327 = arith.muli %scan3A_325, %mul3A_326 : i32
            %get3A_328 = arith.index_cast %mul3A_327 : i32 to index
            %get3A_329 = tpu.vector_load %arg8[%get3A_328] {strides = array<i32>} : memref<4112xi32, #tpu.memory_space<vmem>>, vector<16xi32>,
            %add3A_330 = arith.constant 1 : i32
            %add3A_331 = arith.addi %mul3A_327, %add3A_330 : i32
            %get3A_332 = arith.index_cast %add3A_331 : i32 to index
            %get3A_333 = tpu.vector_load %arg8[%get3A_332] {strides = array<i32>} : memref<4112xi32, #tpu.memory_space<vmem>>, vector<16xi32>,
            %get3A_334 = arith.index_cast %mul3A_327 : i32 to index
            %get3A_335 = tpu.vector_load %arg9[%get3A_334] {strides = array<i32>} : memref<4096xf32, #tpu.memory_space<vmem>>, vector<16xf32>,
            %exp3A_336 = math.exp %get3A_335 : vector<16xf32>
            %mul3A_337 = arith.constant 2 : i32
            %mul3A_338 = arith.muli %mul3A_337, %mul3A_327 : i32
            %jit3A_339 = arith.constant 128 : i32
            %eq3A_340 = arith.constant 0 : i32
            %eq3A_341 = arith.cmpi eq, %jit3A_339, %eq3A_340 : i32
            %jit3A_342 = arith.constant 1 : i32
            %select_n3A_343 = arith.select %eq3A_341, %jit3A_342, %jit3A_339 : i32
            %rem3A_344 = arith.remsi %mul3A_327, %select_n3A_343 : i32
            %ne3A_345 = arith.constant 0 : i32
            %ne3A_346 = arith.cmpi ne, %rem3A_344, %ne3A_345 : i32
            %lt3A_347 = arith.constant 0 : i32
            %lt3A_348 = arith.cmpi slt, %rem3A_344, %lt3A_347 : i32
            %lt3A_349 = arith.constant 0 : i32
            %lt3A_350 = arith.cmpi slt, %select_n3A_343, %lt3A_349 : i32
            %ne3A_351 = arith.xori %lt3A_348, %lt3A_350 : i1
            %and3A_352 = arith.andi %ne3A_351, %ne3A_346 : i1
            %add3A_353 = arith.addi %rem3A_344, %select_n3A_343 : i32
            %select_n3A_354 = arith.select %and3A_352, %add3A_353, %rem3A_344 : i32
            %sub3A_355 = arith.subi %mul3A_338, %select_n3A_354 : i32
            %get3A_356 = arith.index_cast %sub3A_355 : i32 to index
            %get3A_357 = tpu.vector_load %arg10[%get3A_356] {strides = array<i32>} : memref<8192xf32, #tpu.memory_space<vmem>>, vector<16xf32>,
            %add3A_358 = arith.constant 128 : i32
            %add3A_359 = arith.addi %sub3A_355, %add3A_358 : i32
            %get3A_360 = arith.index_cast %add3A_359 : i32 to index
            %get3A_361 = tpu.vector_load %arg10[%get3A_360] {strides = array<i32>} : memref<8192xf32, #tpu.memory_space<vmem>>, vector<16xf32>,
            %broadcast_in_dim3A_362 = arith.constant true
            %broadcast_in_dim3A_363 = vector.broadcast %broadcast_in_dim3A_362 : i1 to vector<16xi1>
            %masked_cumsum3A_364 = tpu.scan <sum>, %exp3A_336 masked %broadcast_in_dim3A_363 : vector<16xf32>, vector<16xi1> -> vector<16xf32>
            %mul3A_365 = arith.mulf %exp3A_336, %get3A_357 : vector<16xf32>
            %broadcast_in_dim3A_366 = arith.constant true
            %broadcast_in_dim3A_367 = vector.broadcast %broadcast_in_dim3A_366 : i1 to vector<16xi1>
            %masked_cumsum3A_368 = tpu.scan <sum>, %mul3A_365 masked %broadcast_in_dim3A_367 : vector<16xf32>, vector<16xi1> -> vector<16xf32>
            %mul3A_369 = arith.mulf %exp3A_336, %get3A_361 : vector<16xf32>
            %broadcast_in_dim3A_370 = arith.constant true
            %broadcast_in_dim3A_371 = vector.broadcast %broadcast_in_dim3A_370 : i1 to vector<16xi1>
            %masked_cumsum3A_372 = tpu.scan <sum>, %mul3A_369 masked %broadcast_in_dim3A_371 : vector<16xf32>, vector<16xi1> -> vector<16xf32>
            %ne3A_373 = arith.cmpi ne, %get3A_329, %get3A_333 : vector<16xi32>
            %sub3A_374 = vector.broadcast %mul3A_24 : i32 to vector<16xi32>
            %sub3A_375 = arith.subi %get3A_329, %sub3A_374 : vector<16xi32>
            %sub3A_376 = vector.broadcast %mul3A_24 : i32 to vector<16xi32>
            %sub3A_377 = arith.subi %get3A_333, %sub3A_376 : vector<16xi32>
            %or3A_378 = arith.ori %ne3A_373, %eq3A_112 : vector<16xi1>
            %and3A_379 = arith.andi %ne3A_373, %not3A_113 : vector<16xi1>
            tpu.vector_store_idx %arg24[%sub3A_375], %masked_cumsum3A_364 masked %or3A_378 {add = true} : memref<3200xf32, #tpu.memory_space<vmem>>[vector<16xi32>], vector<16xf32>, vector<16xi1>
            tpu.vector_store_idx %arg25[%sub3A_375], %masked_cumsum3A_368 masked %or3A_378 {add = true} : memref<3200xf32, #tpu.memory_space<vmem>>[vector<16xi32>], vector<16xf32>, vector<16xi1>
            tpu.vector_store_idx %arg26[%sub3A_375], %masked_cumsum3A_372 masked %or3A_378 {add = true} : memref<3200xf32, #tpu.memory_space<vmem>>[vector<16xi32>], vector<16xf32>, vector<16xi1>
            %neg3A_380 = arith.constant 0.000000e+00 : f32
            %neg3A_381 = vector.broadcast %neg3A_380 : f32 to vector<16xf32>
            %neg3A_382 = arith.subf %neg3A_381, %masked_cumsum3A_364 : vector<16xf32>
            tpu.vector_store_idx %arg24[%sub3A_377], %neg3A_382 masked %and3A_379 {add = true} : memref<3200xf32, #tpu.memory_space<vmem>>[vector<16xi32>], vector<16xf32>, vector<16xi1>
            %neg3A_383 = arith.constant 0.000000e+00 : f32
            %neg3A_384 = vector.broadcast %neg3A_383 : f32 to vector<16xf32>
            %neg3A_385 = arith.subf %neg3A_384, %masked_cumsum3A_368 : vector<16xf32>
            tpu.vector_store_idx %arg25[%sub3A_377], %neg3A_385 masked %and3A_379 {add = true} : memref<3200xf32, #tpu.memory_space<vmem>>[vector<16xi32>], vector<16xf32>, vector<16xi1>
            %neg3A_386 = arith.constant 0.000000e+00 : f32
            %neg3A_387 = vector.broadcast %neg3A_386 : f32 to vector<16xf32>
            %neg3A_388 = arith.subf %neg3A_387, %masked_cumsum3A_372 : vector<16xf32>
            tpu.vector_store_idx %arg26[%sub3A_377], %neg3A_388 masked %and3A_379 {add = true} : memref<3200xf32, #tpu.memory_space<vmem>>[vector<16xi32>], vector<16xf32>, vector<16xi1>
            %scan3A_389 = arith.constant 0 : i32
            %scan3A_390 = arith.constant 2 : i32
            %scan3A_391 = arith.addi %scan3A_262, %scan3A_390 : i32
            %mul3A_392 = arith.constant 16 : i32
            %mul3A_393 = arith.muli %scan3A_391, %mul3A_392 : i32
            %get3A_394 = arith.index_cast %mul3A_393 : i32 to index
            %get3A_395 = tpu.vector_load %arg8[%get3A_394] {strides = array<i32>} : memref<4112xi32, #tpu.memory_space<vmem>>, vector<16xi32>,
            %add3A_396 = arith.constant 1 : i32
            %add3A_397 = arith.addi %mul3A_393, %add3A_396 : i32
            %get3A_398 = arith.index_cast %add3A_397 : i32 to index
            %get3A_399 = tpu.vector_load %arg8[%get3A_398] {strides = array<i32>} : memref<4112xi32, #tpu.memory_space<vmem>>, vector<16xi32>,
            %get3A_400 = arith.index_cast %mul3A_393 : i32 to index
            %get3A_401 = tpu.vector_load %arg9[%get3A_400] {strides = array<i32>} : memref<4096xf32, #tpu.memory_space<vmem>>, vector<16xf32>,
            %exp3A_402 = math.exp %get3A_401 : vector<16xf32>
            %mul3A_403 = arith.constant 2 : i32
            %mul3A_404 = arith.muli %mul3A_403, %mul3A_393 : i32
            %jit3A_405 = arith.constant 128 : i32
            %eq3A_406 = arith.constant 0 : i32
            %eq3A_407 = arith.cmpi eq, %jit3A_405, %eq3A_406 : i32
            %jit3A_408 = arith.constant 1 : i32
            %select_n3A_409 = arith.select %eq3A_407, %jit3A_408, %jit3A_405 : i32
            %rem3A_410 = arith.remsi %mul3A_393, %select_n3A_409 : i32
            %ne3A_411 = arith.constant 0 : i32
            %ne3A_412 = arith.cmpi ne, %rem3A_410, %ne3A_411 : i32
            %lt3A_413 = arith.constant 0 : i32
            %lt3A_414 = arith.cmpi slt, %rem3A_410, %lt3A_413 : i32
            %lt3A_415 = arith.constant 0 : i32
            %lt3A_416 = arith.cmpi slt, %select_n3A_409, %lt3A_415 : i32
            %ne3A_417 = arith.xori %lt3A_414, %lt3A_416 : i1
            %and3A_418 = arith.andi %ne3A_417, %ne3A_412 : i1
            %add3A_419 = arith.addi %rem3A_410, %select_n3A_409 : i32
            %select_n3A_420 = arith.select %and3A_418, %add3A_419, %rem3A_410 : i32
            %sub3A_421 = arith.subi %mul3A_404, %select_n3A_420 : i32
            %get3A_422 = arith.index_cast %sub3A_421 : i32 to index
            %get3A_423 = tpu.vector_load %arg10[%get3A_422] {strides = array<i32>} : memref<8192xf32, #tpu.memory_space<vmem>>, vector<16xf32>,
            %add3A_424 = arith.constant 128 : i32
            %add3A_425 = arith.addi %sub3A_421, %add3A_424 : i32
            %get3A_426 = arith.index_cast %add3A_425 : i32 to index
            %get3A_427 = tpu.vector_load %arg10[%get3A_426] {strides = array<i32>} : memref<8192xf32, #tpu.memory_space<vmem>>, vector<16xf32>,
            %broadcast_in_dim3A_428 = arith.constant true
            %broadcast_in_dim3A_429 = vector.broadcast %broadcast_in_dim3A_428 : i1 to vector<16xi1>
            %masked_cumsum3A_430 = tpu.scan <sum>, %exp3A_402 masked %broadcast_in_dim3A_429 : vector<16xf32>, vector<16xi1> -> vector<16xf32>
            %mul3A_431 = arith.mulf %exp3A_402, %get3A_423 : vector<16xf32>
            %broadcast_in_dim3A_432 = arith.constant true
            %broadcast_in_dim3A_433 = vector.broadcast %broadcast_in_dim3A_432 : i1 to vector<16xi1>
            %masked_cumsum3A_434 = tpu.scan <sum>, %mul3A_431 masked %broadcast_in_dim3A_433 : vector<16xf32>, vector<16xi1> -> vector<16xf32>
            %mul3A_435 = arith.mulf %exp3A_402, %get3A_427 : vector<16xf32>
            %broadcast_in_dim3A_436 = arith.constant true
            %broadcast_in_dim3A_437 = vector.broadcast %broadcast_in_dim3A_436 : i1 to vector<16xi1>
            %masked_cumsum3A_438 = tpu.scan <sum>, %mul3A_435 masked %broadcast_in_dim3A_437 : vector<16xf32>, vector<16xi1> -> vector<16xf32>
            %ne3A_439 = arith.cmpi ne, %get3A_395, %get3A_399 : vector<16xi32>
            %sub3A_440 = vector.broadcast %mul3A_24 : i32 to vector<16xi32>
            %sub3A_441 = arith.subi %get3A_395, %sub3A_440 : vector<16xi32>
            %sub3A_442 = vector.broadcast %mul3A_24 : i32 to vector<16xi32>
            %sub3A_443 = arith.subi %get3A_399, %sub3A_442 : vector<16xi32>
            %or3A_444 = arith.ori %ne3A_439, %eq3A_112 : vector<16xi1>
            %and3A_445 = arith.andi %ne3A_439, %not3A_113 : vector<16xi1>
            tpu.vector_store_idx %arg24[%sub3A_441], %masked_cumsum3A_430 masked %or3A_444 {add = true} : memref<3200xf32, #tpu.memory_space<vmem>>[vector<16xi32>], vector<16xf32>, vector<16xi1>
            tpu.vector_store_idx %arg25[%sub3A_441], %masked_cumsum3A_434 masked %or3A_444 {add = true} : memref<3200xf32, #tpu.memory_space<vmem>>[vector<16xi32>], vector<16xf32>, vector<16xi1>
            tpu.vector_store_idx %arg26[%sub3A_441], %masked_cumsum3A_438 masked %or3A_444 {add = true} : memref<3200xf32, #tpu.memory_space<vmem>>[vector<16xi32>], vector<16xf32>, vector<16xi1>
            %neg3A_446 = arith.constant 0.000000e+00 : f32
            %neg3A_447 = vector.broadcast %neg3A_446 : f32 to vector<16xf32>
            %neg3A_448 = arith.subf %neg3A_447, %masked_cumsum3A_430 : vector<16xf32>
            tpu.vector_store_idx %arg24[%sub3A_443], %neg3A_448 masked %and3A_445 {add = true} : memref<3200xf32, #tpu.memory_space<vmem>>[vector<16xi32>], vector<16xf32>, vector<16xi1>
            %neg3A_449 = arith.constant 0.000000e+00 : f32
            %neg3A_450 = vector.broadcast %neg3A_449 : f32 to vector<16xf32>
            %neg3A_451 = arith.subf %neg3A_450, %masked_cumsum3A_434 : vector<16xf32>
            tpu.vector_store_idx %arg25[%sub3A_443], %neg3A_451 masked %and3A_445 {add = true} : memref<3200xf32, #tpu.memory_space<vmem>>[vector<16xi32>], vector<16xf32>, vector<16xi1>
            %neg3A_452 = arith.constant 0.000000e+00 : f32
            %neg3A_453 = vector.broadcast %neg3A_452 : f32 to vector<16xf32>
            %neg3A_454 = arith.subf %neg3A_453, %masked_cumsum3A_438 : vector<16xf32>
            tpu.vector_store_idx %arg26[%sub3A_443], %neg3A_454 masked %and3A_445 {add = true} : memref<3200xf32, #tpu.memory_space<vmem>>[vector<16xi32>], vector<16xf32>, vector<16xi1>
            %scan3A_455 = arith.constant 0 : i32
            %scan3A_456 = arith.constant 3 : i32
            %scan3A_457 = arith.addi %scan3A_262, %scan3A_456 : i32
            %mul3A_458 = arith.constant 16 : i32
            %mul3A_459 = arith.muli %scan3A_457, %mul3A_458 : i32
            %get3A_460 = arith.index_cast %mul3A_459 : i32 to index
            %get3A_461 = tpu.vector_load %arg8[%get3A_460] {strides = array<i32>} : memref<4112xi32, #tpu.memory_space<vmem>>, vector<16xi32>,
            %add3A_462 = arith.constant 1 : i32
            %add3A_463 = arith.addi %mul3A_459, %add3A_462 : i32
            %get3A_464 = arith.index_cast %add3A_463 : i32 to index
            %get3A_465 = tpu.vector_load %arg8[%get3A_464] {strides = array<i32>} : memref<4112xi32, #tpu.memory_space<vmem>>, vector<16xi32>,
            %get3A_466 = arith.index_cast %mul3A_459 : i32 to index
            %get3A_467 = tpu.vector_load %arg9[%get3A_466] {strides = array<i32>} : memref<4096xf32, #tpu.memory_space<vmem>>, vector<16xf32>,
            %exp3A_468 = math.exp %get3A_467 : vector<16xf32>
            %mul3A_469 = arith.constant 2 : i32
            %mul3A_470 = arith.muli %mul3A_469, %mul3A_459 : i32
            %jit3A_471 = arith.constant 128 : i32
            %eq3A_472 = arith.constant 0 : i32
            %eq3A_473 = arith.cmpi eq, %jit3A_471, %eq3A_472 : i32
            %jit3A_474 = arith.constant 1 : i32
            %select_n3A_475 = arith.select %eq3A_473, %jit3A_474, %jit3A_471 : i32
            %rem3A_476 = arith.remsi %mul3A_459, %select_n3A_475 : i32
            %ne3A_477 = arith.constant 0 : i32
            %ne3A_478 = arith.cmpi ne, %rem3A_476, %ne3A_477 : i32
            %lt3A_479 = arith.constant 0 : i32
            %lt3A_480 = arith.cmpi slt, %rem3A_476, %lt3A_479 : i32
            %lt3A_481 = arith.constant 0 : i32
            %lt3A_482 = arith.cmpi slt, %select_n3A_475, %lt3A_481 : i32
            %ne3A_483 = arith.xori %lt3A_480, %lt3A_482 : i1
            %and3A_484 = arith.andi %ne3A_483, %ne3A_478 : i1
            %add3A_485 = arith.addi %rem3A_476, %select_n3A_475 : i32
            %select_n3A_486 = arith.select %and3A_484, %add3A_485, %rem3A_476 : i32
            %sub3A_487 = arith.subi %mul3A_470, %select_n3A_486 : i32
            %get3A_488 = arith.index_cast %sub3A_487 : i32 to index
            %get3A_489 = tpu.vector_load %arg10[%get3A_488] {strides = array<i32>} : memref<8192xf32, #tpu.memory_space<vmem>>, vector<16xf32>,
            %add3A_490 = arith.constant 128 : i32
            %add3A_491 = arith.addi %sub3A_487, %add3A_490 : i32
            %get3A_492 = arith.index_cast %add3A_491 : i32 to index
            %get3A_493 = tpu.vector_load %arg10[%get3A_492] {strides = array<i32>} : memref<8192xf32, #tpu.memory_space<vmem>>, vector<16xf32>,
            %broadcast_in_dim3A_494 = arith.constant true
            %broadcast_in_dim3A_495 = vector.broadcast %broadcast_in_dim3A_494 : i1 to vector<16xi1>
            %masked_cumsum3A_496 = tpu.scan <sum>, %exp3A_468 masked %broadcast_in_dim3A_495 : vector<16xf32>, vector<16xi1> -> vector<16xf32>
            %mul3A_497 = arith.mulf %exp3A_468, %get3A_489 : vector<16xf32>
            %broadcast_in_dim3A_498 = arith.constant true
            %broadcast_in_dim3A_499 = vector.broadcast %broadcast_in_dim3A_498 : i1 to vector<16xi1>
            %masked_cumsum3A_500 = tpu.scan <sum>, %mul3A_497 masked %broadcast_in_dim3A_499 : vector<16xf32>, vector<16xi1> -> vector<16xf32>
            %mul3A_501 = arith.mulf %exp3A_468, %get3A_493 : vector<16xf32>
            %broadcast_in_dim3A_502 = arith.constant true
            %broadcast_in_dim3A_503 = vector.broadcast %broadcast_in_dim3A_502 : i1 to vector<16xi1>
            %masked_cumsum3A_504 = tpu.scan <sum>, %mul3A_501 masked %broadcast_in_dim3A_503 : vector<16xf32>, vector<16xi1> -> vector<16xf32>
            %ne3A_505 = arith.cmpi ne, %get3A_461, %get3A_465 : vector<16xi32>
            %sub3A_506 = vector.broadcast %mul3A_24 : i32 to vector<16xi32>
            %sub3A_507 = arith.subi %get3A_461, %sub3A_506 : vector<16xi32>
            %sub3A_508 = vector.broadcast %mul3A_24 : i32 to vector<16xi32>
            %sub3A_509 = arith.subi %get3A_465, %sub3A_508 : vector<16xi32>
            %or3A_510 = arith.ori %ne3A_505, %eq3A_112 : vector<16xi1>
            %and3A_511 = arith.andi %ne3A_505, %not3A_113 : vector<16xi1>
            tpu.vector_store_idx %arg24[%sub3A_507], %masked_cumsum3A_496 masked %or3A_510 {add = true} : memref<3200xf32, #tpu.memory_space<vmem>>[vector<16xi32>], vector<16xf32>, vector<16xi1>
            tpu.vector_store_idx %arg25[%sub3A_507], %masked_cumsum3A_500 masked %or3A_510 {add = true} : memref<3200xf32, #tpu.memory_space<vmem>>[vector<16xi32>], vector<16xf32>, vector<16xi1>
            tpu.vector_store_idx %arg26[%sub3A_507], %masked_cumsum3A_504 masked %or3A_510 {add = true} : memref<3200xf32, #tpu.memory_space<vmem>>[vector<16xi32>], vector<16xf32>, vector<16xi1>
            %neg3A_512 = arith.constant 0.000000e+00 : f32
            %neg3A_513 = vector.broadcast %neg3A_512 : f32 to vector<16xf32>
            %neg3A_514 = arith.subf %neg3A_513, %masked_cumsum3A_496 : vector<16xf32>
            tpu.vector_store_idx %arg24[%sub3A_509], %neg3A_514 masked %and3A_511 {add = true} : memref<3200xf32, #tpu.memory_space<vmem>>[vector<16xi32>], vector<16xf32>, vector<16xi1>
            %neg3A_515 = arith.constant 0.000000e+00 : f32
            %neg3A_516 = vector.broadcast %neg3A_515 : f32 to vector<16xf32>
            %neg3A_517 = arith.subf %neg3A_516, %masked_cumsum3A_500 : vector<16xf32>
            tpu.vector_store_idx %arg25[%sub3A_509], %neg3A_517 masked %and3A_511 {add = true} : memref<3200xf32, #tpu.memory_space<vmem>>[vector<16xi32>], vector<16xf32>, vector<16xi1>
            %neg3A_518 = arith.constant 0.000000e+00 : f32
            %neg3A_519 = vector.broadcast %neg3A_518 : f32 to vector<16xf32>
            %neg3A_520 = arith.subf %neg3A_519, %masked_cumsum3A_504 : vector<16xf32>
            tpu.vector_store_idx %arg26[%sub3A_509], %neg3A_520 masked %and3A_511 {add = true} : memref<3200xf32, #tpu.memory_space<vmem>>[vector<16xi32>], vector<16xf32>, vector<16xi1>
            %scan3A_521 = arith.constant 0 : i32
            scf.yield %scan3A_521 : i32
          }
          %scan3A_261 = arith.constant 256 : i32
        } else {
        }
        %not3A_250 = arith.constant true
        %not3A_251 = arith.xori %and3A_246, %not3A_250 : i1
        %convert_element_type3A_252 = arith.extui %not3A_251 : i1 to i32
        %cond3A_253 = arith.constant 0 : i32
        %cond3A_254 = arith.cmpi ne, %convert_element_type3A_252, %cond3A_253 : i32
        scf.if %cond3A_254 {
          %scan3A_255 = arith.constant 0 : i32
          %scan3A_256 = arith.constant 0 : i32
          %scan3A_257 = arith.constant 256 : i32
          %scan3A_258 = arith.addi %scan3A_256, %scan3A_257 : i32
          %scan3A_259 = arith.constant 2 : i32
          %scan3A_260 = scf.for %scan3A_262 = %scan3A_256 to %scan3A_258 step %scan3A_259 iter_args(%scan3A_263 = %scan3A_255) -> (i32)  : i32 {
            %mul3A_264 = arith.constant 16 : i32
            %mul3A_265 = arith.muli %scan3A_262, %mul3A_264 : i32
            %get3A_266 = arith.index_cast %mul3A_265 : i32 to index
            %get3A_267 = tpu.vector_load %arg8[%get3A_266] {strides = array<i32>} : memref<4112xi32, #tpu.memory_space<vmem>>, vector<16xi32>,
            %add3A_268 = arith.constant 1 : i32
            %add3A_269 = arith.addi %mul3A_265, %add3A_268 : i32
            %get3A_270 = arith.index_cast %add3A_269 : i32 to index
            %get3A_271 = tpu.vector_load %arg8[%get3A_270] {strides = array<i32>} : memref<4112xi32, #tpu.memory_space<vmem>>, vector<16xi32>,
            %add3A_272 = arith.addi %multiple_of3A, %mul3A_265 : i32
            %add3A_273 = vector.broadcast %add3A_272 : i32 to vector<16xi32>
            %add3A_274 = arith.addi %add3A_273, %iota3A : vector<16xi32>
            %ge3A_275 = vector.broadcast %add3A_234 : i32 to vector<16xi32>
            %ge3A_276 = arith.cmpi sge, %add3A_274, %ge3A_275 : vector<16xi32>
            %lt3A_277 = vector.broadcast %min3A_88 : i32 to vector<16xi32>
            %lt3A_278 = arith.cmpi slt, %add3A_274, %lt3A_277 : vector<16xi32>
            %and3A_279 = arith.andi %ge3A_276, %lt3A_278 : vector<16xi1>
            %get3A_280 = arith.index_cast %mul3A_265 : i32 to index
            %get3A_281 = tpu.vector_load %arg9[%get3A_280] {strides = array<i32>} : memref<4096xf32, #tpu.memory_space<vmem>>, vector<16xf32>,
            %exp3A = math.exp %get3A_281 : vector<16xf32>
            %jit3A_282 = arith.constant 0.000000e+00 : f32
            %broadcast_in_dim3A_283 = vector.broadcast %jit3A_282 : f32 to vector<16xf32>
            %select_n3A_284 = arith.select %and3A_279, %exp3A, %broadcast_in_dim3A_283 : vector<16xi1>, vector<16xf32>
            %mul3A_285 = arith.constant 2 : i32
            %mul3A_286 = arith.muli %mul3A_285, %mul3A_265 : i32
            %jit3A_287 = arith.constant 128 : i32
            %eq3A_288 = arith.constant 0 : i32
            %eq3A_289 = arith.cmpi eq, %jit3A_287, %eq3A_288 : i32
            %jit3A_290 = arith.constant 1 : i32
            %select_n3A_291 = arith.select %eq3A_289, %jit3A_290, %jit3A_287 : i32
            %rem3A_292 = arith.remsi %mul3A_265, %select_n3A_291 : i32
            %ne3A_293 = arith.constant 0 : i32
            %ne3A_294 = arith.cmpi ne, %rem3A_292, %ne3A_293 : i32
            %lt3A_295 = arith.constant 0 : i32
            %lt3A_296 = arith.cmpi slt, %rem3A_292, %lt3A_295 : i32
            %lt3A_297 = arith.constant 0 : i32
            %lt3A_298 = arith.cmpi slt, %select_n3A_291, %lt3A_297 : i32
            %ne3A_299 = arith.xori %lt3A_296, %lt3A_298 : i1
            %and3A_300 = arith.andi %ne3A_299, %ne3A_294 : i1
            %add3A_301 = arith.addi %rem3A_292, %select_n3A_291 : i32
            %select_n3A_302 = arith.select %and3A_300, %add3A_301, %rem3A_292 : i32
            %sub3A_303 = arith.subi %mul3A_286, %select_n3A_302 : i32
            %get3A_304 = arith.index_cast %sub3A_303 : i32 to index
            %get3A_305 = tpu.vector_load %arg10[%get3A_304] {strides = array<i32>} : memref<8192xf32, #tpu.memory_space<vmem>>, vector<16xf32>,
            %add3A_306 = arith.constant 128 : i32
            %add3A_307 = arith.addi %sub3A_303, %add3A_306 : i32
            %get3A_308 = arith.index_cast %add3A_307 : i32 to index
            %get3A_309 = tpu.vector_load %arg10[%get3A_308] {strides = array<i32>} : memref<8192xf32, #tpu.memory_space<vmem>>, vector<16xf32>,
            %broadcast_in_dim3A_310 = arith.constant true
            %broadcast_in_dim3A_311 = vector.broadcast %broadcast_in_dim3A_310 : i1 to vector<16xi1>
            %masked_cumsum3A = tpu.scan <sum>, %select_n3A_284 masked %broadcast_in_dim3A_311 : vector<16xf32>, vector<16xi1> -> vector<16xf32>
            %mul3A_312 = arith.mulf %select_n3A_284, %get3A_305 : vector<16xf32>
            %broadcast_in_dim3A_313 = arith.constant true
            %broadcast_in_dim3A_314 = vector.broadcast %broadcast_in_dim3A_313 : i1 to vector<16xi1>
            %masked_cumsum3A_315 = tpu.scan <sum>, %mul3A_312 masked %broadcast_in_dim3A_314 : vector<16xf32>, vector<16xi1> -> vector<16xf32>
            %mul3A_316 = arith.mulf %select_n3A_284, %get3A_309 : vector<16xf32>
            %broadcast_in_dim3A_317 = arith.constant true
            %broadcast_in_dim3A_318 = vector.broadcast %broadcast_in_dim3A_317 : i1 to vector<16xi1>
            %masked_cumsum3A_319 = tpu.scan <sum>, %mul3A_316 masked %broadcast_in_dim3A_318 : vector<16xf32>, vector<16xi1> -> vector<16xf32>
            %ne3A_320 = arith.cmpi ne, %get3A_267, %get3A_271 : vector<16xi32>
            %ge3A_321 = vector.broadcast %mul3A_24 : i32 to vector<16xi32>
            %ge3A_322 = arith.cmpi sge, %get3A_267, %ge3A_321 : vector<16xi32>
            %lt3A_323 = vector.broadcast %add3A_26 : i32 to vector<16xi32>
            %lt3A_324 = arith.cmpi slt, %get3A_267, %lt3A_323 : vector<16xi32>
            %and3A_325 = arith.andi %ge3A_322, %lt3A_324 : vector<16xi1>
            %ge3A_326 = vector.broadcast %mul3A_24 : i32 to vector<16xi32>
            %ge3A_327 = arith.cmpi sge, %get3A_271, %ge3A_326 : vector<16xi32>
            %lt3A_328 = vector.broadcast %add3A_26 : i32 to vector<16xi32>
            %lt3A_329 = arith.cmpi slt, %get3A_271, %lt3A_328 : vector<16xi32>
            %and3A_330 = arith.andi %ge3A_327, %lt3A_329 : vector<16xi1>
            %sub3A_331 = vector.broadcast %mul3A_24 : i32 to vector<16xi32>
            %sub3A_332 = arith.subi %get3A_267, %sub3A_331 : vector<16xi32>
            %sub3A_333 = vector.broadcast %mul3A_24 : i32 to vector<16xi32>
            %sub3A_334 = arith.subi %get3A_271, %sub3A_333 : vector<16xi32>
            %or3A = arith.ori %ne3A_320, %eq3A_112 : vector<16xi1>
            %and3A_335 = arith.andi %or3A, %and3A_325 : vector<16xi1>
            %and3A_336 = arith.andi %ne3A_320, %not3A_113 : vector<16xi1>
            %and3A_337 = arith.andi %and3A_336, %and3A_330 : vector<16xi1>
            tpu.vector_store_idx %arg24[%sub3A_332], %masked_cumsum3A masked %and3A_335 {add = true} : memref<3200xf32, #tpu.memory_space<vmem>>[vector<16xi32>], vector<16xf32>, vector<16xi1>
            tpu.vector_store_idx %arg25[%sub3A_332], %masked_cumsum3A_315 masked %and3A_335 {add = true} : memref<3200xf32, #tpu.memory_space<vmem>>[vector<16xi32>], vector<16xf32>, vector<16xi1>
            tpu.vector_store_idx %arg26[%sub3A_332], %masked_cumsum3A_319 masked %and3A_335 {add = true} : memref<3200xf32, #tpu.memory_space<vmem>>[vector<16xi32>], vector<16xf32>, vector<16xi1>
            %neg3A = arith.constant 0.000000e+00 : f32
            %neg3A_338 = vector.broadcast %neg3A : f32 to vector<16xf32>
            %neg3A_339 = arith.subf %neg3A_338, %masked_cumsum3A : vector<16xf32>
            tpu.vector_store_idx %arg24[%sub3A_334], %neg3A_339 masked %and3A_337 {add = true} : memref<3200xf32, #tpu.memory_space<vmem>>[vector<16xi32>], vector<16xf32>, vector<16xi1>
            %neg3A_340 = arith.constant 0.000000e+00 : f32
            %neg3A_341 = vector.broadcast %neg3A_340 : f32 to vector<16xf32>
            %neg3A_342 = arith.subf %neg3A_341, %masked_cumsum3A_315 : vector<16xf32>
            tpu.vector_store_idx %arg25[%sub3A_334], %neg3A_342 masked %and3A_337 {add = true} : memref<3200xf32, #tpu.memory_space<vmem>>[vector<16xi32>], vector<16xf32>, vector<16xi1>
            %neg3A_343 = arith.constant 0.000000e+00 : f32
            %neg3A_344 = vector.broadcast %neg3A_343 : f32 to vector<16xf32>
            %neg3A_345 = arith.subf %neg3A_344, %masked_cumsum3A_319 : vector<16xf32>
            tpu.vector_store_idx %arg26[%sub3A_334], %neg3A_345 masked %and3A_337 {add = true} : memref<3200xf32, #tpu.memory_space<vmem>>[vector<16xi32>], vector<16xf32>, vector<16xi1>
            %scan3A_346 = arith.constant 0 : i32
            %scan3A_347 = arith.constant 1 : i32
            %scan3A_348 = arith.addi %scan3A_262, %scan3A_347 : i32
            %mul3A_349 = arith.constant 16 : i32
            %mul3A_350 = arith.muli %scan3A_348, %mul3A_349 : i32
            %get3A_351 = arith.index_cast %mul3A_350 : i32 to index
            %get3A_352 = tpu.vector_load %arg8[%get3A_351] {strides = array<i32>} : memref<4112xi32, #tpu.memory_space<vmem>>, vector<16xi32>,
            %add3A_353 = arith.constant 1 : i32
            %add3A_354 = arith.addi %mul3A_350, %add3A_353 : i32
            %get3A_355 = arith.index_cast %add3A_354 : i32 to index
            %get3A_356 = tpu.vector_load %arg8[%get3A_355] {strides = array<i32>} : memref<4112xi32, #tpu.memory_space<vmem>>, vector<16xi32>,
            %add3A_357 = arith.addi %multiple_of3A, %mul3A_350 : i32
            %add3A_358 = vector.broadcast %add3A_357 : i32 to vector<16xi32>
            %add3A_359 = arith.addi %add3A_358, %iota3A : vector<16xi32>
            %ge3A_360 = vector.broadcast %add3A_234 : i32 to vector<16xi32>
            %ge3A_361 = arith.cmpi sge, %add3A_359, %ge3A_360 : vector<16xi32>
            %lt3A_362 = vector.broadcast %min3A_88 : i32 to vector<16xi32>
            %lt3A_363 = arith.cmpi slt, %add3A_359, %lt3A_362 : vector<16xi32>
            %and3A_364 = arith.andi %ge3A_361, %lt3A_363 : vector<16xi1>
            %get3A_365 = arith.index_cast %mul3A_350 : i32 to index
            %get3A_366 = tpu.vector_load %arg9[%get3A_365] {strides = array<i32>} : memref<4096xf32, #tpu.memory_space<vmem>>, vector<16xf32>,
            %exp3A_367 = math.exp %get3A_366 : vector<16xf32>
            %jit3A_368 = arith.constant 0.000000e+00 : f32
            %broadcast_in_dim3A_369 = vector.broadcast %jit3A_368 : f32 to vector<16xf32>
            %select_n3A_370 = arith.select %and3A_364, %exp3A_367, %broadcast_in_dim3A_369 : vector<16xi1>, vector<16xf32>
            %mul3A_371 = arith.constant 2 : i32
            %mul3A_372 = arith.muli %mul3A_371, %mul3A_350 : i32
            %jit3A_373 = arith.constant 128 : i32
            %eq3A_374 = arith.constant 0 : i32
            %eq3A_375 = arith.cmpi eq, %jit3A_373, %eq3A_374 : i32
            %jit3A_376 = arith.constant 1 : i32
            %select_n3A_377 = arith.select %eq3A_375, %jit3A_376, %jit3A_373 : i32
            %rem3A_378 = arith.remsi %mul3A_350, %select_n3A_377 : i32
            %ne3A_379 = arith.constant 0 : i32
            %ne3A_380 = arith.cmpi ne, %rem3A_378, %ne3A_379 : i32
            %lt3A_381 = arith.constant 0 : i32
            %lt3A_382 = arith.cmpi slt, %rem3A_378, %lt3A_381 : i32
            %lt3A_383 = arith.constant 0 : i32
            %lt3A_384 = arith.cmpi slt, %select_n3A_377, %lt3A_383 : i32
            %ne3A_385 = arith.xori %lt3A_382, %lt3A_384 : i1
            %and3A_386 = arith.andi %ne3A_385, %ne3A_380 : i1
            %add3A_387 = arith.addi %rem3A_378, %select_n3A_377 : i32
            %select_n3A_388 = arith.select %and3A_386, %add3A_387, %rem3A_378 : i32
            %sub3A_389 = arith.subi %mul3A_372, %select_n3A_388 : i32
            %get3A_390 = arith.index_cast %sub3A_389 : i32 to index
            %get3A_391 = tpu.vector_load %arg10[%get3A_390] {strides = array<i32>} : memref<8192xf32, #tpu.memory_space<vmem>>, vector<16xf32>,
            %add3A_392 = arith.constant 128 : i32
            %add3A_393 = arith.addi %sub3A_389, %add3A_392 : i32
            %get3A_394 = arith.index_cast %add3A_393 : i32 to index
            %get3A_395 = tpu.vector_load %arg10[%get3A_394] {strides = array<i32>} : memref<8192xf32, #tpu.memory_space<vmem>>, vector<16xf32>,
            %broadcast_in_dim3A_396 = arith.constant true
            %broadcast_in_dim3A_397 = vector.broadcast %broadcast_in_dim3A_396 : i1 to vector<16xi1>
            %masked_cumsum3A_398 = tpu.scan <sum>, %select_n3A_370 masked %broadcast_in_dim3A_397 : vector<16xf32>, vector<16xi1> -> vector<16xf32>
            %mul3A_399 = arith.mulf %select_n3A_370, %get3A_391 : vector<16xf32>
            %broadcast_in_dim3A_400 = arith.constant true
            %broadcast_in_dim3A_401 = vector.broadcast %broadcast_in_dim3A_400 : i1 to vector<16xi1>
            %masked_cumsum3A_402 = tpu.scan <sum>, %mul3A_399 masked %broadcast_in_dim3A_401 : vector<16xf32>, vector<16xi1> -> vector<16xf32>
            %mul3A_403 = arith.mulf %select_n3A_370, %get3A_395 : vector<16xf32>
            %broadcast_in_dim3A_404 = arith.constant true
            %broadcast_in_dim3A_405 = vector.broadcast %broadcast_in_dim3A_404 : i1 to vector<16xi1>
            %masked_cumsum3A_406 = tpu.scan <sum>, %mul3A_403 masked %broadcast_in_dim3A_405 : vector<16xf32>, vector<16xi1> -> vector<16xf32>
            %ne3A_407 = arith.cmpi ne, %get3A_352, %get3A_356 : vector<16xi32>
            %ge3A_408 = vector.broadcast %mul3A_24 : i32 to vector<16xi32>
            %ge3A_409 = arith.cmpi sge, %get3A_352, %ge3A_408 : vector<16xi32>
            %lt3A_410 = vector.broadcast %add3A_26 : i32 to vector<16xi32>
            %lt3A_411 = arith.cmpi slt, %get3A_352, %lt3A_410 : vector<16xi32>
            %and3A_412 = arith.andi %ge3A_409, %lt3A_411 : vector<16xi1>
            %ge3A_413 = vector.broadcast %mul3A_24 : i32 to vector<16xi32>
            %ge3A_414 = arith.cmpi sge, %get3A_356, %ge3A_413 : vector<16xi32>
            %lt3A_415 = vector.broadcast %add3A_26 : i32 to vector<16xi32>
            %lt3A_416 = arith.cmpi slt, %get3A_356, %lt3A_415 : vector<16xi32>
            %and3A_417 = arith.andi %ge3A_414, %lt3A_416 : vector<16xi1>
            %sub3A_418 = vector.broadcast %mul3A_24 : i32 to vector<16xi32>
            %sub3A_419 = arith.subi %get3A_352, %sub3A_418 : vector<16xi32>
            %sub3A_420 = vector.broadcast %mul3A_24 : i32 to vector<16xi32>
            %sub3A_421 = arith.subi %get3A_356, %sub3A_420 : vector<16xi32>
            %or3A_422 = arith.ori %ne3A_407, %eq3A_112 : vector<16xi1>
            %and3A_423 = arith.andi %or3A_422, %and3A_412 : vector<16xi1>
            %and3A_424 = arith.andi %ne3A_407, %not3A_113 : vector<16xi1>
            %and3A_425 = arith.andi %and3A_424, %and3A_417 : vector<16xi1>
            tpu.vector_store_idx %arg24[%sub3A_419], %masked_cumsum3A_398 masked %and3A_423 {add = true} : memref<3200xf32, #tpu.memory_space<vmem>>[vector<16xi32>], vector<16xf32>, vector<16xi1>
            tpu.vector_store_idx %arg25[%sub3A_419], %masked_cumsum3A_402 masked %and3A_423 {add = true} : memref<3200xf32, #tpu.memory_space<vmem>>[vector<16xi32>], vector<16xf32>, vector<16xi1>
            tpu.vector_store_idx %arg26[%sub3A_419], %masked_cumsum3A_406 masked %and3A_423 {add = true} : memref<3200xf32, #tpu.memory_space<vmem>>[vector<16xi32>], vector<16xf32>, vector<16xi1>
            %neg3A_426 = arith.constant 0.000000e+00 : f32
            %neg3A_427 = vector.broadcast %neg3A_426 : f32 to vector<16xf32>
            %neg3A_428 = arith.subf %neg3A_427, %masked_cumsum3A_398 : vector<16xf32>
            tpu.vector_store_idx %arg24[%sub3A_421], %neg3A_428 masked %and3A_425 {add = true} : memref<3200xf32, #tpu.memory_space<vmem>>[vector<16xi32>], vector<16xf32>, vector<16xi1>
            %neg3A_429 = arith.constant 0.000000e+00 : f32
            %neg3A_430 = vector.broadcast %neg3A_429 : f32 to vector<16xf32>
            %neg3A_431 = arith.subf %neg3A_430, %masked_cumsum3A_402 : vector<16xf32>
            tpu.vector_store_idx %arg25[%sub3A_421], %neg3A_431 masked %and3A_425 {add = true} : memref<3200xf32, #tpu.memory_space<vmem>>[vector<16xi32>], vector<16xf32>, vector<16xi1>
            %neg3A_432 = arith.constant 0.000000e+00 : f32
            %neg3A_433 = vector.broadcast %neg3A_432 : f32 to vector<16xf32>
            %neg3A_434 = arith.subf %neg3A_433, %masked_cumsum3A_406 : vector<16xf32>
            tpu.vector_store_idx %arg26[%sub3A_421], %neg3A_434 masked %and3A_425 {add = true} : memref<3200xf32, #tpu.memory_space<vmem>>[vector<16xi32>], vector<16xf32>, vector<16xi1>
            %scan3A_435 = arith.constant 0 : i32
            scf.yield %scan3A_435 : i32
          }
          %scan3A_261 = arith.constant 256 : i32
        } else {
        }
      } else {
      }
      %mul3A_184 = arith.constant 4 : i32
      %mul3A_185 = arith.muli %mul3A_184, %while3A_174 : i32
      %add3A_186 = arith.constant 1 : i32
      %add3A_187 = arith.addi %mul3A_185, %add3A_186 : i32
      %lt3A_188 = arith.cmpi slt, %add3A_187, %select_n3A_110 : i32
      %convert_element_type3A_189 = arith.extui %lt3A_188 : i1 to i32
      %cond3A_190 = arith.constant 0 : i32
      %cond3A_191 = arith.cmpi ne, %convert_element_type3A_189, %cond3A_190 : i32
      scf.if %cond3A_191 {
        %dma_wait3A = arith.constant 0 : i32
        %dma_wait3A_209 = tpu.memref_slice %arg12[%dma_wait3A] : memref<4112xi32, #tpu.memory_space<vmem>> -> memref<4096xi32, #tpu.memory_space<vmem>>
        %dma_wait3A_210 = arith.constant 0 : i32
        %dma_wait3A_211 = tpu.memref_slice %arg3[%dma_wait3A_210] : memref<6400000xi32, #tpu.memory_space<hbm>> -> memref<4096xi32, #tpu.memory_space<hbm>>
        %dma_wait3A_212 = arith.constant 0 : i32
        %dma_wait3A_213 = tpu.memref_slice %arg12[%dma_wait3A_212] : memref<4112xi32, #tpu.memory_space<vmem>> -> memref<4096xi32, #tpu.memory_space<vmem>>
        %dma_wait3A_214 = arith.constant 0 : i32
        %dma_wait3A_215 = tpu.memref_slice %arg3[%dma_wait3A_214] : memref<6400000xi32, #tpu.memory_space<hbm>> -> memref<4096xi32, #tpu.memory_space<hbm>>
        tpu.wait_dma2 semaphore(%arg15 : memref<!tpu.dma_semaphore, #tpu.memory_space<semaphore_mem>>) src(%dma_wait3A_215 : memref<4096xi32, #tpu.memory_space<hbm>>) dst(%dma_wait3A_213 : memref<4096xi32, #tpu.memory_space<vmem>>)
        %dma_wait3A_216 = arith.constant 0 : i32
        %dma_wait3A_217 = tpu.memref_slice %arg4[%dma_wait3A_216] : memref<6400000xf32, #tpu.memory_space<hbm>> -> memref<4096xf32, #tpu.memory_space<hbm>>
        %dma_wait3A_218 = arith.constant 0 : i32
        %dma_wait3A_219 = tpu.memref_slice %arg4[%dma_wait3A_218] : memref<6400000xf32, #tpu.memory_space<hbm>> -> memref<4096xf32, #tpu.memory_space<hbm>>
        tpu.wait_dma2 semaphore(%arg15 : memref<!tpu.dma_semaphore, #tpu.memory_space<semaphore_mem>>) src(%dma_wait3A_219 : memref<4096xf32, #tpu.memory_space<hbm>>) dst(%arg13 : memref<4096xf32, #tpu.memory_space<vmem>>)
        %dma_wait3A_220 = arith.constant 0 : i32
        %dma_wait3A_221 = tpu.memref_slice %arg5[%dma_wait3A_220] : memref<12800000xf32, #tpu.memory_space<hbm>> -> memref<8192xf32, #tpu.memory_space<hbm>>
        %dma_wait3A_222 = arith.constant 0 : i32
        %dma_wait3A_223 = tpu.memref_slice %arg5[%dma_wait3A_222] : memref<12800000xf32, #tpu.memory_space<hbm>> -> memref<8192xf32, #tpu.memory_space<hbm>>
        tpu.wait_dma2 semaphore(%arg15 : memref<!tpu.dma_semaphore, #tpu.memory_space<semaphore_mem>>) src(%dma_wait3A_223 : memref<8192xf32, #tpu.memory_space<hbm>>) dst(%arg14 : memref<8192xf32, #tpu.memory_space<vmem>>)
        %add3A_224 = arith.constant 4 : i32
        %add3A_225 = arith.addi %add3A_187, %add3A_224 : i32
        %sub3A_226 = arith.constant 1 : i32
        %sub3A_227 = arith.subi %add3A_225, %sub3A_226 : i32
        %lt3A_228 = arith.cmpi slt, %sub3A_227, %select_n3A_110 : i32
        %convert_element_type3A_229 = arith.extui %lt3A_228 : i1 to i32
        %cond3A_230 = arith.constant 0 : i32
        %cond3A_231 = arith.cmpi ne, %convert_element_type3A_229, %cond3A_230 : i32
        scf.if %cond3A_231 {
          %add3A_255 = arith.constant 4 : i32
          %add3A_256 = arith.addi %add3A_187, %add3A_255 : i32
          %sub3A_257 = arith.constant 1 : i32
          %sub3A_258 = arith.subi %add3A_256, %sub3A_257 : i32
          %mul3A_259 = arith.constant 4096 : i32
          %mul3A_260 = arith.muli %sub3A_258, %mul3A_259 : i32
          %add3A_261 = arith.addi %mul3A_85, %mul3A_260 : i32
          %min3A_262 = arith.constant 6395904 : i32
          %min3A_263 = arith.minsi %add3A_261, %min3A_262 : i32
          %multiple_of3A_264 = tpu.assume_multiple %min3A_263, 128 : i32
          %dma_start3A = arith.constant 0 : i32
          %dma_start3A_265 = tpu.memref_slice %arg8[%dma_start3A] : memref<4112xi32, #tpu.memory_space<vmem>> -> memref<4096xi32, #tpu.memory_space<vmem>>
          %dma_start3A_266 = tpu.memref_slice %arg3[%multiple_of3A_264] : memref<6400000xi32, #tpu.memory_space<hbm>> -> memref<4096xi32, #tpu.memory_space<hbm>>
          %dma_start3A_267 = arith.constant 0 : i32
          %dma_start3A_268 = tpu.memref_slice %arg8[%dma_start3A_267] : memref<4112xi32, #tpu.memory_space<vmem>> -> memref<4096xi32, #tpu.memory_space<vmem>>
          %dma_start3A_269 = tpu.memref_slice %arg3[%multiple_of3A_264] : memref<6400000xi32, #tpu.memory_space<hbm>> -> memref<4096xi32, #tpu.memory_space<hbm>>
          tpu.enqueue_dma source(%dma_start3A_269 : memref<4096xi32, #tpu.memory_space<hbm>>) target(%dma_start3A_268 : memref<4096xi32, #tpu.memory_space<vmem>>) target_semaphore(%arg11 : memref<!tpu.dma_semaphore, #tpu.memory_space<semaphore_mem>>)
          %dma_start3A_270 = tpu.memref_slice %arg4[%multiple_of3A_264] : memref<6400000xf32, #tpu.memory_space<hbm>> -> memref<4096xf32, #tpu.memory_space<hbm>>
          %dma_start3A_271 = tpu.memref_slice %arg4[%multiple_of3A_264] : memref<6400000xf32, #tpu.memory_space<hbm>> -> memref<4096xf32, #tpu.memory_space<hbm>>
          tpu.enqueue_dma source(%dma_start3A_271 : memref<4096xf32, #tpu.memory_space<hbm>>) target(%arg9 : memref<4096xf32, #tpu.memory_space<vmem>>) target_semaphore(%arg11 : memref<!tpu.dma_semaphore, #tpu.memory_space<semaphore_mem>>)
          %mul3A_272 = arith.constant 2 : i32
          %mul3A_273 = arith.muli %mul3A_272, %multiple_of3A_264 : i32
          %multiple_of3A_274 = tpu.assume_multiple %mul3A_273, 256 : i32
          %dma_start3A_275 = tpu.memref_slice %arg5[%multiple_of3A_274] : memref<12800000xf32, #tpu.memory_space<hbm>> -> memref<8192xf32, #tpu.memory_space<hbm>>
          %dma_start3A_276 = tpu.memref_slice %arg5[%multiple_of3A_274] : memref<12800000xf32, #tpu.memory_space<hbm>> -> memref<8192xf32, #tpu.memory_space<hbm>>
          tpu.enqueue_dma source(%dma_start3A_276 : memref<8192xf32, #tpu.memory_space<hbm>>) target(%arg10 : memref<8192xf32, #tpu.memory_space<vmem>>) target_semaphore(%arg11 : memref<!tpu.dma_semaphore, #tpu.memory_space<semaphore_mem>>)
        } else {
        }
        %mul3A_232 = arith.constant 4096 : i32
        %mul3A_233 = arith.muli %add3A_187, %mul3A_232 : i32
        %add3A_234 = arith.addi %mul3A_85, %mul3A_233 : i32
        %mul3A_235 = arith.constant 4096 : i32
        %mul3A_236 = arith.muli %add3A_187, %mul3A_235 : i32
        %add3A_237 = arith.addi %mul3A_85, %mul3A_236 : i32
        %min3A_238 = arith.constant 6395904 : i32
        %min3A_239 = arith.minsi %add3A_237, %min3A_238 : i32
        %multiple_of3A = tpu.assume_multiple %min3A_239, 128 : i32
        %add3A_240 = arith.constant 4096 : i32
        %add3A_241 = arith.addi %mul3A_85, %add3A_240 : i32
        %ge3A = arith.cmpi sge, %add3A_234, %add3A_241 : i32
        %add3A_242 = arith.constant 4096 : i32
        %add3A_243 = arith.addi %add3A_234, %add3A_242 : i32
        %sub3A_244 = arith.constant 4096 : i32
        %sub3A_245 = arith.subi %min3A_88, %sub3A_244 : i32
        %le3A = arith.cmpi sle, %add3A_243, %sub3A_245 : i32
        %and3A_246 = arith.andi %ge3A, %le3A : i1
        %convert_element_type3A_247 = arith.extui %and3A_246 : i1 to i32
        %cond3A_248 = arith.constant 0 : i32
        %cond3A_249 = arith.cmpi ne, %convert_element_type3A_247, %cond3A_248 : i32
        scf.if %cond3A_249 {
          %scan3A_255 = arith.constant 0 : i32
          %scan3A_256 = arith.constant 0 : i32
          %scan3A_257 = arith.constant 256 : i32
          %scan3A_258 = arith.addi %scan3A_256, %scan3A_257 : i32
          %scan3A_259 = arith.constant 4 : i32
          %scan3A_260 = scf.for %scan3A_262 = %scan3A_256 to %scan3A_258 step %scan3A_259 iter_args(%scan3A_263 = %scan3A_255) -> (i32)  : i32 {
            %mul3A_264 = arith.constant 16 : i32
            %mul3A_265 = arith.muli %scan3A_262, %mul3A_264 : i32
            %get3A_266 = arith.index_cast %mul3A_265 : i32 to index
            %get3A_267 = tpu.vector_load %arg12[%get3A_266] {strides = array<i32>} : memref<4112xi32, #tpu.memory_space<vmem>>, vector<16xi32>,
            %add3A_268 = arith.constant 1 : i32
            %add3A_269 = arith.addi %mul3A_265, %add3A_268 : i32
            %get3A_270 = arith.index_cast %add3A_269 : i32 to index
            %get3A_271 = tpu.vector_load %arg12[%get3A_270] {strides = array<i32>} : memref<4112xi32, #tpu.memory_space<vmem>>, vector<16xi32>,
            %get3A_272 = arith.index_cast %mul3A_265 : i32 to index
            %get3A_273 = tpu.vector_load %arg13[%get3A_272] {strides = array<i32>} : memref<4096xf32, #tpu.memory_space<vmem>>, vector<16xf32>,
            %exp3A = math.exp %get3A_273 : vector<16xf32>
            %mul3A_274 = arith.constant 2 : i32
            %mul3A_275 = arith.muli %mul3A_274, %mul3A_265 : i32
            %jit3A_276 = arith.constant 128 : i32
            %eq3A_277 = arith.constant 0 : i32
            %eq3A_278 = arith.cmpi eq, %jit3A_276, %eq3A_277 : i32
            %jit3A_279 = arith.constant 1 : i32
            %select_n3A_280 = arith.select %eq3A_278, %jit3A_279, %jit3A_276 : i32
            %rem3A_281 = arith.remsi %mul3A_265, %select_n3A_280 : i32
            %ne3A_282 = arith.constant 0 : i32
            %ne3A_283 = arith.cmpi ne, %rem3A_281, %ne3A_282 : i32
            %lt3A_284 = arith.constant 0 : i32
            %lt3A_285 = arith.cmpi slt, %rem3A_281, %lt3A_284 : i32
            %lt3A_286 = arith.constant 0 : i32
            %lt3A_287 = arith.cmpi slt, %select_n3A_280, %lt3A_286 : i32
            %ne3A_288 = arith.xori %lt3A_285, %lt3A_287 : i1
            %and3A_289 = arith.andi %ne3A_288, %ne3A_283 : i1
            %add3A_290 = arith.addi %rem3A_281, %select_n3A_280 : i32
            %select_n3A_291 = arith.select %and3A_289, %add3A_290, %rem3A_281 : i32
            %sub3A_292 = arith.subi %mul3A_275, %select_n3A_291 : i32
            %get3A_293 = arith.index_cast %sub3A_292 : i32 to index
            %get3A_294 = tpu.vector_load %arg14[%get3A_293] {strides = array<i32>} : memref<8192xf32, #tpu.memory_space<vmem>>, vector<16xf32>,
            %add3A_295 = arith.constant 128 : i32
            %add3A_296 = arith.addi %sub3A_292, %add3A_295 : i32
            %get3A_297 = arith.index_cast %add3A_296 : i32 to index
            %get3A_298 = tpu.vector_load %arg14[%get3A_297] {strides = array<i32>} : memref<8192xf32, #tpu.memory_space<vmem>>, vector<16xf32>,
            %broadcast_in_dim3A_299 = arith.constant true
            %broadcast_in_dim3A_300 = vector.broadcast %broadcast_in_dim3A_299 : i1 to vector<16xi1>
            %masked_cumsum3A = tpu.scan <sum>, %exp3A masked %broadcast_in_dim3A_300 : vector<16xf32>, vector<16xi1> -> vector<16xf32>
            %mul3A_301 = arith.mulf %exp3A, %get3A_294 : vector<16xf32>
            %broadcast_in_dim3A_302 = arith.constant true
            %broadcast_in_dim3A_303 = vector.broadcast %broadcast_in_dim3A_302 : i1 to vector<16xi1>
            %masked_cumsum3A_304 = tpu.scan <sum>, %mul3A_301 masked %broadcast_in_dim3A_303 : vector<16xf32>, vector<16xi1> -> vector<16xf32>
            %mul3A_305 = arith.mulf %exp3A, %get3A_298 : vector<16xf32>
            %broadcast_in_dim3A_306 = arith.constant true
            %broadcast_in_dim3A_307 = vector.broadcast %broadcast_in_dim3A_306 : i1 to vector<16xi1>
            %masked_cumsum3A_308 = tpu.scan <sum>, %mul3A_305 masked %broadcast_in_dim3A_307 : vector<16xf32>, vector<16xi1> -> vector<16xf32>
            %ne3A_309 = arith.cmpi ne, %get3A_267, %get3A_271 : vector<16xi32>
            %sub3A_310 = vector.broadcast %mul3A_24 : i32 to vector<16xi32>
            %sub3A_311 = arith.subi %get3A_267, %sub3A_310 : vector<16xi32>
            %sub3A_312 = vector.broadcast %mul3A_24 : i32 to vector<16xi32>
            %sub3A_313 = arith.subi %get3A_271, %sub3A_312 : vector<16xi32>
            %or3A = arith.ori %ne3A_309, %eq3A_112 : vector<16xi1>
            %and3A_314 = arith.andi %ne3A_309, %not3A_113 : vector<16xi1>
            tpu.vector_store_idx %arg24[%sub3A_311], %masked_cumsum3A masked %or3A {add = true} : memref<3200xf32, #tpu.memory_space<vmem>>[vector<16xi32>], vector<16xf32>, vector<16xi1>
            tpu.vector_store_idx %arg25[%sub3A_311], %masked_cumsum3A_304 masked %or3A {add = true} : memref<3200xf32, #tpu.memory_space<vmem>>[vector<16xi32>], vector<16xf32>, vector<16xi1>
            tpu.vector_store_idx %arg26[%sub3A_311], %masked_cumsum3A_308 masked %or3A {add = true} : memref<3200xf32, #tpu.memory_space<vmem>>[vector<16xi32>], vector<16xf32>, vector<16xi1>
            %neg3A = arith.constant 0.000000e+00 : f32
            %neg3A_315 = vector.broadcast %neg3A : f32 to vector<16xf32>
            %neg3A_316 = arith.subf %neg3A_315, %masked_cumsum3A : vector<16xf32>
            tpu.vector_store_idx %arg24[%sub3A_313], %neg3A_316 masked %and3A_314 {add = true} : memref<3200xf32, #tpu.memory_space<vmem>>[vector<16xi32>], vector<16xf32>, vector<16xi1>
            %neg3A_317 = arith.constant 0.000000e+00 : f32
            %neg3A_318 = vector.broadcast %neg3A_317 : f32 to vector<16xf32>
            %neg3A_319 = arith.subf %neg3A_318, %masked_cumsum3A_304 : vector<16xf32>
            tpu.vector_store_idx %arg25[%sub3A_313], %neg3A_319 masked %and3A_314 {add = true} : memref<3200xf32, #tpu.memory_space<vmem>>[vector<16xi32>], vector<16xf32>, vector<16xi1>
            %neg3A_320 = arith.constant 0.000000e+00 : f32
            %neg3A_321 = vector.broadcast %neg3A_320 : f32 to vector<16xf32>
            %neg3A_322 = arith.subf %neg3A_321, %masked_cumsum3A_308 : vector<16xf32>
            tpu.vector_store_idx %arg26[%sub3A_313], %neg3A_322 masked %and3A_314 {add = true} : memref<3200xf32, #tpu.memory_space<vmem>>[vector<16xi32>], vector<16xf32>, vector<16xi1>
            %scan3A_323 = arith.constant 0 : i32
            %scan3A_324 = arith.constant 1 : i32
            %scan3A_325 = arith.addi %scan3A_262, %scan3A_324 : i32
            %mul3A_326 = arith.constant 16 : i32
            %mul3A_327 = arith.muli %scan3A_325, %mul3A_326 : i32
            %get3A_328 = arith.index_cast %mul3A_327 : i32 to index
            %get3A_329 = tpu.vector_load %arg12[%get3A_328] {strides = array<i32>} : memref<4112xi32, #tpu.memory_space<vmem>>, vector<16xi32>,
            %add3A_330 = arith.constant 1 : i32
            %add3A_331 = arith.addi %mul3A_327, %add3A_330 : i32
            %get3A_332 = arith.index_cast %add3A_331 : i32 to index
            %get3A_333 = tpu.vector_load %arg12[%get3A_332] {strides = array<i32>} : memref<4112xi32, #tpu.memory_space<vmem>>, vector<16xi32>,
            %get3A_334 = arith.index_cast %mul3A_327 : i32 to index
            %get3A_335 = tpu.vector_load %arg13[%get3A_334] {strides = array<i32>} : memref<4096xf32, #tpu.memory_space<vmem>>, vector<16xf32>,
            %exp3A_336 = math.exp %get3A_335 : vector<16xf32>
            %mul3A_337 = arith.constant 2 : i32
            %mul3A_338 = arith.muli %mul3A_337, %mul3A_327 : i32
            %jit3A_339 = arith.constant 128 : i32
            %eq3A_340 = arith.constant 0 : i32
            %eq3A_341 = arith.cmpi eq, %jit3A_339, %eq3A_340 : i32
            %jit3A_342 = arith.constant 1 : i32
            %select_n3A_343 = arith.select %eq3A_341, %jit3A_342, %jit3A_339 : i32
            %rem3A_344 = arith.remsi %mul3A_327, %select_n3A_343 : i32
            %ne3A_345 = arith.constant 0 : i32
            %ne3A_346 = arith.cmpi ne, %rem3A_344, %ne3A_345 : i32
            %lt3A_347 = arith.constant 0 : i32
            %lt3A_348 = arith.cmpi slt, %rem3A_344, %lt3A_347 : i32
            %lt3A_349 = arith.constant 0 : i32
            %lt3A_350 = arith.cmpi slt, %select_n3A_343, %lt3A_349 : i32
            %ne3A_351 = arith.xori %lt3A_348, %lt3A_350 : i1
            %and3A_352 = arith.andi %ne3A_351, %ne3A_346 : i1
            %add3A_353 = arith.addi %rem3A_344, %select_n3A_343 : i32
            %select_n3A_354 = arith.select %and3A_352, %add3A_353, %rem3A_344 : i32
            %sub3A_355 = arith.subi %mul3A_338, %select_n3A_354 : i32
            %get3A_356 = arith.index_cast %sub3A_355 : i32 to index
            %get3A_357 = tpu.vector_load %arg14[%get3A_356] {strides = array<i32>} : memref<8192xf32, #tpu.memory_space<vmem>>, vector<16xf32>,
            %add3A_358 = arith.constant 128 : i32
            %add3A_359 = arith.addi %sub3A_355, %add3A_358 : i32
            %get3A_360 = arith.index_cast %add3A_359 : i32 to index
            %get3A_361 = tpu.vector_load %arg14[%get3A_360] {strides = array<i32>} : memref<8192xf32, #tpu.memory_space<vmem>>, vector<16xf32>,
            %broadcast_in_dim3A_362 = arith.constant true
            %broadcast_in_dim3A_363 = vector.broadcast %broadcast_in_dim3A_362 : i1 to vector<16xi1>
            %masked_cumsum3A_364 = tpu.scan <sum>, %exp3A_336 masked %broadcast_in_dim3A_363 : vector<16xf32>, vector<16xi1> -> vector<16xf32>
            %mul3A_365 = arith.mulf %exp3A_336, %get3A_357 : vector<16xf32>
            %broadcast_in_dim3A_366 = arith.constant true
            %broadcast_in_dim3A_367 = vector.broadcast %broadcast_in_dim3A_366 : i1 to vector<16xi1>
            %masked_cumsum3A_368 = tpu.scan <sum>, %mul3A_365 masked %broadcast_in_dim3A_367 : vector<16xf32>, vector<16xi1> -> vector<16xf32>
            %mul3A_369 = arith.mulf %exp3A_336, %get3A_361 : vector<16xf32>
            %broadcast_in_dim3A_370 = arith.constant true
            %broadcast_in_dim3A_371 = vector.broadcast %broadcast_in_dim3A_370 : i1 to vector<16xi1>
            %masked_cumsum3A_372 = tpu.scan <sum>, %mul3A_369 masked %broadcast_in_dim3A_371 : vector<16xf32>, vector<16xi1> -> vector<16xf32>
            %ne3A_373 = arith.cmpi ne, %get3A_329, %get3A_333 : vector<16xi32>
            %sub3A_374 = vector.broadcast %mul3A_24 : i32 to vector<16xi32>
            %sub3A_375 = arith.subi %get3A_329, %sub3A_374 : vector<16xi32>
            %sub3A_376 = vector.broadcast %mul3A_24 : i32 to vector<16xi32>
            %sub3A_377 = arith.subi %get3A_333, %sub3A_376 : vector<16xi32>
            %or3A_378 = arith.ori %ne3A_373, %eq3A_112 : vector<16xi1>
            %and3A_379 = arith.andi %ne3A_373, %not3A_113 : vector<16xi1>
            tpu.vector_store_idx %arg24[%sub3A_375], %masked_cumsum3A_364 masked %or3A_378 {add = true} : memref<3200xf32, #tpu.memory_space<vmem>>[vector<16xi32>], vector<16xf32>, vector<16xi1>
            tpu.vector_store_idx %arg25[%sub3A_375], %masked_cumsum3A_368 masked %or3A_378 {add = true} : memref<3200xf32, #tpu.memory_space<vmem>>[vector<16xi32>], vector<16xf32>, vector<16xi1>
            tpu.vector_store_idx %arg26[%sub3A_375], %masked_cumsum3A_372 masked %or3A_378 {add = true} : memref<3200xf32, #tpu.memory_space<vmem>>[vector<16xi32>], vector<16xf32>, vector<16xi1>
            %neg3A_380 = arith.constant 0.000000e+00 : f32
            %neg3A_381 = vector.broadcast %neg3A_380 : f32 to vector<16xf32>
            %neg3A_382 = arith.subf %neg3A_381, %masked_cumsum3A_364 : vector<16xf32>
            tpu.vector_store_idx %arg24[%sub3A_377], %neg3A_382 masked %and3A_379 {add = true} : memref<3200xf32, #tpu.memory_space<vmem>>[vector<16xi32>], vector<16xf32>, vector<16xi1>
            %neg3A_383 = arith.constant 0.000000e+00 : f32
            %neg3A_384 = vector.broadcast %neg3A_383 : f32 to vector<16xf32>
            %neg3A_385 = arith.subf %neg3A_384, %masked_cumsum3A_368 : vector<16xf32>
            tpu.vector_store_idx %arg25[%sub3A_377], %neg3A_385 masked %and3A_379 {add = true} : memref<3200xf32, #tpu.memory_space<vmem>>[vector<16xi32>], vector<16xf32>, vector<16xi1>
            %neg3A_386 = arith.constant 0.000000e+00 : f32
            %neg3A_387 = vector.broadcast %neg3A_386 : f32 to vector<16xf32>
            %neg3A_388 = arith.subf %neg3A_387, %masked_cumsum3A_372 : vector<16xf32>
            tpu.vector_store_idx %arg26[%sub3A_377], %neg3A_388 masked %and3A_379 {add = true} : memref<3200xf32, #tpu.memory_space<vmem>>[vector<16xi32>], vector<16xf32>, vector<16xi1>
            %scan3A_389 = arith.constant 0 : i32
            %scan3A_390 = arith.constant 2 : i32
            %scan3A_391 = arith.addi %scan3A_262, %scan3A_390 : i32
            %mul3A_392 = arith.constant 16 : i32
            %mul3A_393 = arith.muli %scan3A_391, %mul3A_392 : i32
            %get3A_394 = arith.index_cast %mul3A_393 : i32 to index
            %get3A_395 = tpu.vector_load %arg12[%get3A_394] {strides = array<i32>} : memref<4112xi32, #tpu.memory_space<vmem>>, vector<16xi32>,
            %add3A_396 = arith.constant 1 : i32
            %add3A_397 = arith.addi %mul3A_393, %add3A_396 : i32
            %get3A_398 = arith.index_cast %add3A_397 : i32 to index
            %get3A_399 = tpu.vector_load %arg12[%get3A_398] {strides = array<i32>} : memref<4112xi32, #tpu.memory_space<vmem>>, vector<16xi32>,
            %get3A_400 = arith.index_cast %mul3A_393 : i32 to index
            %get3A_401 = tpu.vector_load %arg13[%get3A_400] {strides = array<i32>} : memref<4096xf32, #tpu.memory_space<vmem>>, vector<16xf32>,
            %exp3A_402 = math.exp %get3A_401 : vector<16xf32>
            %mul3A_403 = arith.constant 2 : i32
            %mul3A_404 = arith.muli %mul3A_403, %mul3A_393 : i32
            %jit3A_405 = arith.constant 128 : i32
            %eq3A_406 = arith.constant 0 : i32
            %eq3A_407 = arith.cmpi eq, %jit3A_405, %eq3A_406 : i32
            %jit3A_408 = arith.constant 1 : i32
            %select_n3A_409 = arith.select %eq3A_407, %jit3A_408, %jit3A_405 : i32
            %rem3A_410 = arith.remsi %mul3A_393, %select_n3A_409 : i32
            %ne3A_411 = arith.constant 0 : i32
            %ne3A_412 = arith.cmpi ne, %rem3A_410, %ne3A_411 : i32
            %lt3A_413 = arith.constant 0 : i32
            %lt3A_414 = arith.cmpi slt, %rem3A_410, %lt3A_413 : i32
            %lt3A_415 = arith.constant 0 : i32
            %lt3A_416 = arith.cmpi slt, %select_n3A_409, %lt3A_415 : i32
            %ne3A_417 = arith.xori %lt3A_414, %lt3A_416 : i1
            %and3A_418 = arith.andi %ne3A_417, %ne3A_412 : i1
            %add3A_419 = arith.addi %rem3A_410, %select_n3A_409 : i32
            %select_n3A_420 = arith.select %and3A_418, %add3A_419, %rem3A_410 : i32
            %sub3A_421 = arith.subi %mul3A_404, %select_n3A_420 : i32
            %get3A_422 = arith.index_cast %sub3A_421 : i32 to index
            %get3A_423 = tpu.vector_load %arg14[%get3A_422] {strides = array<i32>} : memref<8192xf32, #tpu.memory_space<vmem>>, vector<16xf32>,
            %add3A_424 = arith.constant 128 : i32
            %add3A_425 = arith.addi %sub3A_421, %add3A_424 : i32
            %get3A_426 = arith.index_cast %add3A_425 : i32 to index
            %get3A_427 = tpu.vector_load %arg14[%get3A_426] {strides = array<i32>} : memref<8192xf32, #tpu.memory_space<vmem>>, vector<16xf32>,
            %broadcast_in_dim3A_428 = arith.constant true
            %broadcast_in_dim3A_429 = vector.broadcast %broadcast_in_dim3A_428 : i1 to vector<16xi1>
            %masked_cumsum3A_430 = tpu.scan <sum>, %exp3A_402 masked %broadcast_in_dim3A_429 : vector<16xf32>, vector<16xi1> -> vector<16xf32>
            %mul3A_431 = arith.mulf %exp3A_402, %get3A_423 : vector<16xf32>
            %broadcast_in_dim3A_432 = arith.constant true
            %broadcast_in_dim3A_433 = vector.broadcast %broadcast_in_dim3A_432 : i1 to vector<16xi1>
            %masked_cumsum3A_434 = tpu.scan <sum>, %mul3A_431 masked %broadcast_in_dim3A_433 : vector<16xf32>, vector<16xi1> -> vector<16xf32>
            %mul3A_435 = arith.mulf %exp3A_402, %get3A_427 : vector<16xf32>
            %broadcast_in_dim3A_436 = arith.constant true
            %broadcast_in_dim3A_437 = vector.broadcast %broadcast_in_dim3A_436 : i1 to vector<16xi1>
            %masked_cumsum3A_438 = tpu.scan <sum>, %mul3A_435 masked %broadcast_in_dim3A_437 : vector<16xf32>, vector<16xi1> -> vector<16xf32>
            %ne3A_439 = arith.cmpi ne, %get3A_395, %get3A_399 : vector<16xi32>
            %sub3A_440 = vector.broadcast %mul3A_24 : i32 to vector<16xi32>
            %sub3A_441 = arith.subi %get3A_395, %sub3A_440 : vector<16xi32>
            %sub3A_442 = vector.broadcast %mul3A_24 : i32 to vector<16xi32>
            %sub3A_443 = arith.subi %get3A_399, %sub3A_442 : vector<16xi32>
            %or3A_444 = arith.ori %ne3A_439, %eq3A_112 : vector<16xi1>
            %and3A_445 = arith.andi %ne3A_439, %not3A_113 : vector<16xi1>
            tpu.vector_store_idx %arg24[%sub3A_441], %masked_cumsum3A_430 masked %or3A_444 {add = true} : memref<3200xf32, #tpu.memory_space<vmem>>[vector<16xi32>], vector<16xf32>, vector<16xi1>
            tpu.vector_store_idx %arg25[%sub3A_441], %masked_cumsum3A_434 masked %or3A_444 {add = true} : memref<3200xf32, #tpu.memory_space<vmem>>[vector<16xi32>], vector<16xf32>, vector<16xi1>
            tpu.vector_store_idx %arg26[%sub3A_441], %masked_cumsum3A_438 masked %or3A_444 {add = true} : memref<3200xf32, #tpu.memory_space<vmem>>[vector<16xi32>], vector<16xf32>, vector<16xi1>
            %neg3A_446 = arith.constant 0.000000e+00 : f32
            %neg3A_447 = vector.broadcast %neg3A_446 : f32 to vector<16xf32>
            %neg3A_448 = arith.subf %neg3A_447, %masked_cumsum3A_430 : vector<16xf32>
            tpu.vector_store_idx %arg24[%sub3A_443], %neg3A_448 masked %and3A_445 {add = true} : memref<3200xf32, #tpu.memory_space<vmem>>[vector<16xi32>], vector<16xf32>, vector<16xi1>
            %neg3A_449 = arith.constant 0.000000e+00 : f32
            %neg3A_450 = vector.broadcast %neg3A_449 : f32 to vector<16xf32>
            %neg3A_451 = arith.subf %neg3A_450, %masked_cumsum3A_434 : vector<16xf32>
            tpu.vector_store_idx %arg25[%sub3A_443], %neg3A_451 masked %and3A_445 {add = true} : memref<3200xf32, #tpu.memory_space<vmem>>[vector<16xi32>], vector<16xf32>, vector<16xi1>
            %neg3A_452 = arith.constant 0.000000e+00 : f32
            %neg3A_453 = vector.broadcast %neg3A_452 : f32 to vector<16xf32>
            %neg3A_454 = arith.subf %neg3A_453, %masked_cumsum3A_438 : vector<16xf32>
            tpu.vector_store_idx %arg26[%sub3A_443], %neg3A_454 masked %and3A_445 {add = true} : memref<3200xf32, #tpu.memory_space<vmem>>[vector<16xi32>], vector<16xf32>, vector<16xi1>
            %scan3A_455 = arith.constant 0 : i32
            %scan3A_456 = arith.constant 3 : i32
            %scan3A_457 = arith.addi %scan3A_262, %scan3A_456 : i32
            %mul3A_458 = arith.constant 16 : i32
            %mul3A_459 = arith.muli %scan3A_457, %mul3A_458 : i32
            %get3A_460 = arith.index_cast %mul3A_459 : i32 to index
            %get3A_461 = tpu.vector_load %arg12[%get3A_460] {strides = array<i32>} : memref<4112xi32, #tpu.memory_space<vmem>>, vector<16xi32>,
            %add3A_462 = arith.constant 1 : i32
            %add3A_463 = arith.addi %mul3A_459, %add3A_462 : i32
            %get3A_464 = arith.index_cast %add3A_463 : i32 to index
            %get3A_465 = tpu.vector_load %arg12[%get3A_464] {strides = array<i32>} : memref<4112xi32, #tpu.memory_space<vmem>>, vector<16xi32>,
            %get3A_466 = arith.index_cast %mul3A_459 : i32 to index
            %get3A_467 = tpu.vector_load %arg13[%get3A_466] {strides = array<i32>} : memref<4096xf32, #tpu.memory_space<vmem>>, vector<16xf32>,
            %exp3A_468 = math.exp %get3A_467 : vector<16xf32>
            %mul3A_469 = arith.constant 2 : i32
            %mul3A_470 = arith.muli %mul3A_469, %mul3A_459 : i32
            %jit3A_471 = arith.constant 128 : i32
            %eq3A_472 = arith.constant 0 : i32
            %eq3A_473 = arith.cmpi eq, %jit3A_471, %eq3A_472 : i32
            %jit3A_474 = arith.constant 1 : i32
            %select_n3A_475 = arith.select %eq3A_473, %jit3A_474, %jit3A_471 : i32
            %rem3A_476 = arith.remsi %mul3A_459, %select_n3A_475 : i32
            %ne3A_477 = arith.constant 0 : i32
            %ne3A_478 = arith.cmpi ne, %rem3A_476, %ne3A_477 : i32
            %lt3A_479 = arith.constant 0 : i32
            %lt3A_480 = arith.cmpi slt, %rem3A_476, %lt3A_479 : i32
            %lt3A_481 = arith.constant 0 : i32
            %lt3A_482 = arith.cmpi slt, %select_n3A_475, %lt3A_481 : i32
            %ne3A_483 = arith.xori %lt3A_480, %lt3A_482 : i1
            %and3A_484 = arith.andi %ne3A_483, %ne3A_478 : i1
            %add3A_485 = arith.addi %rem3A_476, %select_n3A_475 : i32
            %select_n3A_486 = arith.select %and3A_484, %add3A_485, %rem3A_476 : i32
            %sub3A_487 = arith.subi %mul3A_470, %select_n3A_486 : i32
            %get3A_488 = arith.index_cast %sub3A_487 : i32 to index
            %get3A_489 = tpu.vector_load %arg14[%get3A_488] {strides = array<i32>} : memref<8192xf32, #tpu.memory_space<vmem>>, vector<16xf32>,
            %add3A_490 = arith.constant 128 : i32
            %add3A_491 = arith.addi %sub3A_487, %add3A_490 : i32
            %get3A_492 = arith.index_cast %add3A_491 : i32 to index
            %get3A_493 = tpu.vector_load %arg14[%get3A_492] {strides = array<i32>} : memref<8192xf32, #tpu.memory_space<vmem>>, vector<16xf32>,
            %broadcast_in_dim3A_494 = arith.constant true
            %broadcast_in_dim3A_495 = vector.broadcast %broadcast_in_dim3A_494 : i1 to vector<16xi1>
            %masked_cumsum3A_496 = tpu.scan <sum>, %exp3A_468 masked %broadcast_in_dim3A_495 : vector<16xf32>, vector<16xi1> -> vector<16xf32>
            %mul3A_497 = arith.mulf %exp3A_468, %get3A_489 : vector<16xf32>
            %broadcast_in_dim3A_498 = arith.constant true
            %broadcast_in_dim3A_499 = vector.broadcast %broadcast_in_dim3A_498 : i1 to vector<16xi1>
            %masked_cumsum3A_500 = tpu.scan <sum>, %mul3A_497 masked %broadcast_in_dim3A_499 : vector<16xf32>, vector<16xi1> -> vector<16xf32>
            %mul3A_501 = arith.mulf %exp3A_468, %get3A_493 : vector<16xf32>
            %broadcast_in_dim3A_502 = arith.constant true
            %broadcast_in_dim3A_503 = vector.broadcast %broadcast_in_dim3A_502 : i1 to vector<16xi1>
            %masked_cumsum3A_504 = tpu.scan <sum>, %mul3A_501 masked %broadcast_in_dim3A_503 : vector<16xf32>, vector<16xi1> -> vector<16xf32>
            %ne3A_505 = arith.cmpi ne, %get3A_461, %get3A_465 : vector<16xi32>
            %sub3A_506 = vector.broadcast %mul3A_24 : i32 to vector<16xi32>
            %sub3A_507 = arith.subi %get3A_461, %sub3A_506 : vector<16xi32>
            %sub3A_508 = vector.broadcast %mul3A_24 : i32 to vector<16xi32>
            %sub3A_509 = arith.subi %get3A_465, %sub3A_508 : vector<16xi32>
            %or3A_510 = arith.ori %ne3A_505, %eq3A_112 : vector<16xi1>
            %and3A_511 = arith.andi %ne3A_505, %not3A_113 : vector<16xi1>
            tpu.vector_store_idx %arg24[%sub3A_507], %masked_cumsum3A_496 masked %or3A_510 {add = true} : memref<3200xf32, #tpu.memory_space<vmem>>[vector<16xi32>], vector<16xf32>, vector<16xi1>
            tpu.vector_store_idx %arg25[%sub3A_507], %masked_cumsum3A_500 masked %or3A_510 {add = true} : memref<3200xf32, #tpu.memory_space<vmem>>[vector<16xi32>], vector<16xf32>, vector<16xi1>
            tpu.vector_store_idx %arg26[%sub3A_507], %masked_cumsum3A_504 masked %or3A_510 {add = true} : memref<3200xf32, #tpu.memory_space<vmem>>[vector<16xi32>], vector<16xf32>, vector<16xi1>
            %neg3A_512 = arith.constant 0.000000e+00 : f32
            %neg3A_513 = vector.broadcast %neg3A_512 : f32 to vector<16xf32>
            %neg3A_514 = arith.subf %neg3A_513, %masked_cumsum3A_496 : vector<16xf32>
            tpu.vector_store_idx %arg24[%sub3A_509], %neg3A_514 masked %and3A_511 {add = true} : memref<3200xf32, #tpu.memory_space<vmem>>[vector<16xi32>], vector<16xf32>, vector<16xi1>
            %neg3A_515 = arith.constant 0.000000e+00 : f32
            %neg3A_516 = vector.broadcast %neg3A_515 : f32 to vector<16xf32>
            %neg3A_517 = arith.subf %neg3A_516, %masked_cumsum3A_500 : vector<16xf32>
            tpu.vector_store_idx %arg25[%sub3A_509], %neg3A_517 masked %and3A_511 {add = true} : memref<3200xf32, #tpu.memory_space<vmem>>[vector<16xi32>], vector<16xf32>, vector<16xi1>
            %neg3A_518 = arith.constant 0.000000e+00 : f32
            %neg3A_519 = vector.broadcast %neg3A_518 : f32 to vector<16xf32>
            %neg3A_520 = arith.subf %neg3A_519, %masked_cumsum3A_504 : vector<16xf32>
            tpu.vector_store_idx %arg26[%sub3A_509], %neg3A_520 masked %and3A_511 {add = true} : memref<3200xf32, #tpu.memory_space<vmem>>[vector<16xi32>], vector<16xf32>, vector<16xi1>
            %scan3A_521 = arith.constant 0 : i32
            scf.yield %scan3A_521 : i32
          }
          %scan3A_261 = arith.constant 256 : i32
        } else {
        }
        %not3A_250 = arith.constant true
        %not3A_251 = arith.xori %and3A_246, %not3A_250 : i1
        %convert_element_type3A_252 = arith.extui %not3A_251 : i1 to i32
        %cond3A_253 = arith.constant 0 : i32
        %cond3A_254 = arith.cmpi ne, %convert_element_type3A_252, %cond3A_253 : i32
        scf.if %cond3A_254 {
          %scan3A_255 = arith.constant 0 : i32
          %scan3A_256 = arith.constant 0 : i32
          %scan3A_257 = arith.constant 256 : i32
          %scan3A_258 = arith.addi %scan3A_256, %scan3A_257 : i32
          %scan3A_259 = arith.constant 2 : i32
          %scan3A_260 = scf.for %scan3A_262 = %scan3A_256 to %scan3A_258 step %scan3A_259 iter_args(%scan3A_263 = %scan3A_255) -> (i32)  : i32 {
            %mul3A_264 = arith.constant 16 : i32
            %mul3A_265 = arith.muli %scan3A_262, %mul3A_264 : i32
            %get3A_266 = arith.index_cast %mul3A_265 : i32 to index
            %get3A_267 = tpu.vector_load %arg12[%get3A_266] {strides = array<i32>} : memref<4112xi32, #tpu.memory_space<vmem>>, vector<16xi32>,
            %add3A_268 = arith.constant 1 : i32
            %add3A_269 = arith.addi %mul3A_265, %add3A_268 : i32
            %get3A_270 = arith.index_cast %add3A_269 : i32 to index
            %get3A_271 = tpu.vector_load %arg12[%get3A_270] {strides = array<i32>} : memref<4112xi32, #tpu.memory_space<vmem>>, vector<16xi32>,
            %add3A_272 = arith.addi %multiple_of3A, %mul3A_265 : i32
            %add3A_273 = vector.broadcast %add3A_272 : i32 to vector<16xi32>
            %add3A_274 = arith.addi %add3A_273, %iota3A : vector<16xi32>
            %ge3A_275 = vector.broadcast %add3A_234 : i32 to vector<16xi32>
            %ge3A_276 = arith.cmpi sge, %add3A_274, %ge3A_275 : vector<16xi32>
            %lt3A_277 = vector.broadcast %min3A_88 : i32 to vector<16xi32>
            %lt3A_278 = arith.cmpi slt, %add3A_274, %lt3A_277 : vector<16xi32>
            %and3A_279 = arith.andi %ge3A_276, %lt3A_278 : vector<16xi1>
            %get3A_280 = arith.index_cast %mul3A_265 : i32 to index
            %get3A_281 = tpu.vector_load %arg13[%get3A_280] {strides = array<i32>} : memref<4096xf32, #tpu.memory_space<vmem>>, vector<16xf32>,
            %exp3A = math.exp %get3A_281 : vector<16xf32>
            %jit3A_282 = arith.constant 0.000000e+00 : f32
            %broadcast_in_dim3A_283 = vector.broadcast %jit3A_282 : f32 to vector<16xf32>
            %select_n3A_284 = arith.select %and3A_279, %exp3A, %broadcast_in_dim3A_283 : vector<16xi1>, vector<16xf32>
            %mul3A_285 = arith.constant 2 : i32
            %mul3A_286 = arith.muli %mul3A_285, %mul3A_265 : i32
            %jit3A_287 = arith.constant 128 : i32
            %eq3A_288 = arith.constant 0 : i32
            %eq3A_289 = arith.cmpi eq, %jit3A_287, %eq3A_288 : i32
            %jit3A_290 = arith.constant 1 : i32
            %select_n3A_291 = arith.select %eq3A_289, %jit3A_290, %jit3A_287 : i32
            %rem3A_292 = arith.remsi %mul3A_265, %select_n3A_291 : i32
            %ne3A_293 = arith.constant 0 : i32
            %ne3A_294 = arith.cmpi ne, %rem3A_292, %ne3A_293 : i32
            %lt3A_295 = arith.constant 0 : i32
            %lt3A_296 = arith.cmpi slt, %rem3A_292, %lt3A_295 : i32
            %lt3A_297 = arith.constant 0 : i32
            %lt3A_298 = arith.cmpi slt, %select_n3A_291, %lt3A_297 : i32
            %ne3A_299 = arith.xori %lt3A_296, %lt3A_298 : i1
            %and3A_300 = arith.andi %ne3A_299, %ne3A_294 : i1
            %add3A_301 = arith.addi %rem3A_292, %select_n3A_291 : i32
            %select_n3A_302 = arith.select %and3A_300, %add3A_301, %rem3A_292 : i32
            %sub3A_303 = arith.subi %mul3A_286, %select_n3A_302 : i32
            %get3A_304 = arith.index_cast %sub3A_303 : i32 to index
            %get3A_305 = tpu.vector_load %arg14[%get3A_304] {strides = array<i32>} : memref<8192xf32, #tpu.memory_space<vmem>>, vector<16xf32>,
            %add3A_306 = arith.constant 128 : i32
            %add3A_307 = arith.addi %sub3A_303, %add3A_306 : i32
            %get3A_308 = arith.index_cast %add3A_307 : i32 to index
            %get3A_309 = tpu.vector_load %arg14[%get3A_308] {strides = array<i32>} : memref<8192xf32, #tpu.memory_space<vmem>>, vector<16xf32>,
            %broadcast_in_dim3A_310 = arith.constant true
            %broadcast_in_dim3A_311 = vector.broadcast %broadcast_in_dim3A_310 : i1 to vector<16xi1>
            %masked_cumsum3A = tpu.scan <sum>, %select_n3A_284 masked %broadcast_in_dim3A_311 : vector<16xf32>, vector<16xi1> -> vector<16xf32>
            %mul3A_312 = arith.mulf %select_n3A_284, %get3A_305 : vector<16xf32>
            %broadcast_in_dim3A_313 = arith.constant true
            %broadcast_in_dim3A_314 = vector.broadcast %broadcast_in_dim3A_313 : i1 to vector<16xi1>
            %masked_cumsum3A_315 = tpu.scan <sum>, %mul3A_312 masked %broadcast_in_dim3A_314 : vector<16xf32>, vector<16xi1> -> vector<16xf32>
            %mul3A_316 = arith.mulf %select_n3A_284, %get3A_309 : vector<16xf32>
            %broadcast_in_dim3A_317 = arith.constant true
            %broadcast_in_dim3A_318 = vector.broadcast %broadcast_in_dim3A_317 : i1 to vector<16xi1>
            %masked_cumsum3A_319 = tpu.scan <sum>, %mul3A_316 masked %broadcast_in_dim3A_318 : vector<16xf32>, vector<16xi1> -> vector<16xf32>
            %ne3A_320 = arith.cmpi ne, %get3A_267, %get3A_271 : vector<16xi32>
            %ge3A_321 = vector.broadcast %mul3A_24 : i32 to vector<16xi32>
            %ge3A_322 = arith.cmpi sge, %get3A_267, %ge3A_321 : vector<16xi32>
            %lt3A_323 = vector.broadcast %add3A_26 : i32 to vector<16xi32>
            %lt3A_324 = arith.cmpi slt, %get3A_267, %lt3A_323 : vector<16xi32>
            %and3A_325 = arith.andi %ge3A_322, %lt3A_324 : vector<16xi1>
            %ge3A_326 = vector.broadcast %mul3A_24 : i32 to vector<16xi32>
            %ge3A_327 = arith.cmpi sge, %get3A_271, %ge3A_326 : vector<16xi32>
            %lt3A_328 = vector.broadcast %add3A_26 : i32 to vector<16xi32>
            %lt3A_329 = arith.cmpi slt, %get3A_271, %lt3A_328 : vector<16xi32>
            %and3A_330 = arith.andi %ge3A_327, %lt3A_329 : vector<16xi1>
            %sub3A_331 = vector.broadcast %mul3A_24 : i32 to vector<16xi32>
            %sub3A_332 = arith.subi %get3A_267, %sub3A_331 : vector<16xi32>
            %sub3A_333 = vector.broadcast %mul3A_24 : i32 to vector<16xi32>
            %sub3A_334 = arith.subi %get3A_271, %sub3A_333 : vector<16xi32>
            %or3A = arith.ori %ne3A_320, %eq3A_112 : vector<16xi1>
            %and3A_335 = arith.andi %or3A, %and3A_325 : vector<16xi1>
            %and3A_336 = arith.andi %ne3A_320, %not3A_113 : vector<16xi1>
            %and3A_337 = arith.andi %and3A_336, %and3A_330 : vector<16xi1>
            tpu.vector_store_idx %arg24[%sub3A_332], %masked_cumsum3A masked %and3A_335 {add = true} : memref<3200xf32, #tpu.memory_space<vmem>>[vector<16xi32>], vector<16xf32>, vector<16xi1>
            tpu.vector_store_idx %arg25[%sub3A_332], %masked_cumsum3A_315 masked %and3A_335 {add = true} : memref<3200xf32, #tpu.memory_space<vmem>>[vector<16xi32>], vector<16xf32>, vector<16xi1>
            tpu.vector_store_idx %arg26[%sub3A_332], %masked_cumsum3A_319 masked %and3A_335 {add = true} : memref<3200xf32, #tpu.memory_space<vmem>>[vector<16xi32>], vector<16xf32>, vector<16xi1>
            %neg3A = arith.constant 0.000000e+00 : f32
            %neg3A_338 = vector.broadcast %neg3A : f32 to vector<16xf32>
            %neg3A_339 = arith.subf %neg3A_338, %masked_cumsum3A : vector<16xf32>
            tpu.vector_store_idx %arg24[%sub3A_334], %neg3A_339 masked %and3A_337 {add = true} : memref<3200xf32, #tpu.memory_space<vmem>>[vector<16xi32>], vector<16xf32>, vector<16xi1>
            %neg3A_340 = arith.constant 0.000000e+00 : f32
            %neg3A_341 = vector.broadcast %neg3A_340 : f32 to vector<16xf32>
            %neg3A_342 = arith.subf %neg3A_341, %masked_cumsum3A_315 : vector<16xf32>
            tpu.vector_store_idx %arg25[%sub3A_334], %neg3A_342 masked %and3A_337 {add = true} : memref<3200xf32, #tpu.memory_space<vmem>>[vector<16xi32>], vector<16xf32>, vector<16xi1>
            %neg3A_343 = arith.constant 0.000000e+00 : f32
            %neg3A_344 = vector.broadcast %neg3A_343 : f32 to vector<16xf32>
            %neg3A_345 = arith.subf %neg3A_344, %masked_cumsum3A_319 : vector<16xf32>
            tpu.vector_store_idx %arg26[%sub3A_334], %neg3A_345 masked %and3A_337 {add = true} : memref<3200xf32, #tpu.memory_space<vmem>>[vector<16xi32>], vector<16xf32>, vector<16xi1>
            %scan3A_346 = arith.constant 0 : i32
            %scan3A_347 = arith.constant 1 : i32
            %scan3A_348 = arith.addi %scan3A_262, %scan3A_347 : i32
            %mul3A_349 = arith.constant 16 : i32
            %mul3A_350 = arith.muli %scan3A_348, %mul3A_349 : i32
            %get3A_351 = arith.index_cast %mul3A_350 : i32 to index
            %get3A_352 = tpu.vector_load %arg12[%get3A_351] {strides = array<i32>} : memref<4112xi32, #tpu.memory_space<vmem>>, vector<16xi32>,
            %add3A_353 = arith.constant 1 : i32
            %add3A_354 = arith.addi %mul3A_350, %add3A_353 : i32
            %get3A_355 = arith.index_cast %add3A_354 : i32 to index
            %get3A_356 = tpu.vector_load %arg12[%get3A_355] {strides = array<i32>} : memref<4112xi32, #tpu.memory_space<vmem>>, vector<16xi32>,
            %add3A_357 = arith.addi %multiple_of3A, %mul3A_350 : i32
            %add3A_358 = vector.broadcast %add3A_357 : i32 to vector<16xi32>
            %add3A_359 = arith.addi %add3A_358, %iota3A : vector<16xi32>
            %ge3A_360 = vector.broadcast %add3A_234 : i32 to vector<16xi32>
            %ge3A_361 = arith.cmpi sge, %add3A_359, %ge3A_360 : vector<16xi32>
            %lt3A_362 = vector.broadcast %min3A_88 : i32 to vector<16xi32>
            %lt3A_363 = arith.cmpi slt, %add3A_359, %lt3A_362 : vector<16xi32>
            %and3A_364 = arith.andi %ge3A_361, %lt3A_363 : vector<16xi1>
            %get3A_365 = arith.index_cast %mul3A_350 : i32 to index
            %get3A_366 = tpu.vector_load %arg13[%get3A_365] {strides = array<i32>} : memref<4096xf32, #tpu.memory_space<vmem>>, vector<16xf32>,
            %exp3A_367 = math.exp %get3A_366 : vector<16xf32>
            %jit3A_368 = arith.constant 0.000000e+00 : f32
            %broadcast_in_dim3A_369 = vector.broadcast %jit3A_368 : f32 to vector<16xf32>
            %select_n3A_370 = arith.select %and3A_364, %exp3A_367, %broadcast_in_dim3A_369 : vector<16xi1>, vector<16xf32>
            %mul3A_371 = arith.constant 2 : i32
            %mul3A_372 = arith.muli %mul3A_371, %mul3A_350 : i32
            %jit3A_373 = arith.constant 128 : i32
            %eq3A_374 = arith.constant 0 : i32
            %eq3A_375 = arith.cmpi eq, %jit3A_373, %eq3A_374 : i32
            %jit3A_376 = arith.constant 1 : i32
            %select_n3A_377 = arith.select %eq3A_375, %jit3A_376, %jit3A_373 : i32
            %rem3A_378 = arith.remsi %mul3A_350, %select_n3A_377 : i32
            %ne3A_379 = arith.constant 0 : i32
            %ne3A_380 = arith.cmpi ne, %rem3A_378, %ne3A_379 : i32
            %lt3A_381 = arith.constant 0 : i32
            %lt3A_382 = arith.cmpi slt, %rem3A_378, %lt3A_381 : i32
            %lt3A_383 = arith.constant 0 : i32
            %lt3A_384 = arith.cmpi slt, %select_n3A_377, %lt3A_383 : i32
            %ne3A_385 = arith.xori %lt3A_382, %lt3A_384 : i1
            %and3A_386 = arith.andi %ne3A_385, %ne3A_380 : i1
            %add3A_387 = arith.addi %rem3A_378, %select_n3A_377 : i32
            %select_n3A_388 = arith.select %and3A_386, %add3A_387, %rem3A_378 : i32
            %sub3A_389 = arith.subi %mul3A_372, %select_n3A_388 : i32
            %get3A_390 = arith.index_cast %sub3A_389 : i32 to index
            %get3A_391 = tpu.vector_load %arg14[%get3A_390] {strides = array<i32>} : memref<8192xf32, #tpu.memory_space<vmem>>, vector<16xf32>,
            %add3A_392 = arith.constant 128 : i32
            %add3A_393 = arith.addi %sub3A_389, %add3A_392 : i32
            %get3A_394 = arith.index_cast %add3A_393 : i32 to index
            %get3A_395 = tpu.vector_load %arg14[%get3A_394] {strides = array<i32>} : memref<8192xf32, #tpu.memory_space<vmem>>, vector<16xf32>,
            %broadcast_in_dim3A_396 = arith.constant true
            %broadcast_in_dim3A_397 = vector.broadcast %broadcast_in_dim3A_396 : i1 to vector<16xi1>
            %masked_cumsum3A_398 = tpu.scan <sum>, %select_n3A_370 masked %broadcast_in_dim3A_397 : vector<16xf32>, vector<16xi1> -> vector<16xf32>
            %mul3A_399 = arith.mulf %select_n3A_370, %get3A_391 : vector<16xf32>
            %broadcast_in_dim3A_400 = arith.constant true
            %broadcast_in_dim3A_401 = vector.broadcast %broadcast_in_dim3A_400 : i1 to vector<16xi1>
            %masked_cumsum3A_402 = tpu.scan <sum>, %mul3A_399 masked %broadcast_in_dim3A_401 : vector<16xf32>, vector<16xi1> -> vector<16xf32>
            %mul3A_403 = arith.mulf %select_n3A_370, %get3A_395 : vector<16xf32>
            %broadcast_in_dim3A_404 = arith.constant true
            %broadcast_in_dim3A_405 = vector.broadcast %broadcast_in_dim3A_404 : i1 to vector<16xi1>
            %masked_cumsum3A_406 = tpu.scan <sum>, %mul3A_403 masked %broadcast_in_dim3A_405 : vector<16xf32>, vector<16xi1> -> vector<16xf32>
            %ne3A_407 = arith.cmpi ne, %get3A_352, %get3A_356 : vector<16xi32>
            %ge3A_408 = vector.broadcast %mul3A_24 : i32 to vector<16xi32>
            %ge3A_409 = arith.cmpi sge, %get3A_352, %ge3A_408 : vector<16xi32>
            %lt3A_410 = vector.broadcast %add3A_26 : i32 to vector<16xi32>
            %lt3A_411 = arith.cmpi slt, %get3A_352, %lt3A_410 : vector<16xi32>
            %and3A_412 = arith.andi %ge3A_409, %lt3A_411 : vector<16xi1>
            %ge3A_413 = vector.broadcast %mul3A_24 : i32 to vector<16xi32>
            %ge3A_414 = arith.cmpi sge, %get3A_356, %ge3A_413 : vector<16xi32>
            %lt3A_415 = vector.broadcast %add3A_26 : i32 to vector<16xi32>
            %lt3A_416 = arith.cmpi slt, %get3A_356, %lt3A_415 : vector<16xi32>
            %and3A_417 = arith.andi %ge3A_414, %lt3A_416 : vector<16xi1>
            %sub3A_418 = vector.broadcast %mul3A_24 : i32 to vector<16xi32>
            %sub3A_419 = arith.subi %get3A_352, %sub3A_418 : vector<16xi32>
            %sub3A_420 = vector.broadcast %mul3A_24 : i32 to vector<16xi32>
            %sub3A_421 = arith.subi %get3A_356, %sub3A_420 : vector<16xi32>
            %or3A_422 = arith.ori %ne3A_407, %eq3A_112 : vector<16xi1>
            %and3A_423 = arith.andi %or3A_422, %and3A_412 : vector<16xi1>
            %and3A_424 = arith.andi %ne3A_407, %not3A_113 : vector<16xi1>
            %and3A_425 = arith.andi %and3A_424, %and3A_417 : vector<16xi1>
            tpu.vector_store_idx %arg24[%sub3A_419], %masked_cumsum3A_398 masked %and3A_423 {add = true} : memref<3200xf32, #tpu.memory_space<vmem>>[vector<16xi32>], vector<16xf32>, vector<16xi1>
            tpu.vector_store_idx %arg25[%sub3A_419], %masked_cumsum3A_402 masked %and3A_423 {add = true} : memref<3200xf32, #tpu.memory_space<vmem>>[vector<16xi32>], vector<16xf32>, vector<16xi1>
            tpu.vector_store_idx %arg26[%sub3A_419], %masked_cumsum3A_406 masked %and3A_423 {add = true} : memref<3200xf32, #tpu.memory_space<vmem>>[vector<16xi32>], vector<16xf32>, vector<16xi1>
            %neg3A_426 = arith.constant 0.000000e+00 : f32
            %neg3A_427 = vector.broadcast %neg3A_426 : f32 to vector<16xf32>
            %neg3A_428 = arith.subf %neg3A_427, %masked_cumsum3A_398 : vector<16xf32>
            tpu.vector_store_idx %arg24[%sub3A_421], %neg3A_428 masked %and3A_425 {add = true} : memref<3200xf32, #tpu.memory_space<vmem>>[vector<16xi32>], vector<16xf32>, vector<16xi1>
            %neg3A_429 = arith.constant 0.000000e+00 : f32
            %neg3A_430 = vector.broadcast %neg3A_429 : f32 to vector<16xf32>
            %neg3A_431 = arith.subf %neg3A_430, %masked_cumsum3A_402 : vector<16xf32>
            tpu.vector_store_idx %arg25[%sub3A_421], %neg3A_431 masked %and3A_425 {add = true} : memref<3200xf32, #tpu.memory_space<vmem>>[vector<16xi32>], vector<16xf32>, vector<16xi1>
            %neg3A_432 = arith.constant 0.000000e+00 : f32
            %neg3A_433 = vector.broadcast %neg3A_432 : f32 to vector<16xf32>
            %neg3A_434 = arith.subf %neg3A_433, %masked_cumsum3A_406 : vector<16xf32>
            tpu.vector_store_idx %arg26[%sub3A_421], %neg3A_434 masked %and3A_425 {add = true} : memref<3200xf32, #tpu.memory_space<vmem>>[vector<16xi32>], vector<16xf32>, vector<16xi1>
            %scan3A_435 = arith.constant 0 : i32
            scf.yield %scan3A_435 : i32
          }
          %scan3A_261 = arith.constant 256 : i32
        } else {
        }
      } else {
      }
      %mul3A_192 = arith.constant 4 : i32
      %mul3A_193 = arith.muli %mul3A_192, %while3A_174 : i32
      %add3A_194 = arith.constant 2 : i32
      %add3A_195 = arith.addi %mul3A_193, %add3A_194 : i32
      %lt3A_196 = arith.cmpi slt, %add3A_195, %select_n3A_110 : i32
      %convert_element_type3A_197 = arith.extui %lt3A_196 : i1 to i32
      %cond3A_198 = arith.constant 0 : i32
      %cond3A_199 = arith.cmpi ne, %convert_element_type3A_197, %cond3A_198 : i32
      scf.if %cond3A_199 {
        %dma_wait3A = arith.constant 0 : i32
        %dma_wait3A_209 = tpu.memref_slice %arg16[%dma_wait3A] : memref<4112xi32, #tpu.memory_space<vmem>> -> memref<4096xi32, #tpu.memory_space<vmem>>
        %dma_wait3A_210 = arith.constant 0 : i32
        %dma_wait3A_211 = tpu.memref_slice %arg3[%dma_wait3A_210] : memref<6400000xi32, #tpu.memory_space<hbm>> -> memref<4096xi32, #tpu.memory_space<hbm>>
        %dma_wait3A_212 = arith.constant 0 : i32
        %dma_wait3A_213 = tpu.memref_slice %arg16[%dma_wait3A_212] : memref<4112xi32, #tpu.memory_space<vmem>> -> memref<4096xi32, #tpu.memory_space<vmem>>
        %dma_wait3A_214 = arith.constant 0 : i32
        %dma_wait3A_215 = tpu.memref_slice %arg3[%dma_wait3A_214] : memref<6400000xi32, #tpu.memory_space<hbm>> -> memref<4096xi32, #tpu.memory_space<hbm>>
        tpu.wait_dma2 semaphore(%arg19 : memref<!tpu.dma_semaphore, #tpu.memory_space<semaphore_mem>>) src(%dma_wait3A_215 : memref<4096xi32, #tpu.memory_space<hbm>>) dst(%dma_wait3A_213 : memref<4096xi32, #tpu.memory_space<vmem>>)
        %dma_wait3A_216 = arith.constant 0 : i32
        %dma_wait3A_217 = tpu.memref_slice %arg4[%dma_wait3A_216] : memref<6400000xf32, #tpu.memory_space<hbm>> -> memref<4096xf32, #tpu.memory_space<hbm>>
        %dma_wait3A_218 = arith.constant 0 : i32
        %dma_wait3A_219 = tpu.memref_slice %arg4[%dma_wait3A_218] : memref<6400000xf32, #tpu.memory_space<hbm>> -> memref<4096xf32, #tpu.memory_space<hbm>>
        tpu.wait_dma2 semaphore(%arg19 : memref<!tpu.dma_semaphore, #tpu.memory_space<semaphore_mem>>) src(%dma_wait3A_219 : memref<4096xf32, #tpu.memory_space<hbm>>) dst(%arg17 : memref<4096xf32, #tpu.memory_space<vmem>>)
        %dma_wait3A_220 = arith.constant 0 : i32
        %dma_wait3A_221 = tpu.memref_slice %arg5[%dma_wait3A_220] : memref<12800000xf32, #tpu.memory_space<hbm>> -> memref<8192xf32, #tpu.memory_space<hbm>>
        %dma_wait3A_222 = arith.constant 0 : i32
        %dma_wait3A_223 = tpu.memref_slice %arg5[%dma_wait3A_222] : memref<12800000xf32, #tpu.memory_space<hbm>> -> memref<8192xf32, #tpu.memory_space<hbm>>
        tpu.wait_dma2 semaphore(%arg19 : memref<!tpu.dma_semaphore, #tpu.memory_space<semaphore_mem>>) src(%dma_wait3A_223 : memref<8192xf32, #tpu.memory_space<hbm>>) dst(%arg18 : memref<8192xf32, #tpu.memory_space<vmem>>)
        %add3A_224 = arith.constant 4 : i32
        %add3A_225 = arith.addi %add3A_195, %add3A_224 : i32
        %sub3A_226 = arith.constant 1 : i32
        %sub3A_227 = arith.subi %add3A_225, %sub3A_226 : i32
        %lt3A_228 = arith.cmpi slt, %sub3A_227, %select_n3A_110 : i32
        %convert_element_type3A_229 = arith.extui %lt3A_228 : i1 to i32
        %cond3A_230 = arith.constant 0 : i32
        %cond3A_231 = arith.cmpi ne, %convert_element_type3A_229, %cond3A_230 : i32
        scf.if %cond3A_231 {
          %add3A_255 = arith.constant 4 : i32
          %add3A_256 = arith.addi %add3A_195, %add3A_255 : i32
          %sub3A_257 = arith.constant 1 : i32
          %sub3A_258 = arith.subi %add3A_256, %sub3A_257 : i32
          %mul3A_259 = arith.constant 4096 : i32
          %mul3A_260 = arith.muli %sub3A_258, %mul3A_259 : i32
          %add3A_261 = arith.addi %mul3A_85, %mul3A_260 : i32
          %min3A_262 = arith.constant 6395904 : i32
          %min3A_263 = arith.minsi %add3A_261, %min3A_262 : i32
          %multiple_of3A_264 = tpu.assume_multiple %min3A_263, 128 : i32
          %dma_start3A = arith.constant 0 : i32
          %dma_start3A_265 = tpu.memref_slice %arg12[%dma_start3A] : memref<4112xi32, #tpu.memory_space<vmem>> -> memref<4096xi32, #tpu.memory_space<vmem>>
          %dma_start3A_266 = tpu.memref_slice %arg3[%multiple_of3A_264] : memref<6400000xi32, #tpu.memory_space<hbm>> -> memref<4096xi32, #tpu.memory_space<hbm>>
          %dma_start3A_267 = arith.constant 0 : i32
          %dma_start3A_268 = tpu.memref_slice %arg12[%dma_start3A_267] : memref<4112xi32, #tpu.memory_space<vmem>> -> memref<4096xi32, #tpu.memory_space<vmem>>
          %dma_start3A_269 = tpu.memref_slice %arg3[%multiple_of3A_264] : memref<6400000xi32, #tpu.memory_space<hbm>> -> memref<4096xi32, #tpu.memory_space<hbm>>
          tpu.enqueue_dma source(%dma_start3A_269 : memref<4096xi32, #tpu.memory_space<hbm>>) target(%dma_start3A_268 : memref<4096xi32, #tpu.memory_space<vmem>>) target_semaphore(%arg15 : memref<!tpu.dma_semaphore, #tpu.memory_space<semaphore_mem>>)
          %dma_start3A_270 = tpu.memref_slice %arg4[%multiple_of3A_264] : memref<6400000xf32, #tpu.memory_space<hbm>> -> memref<4096xf32, #tpu.memory_space<hbm>>
          %dma_start3A_271 = tpu.memref_slice %arg4[%multiple_of3A_264] : memref<6400000xf32, #tpu.memory_space<hbm>> -> memref<4096xf32, #tpu.memory_space<hbm>>
          tpu.enqueue_dma source(%dma_start3A_271 : memref<4096xf32, #tpu.memory_space<hbm>>) target(%arg13 : memref<4096xf32, #tpu.memory_space<vmem>>) target_semaphore(%arg15 : memref<!tpu.dma_semaphore, #tpu.memory_space<semaphore_mem>>)
          %mul3A_272 = arith.constant 2 : i32
          %mul3A_273 = arith.muli %mul3A_272, %multiple_of3A_264 : i32
          %multiple_of3A_274 = tpu.assume_multiple %mul3A_273, 256 : i32
          %dma_start3A_275 = tpu.memref_slice %arg5[%multiple_of3A_274] : memref<12800000xf32, #tpu.memory_space<hbm>> -> memref<8192xf32, #tpu.memory_space<hbm>>
          %dma_start3A_276 = tpu.memref_slice %arg5[%multiple_of3A_274] : memref<12800000xf32, #tpu.memory_space<hbm>> -> memref<8192xf32, #tpu.memory_space<hbm>>
          tpu.enqueue_dma source(%dma_start3A_276 : memref<8192xf32, #tpu.memory_space<hbm>>) target(%arg14 : memref<8192xf32, #tpu.memory_space<vmem>>) target_semaphore(%arg15 : memref<!tpu.dma_semaphore, #tpu.memory_space<semaphore_mem>>)
        } else {
        }
        %mul3A_232 = arith.constant 4096 : i32
        %mul3A_233 = arith.muli %add3A_195, %mul3A_232 : i32
        %add3A_234 = arith.addi %mul3A_85, %mul3A_233 : i32
        %mul3A_235 = arith.constant 4096 : i32
        %mul3A_236 = arith.muli %add3A_195, %mul3A_235 : i32
        %add3A_237 = arith.addi %mul3A_85, %mul3A_236 : i32
        %min3A_238 = arith.constant 6395904 : i32
        %min3A_239 = arith.minsi %add3A_237, %min3A_238 : i32
        %multiple_of3A = tpu.assume_multiple %min3A_239, 128 : i32
        %add3A_240 = arith.constant 4096 : i32
        %add3A_241 = arith.addi %mul3A_85, %add3A_240 : i32
        %ge3A = arith.cmpi sge, %add3A_234, %add3A_241 : i32
        %add3A_242 = arith.constant 4096 : i32
        %add3A_243 = arith.addi %add3A_234, %add3A_242 : i32
        %sub3A_244 = arith.constant 4096 : i32
        %sub3A_245 = arith.subi %min3A_88, %sub3A_244 : i32
        %le3A = arith.cmpi sle, %add3A_243, %sub3A_245 : i32
        %and3A_246 = arith.andi %ge3A, %le3A : i1
        %convert_element_type3A_247 = arith.extui %and3A_246 : i1 to i32
        %cond3A_248 = arith.constant 0 : i32
        %cond3A_249 = arith.cmpi ne, %convert_element_type3A_247, %cond3A_248 : i32
        scf.if %cond3A_249 {
          %scan3A_255 = arith.constant 0 : i32
          %scan3A_256 = arith.constant 0 : i32
          %scan3A_257 = arith.constant 256 : i32
          %scan3A_258 = arith.addi %scan3A_256, %scan3A_257 : i32
          %scan3A_259 = arith.constant 4 : i32
          %scan3A_260 = scf.for %scan3A_262 = %scan3A_256 to %scan3A_258 step %scan3A_259 iter_args(%scan3A_263 = %scan3A_255) -> (i32)  : i32 {
            %mul3A_264 = arith.constant 16 : i32
            %mul3A_265 = arith.muli %scan3A_262, %mul3A_264 : i32
            %get3A_266 = arith.index_cast %mul3A_265 : i32 to index
            %get3A_267 = tpu.vector_load %arg16[%get3A_266] {strides = array<i32>} : memref<4112xi32, #tpu.memory_space<vmem>>, vector<16xi32>,
            %add3A_268 = arith.constant 1 : i32
            %add3A_269 = arith.addi %mul3A_265, %add3A_268 : i32
            %get3A_270 = arith.index_cast %add3A_269 : i32 to index
            %get3A_271 = tpu.vector_load %arg16[%get3A_270] {strides = array<i32>} : memref<4112xi32, #tpu.memory_space<vmem>>, vector<16xi32>,
            %get3A_272 = arith.index_cast %mul3A_265 : i32 to index
            %get3A_273 = tpu.vector_load %arg17[%get3A_272] {strides = array<i32>} : memref<4096xf32, #tpu.memory_space<vmem>>, vector<16xf32>,
            %exp3A = math.exp %get3A_273 : vector<16xf32>
            %mul3A_274 = arith.constant 2 : i32
            %mul3A_275 = arith.muli %mul3A_274, %mul3A_265 : i32
            %jit3A_276 = arith.constant 128 : i32
            %eq3A_277 = arith.constant 0 : i32
            %eq3A_278 = arith.cmpi eq, %jit3A_276, %eq3A_277 : i32
            %jit3A_279 = arith.constant 1 : i32
            %select_n3A_280 = arith.select %eq3A_278, %jit3A_279, %jit3A_276 : i32
            %rem3A_281 = arith.remsi %mul3A_265, %select_n3A_280 : i32
            %ne3A_282 = arith.constant 0 : i32
            %ne3A_283 = arith.cmpi ne, %rem3A_281, %ne3A_282 : i32
            %lt3A_284 = arith.constant 0 : i32
            %lt3A_285 = arith.cmpi slt, %rem3A_281, %lt3A_284 : i32
            %lt3A_286 = arith.constant 0 : i32
            %lt3A_287 = arith.cmpi slt, %select_n3A_280, %lt3A_286 : i32
            %ne3A_288 = arith.xori %lt3A_285, %lt3A_287 : i1
            %and3A_289 = arith.andi %ne3A_288, %ne3A_283 : i1
            %add3A_290 = arith.addi %rem3A_281, %select_n3A_280 : i32
            %select_n3A_291 = arith.select %and3A_289, %add3A_290, %rem3A_281 : i32
            %sub3A_292 = arith.subi %mul3A_275, %select_n3A_291 : i32
            %get3A_293 = arith.index_cast %sub3A_292 : i32 to index
            %get3A_294 = tpu.vector_load %arg18[%get3A_293] {strides = array<i32>} : memref<8192xf32, #tpu.memory_space<vmem>>, vector<16xf32>,
            %add3A_295 = arith.constant 128 : i32
            %add3A_296 = arith.addi %sub3A_292, %add3A_295 : i32
            %get3A_297 = arith.index_cast %add3A_296 : i32 to index
            %get3A_298 = tpu.vector_load %arg18[%get3A_297] {strides = array<i32>} : memref<8192xf32, #tpu.memory_space<vmem>>, vector<16xf32>,
            %broadcast_in_dim3A_299 = arith.constant true
            %broadcast_in_dim3A_300 = vector.broadcast %broadcast_in_dim3A_299 : i1 to vector<16xi1>
            %masked_cumsum3A = tpu.scan <sum>, %exp3A masked %broadcast_in_dim3A_300 : vector<16xf32>, vector<16xi1> -> vector<16xf32>
            %mul3A_301 = arith.mulf %exp3A, %get3A_294 : vector<16xf32>
            %broadcast_in_dim3A_302 = arith.constant true
            %broadcast_in_dim3A_303 = vector.broadcast %broadcast_in_dim3A_302 : i1 to vector<16xi1>
            %masked_cumsum3A_304 = tpu.scan <sum>, %mul3A_301 masked %broadcast_in_dim3A_303 : vector<16xf32>, vector<16xi1> -> vector<16xf32>
            %mul3A_305 = arith.mulf %exp3A, %get3A_298 : vector<16xf32>
            %broadcast_in_dim3A_306 = arith.constant true
            %broadcast_in_dim3A_307 = vector.broadcast %broadcast_in_dim3A_306 : i1 to vector<16xi1>
            %masked_cumsum3A_308 = tpu.scan <sum>, %mul3A_305 masked %broadcast_in_dim3A_307 : vector<16xf32>, vector<16xi1> -> vector<16xf32>
            %ne3A_309 = arith.cmpi ne, %get3A_267, %get3A_271 : vector<16xi32>
            %sub3A_310 = vector.broadcast %mul3A_24 : i32 to vector<16xi32>
            %sub3A_311 = arith.subi %get3A_267, %sub3A_310 : vector<16xi32>
            %sub3A_312 = vector.broadcast %mul3A_24 : i32 to vector<16xi32>
            %sub3A_313 = arith.subi %get3A_271, %sub3A_312 : vector<16xi32>
            %or3A = arith.ori %ne3A_309, %eq3A_112 : vector<16xi1>
            %and3A_314 = arith.andi %ne3A_309, %not3A_113 : vector<16xi1>
            tpu.vector_store_idx %arg24[%sub3A_311], %masked_cumsum3A masked %or3A {add = true} : memref<3200xf32, #tpu.memory_space<vmem>>[vector<16xi32>], vector<16xf32>, vector<16xi1>
            tpu.vector_store_idx %arg25[%sub3A_311], %masked_cumsum3A_304 masked %or3A {add = true} : memref<3200xf32, #tpu.memory_space<vmem>>[vector<16xi32>], vector<16xf32>, vector<16xi1>
            tpu.vector_store_idx %arg26[%sub3A_311], %masked_cumsum3A_308 masked %or3A {add = true} : memref<3200xf32, #tpu.memory_space<vmem>>[vector<16xi32>], vector<16xf32>, vector<16xi1>
            %neg3A = arith.constant 0.000000e+00 : f32
            %neg3A_315 = vector.broadcast %neg3A : f32 to vector<16xf32>
            %neg3A_316 = arith.subf %neg3A_315, %masked_cumsum3A : vector<16xf32>
            tpu.vector_store_idx %arg24[%sub3A_313], %neg3A_316 masked %and3A_314 {add = true} : memref<3200xf32, #tpu.memory_space<vmem>>[vector<16xi32>], vector<16xf32>, vector<16xi1>
            %neg3A_317 = arith.constant 0.000000e+00 : f32
            %neg3A_318 = vector.broadcast %neg3A_317 : f32 to vector<16xf32>
            %neg3A_319 = arith.subf %neg3A_318, %masked_cumsum3A_304 : vector<16xf32>
            tpu.vector_store_idx %arg25[%sub3A_313], %neg3A_319 masked %and3A_314 {add = true} : memref<3200xf32, #tpu.memory_space<vmem>>[vector<16xi32>], vector<16xf32>, vector<16xi1>
            %neg3A_320 = arith.constant 0.000000e+00 : f32
            %neg3A_321 = vector.broadcast %neg3A_320 : f32 to vector<16xf32>
            %neg3A_322 = arith.subf %neg3A_321, %masked_cumsum3A_308 : vector<16xf32>
            tpu.vector_store_idx %arg26[%sub3A_313], %neg3A_322 masked %and3A_314 {add = true} : memref<3200xf32, #tpu.memory_space<vmem>>[vector<16xi32>], vector<16xf32>, vector<16xi1>
            %scan3A_323 = arith.constant 0 : i32
            %scan3A_324 = arith.constant 1 : i32
            %scan3A_325 = arith.addi %scan3A_262, %scan3A_324 : i32
            %mul3A_326 = arith.constant 16 : i32
            %mul3A_327 = arith.muli %scan3A_325, %mul3A_326 : i32
            %get3A_328 = arith.index_cast %mul3A_327 : i32 to index
            %get3A_329 = tpu.vector_load %arg16[%get3A_328] {strides = array<i32>} : memref<4112xi32, #tpu.memory_space<vmem>>, vector<16xi32>,
            %add3A_330 = arith.constant 1 : i32
            %add3A_331 = arith.addi %mul3A_327, %add3A_330 : i32
            %get3A_332 = arith.index_cast %add3A_331 : i32 to index
            %get3A_333 = tpu.vector_load %arg16[%get3A_332] {strides = array<i32>} : memref<4112xi32, #tpu.memory_space<vmem>>, vector<16xi32>,
            %get3A_334 = arith.index_cast %mul3A_327 : i32 to index
            %get3A_335 = tpu.vector_load %arg17[%get3A_334] {strides = array<i32>} : memref<4096xf32, #tpu.memory_space<vmem>>, vector<16xf32>,
            %exp3A_336 = math.exp %get3A_335 : vector<16xf32>
            %mul3A_337 = arith.constant 2 : i32
            %mul3A_338 = arith.muli %mul3A_337, %mul3A_327 : i32
            %jit3A_339 = arith.constant 128 : i32
            %eq3A_340 = arith.constant 0 : i32
            %eq3A_341 = arith.cmpi eq, %jit3A_339, %eq3A_340 : i32
            %jit3A_342 = arith.constant 1 : i32
            %select_n3A_343 = arith.select %eq3A_341, %jit3A_342, %jit3A_339 : i32
            %rem3A_344 = arith.remsi %mul3A_327, %select_n3A_343 : i32
            %ne3A_345 = arith.constant 0 : i32
            %ne3A_346 = arith.cmpi ne, %rem3A_344, %ne3A_345 : i32
            %lt3A_347 = arith.constant 0 : i32
            %lt3A_348 = arith.cmpi slt, %rem3A_344, %lt3A_347 : i32
            %lt3A_349 = arith.constant 0 : i32
            %lt3A_350 = arith.cmpi slt, %select_n3A_343, %lt3A_349 : i32
            %ne3A_351 = arith.xori %lt3A_348, %lt3A_350 : i1
            %and3A_352 = arith.andi %ne3A_351, %ne3A_346 : i1
            %add3A_353 = arith.addi %rem3A_344, %select_n3A_343 : i32
            %select_n3A_354 = arith.select %and3A_352, %add3A_353, %rem3A_344 : i32
            %sub3A_355 = arith.subi %mul3A_338, %select_n3A_354 : i32
            %get3A_356 = arith.index_cast %sub3A_355 : i32 to index
            %get3A_357 = tpu.vector_load %arg18[%get3A_356] {strides = array<i32>} : memref<8192xf32, #tpu.memory_space<vmem>>, vector<16xf32>,
            %add3A_358 = arith.constant 128 : i32
            %add3A_359 = arith.addi %sub3A_355, %add3A_358 : i32
            %get3A_360 = arith.index_cast %add3A_359 : i32 to index
            %get3A_361 = tpu.vector_load %arg18[%get3A_360] {strides = array<i32>} : memref<8192xf32, #tpu.memory_space<vmem>>, vector<16xf32>,
            %broadcast_in_dim3A_362 = arith.constant true
            %broadcast_in_dim3A_363 = vector.broadcast %broadcast_in_dim3A_362 : i1 to vector<16xi1>
            %masked_cumsum3A_364 = tpu.scan <sum>, %exp3A_336 masked %broadcast_in_dim3A_363 : vector<16xf32>, vector<16xi1> -> vector<16xf32>
            %mul3A_365 = arith.mulf %exp3A_336, %get3A_357 : vector<16xf32>
            %broadcast_in_dim3A_366 = arith.constant true
            %broadcast_in_dim3A_367 = vector.broadcast %broadcast_in_dim3A_366 : i1 to vector<16xi1>
            %masked_cumsum3A_368 = tpu.scan <sum>, %mul3A_365 masked %broadcast_in_dim3A_367 : vector<16xf32>, vector<16xi1> -> vector<16xf32>
            %mul3A_369 = arith.mulf %exp3A_336, %get3A_361 : vector<16xf32>
            %broadcast_in_dim3A_370 = arith.constant true
            %broadcast_in_dim3A_371 = vector.broadcast %broadcast_in_dim3A_370 : i1 to vector<16xi1>
            %masked_cumsum3A_372 = tpu.scan <sum>, %mul3A_369 masked %broadcast_in_dim3A_371 : vector<16xf32>, vector<16xi1> -> vector<16xf32>
            %ne3A_373 = arith.cmpi ne, %get3A_329, %get3A_333 : vector<16xi32>
            %sub3A_374 = vector.broadcast %mul3A_24 : i32 to vector<16xi32>
            %sub3A_375 = arith.subi %get3A_329, %sub3A_374 : vector<16xi32>
            %sub3A_376 = vector.broadcast %mul3A_24 : i32 to vector<16xi32>
            %sub3A_377 = arith.subi %get3A_333, %sub3A_376 : vector<16xi32>
            %or3A_378 = arith.ori %ne3A_373, %eq3A_112 : vector<16xi1>
            %and3A_379 = arith.andi %ne3A_373, %not3A_113 : vector<16xi1>
            tpu.vector_store_idx %arg24[%sub3A_375], %masked_cumsum3A_364 masked %or3A_378 {add = true} : memref<3200xf32, #tpu.memory_space<vmem>>[vector<16xi32>], vector<16xf32>, vector<16xi1>
            tpu.vector_store_idx %arg25[%sub3A_375], %masked_cumsum3A_368 masked %or3A_378 {add = true} : memref<3200xf32, #tpu.memory_space<vmem>>[vector<16xi32>], vector<16xf32>, vector<16xi1>
            tpu.vector_store_idx %arg26[%sub3A_375], %masked_cumsum3A_372 masked %or3A_378 {add = true} : memref<3200xf32, #tpu.memory_space<vmem>>[vector<16xi32>], vector<16xf32>, vector<16xi1>
            %neg3A_380 = arith.constant 0.000000e+00 : f32
            %neg3A_381 = vector.broadcast %neg3A_380 : f32 to vector<16xf32>
            %neg3A_382 = arith.subf %neg3A_381, %masked_cumsum3A_364 : vector<16xf32>
            tpu.vector_store_idx %arg24[%sub3A_377], %neg3A_382 masked %and3A_379 {add = true} : memref<3200xf32, #tpu.memory_space<vmem>>[vector<16xi32>], vector<16xf32>, vector<16xi1>
            %neg3A_383 = arith.constant 0.000000e+00 : f32
            %neg3A_384 = vector.broadcast %neg3A_383 : f32 to vector<16xf32>
            %neg3A_385 = arith.subf %neg3A_384, %masked_cumsum3A_368 : vector<16xf32>
            tpu.vector_store_idx %arg25[%sub3A_377], %neg3A_385 masked %and3A_379 {add = true} : memref<3200xf32, #tpu.memory_space<vmem>>[vector<16xi32>], vector<16xf32>, vector<16xi1>
            %neg3A_386 = arith.constant 0.000000e+00 : f32
            %neg3A_387 = vector.broadcast %neg3A_386 : f32 to vector<16xf32>
            %neg3A_388 = arith.subf %neg3A_387, %masked_cumsum3A_372 : vector<16xf32>
            tpu.vector_store_idx %arg26[%sub3A_377], %neg3A_388 masked %and3A_379 {add = true} : memref<3200xf32, #tpu.memory_space<vmem>>[vector<16xi32>], vector<16xf32>, vector<16xi1>
            %scan3A_389 = arith.constant 0 : i32
            %scan3A_390 = arith.constant 2 : i32
            %scan3A_391 = arith.addi %scan3A_262, %scan3A_390 : i32
            %mul3A_392 = arith.constant 16 : i32
            %mul3A_393 = arith.muli %scan3A_391, %mul3A_392 : i32
            %get3A_394 = arith.index_cast %mul3A_393 : i32 to index
            %get3A_395 = tpu.vector_load %arg16[%get3A_394] {strides = array<i32>} : memref<4112xi32, #tpu.memory_space<vmem>>, vector<16xi32>,
            %add3A_396 = arith.constant 1 : i32
            %add3A_397 = arith.addi %mul3A_393, %add3A_396 : i32
            %get3A_398 = arith.index_cast %add3A_397 : i32 to index
            %get3A_399 = tpu.vector_load %arg16[%get3A_398] {strides = array<i32>} : memref<4112xi32, #tpu.memory_space<vmem>>, vector<16xi32>,
            %get3A_400 = arith.index_cast %mul3A_393 : i32 to index
            %get3A_401 = tpu.vector_load %arg17[%get3A_400] {strides = array<i32>} : memref<4096xf32, #tpu.memory_space<vmem>>, vector<16xf32>,
            %exp3A_402 = math.exp %get3A_401 : vector<16xf32>
            %mul3A_403 = arith.constant 2 : i32
            %mul3A_404 = arith.muli %mul3A_403, %mul3A_393 : i32
            %jit3A_405 = arith.constant 128 : i32
            %eq3A_406 = arith.constant 0 : i32
            %eq3A_407 = arith.cmpi eq, %jit3A_405, %eq3A_406 : i32
            %jit3A_408 = arith.constant 1 : i32
            %select_n3A_409 = arith.select %eq3A_407, %jit3A_408, %jit3A_405 : i32
            %rem3A_410 = arith.remsi %mul3A_393, %select_n3A_409 : i32
            %ne3A_411 = arith.constant 0 : i32
            %ne3A_412 = arith.cmpi ne, %rem3A_410, %ne3A_411 : i32
            %lt3A_413 = arith.constant 0 : i32
            %lt3A_414 = arith.cmpi slt, %rem3A_410, %lt3A_413 : i32
            %lt3A_415 = arith.constant 0 : i32
            %lt3A_416 = arith.cmpi slt, %select_n3A_409, %lt3A_415 : i32
            %ne3A_417 = arith.xori %lt3A_414, %lt3A_416 : i1
            %and3A_418 = arith.andi %ne3A_417, %ne3A_412 : i1
            %add3A_419 = arith.addi %rem3A_410, %select_n3A_409 : i32
            %select_n3A_420 = arith.select %and3A_418, %add3A_419, %rem3A_410 : i32
            %sub3A_421 = arith.subi %mul3A_404, %select_n3A_420 : i32
            %get3A_422 = arith.index_cast %sub3A_421 : i32 to index
            %get3A_423 = tpu.vector_load %arg18[%get3A_422] {strides = array<i32>} : memref<8192xf32, #tpu.memory_space<vmem>>, vector<16xf32>,
            %add3A_424 = arith.constant 128 : i32
            %add3A_425 = arith.addi %sub3A_421, %add3A_424 : i32
            %get3A_426 = arith.index_cast %add3A_425 : i32 to index
            %get3A_427 = tpu.vector_load %arg18[%get3A_426] {strides = array<i32>} : memref<8192xf32, #tpu.memory_space<vmem>>, vector<16xf32>,
            %broadcast_in_dim3A_428 = arith.constant true
            %broadcast_in_dim3A_429 = vector.broadcast %broadcast_in_dim3A_428 : i1 to vector<16xi1>
            %masked_cumsum3A_430 = tpu.scan <sum>, %exp3A_402 masked %broadcast_in_dim3A_429 : vector<16xf32>, vector<16xi1> -> vector<16xf32>
            %mul3A_431 = arith.mulf %exp3A_402, %get3A_423 : vector<16xf32>
            %broadcast_in_dim3A_432 = arith.constant true
            %broadcast_in_dim3A_433 = vector.broadcast %broadcast_in_dim3A_432 : i1 to vector<16xi1>
            %masked_cumsum3A_434 = tpu.scan <sum>, %mul3A_431 masked %broadcast_in_dim3A_433 : vector<16xf32>, vector<16xi1> -> vector<16xf32>
            %mul3A_435 = arith.mulf %exp3A_402, %get3A_427 : vector<16xf32>
            %broadcast_in_dim3A_436 = arith.constant true
            %broadcast_in_dim3A_437 = vector.broadcast %broadcast_in_dim3A_436 : i1 to vector<16xi1>
            %masked_cumsum3A_438 = tpu.scan <sum>, %mul3A_435 masked %broadcast_in_dim3A_437 : vector<16xf32>, vector<16xi1> -> vector<16xf32>
            %ne3A_439 = arith.cmpi ne, %get3A_395, %get3A_399 : vector<16xi32>
            %sub3A_440 = vector.broadcast %mul3A_24 : i32 to vector<16xi32>
            %sub3A_441 = arith.subi %get3A_395, %sub3A_440 : vector<16xi32>
            %sub3A_442 = vector.broadcast %mul3A_24 : i32 to vector<16xi32>
            %sub3A_443 = arith.subi %get3A_399, %sub3A_442 : vector<16xi32>
            %or3A_444 = arith.ori %ne3A_439, %eq3A_112 : vector<16xi1>
            %and3A_445 = arith.andi %ne3A_439, %not3A_113 : vector<16xi1>
            tpu.vector_store_idx %arg24[%sub3A_441], %masked_cumsum3A_430 masked %or3A_444 {add = true} : memref<3200xf32, #tpu.memory_space<vmem>>[vector<16xi32>], vector<16xf32>, vector<16xi1>
            tpu.vector_store_idx %arg25[%sub3A_441], %masked_cumsum3A_434 masked %or3A_444 {add = true} : memref<3200xf32, #tpu.memory_space<vmem>>[vector<16xi32>], vector<16xf32>, vector<16xi1>
            tpu.vector_store_idx %arg26[%sub3A_441], %masked_cumsum3A_438 masked %or3A_444 {add = true} : memref<3200xf32, #tpu.memory_space<vmem>>[vector<16xi32>], vector<16xf32>, vector<16xi1>
            %neg3A_446 = arith.constant 0.000000e+00 : f32
            %neg3A_447 = vector.broadcast %neg3A_446 : f32 to vector<16xf32>
            %neg3A_448 = arith.subf %neg3A_447, %masked_cumsum3A_430 : vector<16xf32>
            tpu.vector_store_idx %arg24[%sub3A_443], %neg3A_448 masked %and3A_445 {add = true} : memref<3200xf32, #tpu.memory_space<vmem>>[vector<16xi32>], vector<16xf32>, vector<16xi1>
            %neg3A_449 = arith.constant 0.000000e+00 : f32
            %neg3A_450 = vector.broadcast %neg3A_449 : f32 to vector<16xf32>
            %neg3A_451 = arith.subf %neg3A_450, %masked_cumsum3A_434 : vector<16xf32>
            tpu.vector_store_idx %arg25[%sub3A_443], %neg3A_451 masked %and3A_445 {add = true} : memref<3200xf32, #tpu.memory_space<vmem>>[vector<16xi32>], vector<16xf32>, vector<16xi1>
            %neg3A_452 = arith.constant 0.000000e+00 : f32
            %neg3A_453 = vector.broadcast %neg3A_452 : f32 to vector<16xf32>
            %neg3A_454 = arith.subf %neg3A_453, %masked_cumsum3A_438 : vector<16xf32>
            tpu.vector_store_idx %arg26[%sub3A_443], %neg3A_454 masked %and3A_445 {add = true} : memref<3200xf32, #tpu.memory_space<vmem>>[vector<16xi32>], vector<16xf32>, vector<16xi1>
            %scan3A_455 = arith.constant 0 : i32
            %scan3A_456 = arith.constant 3 : i32
            %scan3A_457 = arith.addi %scan3A_262, %scan3A_456 : i32
            %mul3A_458 = arith.constant 16 : i32
            %mul3A_459 = arith.muli %scan3A_457, %mul3A_458 : i32
            %get3A_460 = arith.index_cast %mul3A_459 : i32 to index
            %get3A_461 = tpu.vector_load %arg16[%get3A_460] {strides = array<i32>} : memref<4112xi32, #tpu.memory_space<vmem>>, vector<16xi32>,
            %add3A_462 = arith.constant 1 : i32
            %add3A_463 = arith.addi %mul3A_459, %add3A_462 : i32
            %get3A_464 = arith.index_cast %add3A_463 : i32 to index
            %get3A_465 = tpu.vector_load %arg16[%get3A_464] {strides = array<i32>} : memref<4112xi32, #tpu.memory_space<vmem>>, vector<16xi32>,
            %get3A_466 = arith.index_cast %mul3A_459 : i32 to index
            %get3A_467 = tpu.vector_load %arg17[%get3A_466] {strides = array<i32>} : memref<4096xf32, #tpu.memory_space<vmem>>, vector<16xf32>,
            %exp3A_468 = math.exp %get3A_467 : vector<16xf32>
            %mul3A_469 = arith.constant 2 : i32
            %mul3A_470 = arith.muli %mul3A_469, %mul3A_459 : i32
            %jit3A_471 = arith.constant 128 : i32
            %eq3A_472 = arith.constant 0 : i32
            %eq3A_473 = arith.cmpi eq, %jit3A_471, %eq3A_472 : i32
            %jit3A_474 = arith.constant 1 : i32
            %select_n3A_475 = arith.select %eq3A_473, %jit3A_474, %jit3A_471 : i32
            %rem3A_476 = arith.remsi %mul3A_459, %select_n3A_475 : i32
            %ne3A_477 = arith.constant 0 : i32
            %ne3A_478 = arith.cmpi ne, %rem3A_476, %ne3A_477 : i32
            %lt3A_479 = arith.constant 0 : i32
            %lt3A_480 = arith.cmpi slt, %rem3A_476, %lt3A_479 : i32
            %lt3A_481 = arith.constant 0 : i32
            %lt3A_482 = arith.cmpi slt, %select_n3A_475, %lt3A_481 : i32
            %ne3A_483 = arith.xori %lt3A_480, %lt3A_482 : i1
            %and3A_484 = arith.andi %ne3A_483, %ne3A_478 : i1
            %add3A_485 = arith.addi %rem3A_476, %select_n3A_475 : i32
            %select_n3A_486 = arith.select %and3A_484, %add3A_485, %rem3A_476 : i32
            %sub3A_487 = arith.subi %mul3A_470, %select_n3A_486 : i32
            %get3A_488 = arith.index_cast %sub3A_487 : i32 to index
            %get3A_489 = tpu.vector_load %arg18[%get3A_488] {strides = array<i32>} : memref<8192xf32, #tpu.memory_space<vmem>>, vector<16xf32>,
            %add3A_490 = arith.constant 128 : i32
            %add3A_491 = arith.addi %sub3A_487, %add3A_490 : i32
            %get3A_492 = arith.index_cast %add3A_491 : i32 to index
            %get3A_493 = tpu.vector_load %arg18[%get3A_492] {strides = array<i32>} : memref<8192xf32, #tpu.memory_space<vmem>>, vector<16xf32>,
            %broadcast_in_dim3A_494 = arith.constant true
            %broadcast_in_dim3A_495 = vector.broadcast %broadcast_in_dim3A_494 : i1 to vector<16xi1>
            %masked_cumsum3A_496 = tpu.scan <sum>, %exp3A_468 masked %broadcast_in_dim3A_495 : vector<16xf32>, vector<16xi1> -> vector<16xf32>
            %mul3A_497 = arith.mulf %exp3A_468, %get3A_489 : vector<16xf32>
            %broadcast_in_dim3A_498 = arith.constant true
            %broadcast_in_dim3A_499 = vector.broadcast %broadcast_in_dim3A_498 : i1 to vector<16xi1>
            %masked_cumsum3A_500 = tpu.scan <sum>, %mul3A_497 masked %broadcast_in_dim3A_499 : vector<16xf32>, vector<16xi1> -> vector<16xf32>
            %mul3A_501 = arith.mulf %exp3A_468, %get3A_493 : vector<16xf32>
            %broadcast_in_dim3A_502 = arith.constant true
            %broadcast_in_dim3A_503 = vector.broadcast %broadcast_in_dim3A_502 : i1 to vector<16xi1>
            %masked_cumsum3A_504 = tpu.scan <sum>, %mul3A_501 masked %broadcast_in_dim3A_503 : vector<16xf32>, vector<16xi1> -> vector<16xf32>
            %ne3A_505 = arith.cmpi ne, %get3A_461, %get3A_465 : vector<16xi32>
            %sub3A_506 = vector.broadcast %mul3A_24 : i32 to vector<16xi32>
            %sub3A_507 = arith.subi %get3A_461, %sub3A_506 : vector<16xi32>
            %sub3A_508 = vector.broadcast %mul3A_24 : i32 to vector<16xi32>
            %sub3A_509 = arith.subi %get3A_465, %sub3A_508 : vector<16xi32>
            %or3A_510 = arith.ori %ne3A_505, %eq3A_112 : vector<16xi1>
            %and3A_511 = arith.andi %ne3A_505, %not3A_113 : vector<16xi1>
            tpu.vector_store_idx %arg24[%sub3A_507], %masked_cumsum3A_496 masked %or3A_510 {add = true} : memref<3200xf32, #tpu.memory_space<vmem>>[vector<16xi32>], vector<16xf32>, vector<16xi1>
            tpu.vector_store_idx %arg25[%sub3A_507], %masked_cumsum3A_500 masked %or3A_510 {add = true} : memref<3200xf32, #tpu.memory_space<vmem>>[vector<16xi32>], vector<16xf32>, vector<16xi1>
            tpu.vector_store_idx %arg26[%sub3A_507], %masked_cumsum3A_504 masked %or3A_510 {add = true} : memref<3200xf32, #tpu.memory_space<vmem>>[vector<16xi32>], vector<16xf32>, vector<16xi1>
            %neg3A_512 = arith.constant 0.000000e+00 : f32
            %neg3A_513 = vector.broadcast %neg3A_512 : f32 to vector<16xf32>
            %neg3A_514 = arith.subf %neg3A_513, %masked_cumsum3A_496 : vector<16xf32>
            tpu.vector_store_idx %arg24[%sub3A_509], %neg3A_514 masked %and3A_511 {add = true} : memref<3200xf32, #tpu.memory_space<vmem>>[vector<16xi32>], vector<16xf32>, vector<16xi1>
            %neg3A_515 = arith.constant 0.000000e+00 : f32
            %neg3A_516 = vector.broadcast %neg3A_515 : f32 to vector<16xf32>
            %neg3A_517 = arith.subf %neg3A_516, %masked_cumsum3A_500 : vector<16xf32>
            tpu.vector_store_idx %arg25[%sub3A_509], %neg3A_517 masked %and3A_511 {add = true} : memref<3200xf32, #tpu.memory_space<vmem>>[vector<16xi32>], vector<16xf32>, vector<16xi1>
            %neg3A_518 = arith.constant 0.000000e+00 : f32
            %neg3A_519 = vector.broadcast %neg3A_518 : f32 to vector<16xf32>
            %neg3A_520 = arith.subf %neg3A_519, %masked_cumsum3A_504 : vector<16xf32>
            tpu.vector_store_idx %arg26[%sub3A_509], %neg3A_520 masked %and3A_511 {add = true} : memref<3200xf32, #tpu.memory_space<vmem>>[vector<16xi32>], vector<16xf32>, vector<16xi1>
            %scan3A_521 = arith.constant 0 : i32
            scf.yield %scan3A_521 : i32
          }
          %scan3A_261 = arith.constant 256 : i32
        } else {
        }
        %not3A_250 = arith.constant true
        %not3A_251 = arith.xori %and3A_246, %not3A_250 : i1
        %convert_element_type3A_252 = arith.extui %not3A_251 : i1 to i32
        %cond3A_253 = arith.constant 0 : i32
        %cond3A_254 = arith.cmpi ne, %convert_element_type3A_252, %cond3A_253 : i32
        scf.if %cond3A_254 {
          %scan3A_255 = arith.constant 0 : i32
          %scan3A_256 = arith.constant 0 : i32
          %scan3A_257 = arith.constant 256 : i32
          %scan3A_258 = arith.addi %scan3A_256, %scan3A_257 : i32
          %scan3A_259 = arith.constant 2 : i32
          %scan3A_260 = scf.for %scan3A_262 = %scan3A_256 to %scan3A_258 step %scan3A_259 iter_args(%scan3A_263 = %scan3A_255) -> (i32)  : i32 {
            %mul3A_264 = arith.constant 16 : i32
            %mul3A_265 = arith.muli %scan3A_262, %mul3A_264 : i32
            %get3A_266 = arith.index_cast %mul3A_265 : i32 to index
            %get3A_267 = tpu.vector_load %arg16[%get3A_266] {strides = array<i32>} : memref<4112xi32, #tpu.memory_space<vmem>>, vector<16xi32>,
            %add3A_268 = arith.constant 1 : i32
            %add3A_269 = arith.addi %mul3A_265, %add3A_268 : i32
            %get3A_270 = arith.index_cast %add3A_269 : i32 to index
            %get3A_271 = tpu.vector_load %arg16[%get3A_270] {strides = array<i32>} : memref<4112xi32, #tpu.memory_space<vmem>>, vector<16xi32>,
            %add3A_272 = arith.addi %multiple_of3A, %mul3A_265 : i32
            %add3A_273 = vector.broadcast %add3A_272 : i32 to vector<16xi32>
            %add3A_274 = arith.addi %add3A_273, %iota3A : vector<16xi32>
            %ge3A_275 = vector.broadcast %add3A_234 : i32 to vector<16xi32>
            %ge3A_276 = arith.cmpi sge, %add3A_274, %ge3A_275 : vector<16xi32>
            %lt3A_277 = vector.broadcast %min3A_88 : i32 to vector<16xi32>
            %lt3A_278 = arith.cmpi slt, %add3A_274, %lt3A_277 : vector<16xi32>
            %and3A_279 = arith.andi %ge3A_276, %lt3A_278 : vector<16xi1>
            %get3A_280 = arith.index_cast %mul3A_265 : i32 to index
            %get3A_281 = tpu.vector_load %arg17[%get3A_280] {strides = array<i32>} : memref<4096xf32, #tpu.memory_space<vmem>>, vector<16xf32>,
            %exp3A = math.exp %get3A_281 : vector<16xf32>
            %jit3A_282 = arith.constant 0.000000e+00 : f32
            %broadcast_in_dim3A_283 = vector.broadcast %jit3A_282 : f32 to vector<16xf32>
            %select_n3A_284 = arith.select %and3A_279, %exp3A, %broadcast_in_dim3A_283 : vector<16xi1>, vector<16xf32>
            %mul3A_285 = arith.constant 2 : i32
            %mul3A_286 = arith.muli %mul3A_285, %mul3A_265 : i32
            %jit3A_287 = arith.constant 128 : i32
            %eq3A_288 = arith.constant 0 : i32
            %eq3A_289 = arith.cmpi eq, %jit3A_287, %eq3A_288 : i32
            %jit3A_290 = arith.constant 1 : i32
            %select_n3A_291 = arith.select %eq3A_289, %jit3A_290, %jit3A_287 : i32
            %rem3A_292 = arith.remsi %mul3A_265, %select_n3A_291 : i32
            %ne3A_293 = arith.constant 0 : i32
            %ne3A_294 = arith.cmpi ne, %rem3A_292, %ne3A_293 : i32
            %lt3A_295 = arith.constant 0 : i32
            %lt3A_296 = arith.cmpi slt, %rem3A_292, %lt3A_295 : i32
            %lt3A_297 = arith.constant 0 : i32
            %lt3A_298 = arith.cmpi slt, %select_n3A_291, %lt3A_297 : i32
            %ne3A_299 = arith.xori %lt3A_296, %lt3A_298 : i1
            %and3A_300 = arith.andi %ne3A_299, %ne3A_294 : i1
            %add3A_301 = arith.addi %rem3A_292, %select_n3A_291 : i32
            %select_n3A_302 = arith.select %and3A_300, %add3A_301, %rem3A_292 : i32
            %sub3A_303 = arith.subi %mul3A_286, %select_n3A_302 : i32
            %get3A_304 = arith.index_cast %sub3A_303 : i32 to index
            %get3A_305 = tpu.vector_load %arg18[%get3A_304] {strides = array<i32>} : memref<8192xf32, #tpu.memory_space<vmem>>, vector<16xf32>,
            %add3A_306 = arith.constant 128 : i32
            %add3A_307 = arith.addi %sub3A_303, %add3A_306 : i32
            %get3A_308 = arith.index_cast %add3A_307 : i32 to index
            %get3A_309 = tpu.vector_load %arg18[%get3A_308] {strides = array<i32>} : memref<8192xf32, #tpu.memory_space<vmem>>, vector<16xf32>,
            %broadcast_in_dim3A_310 = arith.constant true
            %broadcast_in_dim3A_311 = vector.broadcast %broadcast_in_dim3A_310 : i1 to vector<16xi1>
            %masked_cumsum3A = tpu.scan <sum>, %select_n3A_284 masked %broadcast_in_dim3A_311 : vector<16xf32>, vector<16xi1> -> vector<16xf32>
            %mul3A_312 = arith.mulf %select_n3A_284, %get3A_305 : vector<16xf32>
            %broadcast_in_dim3A_313 = arith.constant true
            %broadcast_in_dim3A_314 = vector.broadcast %broadcast_in_dim3A_313 : i1 to vector<16xi1>
            %masked_cumsum3A_315 = tpu.scan <sum>, %mul3A_312 masked %broadcast_in_dim3A_314 : vector<16xf32>, vector<16xi1> -> vector<16xf32>
            %mul3A_316 = arith.mulf %select_n3A_284, %get3A_309 : vector<16xf32>
            %broadcast_in_dim3A_317 = arith.constant true
            %broadcast_in_dim3A_318 = vector.broadcast %broadcast_in_dim3A_317 : i1 to vector<16xi1>
            %masked_cumsum3A_319 = tpu.scan <sum>, %mul3A_316 masked %broadcast_in_dim3A_318 : vector<16xf32>, vector<16xi1> -> vector<16xf32>
            %ne3A_320 = arith.cmpi ne, %get3A_267, %get3A_271 : vector<16xi32>
            %ge3A_321 = vector.broadcast %mul3A_24 : i32 to vector<16xi32>
            %ge3A_322 = arith.cmpi sge, %get3A_267, %ge3A_321 : vector<16xi32>
            %lt3A_323 = vector.broadcast %add3A_26 : i32 to vector<16xi32>
            %lt3A_324 = arith.cmpi slt, %get3A_267, %lt3A_323 : vector<16xi32>
            %and3A_325 = arith.andi %ge3A_322, %lt3A_324 : vector<16xi1>
            %ge3A_326 = vector.broadcast %mul3A_24 : i32 to vector<16xi32>
            %ge3A_327 = arith.cmpi sge, %get3A_271, %ge3A_326 : vector<16xi32>
            %lt3A_328 = vector.broadcast %add3A_26 : i32 to vector<16xi32>
            %lt3A_329 = arith.cmpi slt, %get3A_271, %lt3A_328 : vector<16xi32>
            %and3A_330 = arith.andi %ge3A_327, %lt3A_329 : vector<16xi1>
            %sub3A_331 = vector.broadcast %mul3A_24 : i32 to vector<16xi32>
            %sub3A_332 = arith.subi %get3A_267, %sub3A_331 : vector<16xi32>
            %sub3A_333 = vector.broadcast %mul3A_24 : i32 to vector<16xi32>
            %sub3A_334 = arith.subi %get3A_271, %sub3A_333 : vector<16xi32>
            %or3A = arith.ori %ne3A_320, %eq3A_112 : vector<16xi1>
            %and3A_335 = arith.andi %or3A, %and3A_325 : vector<16xi1>
            %and3A_336 = arith.andi %ne3A_320, %not3A_113 : vector<16xi1>
            %and3A_337 = arith.andi %and3A_336, %and3A_330 : vector<16xi1>
            tpu.vector_store_idx %arg24[%sub3A_332], %masked_cumsum3A masked %and3A_335 {add = true} : memref<3200xf32, #tpu.memory_space<vmem>>[vector<16xi32>], vector<16xf32>, vector<16xi1>
            tpu.vector_store_idx %arg25[%sub3A_332], %masked_cumsum3A_315 masked %and3A_335 {add = true} : memref<3200xf32, #tpu.memory_space<vmem>>[vector<16xi32>], vector<16xf32>, vector<16xi1>
            tpu.vector_store_idx %arg26[%sub3A_332], %masked_cumsum3A_319 masked %and3A_335 {add = true} : memref<3200xf32, #tpu.memory_space<vmem>>[vector<16xi32>], vector<16xf32>, vector<16xi1>
            %neg3A = arith.constant 0.000000e+00 : f32
            %neg3A_338 = vector.broadcast %neg3A : f32 to vector<16xf32>
            %neg3A_339 = arith.subf %neg3A_338, %masked_cumsum3A : vector<16xf32>
            tpu.vector_store_idx %arg24[%sub3A_334], %neg3A_339 masked %and3A_337 {add = true} : memref<3200xf32, #tpu.memory_space<vmem>>[vector<16xi32>], vector<16xf32>, vector<16xi1>
            %neg3A_340 = arith.constant 0.000000e+00 : f32
            %neg3A_341 = vector.broadcast %neg3A_340 : f32 to vector<16xf32>
            %neg3A_342 = arith.subf %neg3A_341, %masked_cumsum3A_315 : vector<16xf32>
            tpu.vector_store_idx %arg25[%sub3A_334], %neg3A_342 masked %and3A_337 {add = true} : memref<3200xf32, #tpu.memory_space<vmem>>[vector<16xi32>], vector<16xf32>, vector<16xi1>
            %neg3A_343 = arith.constant 0.000000e+00 : f32
            %neg3A_344 = vector.broadcast %neg3A_343 : f32 to vector<16xf32>
            %neg3A_345 = arith.subf %neg3A_344, %masked_cumsum3A_319 : vector<16xf32>
            tpu.vector_store_idx %arg26[%sub3A_334], %neg3A_345 masked %and3A_337 {add = true} : memref<3200xf32, #tpu.memory_space<vmem>>[vector<16xi32>], vector<16xf32>, vector<16xi1>
            %scan3A_346 = arith.constant 0 : i32
            %scan3A_347 = arith.constant 1 : i32
            %scan3A_348 = arith.addi %scan3A_262, %scan3A_347 : i32
            %mul3A_349 = arith.constant 16 : i32
            %mul3A_350 = arith.muli %scan3A_348, %mul3A_349 : i32
            %get3A_351 = arith.index_cast %mul3A_350 : i32 to index
            %get3A_352 = tpu.vector_load %arg16[%get3A_351] {strides = array<i32>} : memref<4112xi32, #tpu.memory_space<vmem>>, vector<16xi32>,
            %add3A_353 = arith.constant 1 : i32
            %add3A_354 = arith.addi %mul3A_350, %add3A_353 : i32
            %get3A_355 = arith.index_cast %add3A_354 : i32 to index
            %get3A_356 = tpu.vector_load %arg16[%get3A_355] {strides = array<i32>} : memref<4112xi32, #tpu.memory_space<vmem>>, vector<16xi32>,
            %add3A_357 = arith.addi %multiple_of3A, %mul3A_350 : i32
            %add3A_358 = vector.broadcast %add3A_357 : i32 to vector<16xi32>
            %add3A_359 = arith.addi %add3A_358, %iota3A : vector<16xi32>
            %ge3A_360 = vector.broadcast %add3A_234 : i32 to vector<16xi32>
            %ge3A_361 = arith.cmpi sge, %add3A_359, %ge3A_360 : vector<16xi32>
            %lt3A_362 = vector.broadcast %min3A_88 : i32 to vector<16xi32>
            %lt3A_363 = arith.cmpi slt, %add3A_359, %lt3A_362 : vector<16xi32>
            %and3A_364 = arith.andi %ge3A_361, %lt3A_363 : vector<16xi1>
            %get3A_365 = arith.index_cast %mul3A_350 : i32 to index
            %get3A_366 = tpu.vector_load %arg17[%get3A_365] {strides = array<i32>} : memref<4096xf32, #tpu.memory_space<vmem>>, vector<16xf32>,
            %exp3A_367 = math.exp %get3A_366 : vector<16xf32>
            %jit3A_368 = arith.constant 0.000000e+00 : f32
            %broadcast_in_dim3A_369 = vector.broadcast %jit3A_368 : f32 to vector<16xf32>
            %select_n3A_370 = arith.select %and3A_364, %exp3A_367, %broadcast_in_dim3A_369 : vector<16xi1>, vector<16xf32>
            %mul3A_371 = arith.constant 2 : i32
            %mul3A_372 = arith.muli %mul3A_371, %mul3A_350 : i32
            %jit3A_373 = arith.constant 128 : i32
            %eq3A_374 = arith.constant 0 : i32
            %eq3A_375 = arith.cmpi eq, %jit3A_373, %eq3A_374 : i32
            %jit3A_376 = arith.constant 1 : i32
            %select_n3A_377 = arith.select %eq3A_375, %jit3A_376, %jit3A_373 : i32
            %rem3A_378 = arith.remsi %mul3A_350, %select_n3A_377 : i32
            %ne3A_379 = arith.constant 0 : i32
            %ne3A_380 = arith.cmpi ne, %rem3A_378, %ne3A_379 : i32
            %lt3A_381 = arith.constant 0 : i32
            %lt3A_382 = arith.cmpi slt, %rem3A_378, %lt3A_381 : i32
            %lt3A_383 = arith.constant 0 : i32
            %lt3A_384 = arith.cmpi slt, %select_n3A_377, %lt3A_383 : i32
            %ne3A_385 = arith.xori %lt3A_382, %lt3A_384 : i1
            %and3A_386 = arith.andi %ne3A_385, %ne3A_380 : i1
            %add3A_387 = arith.addi %rem3A_378, %select_n3A_377 : i32
            %select_n3A_388 = arith.select %and3A_386, %add3A_387, %rem3A_378 : i32
            %sub3A_389 = arith.subi %mul3A_372, %select_n3A_388 : i32
            %get3A_390 = arith.index_cast %sub3A_389 : i32 to index
            %get3A_391 = tpu.vector_load %arg18[%get3A_390] {strides = array<i32>} : memref<8192xf32, #tpu.memory_space<vmem>>, vector<16xf32>,
            %add3A_392 = arith.constant 128 : i32
            %add3A_393 = arith.addi %sub3A_389, %add3A_392 : i32
            %get3A_394 = arith.index_cast %add3A_393 : i32 to index
            %get3A_395 = tpu.vector_load %arg18[%get3A_394] {strides = array<i32>} : memref<8192xf32, #tpu.memory_space<vmem>>, vector<16xf32>,
            %broadcast_in_dim3A_396 = arith.constant true
            %broadcast_in_dim3A_397 = vector.broadcast %broadcast_in_dim3A_396 : i1 to vector<16xi1>
            %masked_cumsum3A_398 = tpu.scan <sum>, %select_n3A_370 masked %broadcast_in_dim3A_397 : vector<16xf32>, vector<16xi1> -> vector<16xf32>
            %mul3A_399 = arith.mulf %select_n3A_370, %get3A_391 : vector<16xf32>
            %broadcast_in_dim3A_400 = arith.constant true
            %broadcast_in_dim3A_401 = vector.broadcast %broadcast_in_dim3A_400 : i1 to vector<16xi1>
            %masked_cumsum3A_402 = tpu.scan <sum>, %mul3A_399 masked %broadcast_in_dim3A_401 : vector<16xf32>, vector<16xi1> -> vector<16xf32>
            %mul3A_403 = arith.mulf %select_n3A_370, %get3A_395 : vector<16xf32>
            %broadcast_in_dim3A_404 = arith.constant true
            %broadcast_in_dim3A_405 = vector.broadcast %broadcast_in_dim3A_404 : i1 to vector<16xi1>
            %masked_cumsum3A_406 = tpu.scan <sum>, %mul3A_403 masked %broadcast_in_dim3A_405 : vector<16xf32>, vector<16xi1> -> vector<16xf32>
            %ne3A_407 = arith.cmpi ne, %get3A_352, %get3A_356 : vector<16xi32>
            %ge3A_408 = vector.broadcast %mul3A_24 : i32 to vector<16xi32>
            %ge3A_409 = arith.cmpi sge, %get3A_352, %ge3A_408 : vector<16xi32>
            %lt3A_410 = vector.broadcast %add3A_26 : i32 to vector<16xi32>
            %lt3A_411 = arith.cmpi slt, %get3A_352, %lt3A_410 : vector<16xi32>
            %and3A_412 = arith.andi %ge3A_409, %lt3A_411 : vector<16xi1>
            %ge3A_413 = vector.broadcast %mul3A_24 : i32 to vector<16xi32>
            %ge3A_414 = arith.cmpi sge, %get3A_356, %ge3A_413 : vector<16xi32>
            %lt3A_415 = vector.broadcast %add3A_26 : i32 to vector<16xi32>
            %lt3A_416 = arith.cmpi slt, %get3A_356, %lt3A_415 : vector<16xi32>
            %and3A_417 = arith.andi %ge3A_414, %lt3A_416 : vector<16xi1>
            %sub3A_418 = vector.broadcast %mul3A_24 : i32 to vector<16xi32>
            %sub3A_419 = arith.subi %get3A_352, %sub3A_418 : vector<16xi32>
            %sub3A_420 = vector.broadcast %mul3A_24 : i32 to vector<16xi32>
            %sub3A_421 = arith.subi %get3A_356, %sub3A_420 : vector<16xi32>
            %or3A_422 = arith.ori %ne3A_407, %eq3A_112 : vector<16xi1>
            %and3A_423 = arith.andi %or3A_422, %and3A_412 : vector<16xi1>
            %and3A_424 = arith.andi %ne3A_407, %not3A_113 : vector<16xi1>
            %and3A_425 = arith.andi %and3A_424, %and3A_417 : vector<16xi1>
            tpu.vector_store_idx %arg24[%sub3A_419], %masked_cumsum3A_398 masked %and3A_423 {add = true} : memref<3200xf32, #tpu.memory_space<vmem>>[vector<16xi32>], vector<16xf32>, vector<16xi1>
            tpu.vector_store_idx %arg25[%sub3A_419], %masked_cumsum3A_402 masked %and3A_423 {add = true} : memref<3200xf32, #tpu.memory_space<vmem>>[vector<16xi32>], vector<16xf32>, vector<16xi1>
            tpu.vector_store_idx %arg26[%sub3A_419], %masked_cumsum3A_406 masked %and3A_423 {add = true} : memref<3200xf32, #tpu.memory_space<vmem>>[vector<16xi32>], vector<16xf32>, vector<16xi1>
            %neg3A_426 = arith.constant 0.000000e+00 : f32
            %neg3A_427 = vector.broadcast %neg3A_426 : f32 to vector<16xf32>
            %neg3A_428 = arith.subf %neg3A_427, %masked_cumsum3A_398 : vector<16xf32>
            tpu.vector_store_idx %arg24[%sub3A_421], %neg3A_428 masked %and3A_425 {add = true} : memref<3200xf32, #tpu.memory_space<vmem>>[vector<16xi32>], vector<16xf32>, vector<16xi1>
            %neg3A_429 = arith.constant 0.000000e+00 : f32
            %neg3A_430 = vector.broadcast %neg3A_429 : f32 to vector<16xf32>
            %neg3A_431 = arith.subf %neg3A_430, %masked_cumsum3A_402 : vector<16xf32>
            tpu.vector_store_idx %arg25[%sub3A_421], %neg3A_431 masked %and3A_425 {add = true} : memref<3200xf32, #tpu.memory_space<vmem>>[vector<16xi32>], vector<16xf32>, vector<16xi1>
            %neg3A_432 = arith.constant 0.000000e+00 : f32
            %neg3A_433 = vector.broadcast %neg3A_432 : f32 to vector<16xf32>
            %neg3A_434 = arith.subf %neg3A_433, %masked_cumsum3A_406 : vector<16xf32>
            tpu.vector_store_idx %arg26[%sub3A_421], %neg3A_434 masked %and3A_425 {add = true} : memref<3200xf32, #tpu.memory_space<vmem>>[vector<16xi32>], vector<16xf32>, vector<16xi1>
            %scan3A_435 = arith.constant 0 : i32
            scf.yield %scan3A_435 : i32
          }
          %scan3A_261 = arith.constant 256 : i32
        } else {
        }
      } else {
      }
      %mul3A_200 = arith.constant 4 : i32
      %mul3A_201 = arith.muli %mul3A_200, %while3A_174 : i32
      %add3A_202 = arith.constant 3 : i32
      %add3A_203 = arith.addi %mul3A_201, %add3A_202 : i32
      %lt3A_204 = arith.cmpi slt, %add3A_203, %select_n3A_110 : i32
      %convert_element_type3A_205 = arith.extui %lt3A_204 : i1 to i32
      %cond3A_206 = arith.constant 0 : i32
      %cond3A_207 = arith.cmpi ne, %convert_element_type3A_205, %cond3A_206 : i32
      scf.if %cond3A_207 {
        %dma_wait3A = arith.constant 0 : i32
        %dma_wait3A_209 = tpu.memref_slice %arg20[%dma_wait3A] : memref<4112xi32, #tpu.memory_space<vmem>> -> memref<4096xi32, #tpu.memory_space<vmem>>
        %dma_wait3A_210 = arith.constant 0 : i32
        %dma_wait3A_211 = tpu.memref_slice %arg3[%dma_wait3A_210] : memref<6400000xi32, #tpu.memory_space<hbm>> -> memref<4096xi32, #tpu.memory_space<hbm>>
        %dma_wait3A_212 = arith.constant 0 : i32
        %dma_wait3A_213 = tpu.memref_slice %arg20[%dma_wait3A_212] : memref<4112xi32, #tpu.memory_space<vmem>> -> memref<4096xi32, #tpu.memory_space<vmem>>
        %dma_wait3A_214 = arith.constant 0 : i32
        %dma_wait3A_215 = tpu.memref_slice %arg3[%dma_wait3A_214] : memref<6400000xi32, #tpu.memory_space<hbm>> -> memref<4096xi32, #tpu.memory_space<hbm>>
        tpu.wait_dma2 semaphore(%arg23 : memref<!tpu.dma_semaphore, #tpu.memory_space<semaphore_mem>>) src(%dma_wait3A_215 : memref<4096xi32, #tpu.memory_space<hbm>>) dst(%dma_wait3A_213 : memref<4096xi32, #tpu.memory_space<vmem>>)
        %dma_wait3A_216 = arith.constant 0 : i32
        %dma_wait3A_217 = tpu.memref_slice %arg4[%dma_wait3A_216] : memref<6400000xf32, #tpu.memory_space<hbm>> -> memref<4096xf32, #tpu.memory_space<hbm>>
        %dma_wait3A_218 = arith.constant 0 : i32
        %dma_wait3A_219 = tpu.memref_slice %arg4[%dma_wait3A_218] : memref<6400000xf32, #tpu.memory_space<hbm>> -> memref<4096xf32, #tpu.memory_space<hbm>>
        tpu.wait_dma2 semaphore(%arg23 : memref<!tpu.dma_semaphore, #tpu.memory_space<semaphore_mem>>) src(%dma_wait3A_219 : memref<4096xf32, #tpu.memory_space<hbm>>) dst(%arg21 : memref<4096xf32, #tpu.memory_space<vmem>>)
        %dma_wait3A_220 = arith.constant 0 : i32
        %dma_wait3A_221 = tpu.memref_slice %arg5[%dma_wait3A_220] : memref<12800000xf32, #tpu.memory_space<hbm>> -> memref<8192xf32, #tpu.memory_space<hbm>>
        %dma_wait3A_222 = arith.constant 0 : i32
        %dma_wait3A_223 = tpu.memref_slice %arg5[%dma_wait3A_222] : memref<12800000xf32, #tpu.memory_space<hbm>> -> memref<8192xf32, #tpu.memory_space<hbm>>
        tpu.wait_dma2 semaphore(%arg23 : memref<!tpu.dma_semaphore, #tpu.memory_space<semaphore_mem>>) src(%dma_wait3A_223 : memref<8192xf32, #tpu.memory_space<hbm>>) dst(%arg22 : memref<8192xf32, #tpu.memory_space<vmem>>)
        %add3A_224 = arith.constant 4 : i32
        %add3A_225 = arith.addi %add3A_203, %add3A_224 : i32
        %sub3A_226 = arith.constant 1 : i32
        %sub3A_227 = arith.subi %add3A_225, %sub3A_226 : i32
        %lt3A_228 = arith.cmpi slt, %sub3A_227, %select_n3A_110 : i32
        %convert_element_type3A_229 = arith.extui %lt3A_228 : i1 to i32
        %cond3A_230 = arith.constant 0 : i32
        %cond3A_231 = arith.cmpi ne, %convert_element_type3A_229, %cond3A_230 : i32
        scf.if %cond3A_231 {
          %add3A_255 = arith.constant 4 : i32
          %add3A_256 = arith.addi %add3A_203, %add3A_255 : i32
          %sub3A_257 = arith.constant 1 : i32
          %sub3A_258 = arith.subi %add3A_256, %sub3A_257 : i32
          %mul3A_259 = arith.constant 4096 : i32
          %mul3A_260 = arith.muli %sub3A_258, %mul3A_259 : i32
          %add3A_261 = arith.addi %mul3A_85, %mul3A_260 : i32
          %min3A_262 = arith.constant 6395904 : i32
          %min3A_263 = arith.minsi %add3A_261, %min3A_262 : i32
          %multiple_of3A_264 = tpu.assume_multiple %min3A_263, 128 : i32
          %dma_start3A = arith.constant 0 : i32
          %dma_start3A_265 = tpu.memref_slice %arg16[%dma_start3A] : memref<4112xi32, #tpu.memory_space<vmem>> -> memref<4096xi32, #tpu.memory_space<vmem>>
          %dma_start3A_266 = tpu.memref_slice %arg3[%multiple_of3A_264] : memref<6400000xi32, #tpu.memory_space<hbm>> -> memref<4096xi32, #tpu.memory_space<hbm>>
          %dma_start3A_267 = arith.constant 0 : i32
          %dma_start3A_268 = tpu.memref_slice %arg16[%dma_start3A_267] : memref<4112xi32, #tpu.memory_space<vmem>> -> memref<4096xi32, #tpu.memory_space<vmem>>
          %dma_start3A_269 = tpu.memref_slice %arg3[%multiple_of3A_264] : memref<6400000xi32, #tpu.memory_space<hbm>> -> memref<4096xi32, #tpu.memory_space<hbm>>
          tpu.enqueue_dma source(%dma_start3A_269 : memref<4096xi32, #tpu.memory_space<hbm>>) target(%dma_start3A_268 : memref<4096xi32, #tpu.memory_space<vmem>>) target_semaphore(%arg19 : memref<!tpu.dma_semaphore, #tpu.memory_space<semaphore_mem>>)
          %dma_start3A_270 = tpu.memref_slice %arg4[%multiple_of3A_264] : memref<6400000xf32, #tpu.memory_space<hbm>> -> memref<4096xf32, #tpu.memory_space<hbm>>
          %dma_start3A_271 = tpu.memref_slice %arg4[%multiple_of3A_264] : memref<6400000xf32, #tpu.memory_space<hbm>> -> memref<4096xf32, #tpu.memory_space<hbm>>
          tpu.enqueue_dma source(%dma_start3A_271 : memref<4096xf32, #tpu.memory_space<hbm>>) target(%arg17 : memref<4096xf32, #tpu.memory_space<vmem>>) target_semaphore(%arg19 : memref<!tpu.dma_semaphore, #tpu.memory_space<semaphore_mem>>)
          %mul3A_272 = arith.constant 2 : i32
          %mul3A_273 = arith.muli %mul3A_272, %multiple_of3A_264 : i32
          %multiple_of3A_274 = tpu.assume_multiple %mul3A_273, 256 : i32
          %dma_start3A_275 = tpu.memref_slice %arg5[%multiple_of3A_274] : memref<12800000xf32, #tpu.memory_space<hbm>> -> memref<8192xf32, #tpu.memory_space<hbm>>
          %dma_start3A_276 = tpu.memref_slice %arg5[%multiple_of3A_274] : memref<12800000xf32, #tpu.memory_space<hbm>> -> memref<8192xf32, #tpu.memory_space<hbm>>
          tpu.enqueue_dma source(%dma_start3A_276 : memref<8192xf32, #tpu.memory_space<hbm>>) target(%arg18 : memref<8192xf32, #tpu.memory_space<vmem>>) target_semaphore(%arg19 : memref<!tpu.dma_semaphore, #tpu.memory_space<semaphore_mem>>)
        } else {
        }
        %mul3A_232 = arith.constant 4096 : i32
        %mul3A_233 = arith.muli %add3A_203, %mul3A_232 : i32
        %add3A_234 = arith.addi %mul3A_85, %mul3A_233 : i32
        %mul3A_235 = arith.constant 4096 : i32
        %mul3A_236 = arith.muli %add3A_203, %mul3A_235 : i32
        %add3A_237 = arith.addi %mul3A_85, %mul3A_236 : i32
        %min3A_238 = arith.constant 6395904 : i32
        %min3A_239 = arith.minsi %add3A_237, %min3A_238 : i32
        %multiple_of3A = tpu.assume_multiple %min3A_239, 128 : i32
        %add3A_240 = arith.constant 4096 : i32
        %add3A_241 = arith.addi %mul3A_85, %add3A_240 : i32
        %ge3A = arith.cmpi sge, %add3A_234, %add3A_241 : i32
        %add3A_242 = arith.constant 4096 : i32
        %add3A_243 = arith.addi %add3A_234, %add3A_242 : i32
        %sub3A_244 = arith.constant 4096 : i32
        %sub3A_245 = arith.subi %min3A_88, %sub3A_244 : i32
        %le3A = arith.cmpi sle, %add3A_243, %sub3A_245 : i32
        %and3A_246 = arith.andi %ge3A, %le3A : i1
        %convert_element_type3A_247 = arith.extui %and3A_246 : i1 to i32
        %cond3A_248 = arith.constant 0 : i32
        %cond3A_249 = arith.cmpi ne, %convert_element_type3A_247, %cond3A_248 : i32
        scf.if %cond3A_249 {
          %scan3A_255 = arith.constant 0 : i32
          %scan3A_256 = arith.constant 0 : i32
          %scan3A_257 = arith.constant 256 : i32
          %scan3A_258 = arith.addi %scan3A_256, %scan3A_257 : i32
          %scan3A_259 = arith.constant 4 : i32
          %scan3A_260 = scf.for %scan3A_262 = %scan3A_256 to %scan3A_258 step %scan3A_259 iter_args(%scan3A_263 = %scan3A_255) -> (i32)  : i32 {
            %mul3A_264 = arith.constant 16 : i32
            %mul3A_265 = arith.muli %scan3A_262, %mul3A_264 : i32
            %get3A_266 = arith.index_cast %mul3A_265 : i32 to index
            %get3A_267 = tpu.vector_load %arg20[%get3A_266] {strides = array<i32>} : memref<4112xi32, #tpu.memory_space<vmem>>, vector<16xi32>,
            %add3A_268 = arith.constant 1 : i32
            %add3A_269 = arith.addi %mul3A_265, %add3A_268 : i32
            %get3A_270 = arith.index_cast %add3A_269 : i32 to index
            %get3A_271 = tpu.vector_load %arg20[%get3A_270] {strides = array<i32>} : memref<4112xi32, #tpu.memory_space<vmem>>, vector<16xi32>,
            %get3A_272 = arith.index_cast %mul3A_265 : i32 to index
            %get3A_273 = tpu.vector_load %arg21[%get3A_272] {strides = array<i32>} : memref<4096xf32, #tpu.memory_space<vmem>>, vector<16xf32>,
            %exp3A = math.exp %get3A_273 : vector<16xf32>
            %mul3A_274 = arith.constant 2 : i32
            %mul3A_275 = arith.muli %mul3A_274, %mul3A_265 : i32
            %jit3A_276 = arith.constant 128 : i32
            %eq3A_277 = arith.constant 0 : i32
            %eq3A_278 = arith.cmpi eq, %jit3A_276, %eq3A_277 : i32
            %jit3A_279 = arith.constant 1 : i32
            %select_n3A_280 = arith.select %eq3A_278, %jit3A_279, %jit3A_276 : i32
            %rem3A_281 = arith.remsi %mul3A_265, %select_n3A_280 : i32
            %ne3A_282 = arith.constant 0 : i32
            %ne3A_283 = arith.cmpi ne, %rem3A_281, %ne3A_282 : i32
            %lt3A_284 = arith.constant 0 : i32
            %lt3A_285 = arith.cmpi slt, %rem3A_281, %lt3A_284 : i32
            %lt3A_286 = arith.constant 0 : i32
            %lt3A_287 = arith.cmpi slt, %select_n3A_280, %lt3A_286 : i32
            %ne3A_288 = arith.xori %lt3A_285, %lt3A_287 : i1
            %and3A_289 = arith.andi %ne3A_288, %ne3A_283 : i1
            %add3A_290 = arith.addi %rem3A_281, %select_n3A_280 : i32
            %select_n3A_291 = arith.select %and3A_289, %add3A_290, %rem3A_281 : i32
            %sub3A_292 = arith.subi %mul3A_275, %select_n3A_291 : i32
            %get3A_293 = arith.index_cast %sub3A_292 : i32 to index
            %get3A_294 = tpu.vector_load %arg22[%get3A_293] {strides = array<i32>} : memref<8192xf32, #tpu.memory_space<vmem>>, vector<16xf32>,
            %add3A_295 = arith.constant 128 : i32
            %add3A_296 = arith.addi %sub3A_292, %add3A_295 : i32
            %get3A_297 = arith.index_cast %add3A_296 : i32 to index
            %get3A_298 = tpu.vector_load %arg22[%get3A_297] {strides = array<i32>} : memref<8192xf32, #tpu.memory_space<vmem>>, vector<16xf32>,
            %broadcast_in_dim3A_299 = arith.constant true
            %broadcast_in_dim3A_300 = vector.broadcast %broadcast_in_dim3A_299 : i1 to vector<16xi1>
            %masked_cumsum3A = tpu.scan <sum>, %exp3A masked %broadcast_in_dim3A_300 : vector<16xf32>, vector<16xi1> -> vector<16xf32>
            %mul3A_301 = arith.mulf %exp3A, %get3A_294 : vector<16xf32>
            %broadcast_in_dim3A_302 = arith.constant true
            %broadcast_in_dim3A_303 = vector.broadcast %broadcast_in_dim3A_302 : i1 to vector<16xi1>
            %masked_cumsum3A_304 = tpu.scan <sum>, %mul3A_301 masked %broadcast_in_dim3A_303 : vector<16xf32>, vector<16xi1> -> vector<16xf32>
            %mul3A_305 = arith.mulf %exp3A, %get3A_298 : vector<16xf32>
            %broadcast_in_dim3A_306 = arith.constant true
            %broadcast_in_dim3A_307 = vector.broadcast %broadcast_in_dim3A_306 : i1 to vector<16xi1>
            %masked_cumsum3A_308 = tpu.scan <sum>, %mul3A_305 masked %broadcast_in_dim3A_307 : vector<16xf32>, vector<16xi1> -> vector<16xf32>
            %ne3A_309 = arith.cmpi ne, %get3A_267, %get3A_271 : vector<16xi32>
            %sub3A_310 = vector.broadcast %mul3A_24 : i32 to vector<16xi32>
            %sub3A_311 = arith.subi %get3A_267, %sub3A_310 : vector<16xi32>
            %sub3A_312 = vector.broadcast %mul3A_24 : i32 to vector<16xi32>
            %sub3A_313 = arith.subi %get3A_271, %sub3A_312 : vector<16xi32>
            %or3A = arith.ori %ne3A_309, %eq3A_112 : vector<16xi1>
            %and3A_314 = arith.andi %ne3A_309, %not3A_113 : vector<16xi1>
            tpu.vector_store_idx %arg24[%sub3A_311], %masked_cumsum3A masked %or3A {add = true} : memref<3200xf32, #tpu.memory_space<vmem>>[vector<16xi32>], vector<16xf32>, vector<16xi1>
            tpu.vector_store_idx %arg25[%sub3A_311], %masked_cumsum3A_304 masked %or3A {add = true} : memref<3200xf32, #tpu.memory_space<vmem>>[vector<16xi32>], vector<16xf32>, vector<16xi1>
            tpu.vector_store_idx %arg26[%sub3A_311], %masked_cumsum3A_308 masked %or3A {add = true} : memref<3200xf32, #tpu.memory_space<vmem>>[vector<16xi32>], vector<16xf32>, vector<16xi1>
            %neg3A = arith.constant 0.000000e+00 : f32
            %neg3A_315 = vector.broadcast %neg3A : f32 to vector<16xf32>
            %neg3A_316 = arith.subf %neg3A_315, %masked_cumsum3A : vector<16xf32>
            tpu.vector_store_idx %arg24[%sub3A_313], %neg3A_316 masked %and3A_314 {add = true} : memref<3200xf32, #tpu.memory_space<vmem>>[vector<16xi32>], vector<16xf32>, vector<16xi1>
            %neg3A_317 = arith.constant 0.000000e+00 : f32
            %neg3A_318 = vector.broadcast %neg3A_317 : f32 to vector<16xf32>
            %neg3A_319 = arith.subf %neg3A_318, %masked_cumsum3A_304 : vector<16xf32>
            tpu.vector_store_idx %arg25[%sub3A_313], %neg3A_319 masked %and3A_314 {add = true} : memref<3200xf32, #tpu.memory_space<vmem>>[vector<16xi32>], vector<16xf32>, vector<16xi1>
            %neg3A_320 = arith.constant 0.000000e+00 : f32
            %neg3A_321 = vector.broadcast %neg3A_320 : f32 to vector<16xf32>
            %neg3A_322 = arith.subf %neg3A_321, %masked_cumsum3A_308 : vector<16xf32>
            tpu.vector_store_idx %arg26[%sub3A_313], %neg3A_322 masked %and3A_314 {add = true} : memref<3200xf32, #tpu.memory_space<vmem>>[vector<16xi32>], vector<16xf32>, vector<16xi1>
            %scan3A_323 = arith.constant 0 : i32
            %scan3A_324 = arith.constant 1 : i32
            %scan3A_325 = arith.addi %scan3A_262, %scan3A_324 : i32
            %mul3A_326 = arith.constant 16 : i32
            %mul3A_327 = arith.muli %scan3A_325, %mul3A_326 : i32
            %get3A_328 = arith.index_cast %mul3A_327 : i32 to index
            %get3A_329 = tpu.vector_load %arg20[%get3A_328] {strides = array<i32>} : memref<4112xi32, #tpu.memory_space<vmem>>, vector<16xi32>,
            %add3A_330 = arith.constant 1 : i32
            %add3A_331 = arith.addi %mul3A_327, %add3A_330 : i32
            %get3A_332 = arith.index_cast %add3A_331 : i32 to index
            %get3A_333 = tpu.vector_load %arg20[%get3A_332] {strides = array<i32>} : memref<4112xi32, #tpu.memory_space<vmem>>, vector<16xi32>,
            %get3A_334 = arith.index_cast %mul3A_327 : i32 to index
            %get3A_335 = tpu.vector_load %arg21[%get3A_334] {strides = array<i32>} : memref<4096xf32, #tpu.memory_space<vmem>>, vector<16xf32>,
            %exp3A_336 = math.exp %get3A_335 : vector<16xf32>
            %mul3A_337 = arith.constant 2 : i32
            %mul3A_338 = arith.muli %mul3A_337, %mul3A_327 : i32
            %jit3A_339 = arith.constant 128 : i32
            %eq3A_340 = arith.constant 0 : i32
            %eq3A_341 = arith.cmpi eq, %jit3A_339, %eq3A_340 : i32
            %jit3A_342 = arith.constant 1 : i32
            %select_n3A_343 = arith.select %eq3A_341, %jit3A_342, %jit3A_339 : i32
            %rem3A_344 = arith.remsi %mul3A_327, %select_n3A_343 : i32
            %ne3A_345 = arith.constant 0 : i32
            %ne3A_346 = arith.cmpi ne, %rem3A_344, %ne3A_345 : i32
            %lt3A_347 = arith.constant 0 : i32
            %lt3A_348 = arith.cmpi slt, %rem3A_344, %lt3A_347 : i32
            %lt3A_349 = arith.constant 0 : i32
            %lt3A_350 = arith.cmpi slt, %select_n3A_343, %lt3A_349 : i32
            %ne3A_351 = arith.xori %lt3A_348, %lt3A_350 : i1
            %and3A_352 = arith.andi %ne3A_351, %ne3A_346 : i1
            %add3A_353 = arith.addi %rem3A_344, %select_n3A_343 : i32
            %select_n3A_354 = arith.select %and3A_352, %add3A_353, %rem3A_344 : i32
            %sub3A_355 = arith.subi %mul3A_338, %select_n3A_354 : i32
            %get3A_356 = arith.index_cast %sub3A_355 : i32 to index
            %get3A_357 = tpu.vector_load %arg22[%get3A_356] {strides = array<i32>} : memref<8192xf32, #tpu.memory_space<vmem>>, vector<16xf32>,
            %add3A_358 = arith.constant 128 : i32
            %add3A_359 = arith.addi %sub3A_355, %add3A_358 : i32
            %get3A_360 = arith.index_cast %add3A_359 : i32 to index
            %get3A_361 = tpu.vector_load %arg22[%get3A_360] {strides = array<i32>} : memref<8192xf32, #tpu.memory_space<vmem>>, vector<16xf32>,
            %broadcast_in_dim3A_362 = arith.constant true
            %broadcast_in_dim3A_363 = vector.broadcast %broadcast_in_dim3A_362 : i1 to vector<16xi1>
            %masked_cumsum3A_364 = tpu.scan <sum>, %exp3A_336 masked %broadcast_in_dim3A_363 : vector<16xf32>, vector<16xi1> -> vector<16xf32>
            %mul3A_365 = arith.mulf %exp3A_336, %get3A_357 : vector<16xf32>
            %broadcast_in_dim3A_366 = arith.constant true
            %broadcast_in_dim3A_367 = vector.broadcast %broadcast_in_dim3A_366 : i1 to vector<16xi1>
            %masked_cumsum3A_368 = tpu.scan <sum>, %mul3A_365 masked %broadcast_in_dim3A_367 : vector<16xf32>, vector<16xi1> -> vector<16xf32>
            %mul3A_369 = arith.mulf %exp3A_336, %get3A_361 : vector<16xf32>
            %broadcast_in_dim3A_370 = arith.constant true
            %broadcast_in_dim3A_371 = vector.broadcast %broadcast_in_dim3A_370 : i1 to vector<16xi1>
            %masked_cumsum3A_372 = tpu.scan <sum>, %mul3A_369 masked %broadcast_in_dim3A_371 : vector<16xf32>, vector<16xi1> -> vector<16xf32>
            %ne3A_373 = arith.cmpi ne, %get3A_329, %get3A_333 : vector<16xi32>
            %sub3A_374 = vector.broadcast %mul3A_24 : i32 to vector<16xi32>
            %sub3A_375 = arith.subi %get3A_329, %sub3A_374 : vector<16xi32>
            %sub3A_376 = vector.broadcast %mul3A_24 : i32 to vector<16xi32>
            %sub3A_377 = arith.subi %get3A_333, %sub3A_376 : vector<16xi32>
            %or3A_378 = arith.ori %ne3A_373, %eq3A_112 : vector<16xi1>
            %and3A_379 = arith.andi %ne3A_373, %not3A_113 : vector<16xi1>
            tpu.vector_store_idx %arg24[%sub3A_375], %masked_cumsum3A_364 masked %or3A_378 {add = true} : memref<3200xf32, #tpu.memory_space<vmem>>[vector<16xi32>], vector<16xf32>, vector<16xi1>
            tpu.vector_store_idx %arg25[%sub3A_375], %masked_cumsum3A_368 masked %or3A_378 {add = true} : memref<3200xf32, #tpu.memory_space<vmem>>[vector<16xi32>], vector<16xf32>, vector<16xi1>
            tpu.vector_store_idx %arg26[%sub3A_375], %masked_cumsum3A_372 masked %or3A_378 {add = true} : memref<3200xf32, #tpu.memory_space<vmem>>[vector<16xi32>], vector<16xf32>, vector<16xi1>
            %neg3A_380 = arith.constant 0.000000e+00 : f32
            %neg3A_381 = vector.broadcast %neg3A_380 : f32 to vector<16xf32>
            %neg3A_382 = arith.subf %neg3A_381, %masked_cumsum3A_364 : vector<16xf32>
            tpu.vector_store_idx %arg24[%sub3A_377], %neg3A_382 masked %and3A_379 {add = true} : memref<3200xf32, #tpu.memory_space<vmem>>[vector<16xi32>], vector<16xf32>, vector<16xi1>
            %neg3A_383 = arith.constant 0.000000e+00 : f32
            %neg3A_384 = vector.broadcast %neg3A_383 : f32 to vector<16xf32>
            %neg3A_385 = arith.subf %neg3A_384, %masked_cumsum3A_368 : vector<16xf32>
            tpu.vector_store_idx %arg25[%sub3A_377], %neg3A_385 masked %and3A_379 {add = true} : memref<3200xf32, #tpu.memory_space<vmem>>[vector<16xi32>], vector<16xf32>, vector<16xi1>
            %neg3A_386 = arith.constant 0.000000e+00 : f32
            %neg3A_387 = vector.broadcast %neg3A_386 : f32 to vector<16xf32>
            %neg3A_388 = arith.subf %neg3A_387, %masked_cumsum3A_372 : vector<16xf32>
            tpu.vector_store_idx %arg26[%sub3A_377], %neg3A_388 masked %and3A_379 {add = true} : memref<3200xf32, #tpu.memory_space<vmem>>[vector<16xi32>], vector<16xf32>, vector<16xi1>
            %scan3A_389 = arith.constant 0 : i32
            %scan3A_390 = arith.constant 2 : i32
            %scan3A_391 = arith.addi %scan3A_262, %scan3A_390 : i32
            %mul3A_392 = arith.constant 16 : i32
            %mul3A_393 = arith.muli %scan3A_391, %mul3A_392 : i32
            %get3A_394 = arith.index_cast %mul3A_393 : i32 to index
            %get3A_395 = tpu.vector_load %arg20[%get3A_394] {strides = array<i32>} : memref<4112xi32, #tpu.memory_space<vmem>>, vector<16xi32>,
            %add3A_396 = arith.constant 1 : i32
            %add3A_397 = arith.addi %mul3A_393, %add3A_396 : i32
            %get3A_398 = arith.index_cast %add3A_397 : i32 to index
            %get3A_399 = tpu.vector_load %arg20[%get3A_398] {strides = array<i32>} : memref<4112xi32, #tpu.memory_space<vmem>>, vector<16xi32>,
            %get3A_400 = arith.index_cast %mul3A_393 : i32 to index
            %get3A_401 = tpu.vector_load %arg21[%get3A_400] {strides = array<i32>} : memref<4096xf32, #tpu.memory_space<vmem>>, vector<16xf32>,
            %exp3A_402 = math.exp %get3A_401 : vector<16xf32>
            %mul3A_403 = arith.constant 2 : i32
            %mul3A_404 = arith.muli %mul3A_403, %mul3A_393 : i32
            %jit3A_405 = arith.constant 128 : i32
            %eq3A_406 = arith.constant 0 : i32
            %eq3A_407 = arith.cmpi eq, %jit3A_405, %eq3A_406 : i32
            %jit3A_408 = arith.constant 1 : i32
            %select_n3A_409 = arith.select %eq3A_407, %jit3A_408, %jit3A_405 : i32
            %rem3A_410 = arith.remsi %mul3A_393, %select_n3A_409 : i32
            %ne3A_411 = arith.constant 0 : i32
            %ne3A_412 = arith.cmpi ne, %rem3A_410, %ne3A_411 : i32
            %lt3A_413 = arith.constant 0 : i32
            %lt3A_414 = arith.cmpi slt, %rem3A_410, %lt3A_413 : i32
            %lt3A_415 = arith.constant 0 : i32
            %lt3A_416 = arith.cmpi slt, %select_n3A_409, %lt3A_415 : i32
            %ne3A_417 = arith.xori %lt3A_414, %lt3A_416 : i1
            %and3A_418 = arith.andi %ne3A_417, %ne3A_412 : i1
            %add3A_419 = arith.addi %rem3A_410, %select_n3A_409 : i32
            %select_n3A_420 = arith.select %and3A_418, %add3A_419, %rem3A_410 : i32
            %sub3A_421 = arith.subi %mul3A_404, %select_n3A_420 : i32
            %get3A_422 = arith.index_cast %sub3A_421 : i32 to index
            %get3A_423 = tpu.vector_load %arg22[%get3A_422] {strides = array<i32>} : memref<8192xf32, #tpu.memory_space<vmem>>, vector<16xf32>,
            %add3A_424 = arith.constant 128 : i32
            %add3A_425 = arith.addi %sub3A_421, %add3A_424 : i32
            %get3A_426 = arith.index_cast %add3A_425 : i32 to index
            %get3A_427 = tpu.vector_load %arg22[%get3A_426] {strides = array<i32>} : memref<8192xf32, #tpu.memory_space<vmem>>, vector<16xf32>,
            %broadcast_in_dim3A_428 = arith.constant true
            %broadcast_in_dim3A_429 = vector.broadcast %broadcast_in_dim3A_428 : i1 to vector<16xi1>
            %masked_cumsum3A_430 = tpu.scan <sum>, %exp3A_402 masked %broadcast_in_dim3A_429 : vector<16xf32>, vector<16xi1> -> vector<16xf32>
            %mul3A_431 = arith.mulf %exp3A_402, %get3A_423 : vector<16xf32>
            %broadcast_in_dim3A_432 = arith.constant true
            %broadcast_in_dim3A_433 = vector.broadcast %broadcast_in_dim3A_432 : i1 to vector<16xi1>
            %masked_cumsum3A_434 = tpu.scan <sum>, %mul3A_431 masked %broadcast_in_dim3A_433 : vector<16xf32>, vector<16xi1> -> vector<16xf32>
            %mul3A_435 = arith.mulf %exp3A_402, %get3A_427 : vector<16xf32>
            %broadcast_in_dim3A_436 = arith.constant true
            %broadcast_in_dim3A_437 = vector.broadcast %broadcast_in_dim3A_436 : i1 to vector<16xi1>
            %masked_cumsum3A_438 = tpu.scan <sum>, %mul3A_435 masked %broadcast_in_dim3A_437 : vector<16xf32>, vector<16xi1> -> vector<16xf32>
            %ne3A_439 = arith.cmpi ne, %get3A_395, %get3A_399 : vector<16xi32>
            %sub3A_440 = vector.broadcast %mul3A_24 : i32 to vector<16xi32>
            %sub3A_441 = arith.subi %get3A_395, %sub3A_440 : vector<16xi32>
            %sub3A_442 = vector.broadcast %mul3A_24 : i32 to vector<16xi32>
            %sub3A_443 = arith.subi %get3A_399, %sub3A_442 : vector<16xi32>
            %or3A_444 = arith.ori %ne3A_439, %eq3A_112 : vector<16xi1>
            %and3A_445 = arith.andi %ne3A_439, %not3A_113 : vector<16xi1>
            tpu.vector_store_idx %arg24[%sub3A_441], %masked_cumsum3A_430 masked %or3A_444 {add = true} : memref<3200xf32, #tpu.memory_space<vmem>>[vector<16xi32>], vector<16xf32>, vector<16xi1>
            tpu.vector_store_idx %arg25[%sub3A_441], %masked_cumsum3A_434 masked %or3A_444 {add = true} : memref<3200xf32, #tpu.memory_space<vmem>>[vector<16xi32>], vector<16xf32>, vector<16xi1>
            tpu.vector_store_idx %arg26[%sub3A_441], %masked_cumsum3A_438 masked %or3A_444 {add = true} : memref<3200xf32, #tpu.memory_space<vmem>>[vector<16xi32>], vector<16xf32>, vector<16xi1>
            %neg3A_446 = arith.constant 0.000000e+00 : f32
            %neg3A_447 = vector.broadcast %neg3A_446 : f32 to vector<16xf32>
            %neg3A_448 = arith.subf %neg3A_447, %masked_cumsum3A_430 : vector<16xf32>
            tpu.vector_store_idx %arg24[%sub3A_443], %neg3A_448 masked %and3A_445 {add = true} : memref<3200xf32, #tpu.memory_space<vmem>>[vector<16xi32>], vector<16xf32>, vector<16xi1>
            %neg3A_449 = arith.constant 0.000000e+00 : f32
            %neg3A_450 = vector.broadcast %neg3A_449 : f32 to vector<16xf32>
            %neg3A_451 = arith.subf %neg3A_450, %masked_cumsum3A_434 : vector<16xf32>
            tpu.vector_store_idx %arg25[%sub3A_443], %neg3A_451 masked %and3A_445 {add = true} : memref<3200xf32, #tpu.memory_space<vmem>>[vector<16xi32>], vector<16xf32>, vector<16xi1>
            %neg3A_452 = arith.constant 0.000000e+00 : f32
            %neg3A_453 = vector.broadcast %neg3A_452 : f32 to vector<16xf32>
            %neg3A_454 = arith.subf %neg3A_453, %masked_cumsum3A_438 : vector<16xf32>
            tpu.vector_store_idx %arg26[%sub3A_443], %neg3A_454 masked %and3A_445 {add = true} : memref<3200xf32, #tpu.memory_space<vmem>>[vector<16xi32>], vector<16xf32>, vector<16xi1>
            %scan3A_455 = arith.constant 0 : i32
            %scan3A_456 = arith.constant 3 : i32
            %scan3A_457 = arith.addi %scan3A_262, %scan3A_456 : i32
            %mul3A_458 = arith.constant 16 : i32
            %mul3A_459 = arith.muli %scan3A_457, %mul3A_458 : i32
            %get3A_460 = arith.index_cast %mul3A_459 : i32 to index
            %get3A_461 = tpu.vector_load %arg20[%get3A_460] {strides = array<i32>} : memref<4112xi32, #tpu.memory_space<vmem>>, vector<16xi32>,
            %add3A_462 = arith.constant 1 : i32
            %add3A_463 = arith.addi %mul3A_459, %add3A_462 : i32
            %get3A_464 = arith.index_cast %add3A_463 : i32 to index
            %get3A_465 = tpu.vector_load %arg20[%get3A_464] {strides = array<i32>} : memref<4112xi32, #tpu.memory_space<vmem>>, vector<16xi32>,
            %get3A_466 = arith.index_cast %mul3A_459 : i32 to index
            %get3A_467 = tpu.vector_load %arg21[%get3A_466] {strides = array<i32>} : memref<4096xf32, #tpu.memory_space<vmem>>, vector<16xf32>,
            %exp3A_468 = math.exp %get3A_467 : vector<16xf32>
            %mul3A_469 = arith.constant 2 : i32
            %mul3A_470 = arith.muli %mul3A_469, %mul3A_459 : i32
            %jit3A_471 = arith.constant 128 : i32
            %eq3A_472 = arith.constant 0 : i32
            %eq3A_473 = arith.cmpi eq, %jit3A_471, %eq3A_472 : i32
            %jit3A_474 = arith.constant 1 : i32
            %select_n3A_475 = arith.select %eq3A_473, %jit3A_474, %jit3A_471 : i32
            %rem3A_476 = arith.remsi %mul3A_459, %select_n3A_475 : i32
            %ne3A_477 = arith.constant 0 : i32
            %ne3A_478 = arith.cmpi ne, %rem3A_476, %ne3A_477 : i32
            %lt3A_479 = arith.constant 0 : i32
            %lt3A_480 = arith.cmpi slt, %rem3A_476, %lt3A_479 : i32
            %lt3A_481 = arith.constant 0 : i32
            %lt3A_482 = arith.cmpi slt, %select_n3A_475, %lt3A_481 : i32
            %ne3A_483 = arith.xori %lt3A_480, %lt3A_482 : i1
            %and3A_484 = arith.andi %ne3A_483, %ne3A_478 : i1
            %add3A_485 = arith.addi %rem3A_476, %select_n3A_475 : i32
            %select_n3A_486 = arith.select %and3A_484, %add3A_485, %rem3A_476 : i32
            %sub3A_487 = arith.subi %mul3A_470, %select_n3A_486 : i32
            %get3A_488 = arith.index_cast %sub3A_487 : i32 to index
            %get3A_489 = tpu.vector_load %arg22[%get3A_488] {strides = array<i32>} : memref<8192xf32, #tpu.memory_space<vmem>>, vector<16xf32>,
            %add3A_490 = arith.constant 128 : i32
            %add3A_491 = arith.addi %sub3A_487, %add3A_490 : i32
            %get3A_492 = arith.index_cast %add3A_491 : i32 to index
            %get3A_493 = tpu.vector_load %arg22[%get3A_492] {strides = array<i32>} : memref<8192xf32, #tpu.memory_space<vmem>>, vector<16xf32>,
            %broadcast_in_dim3A_494 = arith.constant true
            %broadcast_in_dim3A_495 = vector.broadcast %broadcast_in_dim3A_494 : i1 to vector<16xi1>
            %masked_cumsum3A_496 = tpu.scan <sum>, %exp3A_468 masked %broadcast_in_dim3A_495 : vector<16xf32>, vector<16xi1> -> vector<16xf32>
            %mul3A_497 = arith.mulf %exp3A_468, %get3A_489 : vector<16xf32>
            %broadcast_in_dim3A_498 = arith.constant true
            %broadcast_in_dim3A_499 = vector.broadcast %broadcast_in_dim3A_498 : i1 to vector<16xi1>
            %masked_cumsum3A_500 = tpu.scan <sum>, %mul3A_497 masked %broadcast_in_dim3A_499 : vector<16xf32>, vector<16xi1> -> vector<16xf32>
            %mul3A_501 = arith.mulf %exp3A_468, %get3A_493 : vector<16xf32>
            %broadcast_in_dim3A_502 = arith.constant true
            %broadcast_in_dim3A_503 = vector.broadcast %broadcast_in_dim3A_502 : i1 to vector<16xi1>
            %masked_cumsum3A_504 = tpu.scan <sum>, %mul3A_501 masked %broadcast_in_dim3A_503 : vector<16xf32>, vector<16xi1> -> vector<16xf32>
            %ne3A_505 = arith.cmpi ne, %get3A_461, %get3A_465 : vector<16xi32>
            %sub3A_506 = vector.broadcast %mul3A_24 : i32 to vector<16xi32>
            %sub3A_507 = arith.subi %get3A_461, %sub3A_506 : vector<16xi32>
            %sub3A_508 = vector.broadcast %mul3A_24 : i32 to vector<16xi32>
            %sub3A_509 = arith.subi %get3A_465, %sub3A_508 : vector<16xi32>
            %or3A_510 = arith.ori %ne3A_505, %eq3A_112 : vector<16xi1>
            %and3A_511 = arith.andi %ne3A_505, %not3A_113 : vector<16xi1>
            tpu.vector_store_idx %arg24[%sub3A_507], %masked_cumsum3A_496 masked %or3A_510 {add = true} : memref<3200xf32, #tpu.memory_space<vmem>>[vector<16xi32>], vector<16xf32>, vector<16xi1>
            tpu.vector_store_idx %arg25[%sub3A_507], %masked_cumsum3A_500 masked %or3A_510 {add = true} : memref<3200xf32, #tpu.memory_space<vmem>>[vector<16xi32>], vector<16xf32>, vector<16xi1>
            tpu.vector_store_idx %arg26[%sub3A_507], %masked_cumsum3A_504 masked %or3A_510 {add = true} : memref<3200xf32, #tpu.memory_space<vmem>>[vector<16xi32>], vector<16xf32>, vector<16xi1>
            %neg3A_512 = arith.constant 0.000000e+00 : f32
            %neg3A_513 = vector.broadcast %neg3A_512 : f32 to vector<16xf32>
            %neg3A_514 = arith.subf %neg3A_513, %masked_cumsum3A_496 : vector<16xf32>
            tpu.vector_store_idx %arg24[%sub3A_509], %neg3A_514 masked %and3A_511 {add = true} : memref<3200xf32, #tpu.memory_space<vmem>>[vector<16xi32>], vector<16xf32>, vector<16xi1>
            %neg3A_515 = arith.constant 0.000000e+00 : f32
            %neg3A_516 = vector.broadcast %neg3A_515 : f32 to vector<16xf32>
            %neg3A_517 = arith.subf %neg3A_516, %masked_cumsum3A_500 : vector<16xf32>
            tpu.vector_store_idx %arg25[%sub3A_509], %neg3A_517 masked %and3A_511 {add = true} : memref<3200xf32, #tpu.memory_space<vmem>>[vector<16xi32>], vector<16xf32>, vector<16xi1>
            %neg3A_518 = arith.constant 0.000000e+00 : f32
            %neg3A_519 = vector.broadcast %neg3A_518 : f32 to vector<16xf32>
            %neg3A_520 = arith.subf %neg3A_519, %masked_cumsum3A_504 : vector<16xf32>
            tpu.vector_store_idx %arg26[%sub3A_509], %neg3A_520 masked %and3A_511 {add = true} : memref<3200xf32, #tpu.memory_space<vmem>>[vector<16xi32>], vector<16xf32>, vector<16xi1>
            %scan3A_521 = arith.constant 0 : i32
            scf.yield %scan3A_521 : i32
          }
          %scan3A_261 = arith.constant 256 : i32
        } else {
        }
        %not3A_250 = arith.constant true
        %not3A_251 = arith.xori %and3A_246, %not3A_250 : i1
        %convert_element_type3A_252 = arith.extui %not3A_251 : i1 to i32
        %cond3A_253 = arith.constant 0 : i32
        %cond3A_254 = arith.cmpi ne, %convert_element_type3A_252, %cond3A_253 : i32
        scf.if %cond3A_254 {
          %scan3A_255 = arith.constant 0 : i32
          %scan3A_256 = arith.constant 0 : i32
          %scan3A_257 = arith.constant 256 : i32
          %scan3A_258 = arith.addi %scan3A_256, %scan3A_257 : i32
          %scan3A_259 = arith.constant 2 : i32
          %scan3A_260 = scf.for %scan3A_262 = %scan3A_256 to %scan3A_258 step %scan3A_259 iter_args(%scan3A_263 = %scan3A_255) -> (i32)  : i32 {
            %mul3A_264 = arith.constant 16 : i32
            %mul3A_265 = arith.muli %scan3A_262, %mul3A_264 : i32
            %get3A_266 = arith.index_cast %mul3A_265 : i32 to index
            %get3A_267 = tpu.vector_load %arg20[%get3A_266] {strides = array<i32>} : memref<4112xi32, #tpu.memory_space<vmem>>, vector<16xi32>,
            %add3A_268 = arith.constant 1 : i32
            %add3A_269 = arith.addi %mul3A_265, %add3A_268 : i32
            %get3A_270 = arith.index_cast %add3A_269 : i32 to index
            %get3A_271 = tpu.vector_load %arg20[%get3A_270] {strides = array<i32>} : memref<4112xi32, #tpu.memory_space<vmem>>, vector<16xi32>,
            %add3A_272 = arith.addi %multiple_of3A, %mul3A_265 : i32
            %add3A_273 = vector.broadcast %add3A_272 : i32 to vector<16xi32>
            %add3A_274 = arith.addi %add3A_273, %iota3A : vector<16xi32>
            %ge3A_275 = vector.broadcast %add3A_234 : i32 to vector<16xi32>
            %ge3A_276 = arith.cmpi sge, %add3A_274, %ge3A_275 : vector<16xi32>
            %lt3A_277 = vector.broadcast %min3A_88 : i32 to vector<16xi32>
            %lt3A_278 = arith.cmpi slt, %add3A_274, %lt3A_277 : vector<16xi32>
            %and3A_279 = arith.andi %ge3A_276, %lt3A_278 : vector<16xi1>
            %get3A_280 = arith.index_cast %mul3A_265 : i32 to index
            %get3A_281 = tpu.vector_load %arg21[%get3A_280] {strides = array<i32>} : memref<4096xf32, #tpu.memory_space<vmem>>, vector<16xf32>,
            %exp3A = math.exp %get3A_281 : vector<16xf32>
            %jit3A_282 = arith.constant 0.000000e+00 : f32
            %broadcast_in_dim3A_283 = vector.broadcast %jit3A_282 : f32 to vector<16xf32>
            %select_n3A_284 = arith.select %and3A_279, %exp3A, %broadcast_in_dim3A_283 : vector<16xi1>, vector<16xf32>
            %mul3A_285 = arith.constant 2 : i32
            %mul3A_286 = arith.muli %mul3A_285, %mul3A_265 : i32
            %jit3A_287 = arith.constant 128 : i32
            %eq3A_288 = arith.constant 0 : i32
            %eq3A_289 = arith.cmpi eq, %jit3A_287, %eq3A_288 : i32
            %jit3A_290 = arith.constant 1 : i32
            %select_n3A_291 = arith.select %eq3A_289, %jit3A_290, %jit3A_287 : i32
            %rem3A_292 = arith.remsi %mul3A_265, %select_n3A_291 : i32
            %ne3A_293 = arith.constant 0 : i32
            %ne3A_294 = arith.cmpi ne, %rem3A_292, %ne3A_293 : i32
            %lt3A_295 = arith.constant 0 : i32
            %lt3A_296 = arith.cmpi slt, %rem3A_292, %lt3A_295 : i32
            %lt3A_297 = arith.constant 0 : i32
            %lt3A_298 = arith.cmpi slt, %select_n3A_291, %lt3A_297 : i32
            %ne3A_299 = arith.xori %lt3A_296, %lt3A_298 : i1
            %and3A_300 = arith.andi %ne3A_299, %ne3A_294 : i1
            %add3A_301 = arith.addi %rem3A_292, %select_n3A_291 : i32
            %select_n3A_302 = arith.select %and3A_300, %add3A_301, %rem3A_292 : i32
            %sub3A_303 = arith.subi %mul3A_286, %select_n3A_302 : i32
            %get3A_304 = arith.index_cast %sub3A_303 : i32 to index
            %get3A_305 = tpu.vector_load %arg22[%get3A_304] {strides = array<i32>} : memref<8192xf32, #tpu.memory_space<vmem>>, vector<16xf32>,
            %add3A_306 = arith.constant 128 : i32
            %add3A_307 = arith.addi %sub3A_303, %add3A_306 : i32
            %get3A_308 = arith.index_cast %add3A_307 : i32 to index
            %get3A_309 = tpu.vector_load %arg22[%get3A_308] {strides = array<i32>} : memref<8192xf32, #tpu.memory_space<vmem>>, vector<16xf32>,
            %broadcast_in_dim3A_310 = arith.constant true
            %broadcast_in_dim3A_311 = vector.broadcast %broadcast_in_dim3A_310 : i1 to vector<16xi1>
            %masked_cumsum3A = tpu.scan <sum>, %select_n3A_284 masked %broadcast_in_dim3A_311 : vector<16xf32>, vector<16xi1> -> vector<16xf32>
            %mul3A_312 = arith.mulf %select_n3A_284, %get3A_305 : vector<16xf32>
            %broadcast_in_dim3A_313 = arith.constant true
            %broadcast_in_dim3A_314 = vector.broadcast %broadcast_in_dim3A_313 : i1 to vector<16xi1>
            %masked_cumsum3A_315 = tpu.scan <sum>, %mul3A_312 masked %broadcast_in_dim3A_314 : vector<16xf32>, vector<16xi1> -> vector<16xf32>
            %mul3A_316 = arith.mulf %select_n3A_284, %get3A_309 : vector<16xf32>
            %broadcast_in_dim3A_317 = arith.constant true
            %broadcast_in_dim3A_318 = vector.broadcast %broadcast_in_dim3A_317 : i1 to vector<16xi1>
            %masked_cumsum3A_319 = tpu.scan <sum>, %mul3A_316 masked %broadcast_in_dim3A_318 : vector<16xf32>, vector<16xi1> -> vector<16xf32>
            %ne3A_320 = arith.cmpi ne, %get3A_267, %get3A_271 : vector<16xi32>
            %ge3A_321 = vector.broadcast %mul3A_24 : i32 to vector<16xi32>
            %ge3A_322 = arith.cmpi sge, %get3A_267, %ge3A_321 : vector<16xi32>
            %lt3A_323 = vector.broadcast %add3A_26 : i32 to vector<16xi32>
            %lt3A_324 = arith.cmpi slt, %get3A_267, %lt3A_323 : vector<16xi32>
            %and3A_325 = arith.andi %ge3A_322, %lt3A_324 : vector<16xi1>
            %ge3A_326 = vector.broadcast %mul3A_24 : i32 to vector<16xi32>
            %ge3A_327 = arith.cmpi sge, %get3A_271, %ge3A_326 : vector<16xi32>
            %lt3A_328 = vector.broadcast %add3A_26 : i32 to vector<16xi32>
            %lt3A_329 = arith.cmpi slt, %get3A_271, %lt3A_328 : vector<16xi32>
            %and3A_330 = arith.andi %ge3A_327, %lt3A_329 : vector<16xi1>
            %sub3A_331 = vector.broadcast %mul3A_24 : i32 to vector<16xi32>
            %sub3A_332 = arith.subi %get3A_267, %sub3A_331 : vector<16xi32>
            %sub3A_333 = vector.broadcast %mul3A_24 : i32 to vector<16xi32>
            %sub3A_334 = arith.subi %get3A_271, %sub3A_333 : vector<16xi32>
            %or3A = arith.ori %ne3A_320, %eq3A_112 : vector<16xi1>
            %and3A_335 = arith.andi %or3A, %and3A_325 : vector<16xi1>
            %and3A_336 = arith.andi %ne3A_320, %not3A_113 : vector<16xi1>
            %and3A_337 = arith.andi %and3A_336, %and3A_330 : vector<16xi1>
            tpu.vector_store_idx %arg24[%sub3A_332], %masked_cumsum3A masked %and3A_335 {add = true} : memref<3200xf32, #tpu.memory_space<vmem>>[vector<16xi32>], vector<16xf32>, vector<16xi1>
            tpu.vector_store_idx %arg25[%sub3A_332], %masked_cumsum3A_315 masked %and3A_335 {add = true} : memref<3200xf32, #tpu.memory_space<vmem>>[vector<16xi32>], vector<16xf32>, vector<16xi1>
            tpu.vector_store_idx %arg26[%sub3A_332], %masked_cumsum3A_319 masked %and3A_335 {add = true} : memref<3200xf32, #tpu.memory_space<vmem>>[vector<16xi32>], vector<16xf32>, vector<16xi1>
            %neg3A = arith.constant 0.000000e+00 : f32
            %neg3A_338 = vector.broadcast %neg3A : f32 to vector<16xf32>
            %neg3A_339 = arith.subf %neg3A_338, %masked_cumsum3A : vector<16xf32>
            tpu.vector_store_idx %arg24[%sub3A_334], %neg3A_339 masked %and3A_337 {add = true} : memref<3200xf32, #tpu.memory_space<vmem>>[vector<16xi32>], vector<16xf32>, vector<16xi1>
            %neg3A_340 = arith.constant 0.000000e+00 : f32
            %neg3A_341 = vector.broadcast %neg3A_340 : f32 to vector<16xf32>
            %neg3A_342 = arith.subf %neg3A_341, %masked_cumsum3A_315 : vector<16xf32>
            tpu.vector_store_idx %arg25[%sub3A_334], %neg3A_342 masked %and3A_337 {add = true} : memref<3200xf32, #tpu.memory_space<vmem>>[vector<16xi32>], vector<16xf32>, vector<16xi1>
            %neg3A_343 = arith.constant 0.000000e+00 : f32
            %neg3A_344 = vector.broadcast %neg3A_343 : f32 to vector<16xf32>
            %neg3A_345 = arith.subf %neg3A_344, %masked_cumsum3A_319 : vector<16xf32>
            tpu.vector_store_idx %arg26[%sub3A_334], %neg3A_345 masked %and3A_337 {add = true} : memref<3200xf32, #tpu.memory_space<vmem>>[vector<16xi32>], vector<16xf32>, vector<16xi1>
            %scan3A_346 = arith.constant 0 : i32
            %scan3A_347 = arith.constant 1 : i32
            %scan3A_348 = arith.addi %scan3A_262, %scan3A_347 : i32
            %mul3A_349 = arith.constant 16 : i32
            %mul3A_350 = arith.muli %scan3A_348, %mul3A_349 : i32
            %get3A_351 = arith.index_cast %mul3A_350 : i32 to index
            %get3A_352 = tpu.vector_load %arg20[%get3A_351] {strides = array<i32>} : memref<4112xi32, #tpu.memory_space<vmem>>, vector<16xi32>,
            %add3A_353 = arith.constant 1 : i32
            %add3A_354 = arith.addi %mul3A_350, %add3A_353 : i32
            %get3A_355 = arith.index_cast %add3A_354 : i32 to index
            %get3A_356 = tpu.vector_load %arg20[%get3A_355] {strides = array<i32>} : memref<4112xi32, #tpu.memory_space<vmem>>, vector<16xi32>,
            %add3A_357 = arith.addi %multiple_of3A, %mul3A_350 : i32
            %add3A_358 = vector.broadcast %add3A_357 : i32 to vector<16xi32>
            %add3A_359 = arith.addi %add3A_358, %iota3A : vector<16xi32>
            %ge3A_360 = vector.broadcast %add3A_234 : i32 to vector<16xi32>
            %ge3A_361 = arith.cmpi sge, %add3A_359, %ge3A_360 : vector<16xi32>
            %lt3A_362 = vector.broadcast %min3A_88 : i32 to vector<16xi32>
            %lt3A_363 = arith.cmpi slt, %add3A_359, %lt3A_362 : vector<16xi32>
            %and3A_364 = arith.andi %ge3A_361, %lt3A_363 : vector<16xi1>
            %get3A_365 = arith.index_cast %mul3A_350 : i32 to index
            %get3A_366 = tpu.vector_load %arg21[%get3A_365] {strides = array<i32>} : memref<4096xf32, #tpu.memory_space<vmem>>, vector<16xf32>,
            %exp3A_367 = math.exp %get3A_366 : vector<16xf32>
            %jit3A_368 = arith.constant 0.000000e+00 : f32
            %broadcast_in_dim3A_369 = vector.broadcast %jit3A_368 : f32 to vector<16xf32>
            %select_n3A_370 = arith.select %and3A_364, %exp3A_367, %broadcast_in_dim3A_369 : vector<16xi1>, vector<16xf32>
            %mul3A_371 = arith.constant 2 : i32
            %mul3A_372 = arith.muli %mul3A_371, %mul3A_350 : i32
            %jit3A_373 = arith.constant 128 : i32
            %eq3A_374 = arith.constant 0 : i32
            %eq3A_375 = arith.cmpi eq, %jit3A_373, %eq3A_374 : i32
            %jit3A_376 = arith.constant 1 : i32
            %select_n3A_377 = arith.select %eq3A_375, %jit3A_376, %jit3A_373 : i32
            %rem3A_378 = arith.remsi %mul3A_350, %select_n3A_377 : i32
            %ne3A_379 = arith.constant 0 : i32
            %ne3A_380 = arith.cmpi ne, %rem3A_378, %ne3A_379 : i32
            %lt3A_381 = arith.constant 0 : i32
            %lt3A_382 = arith.cmpi slt, %rem3A_378, %lt3A_381 : i32
            %lt3A_383 = arith.constant 0 : i32
            %lt3A_384 = arith.cmpi slt, %select_n3A_377, %lt3A_383 : i32
            %ne3A_385 = arith.xori %lt3A_382, %lt3A_384 : i1
            %and3A_386 = arith.andi %ne3A_385, %ne3A_380 : i1
            %add3A_387 = arith.addi %rem3A_378, %select_n3A_377 : i32
            %select_n3A_388 = arith.select %and3A_386, %add3A_387, %rem3A_378 : i32
            %sub3A_389 = arith.subi %mul3A_372, %select_n3A_388 : i32
            %get3A_390 = arith.index_cast %sub3A_389 : i32 to index
            %get3A_391 = tpu.vector_load %arg22[%get3A_390] {strides = array<i32>} : memref<8192xf32, #tpu.memory_space<vmem>>, vector<16xf32>,
            %add3A_392 = arith.constant 128 : i32
            %add3A_393 = arith.addi %sub3A_389, %add3A_392 : i32
            %get3A_394 = arith.index_cast %add3A_393 : i32 to index
            %get3A_395 = tpu.vector_load %arg22[%get3A_394] {strides = array<i32>} : memref<8192xf32, #tpu.memory_space<vmem>>, vector<16xf32>,
            %broadcast_in_dim3A_396 = arith.constant true
            %broadcast_in_dim3A_397 = vector.broadcast %broadcast_in_dim3A_396 : i1 to vector<16xi1>
            %masked_cumsum3A_398 = tpu.scan <sum>, %select_n3A_370 masked %broadcast_in_dim3A_397 : vector<16xf32>, vector<16xi1> -> vector<16xf32>
            %mul3A_399 = arith.mulf %select_n3A_370, %get3A_391 : vector<16xf32>
            %broadcast_in_dim3A_400 = arith.constant true
            %broadcast_in_dim3A_401 = vector.broadcast %broadcast_in_dim3A_400 : i1 to vector<16xi1>
            %masked_cumsum3A_402 = tpu.scan <sum>, %mul3A_399 masked %broadcast_in_dim3A_401 : vector<16xf32>, vector<16xi1> -> vector<16xf32>
            %mul3A_403 = arith.mulf %select_n3A_370, %get3A_395 : vector<16xf32>
            %broadcast_in_dim3A_404 = arith.constant true
            %broadcast_in_dim3A_405 = vector.broadcast %broadcast_in_dim3A_404 : i1 to vector<16xi1>
            %masked_cumsum3A_406 = tpu.scan <sum>, %mul3A_403 masked %broadcast_in_dim3A_405 : vector<16xf32>, vector<16xi1> -> vector<16xf32>
            %ne3A_407 = arith.cmpi ne, %get3A_352, %get3A_356 : vector<16xi32>
            %ge3A_408 = vector.broadcast %mul3A_24 : i32 to vector<16xi32>
            %ge3A_409 = arith.cmpi sge, %get3A_352, %ge3A_408 : vector<16xi32>
            %lt3A_410 = vector.broadcast %add3A_26 : i32 to vector<16xi32>
            %lt3A_411 = arith.cmpi slt, %get3A_352, %lt3A_410 : vector<16xi32>
            %and3A_412 = arith.andi %ge3A_409, %lt3A_411 : vector<16xi1>
            %ge3A_413 = vector.broadcast %mul3A_24 : i32 to vector<16xi32>
            %ge3A_414 = arith.cmpi sge, %get3A_356, %ge3A_413 : vector<16xi32>
            %lt3A_415 = vector.broadcast %add3A_26 : i32 to vector<16xi32>
            %lt3A_416 = arith.cmpi slt, %get3A_356, %lt3A_415 : vector<16xi32>
            %and3A_417 = arith.andi %ge3A_414, %lt3A_416 : vector<16xi1>
            %sub3A_418 = vector.broadcast %mul3A_24 : i32 to vector<16xi32>
            %sub3A_419 = arith.subi %get3A_352, %sub3A_418 : vector<16xi32>
            %sub3A_420 = vector.broadcast %mul3A_24 : i32 to vector<16xi32>
            %sub3A_421 = arith.subi %get3A_356, %sub3A_420 : vector<16xi32>
            %or3A_422 = arith.ori %ne3A_407, %eq3A_112 : vector<16xi1>
            %and3A_423 = arith.andi %or3A_422, %and3A_412 : vector<16xi1>
            %and3A_424 = arith.andi %ne3A_407, %not3A_113 : vector<16xi1>
            %and3A_425 = arith.andi %and3A_424, %and3A_417 : vector<16xi1>
            tpu.vector_store_idx %arg24[%sub3A_419], %masked_cumsum3A_398 masked %and3A_423 {add = true} : memref<3200xf32, #tpu.memory_space<vmem>>[vector<16xi32>], vector<16xf32>, vector<16xi1>
            tpu.vector_store_idx %arg25[%sub3A_419], %masked_cumsum3A_402 masked %and3A_423 {add = true} : memref<3200xf32, #tpu.memory_space<vmem>>[vector<16xi32>], vector<16xf32>, vector<16xi1>
            tpu.vector_store_idx %arg26[%sub3A_419], %masked_cumsum3A_406 masked %and3A_423 {add = true} : memref<3200xf32, #tpu.memory_space<vmem>>[vector<16xi32>], vector<16xf32>, vector<16xi1>
            %neg3A_426 = arith.constant 0.000000e+00 : f32
            %neg3A_427 = vector.broadcast %neg3A_426 : f32 to vector<16xf32>
            %neg3A_428 = arith.subf %neg3A_427, %masked_cumsum3A_398 : vector<16xf32>
            tpu.vector_store_idx %arg24[%sub3A_421], %neg3A_428 masked %and3A_425 {add = true} : memref<3200xf32, #tpu.memory_space<vmem>>[vector<16xi32>], vector<16xf32>, vector<16xi1>
            %neg3A_429 = arith.constant 0.000000e+00 : f32
            %neg3A_430 = vector.broadcast %neg3A_429 : f32 to vector<16xf32>
            %neg3A_431 = arith.subf %neg3A_430, %masked_cumsum3A_402 : vector<16xf32>
            tpu.vector_store_idx %arg25[%sub3A_421], %neg3A_431 masked %and3A_425 {add = true} : memref<3200xf32, #tpu.memory_space<vmem>>[vector<16xi32>], vector<16xf32>, vector<16xi1>
            %neg3A_432 = arith.constant 0.000000e+00 : f32
            %neg3A_433 = vector.broadcast %neg3A_432 : f32 to vector<16xf32>
            %neg3A_434 = arith.subf %neg3A_433, %masked_cumsum3A_406 : vector<16xf32>
            tpu.vector_store_idx %arg26[%sub3A_421], %neg3A_434 masked %and3A_425 {add = true} : memref<3200xf32, #tpu.memory_space<vmem>>[vector<16xi32>], vector<16xf32>, vector<16xi1>
            %scan3A_435 = arith.constant 0 : i32
            scf.yield %scan3A_435 : i32
          }
          %scan3A_261 = arith.constant 256 : i32
        } else {
        }
      } else {
      }
      %while3A_208 = arith.constant 0 : i32
      scf.yield %while3A_208 : i32
    }
    %scan3A_165 = arith.constant 0 : i32
    %scan3A_166 = arith.constant 0 : i32
    %scan3A_167 = arith.constant 200 : i32
    %scan3A_168 = arith.addi %scan3A_166, %scan3A_167 : i32
    %scan3A_169 = arith.constant 1 : i32
    %scan3A_170 = scf.for %scan3A_174 = %scan3A_166 to %scan3A_168 step %scan3A_169 iter_args(%scan3A_175 = %scan3A_165) -> (i32)  : i32 {
      %mul3A_176 = arith.constant 16 : i32
      %mul3A_177 = arith.muli %scan3A_174, %mul3A_176 : i32
      %get3A_178 = arith.index_cast %mul3A_177 : i32 to index
      %get3A_179 = tpu.vector_load %arg24[%get3A_178] {strides = array<i32>} : memref<3200xf32, #tpu.memory_space<vmem>>, vector<16xf32>,
      %mul3A_180 = arith.constant 16 : i32
      %mul3A_181 = arith.muli %scan3A_174, %mul3A_180 : i32
      %get3A_182 = arith.index_cast %mul3A_181 : i32 to index
      %get3A_183 = tpu.vector_load %arg25[%get3A_182] {strides = array<i32>} : memref<3200xf32, #tpu.memory_space<vmem>>, vector<16xf32>,
      %mul3A_184 = arith.constant 16 : i32
      %mul3A_185 = arith.muli %scan3A_174, %mul3A_184 : i32
      %get3A_186 = arith.index_cast %mul3A_185 : i32 to index
      %get3A_187 = tpu.vector_load %arg26[%get3A_186] {strides = array<i32>} : memref<3200xf32, #tpu.memory_space<vmem>>, vector<16xf32>,
      %ne3A_188 = arith.constant 0.000000e+00 : f32
      %ne3A_189 = vector.broadcast %ne3A_188 : f32 to vector<16xf32>
      %ne3A_190 = arith.cmpf one, %get3A_179, %ne3A_189 : vector<16xf32>
      %jit3A_191 = arith.constant 1.000000e+00 : f32
      %broadcast_in_dim3A_192 = vector.broadcast %jit3A_191 : f32 to vector<16xf32>
      %select_n3A_193 = arith.select %ne3A_190, %get3A_179, %broadcast_in_dim3A_192 : vector<16xi1>, vector<16xf32>
      %div3A_194 = arith.divf %get3A_183, %select_n3A_193 : vector<16xf32>
      %jit3A_195 = arith.constant 0.000000e+00 : f32
      %broadcast_in_dim3A_196 = vector.broadcast %jit3A_195 : f32 to vector<16xf32>
      %select_n3A_197 = arith.select %ne3A_190, %div3A_194, %broadcast_in_dim3A_196 : vector<16xi1>, vector<16xf32>
      %div3A_198 = arith.divf %get3A_187, %select_n3A_193 : vector<16xf32>
      %jit3A_199 = arith.constant 0.000000e+00 : f32
      %broadcast_in_dim3A_200 = vector.broadcast %jit3A_199 : f32 to vector<16xf32>
      %select_n3A_201 = arith.select %ne3A_190, %div3A_198, %broadcast_in_dim3A_200 : vector<16xi1>, vector<16xf32>
      %jit3A_202 = arith.constant 8 : i32
      %div3A_203 = arith.divsi %scan3A_174, %jit3A_202 : i32
      %sign3A_204 = arith.constant 0 : i32
      %sign3A_205 = arith.cmpi sgt, %scan3A_174, %sign3A_204 : i32
      %sign3A_206 = arith.extui %sign3A_205 : i1 to i32
      %sign3A_207 = arith.constant 0 : i32
      %sign3A_208 = arith.cmpi slt, %scan3A_174, %sign3A_207 : i32
      %sign3A_209 = arith.extui %sign3A_208 : i1 to i32
      %sign3A_210 = arith.subi %sign3A_206, %sign3A_209 : i32
      %sign3A_211 = arith.constant 0 : i32
      %sign3A_212 = arith.cmpi sgt, %jit3A_202, %sign3A_211 : i32
      %sign3A_213 = arith.extui %sign3A_212 : i1 to i32
      %sign3A_214 = arith.constant 0 : i32
      %sign3A_215 = arith.cmpi slt, %jit3A_202, %sign3A_214 : i32
      %sign3A_216 = arith.extui %sign3A_215 : i1 to i32
      %sign3A_217 = arith.subi %sign3A_213, %sign3A_216 : i32
      %ne3A_218 = arith.cmpi ne, %sign3A_210, %sign3A_217 : i32
      %rem3A_219 = arith.remsi %scan3A_174, %jit3A_202 : i32
      %ne3A_220 = arith.constant 0 : i32
      %ne3A_221 = arith.cmpi ne, %rem3A_219, %ne3A_220 : i32
      %and3A_222 = arith.andi %ne3A_218, %ne3A_221 : i1
      %sub3A_223 = arith.constant 1 : i32
      %sub3A_224 = arith.subi %div3A_203, %sub3A_223 : i32
      %select_n3A_225 = arith.select %and3A_222, %sub3A_224, %div3A_203 : i32
      %mul3A_226 = arith.constant 256 : i32
      %mul3A_227 = arith.muli %mul3A_226, %select_n3A_225 : i32
      %jit3A_228 = arith.constant 8 : i32
      %eq3A_229 = arith.constant 0 : i32
      %eq3A_230 = arith.cmpi eq, %jit3A_228, %eq3A_229 : i32
      %jit3A_231 = arith.constant 1 : i32
      %select_n3A_232 = arith.select %eq3A_230, %jit3A_231, %jit3A_228 : i32
      %rem3A_233 = arith.remsi %scan3A_174, %select_n3A_232 : i32
      %ne3A_234 = arith.constant 0 : i32
      %ne3A_235 = arith.cmpi ne, %rem3A_233, %ne3A_234 : i32
      %lt3A_236 = arith.constant 0 : i32
      %lt3A_237 = arith.cmpi slt, %rem3A_233, %lt3A_236 : i32
      %lt3A_238 = arith.constant 0 : i32
      %lt3A_239 = arith.cmpi slt, %select_n3A_232, %lt3A_238 : i32
      %ne3A_240 = arith.xori %lt3A_237, %lt3A_239 : i1
      %and3A_241 = arith.andi %ne3A_240, %ne3A_235 : i1
      %add3A_242 = arith.addi %rem3A_233, %select_n3A_232 : i32
      %select_n3A_243 = arith.select %and3A_241, %add3A_242, %rem3A_233 : i32
      %mul3A_244 = arith.constant 16 : i32
      %mul3A_245 = arith.muli %mul3A_244, %select_n3A_243 : i32
      %add3A_246 = arith.addi %mul3A_227, %mul3A_245 : i32
      %swap3A_247 = arith.index_cast %add3A_246 : i32 to index
      %swap3A_248 = tpu.vector_load %arg27[%swap3A_247] {strides = array<i32>} : memref<6400xf32, #tpu.memory_space<vmem>>, vector<16xf32>,
      tpu.vector_store %arg27[%swap3A_247], %select_n3A_197 {strides = array<i32>} : memref<6400xf32, #tpu.memory_space<vmem>>, vector<16xf32>,
      %add3A_249 = arith.constant 128 : i32
      %add3A_250 = arith.addi %add3A_246, %add3A_249 : i32
      %swap3A_251 = arith.index_cast %add3A_250 : i32 to index
      %swap3A_252 = tpu.vector_load %arg27[%swap3A_251] {strides = array<i32>} : memref<6400xf32, #tpu.memory_space<vmem>>, vector<16xf32>,
      tpu.vector_store %arg27[%swap3A_251], %select_n3A_201 {strides = array<i32>} : memref<6400xf32, #tpu.memory_space<vmem>>, vector<16xf32>,
      %scan3A_253 = arith.constant 0 : i32
      scf.yield %scan3A_253 : i32
    }
    %scan3A_171 = arith.constant 200 : i32
    %mul3A_172 = arith.constant 6400 : i32
    %mul3A_173 = arith.muli %add3A, %mul3A_172 : i32
    "tpu.region"() ({
      %run_scoped3A = tpu.sem_alloc : memref<!tpu.dma_semaphore, #tpu.memory_space<semaphore_mem>>
      %dma_start3A = tpu.memref_slice %arg6[%mul3A_173] : memref<204800xf32, #tpu.memory_space<hbm>> -> memref<6400xf32, #tpu.memory_space<hbm>>
      %dma_start3A_174 = tpu.memref_slice %arg6[%mul3A_173] : memref<204800xf32, #tpu.memory_space<hbm>> -> memref<6400xf32, #tpu.memory_space<hbm>>
      tpu.enqueue_dma source(%arg27 : memref<6400xf32, #tpu.memory_space<vmem>>) target(%dma_start3A_174 : memref<6400xf32, #tpu.memory_space<hbm>>) target_semaphore(%run_scoped3A : memref<!tpu.dma_semaphore, #tpu.memory_space<semaphore_mem>>)
      %dma_wait3A = tpu.memref_slice %arg6[%mul3A_173] : memref<204800xf32, #tpu.memory_space<hbm>> -> memref<6400xf32, #tpu.memory_space<hbm>>
      %dma_wait3A_175 = tpu.memref_slice %arg6[%mul3A_173] : memref<204800xf32, #tpu.memory_space<hbm>> -> memref<6400xf32, #tpu.memory_space<hbm>>
      tpu.wait_dma2 semaphore(%run_scoped3A : memref<!tpu.dma_semaphore, #tpu.memory_space<semaphore_mem>>) src(%arg27 : memref<6400xf32, #tpu.memory_space<vmem>>) dst(%dma_wait3A_175 : memref<6400xf32, #tpu.memory_space<hbm>>)
      tpu.yield
    }) : () -> ()
    return
  }
}

module attributes {stable_mosaic.version = 14 : i64} {
  func.func @_tc_body(%arg0: i32, %arg1: memref<2048x256xf32, #tpu.memory_space<vmem>>, %arg2: memref<256x128xf32, #tpu.memory_space<vmem>>, %arg3: memref<16x128xf32, #tpu.memory_space<vmem>>, %arg4: memref<1x1xf32, #tpu.memory_space<vmem>>, %arg5: memref<1x1xf32, #tpu.memory_space<vmem>>, %arg6: memref<16x128xf32, #tpu.memory_space<vmem>>, %arg7: memref<16x128xf32, #tpu.memory_space<vmem>>) attributes {dimension_semantics = [#tpu.dimension_semantics<arbitrary>], iteration_bounds = array<i64: 49>, scalar_prefetch = 0 : i64, scratch_operands = 0 : i64, tpu.core_type = #tpu.core_type<tc>, window_params = [{transform_indices = @transform_0, window_bounds = array<i64: 2048, 256>}, {pipeline_mode = #tpu.pipeline_mode<synchronous>, transform_indices = @transform_1, window_bounds = array<i64: 256, 128>}, {transform_indices = @transform_2, window_bounds = array<i64: 16, 128>}, {pipeline_mode = #tpu.pipeline_mode<synchronous>, transform_indices = @transform_3, window_bounds = array<i64: 1, 1>}, {pipeline_mode = #tpu.pipeline_mode<synchronous>, transform_indices = @transform_4, window_bounds = array<i64: 1, 1>}, {transform_indices = @transform_5, window_bounds = array<i64: 16, 128>}, {transform_indices = @transform_6, window_bounds = array<i64: 16, 128>}]} {
    %get3A = arith.constant 0 : index
    %get3A_0 = arith.constant 0 : index
    %get3A_1 = vector.load %arg1[%get3A, %get3A_0] : memref<2048x256xf32, #tpu.memory_space<vmem>>, vector<2048x256xf32>
    %get3A_2 = arith.constant 0 : index
    %get3A_3 = arith.constant 0 : index
    %get3A_4 = vector.load %arg2[%get3A_2, %get3A_3] : memref<256x128xf32, #tpu.memory_space<vmem>>, vector<256x128xf32>
    %dot_general3A = arith.constant dense<0.000000e+00> : vector<2048x128xf32>
    %dot_general3A_5 = tpu.matmul %get3A_1, %get3A_4, %dot_general3A {dimension_numbers = #tpu.dot_dimension_numbers<[1], [0], [0], [1], [0, 0, 1, 1], [], []>, transpose_lhs_hint = false} : vector<2048x256xf32>, vector<256x128xf32>, vector<2048x128xf32> -> vector<2048x128xf32>
    %slice3A = vector.extract_strided_slice %dot_general3A_5 {offsets = [0, 0], sizes = [2048, 1], strides = [1, 1]} : vector<2048x128xf32> to vector<2048x1xf32>
    %reshape3A = vector.shape_cast %slice3A : vector<2048x1xf32> to vector<16x128xf32>
    %get3A_6 = arith.constant 0 : index
    %get3A_7 = arith.constant 0 : index
    %get3A_8 = vector.load %arg5[%get3A_6, %get3A_7] : memref<1x1xf32, #tpu.memory_space<vmem>>, vector<1x1xf32>
    %get3A_9 = vector.extract %get3A_8[0, 0] : f32 from vector<1x1xf32>
    %add3A = vector.broadcast %get3A_9 : f32 to vector<16x128xf32>
    %add3A_10 = arith.addf %reshape3A, %add3A : vector<16x128xf32>
    %tanh3A = math.tanh %add3A_10 : vector<16x128xf32>
    %mul3A = arith.constant 8.800000e+00 : f32
    %mul3A_11 = vector.broadcast %mul3A : f32 to vector<16x128xf32>
    %mul3A_12 = arith.mulf %mul3A_11, %tanh3A : vector<16x128xf32>
    %get3A_13 = arith.constant 0 : index
    %get3A_14 = arith.constant 0 : index
    %get3A_15 = vector.load %arg3[%get3A_13, %get3A_14] : memref<16x128xf32, #tpu.memory_space<vmem>>, vector<16x128xf32>
    %log3A = math.log %get3A_15 : vector<16x128xf32>
    %neg3A = arith.constant 0.000000e+00 : f32
    %neg3A_16 = vector.broadcast %neg3A : f32 to vector<16x128xf32>
    %neg3A_17 = arith.subf %neg3A_16, %get3A_15 : vector<16x128xf32>
    %log1p3A = math.log1p %neg3A_17 : vector<16x128xf32>
    %sub3A = arith.subf %log3A, %log1p3A : vector<16x128xf32>
    %add3A_18 = arith.addf %mul3A_12, %sub3A : vector<16x128xf32>
    %get3A_19 = arith.constant 0 : index
    %get3A_20 = arith.constant 0 : index
    %get3A_21 = vector.load %arg4[%get3A_19, %get3A_20] : memref<1x1xf32, #tpu.memory_space<vmem>>, vector<1x1xf32>
    %get3A_22 = vector.extract %get3A_21[0, 0] : f32 from vector<1x1xf32>
    %div3A = vector.broadcast %get3A_22 : f32 to vector<16x128xf32>
    %div3A_23 = arith.divf %add3A_18, %div3A : vector<16x128xf32>
    %swap3A = arith.constant 0 : index
    %swap3A_24 = arith.constant 0 : index
    %swap3A_25 = vector.load %arg6[%swap3A, %swap3A_24] : memref<16x128xf32, #tpu.memory_space<vmem>>, vector<16x128xf32>
    tpu.vector_store %arg6[%swap3A, %swap3A_24], %mul3A_12 {strides = array<i32>} : memref<16x128xf32, #tpu.memory_space<vmem>>, vector<16x128xf32>,
    %neg3A_26 = arith.constant 0.000000e+00 : f32
    %neg3A_27 = vector.broadcast %neg3A_26 : f32 to vector<16x128xf32>
    %neg3A_28 = arith.subf %neg3A_27, %div3A_23 : vector<16x128xf32>
    %custom_jvp_call3A = arith.constant 0.000000e+00 : f32
    %max3A = vector.broadcast %custom_jvp_call3A : f32 to vector<16x128xf32>
    %max3A_29 = arith.maximumf %neg3A_28, %max3A : vector<16x128xf32>
    %sub3A_30 = vector.broadcast %custom_jvp_call3A : f32 to vector<16x128xf32>
    %sub3A_31 = arith.subf %neg3A_28, %sub3A_30 : vector<16x128xf32>
    %ne3A = arith.cmpf one, %sub3A_31, %sub3A_31 : vector<16x128xf32>
    %add3A_32 = vector.broadcast %custom_jvp_call3A : f32 to vector<16x128xf32>
    %add3A_33 = arith.addf %neg3A_28, %add3A_32 : vector<16x128xf32>
    %abs3A = math.absf %sub3A_31 : vector<16x128xf32>
    %neg3A_34 = arith.constant 0.000000e+00 : f32
    %neg3A_35 = vector.broadcast %neg3A_34 : f32 to vector<16x128xf32>
    %neg3A_36 = arith.subf %neg3A_35, %abs3A : vector<16x128xf32>
    %exp3A = math.exp %neg3A_36 : vector<16x128xf32>
    %log1p3A_37 = math.log1p %exp3A : vector<16x128xf32>
    %add3A_38 = arith.addf %max3A_29, %log1p3A_37 : vector<16x128xf32>
    %select_n3A = arith.select %ne3A, %add3A_33, %add3A_38 : vector<16x128xi1>, vector<16x128xf32>
    %neg3A_39 = arith.constant 0.000000e+00 : f32
    %neg3A_40 = vector.broadcast %neg3A_39 : f32 to vector<16x128xf32>
    %neg3A_41 = arith.subf %neg3A_40, %select_n3A : vector<16x128xf32>
    %swap3A_42 = arith.constant 0 : index
    %swap3A_43 = arith.constant 0 : index
    %swap3A_44 = vector.load %arg7[%swap3A_42, %swap3A_43] : memref<16x128xf32, #tpu.memory_space<vmem>>, vector<16x128xf32>
    tpu.vector_store %arg7[%swap3A_42, %swap3A_43], %neg3A_41 {strides = array<i32>} : memref<16x128xf32, #tpu.memory_space<vmem>>, vector<16x128xf32>,
    return
  }
  func.func @transform_0(%arg0: i32) -> (i32, i32) {
    %c0_i32 = arith.constant 0 : i32
    %c0_i32_0 = arith.constant 0 : i32
    return %arg0, %c0_i32 : i32, i32
  }
  func.func @transform_1(%arg0: i32) -> (i32, i32) {
    %c0_i32 = arith.constant 0 : i32
    %c0_i32_0 = arith.constant 0 : i32
    %c0_i32_1 = arith.constant 0 : i32
    return %c0_i32, %c0_i32_0 : i32, i32
  }
  func.func @transform_2(%arg0: i32) -> (i32, i32) {
    %c0_i32 = arith.constant 0 : i32
    %c0_i32_0 = arith.constant 0 : i32
    return %arg0, %c0_i32 : i32, i32
  }
  func.func @transform_3(%arg0: i32) -> (i32, i32) {
    %c0_i32 = arith.constant 0 : i32
    %c0_i32_0 = arith.constant 0 : i32
    %c0_i32_1 = arith.constant 0 : i32
    return %c0_i32, %c0_i32_0 : i32, i32
  }
  func.func @transform_4(%arg0: i32) -> (i32, i32) {
    %c0_i32 = arith.constant 0 : i32
    %c0_i32_0 = arith.constant 0 : i32
    %c0_i32_1 = arith.constant 0 : i32
    return %c0_i32, %c0_i32_0 : i32, i32
  }
  func.func @transform_5(%arg0: i32) -> (i32, i32) {
    %c0_i32 = arith.constant 0 : i32
    %c0_i32_0 = arith.constant 0 : i32
    return %arg0, %c0_i32 : i32, i32
  }
  func.func @transform_6(%arg0: i32) -> (i32, i32) {
    %c0_i32 = arith.constant 0 : i32
    %c0_i32_0 = arith.constant 0 : i32
    return %arg0, %c0_i32 : i32, i32
  }
}

</mosaic_0001>

<sc_bundles>
// kernel: kernel.4.cloned.1.call-start
scs
__scs_entry_jumppad:
0x0: {  	(pc) =	sbr.rel $0x88, $3  }
0x1: {  	(tag) =	ssettag $0x0;
	lr =	simm.s32 $0x1  }
0x2: {  	[smem:$0x3F9A] =	sst lr;
	_ =	strace $0xD0000000  }
0x3: {  	_ = 	snop  }
0x4: {  	_ = 	snop  }
0x5: {  	_ = 	snop  }
0x6: {  	_ = 	snop  }
0x7: {  	_ = 	snop  }
__scs_overlays_trampoline_lowered:
0x8: {  	[smem:$0x3FA9] =	sst s0  }
0x9: {  	[smem:$0x3FAA] =	sst s1  }
0xa: {  	[smem:$0x3FAB] =	sst s2  }
0xb: {  	[smem:$0x3FAC] =	sst s3  }
0xc: {  	[smem:$0x3FAD] =	sst s4  }
0xd: {  	[smem:$0x3FAE] =	sst s5  }
0xe: {  	[smem:$0x3FAF] =	sst s6  }
0xf: {  	[smem:$0x3FB0] =	sst s7  }
0x10: {  	[smem:$0x3FB1] =	sst s8  }
0x11: {  	[smem:$0x3FB2] =	sst s9;
	s0 =	simm.s32 @!p0 $0x0  }
0x12: {  	s1 =	sld [smem:$0x3F98];
	s0 =	simm.s32 @p0 $0x1  }
0x13: {  	[smem:$0x3FB3] =	sst s0;
	s0 =	simm.s32 @!p1 $0x0  }
0x14: {  	s2 =	sld [smem:$0x3F97];
	s0 =	simm.s32 @p1 $0x1  }
0x15: {  	[smem:$0x3FB4] =	sst s0;
	s0 =	simm.s32 @!p2 $0x0  }
0x16: {  	s3 =	sld [smem:$0x3FDB];
	s0 =	simm.s32 @p2 $0x1  }
0x17: {  	s4 =	simm.s32 $0x1BF5;
	[smem:$0x3FB6] =	sst s0  }
0x18: {  	s0 =	sld [smem:$0x3F99];
	_ =	swait.ge [sflag:s4], $0x0  }
0x19: {  	s7 =	sld [smem:$0x3F9A]  }
0x1a: {  	s8 =	sadd.s32 $0xFFFFE003, lr  }
0x1b: {  	s9 =	sadd.s32 $0xFFFFFEF7, lr;
	s5 =	simm.s32 $0xFFFFFFFF;
	p2 =	slt.u32 s8, $0xFFFFF086  }
0x1c: {  	p1 =	slt.u32 s9, $0xF7A;
	s5 =	simm.s32 @!p2 $0x0  }
0x1d: {  	s5 =	simm.s32 @p1 $0x1;
	p0 =	seq.s32 s7, s2  }
0x1e: {  	s7 =	smul.u32 @!p0 $0xF7A, s2;
	p2 =	seq.s32 @!p0 s5, $0x0  }
0x1f: {  	s9 =	smul.u32 $0xF7A, s1;
	s8 =	simm.s32 @!p0 $0x1BF5;
	p2 =	por !p2, p0  }
0x20: {  	[sflag:s8] =	ssyncset.s32 @!p0 $0xFFFFF086;
	s6 =	sadd.s32 @!p0 s3, s7;
	s7 =	simm.s32 @!p0 $0x108  }
0x21: {  	s3 =	sadd.s32 s3, s9;
	s6 =	sadd.s32 @!p0 $0x88, s6;
	s7 =	simm.s32 @p2 $0x1082  }
0x22: {  	[simem:s7], [sflag:s8] =	dma.local @!p0 [hbm:s6], $0xF7A  }
0x23: {  	s9 =	sor.u32 $0xD0000000, s2;
	s6 =	simm.s32 $0x108;
	_ =	swait.ge @!p0 [sflag:s8], $0x0  }
0x24: {  	s3 =	sadd.s32 $0x88, s3;
	s6 =	simm.s32 @!p1 $0x1082;
	[sflag:s4] =	ssyncset.s32 $0xFFFFF086  }
0x25: {  	[simem:s6], [sflag:s4] =	dma.local [hbm:s3], $0xF7A  }
0x26: {  	[smem:$0x3F9A] =	sst s1;
	(tag) =	ssettag s2;
	_ =	strace s9  }
0x27: {  	s1 =	sld [smem:$0x3FAA]  }
0x28: {  	s2 =	sld [smem:$0x3FAB]  }
0x29: {  	s4 =	sld [smem:$0x3FAD]  }
0x2a: {  	p0 =	seq.s32 s5, $0x0;
	s5 =	sld [smem:$0x3FAE]  }
0x2b: {  	s6 =	sld [smem:$0x3FAF]  }
0x2c: {  	s7 =	sld [smem:$0x3FB0]  }
0x2d: {  	s3 =	simm.s32 $0x108;
	s8 =	sld [smem:$0x3FB1]  }
0x2e: {  	s3 =	simm.s32 @!p0 $0x1082;
	s9 =	sld [smem:$0x3FB2]  }
0x2f: {  	lr =	sadd.s32 s0, s3;
	s0 =	sld [smem:$0x3FA9]  }
0x30: {  	s3 =	sld [smem:$0x3FAC]  }
0x31: {  	[smem:$0x3FB5] =	sst s10  }
0x32: {  	s10 =	sld [smem:$0x3FB3];
	_ =	sdelay $0x3  }
0x33: {  	p0 =	seq.s32 s10, $0x1;
	s10 =	sld [smem:$0x3FB5];
	_ =	sdelay $0x3  }
0x34: {  	[smem:$0x3FB5] =	sst s10  }
0x35: {  	s10 =	sld [smem:$0x3FB4];
	_ =	sdelay $0x3  }
0x36: {  	p1 =	seq.s32 s10, $0x1;
	s10 =	sld [smem:$0x3FB5];
	_ =	sdelay $0x3  }
0x37: {  	[smem:$0x3FB5] =	sst s10  }
0x38: {  	s10 =	sld [smem:$0x3FB6]  }
0x39: {  	_ = 	snop;
	(pc) =	sbr.ind lr, $3  }
0x3a: {  	_ = 	snop  }
0x3b: {  	_ = 	snop  }
0x3c: {  	p2 =	seq.s32 s10, $0x1;
	s10 =	sld [smem:$0x3FB5]  }
0x3d: {  	_ =	shalt  }
0x3e: {  	_ =	shalt  }
0x3f: {  	_ =	shalt  }
0x40: {  	_ =	shalt  }
0x41: {  	_ =	shalt  }
0x42: {  	_ =	shalt  }
0x43: {  	_ =	shalt  }
0x44: {  	_ =	shalt  }
0x45: {  	_ =	shalt  }
0x46: {  	_ =	shalt  }
0x47: {  	_ =	shalt  }
0x48: {  	_ =	shalt  }
0x49: {  	_ =	shalt  }
0x4a: {  	_ =	shalt  }
0x4b: {  	_ =	shalt  }
0x4c: {  	_ =	shalt  }
0x4d: {  	_ =	shalt  }
0x4e: {  	_ =	shalt  }
0x4f: {  	_ =	shalt  }
0x50: {  	_ =	shalt  }
0x51: {  	_ =	shalt  }
0x52: {  	_ =	shalt  }
0x53: {  	_ =	shalt  }
0x54: {  	_ =	shalt  }
0x55: {  	_ =	shalt  }
0x56: {  	_ =	shalt  }
0x57: {  	_ =	shalt  }
0x58: {  	_ =	shalt  }
0x59: {  	_ =	shalt  }
0x5a: {  	_ =	shalt  }
0x5b: {  	_ =	shalt  }
0x5c: {  	_ =	shalt  }
0x5d: {  	_ =	shalt  }
0x5e: {  	_ =	shalt  }
0x5f: {  	_ =	shalt  }
0x60: {  	_ =	shalt  }
0x61: {  	_ =	shalt  }
0x62: {  	_ =	shalt  }
0x63: {  	_ =	shalt  }
0x64: {  	_ =	shalt  }
0x65: {  	_ =	shalt  }
0x66: {  	_ =	shalt  }
0x67: {  	_ =	shalt  }
0x68: {  	_ =	shalt  }
0x69: {  	_ =	shalt  }
0x6a: {  	_ =	shalt  }
0x6b: {  	_ =	shalt  }
0x6c: {  	_ =	shalt  }
0x6d: {  	_ =	shalt  }
0x6e: {  	_ =	shalt  }
0x6f: {  	_ =	shalt  }
0x70: {  	_ =	shalt  }
0x71: {  	_ =	shalt  }
0x72: {  	_ =	shalt  }
0x73: {  	_ =	shalt  }
0x74: {  	_ =	shalt  }
0x75: {  	_ =	shalt  }
0x76: {  	_ =	shalt  }
0x77: {  	_ =	shalt  }
0x78: {  	_ =	shalt  }
0x79: {  	_ =	shalt  }
0x7a: {  	_ =	shalt  }
0x7b: {  	_ =	shalt  }
0x7c: {  	_ =	shalt  }
0x7d: {  	_ =	shalt  }
0x7e: {  	_ =	shalt  }
0x7f: {  	_ =	shalt  }
0x80: {  	_ =	shalt  }
0x81: {  	_ =	shalt  }
0x82: {  	_ =	shalt  }
0x83: {  	_ =	shalt  }
0x84: {  	_ =	shalt  }
0x85: {  	_ =	shalt  }
0x86: {  	_ =	shalt  }
0x87: {  	_ =	shalt  }
.Lfunc_end0:
.L_simem_size_0:
called_computation_lowered:
.L_overlay_start_0:
0x88: {  	s2 =	sld [smem:$0x3FD9]  }
0x89: {  	s3 =	sld [smem:$0x3FFE];
	_ =	sdelay $0x1  }
0x8a: {  	s1 =	srdreg.scid  }
0x8b: {  	s0 =	sand.u32 $0x1, s1  }
0x8c: {  	s14 =	sshll.u32 s0, $0xA;
	s2 =	sadd.s32 s3, s2  }
0x8d: {  	s2 =	sadd.s32 s2, s14  }
0x8e: {  	[smem:$0x3FC1] =	sst s2  }
0x8f: {  	_ = 	snop  }
0x90: {  	s2 =	sld [smem:$0x3FD0]  }
0x91: {  	s15 =	sld [smem:$0x3FC8]  }
0x92: {  	s4 =	sld [smem:$0x3FC7]  }
0x93: {  	s6 =	simm.s32 $0xA;
	s7 =	simm.s32 $0x10;
	s5 =	sld [smem:$0x3FC6]  }
0x94: {  	[smem:s7], [sflag:s6] =	dma.local [hbm:s2], $0x1  }
0x95: {  	_ =	swait.eq [sflag:s6], $0x1  }
0x96: {  	[sflag:s6] =	ssyncset.done $0x0  }
0x97: {  	[sflag:s6] =	ssyncadd.s32 $0xFFFFFFFF  }
0x98: {  	s16 =	sld [smem:$0x12];
	(tm) =	ssettm $0x1  }
0x99: {  	s17 =	sld [smem:$0x3FFB];
	_ =	sdelay $0x3  }
0x9a: {  	_ =	strace s17  }
0x9b: {  	s6 =	sld [smem:$0x3FFC];
	_ =	sdelay $0x3  }
0x9c: {  	_ =	strace s6  }
0x9d: {  	s6 =	sld [smem:$0x3FFD];
	_ =	sdelay $0x3  }
0x9e: {  	_ =	strace s6  }
0x9f: {  	_ =	strace $0x8FFFFFFF  }
0xa0: {  	s18 =	sld [smem:$0x3FDB];
	_ =	sdelay $0x1  }
0xa1: {  	s19 =	simm.s32 $_scs_section_size  }
0xa2: {  	s8 =	simm.s32 $_size__tile_overlayer_lowered;
	s9 =	simm.s32 $_tile_overlayer_lowered  }
0xa3: {  	s22 =	simm.s32 $0x1BFF;
	s21 =	sshll.u32 s9, $0x1;
	s6 =	sadd.s32 s19, s18  }
0xa4: {  	s10 =	simm.s32 $0x0;
	s20 =	sshll.u32 s8, $0x1;
	s8 =	sadd.s32 s21, s6  }
0xa5: {  	[timem:s10], [sflag:s22] =	dma.local [hbm:s8], s20  }
0xa6: {  	_ =	swait.ge [sflag:s22], s20  }
0xa7: {  	s7 =	ssub.s32 $0x0, s20;
	[sflag:s22] =	ssyncset.done $0x0  }
0xa8: {  	[sflag:s22] =	ssyncadd.s32 s7;
	_ =	sdelay $0x1  }
0xa9: {  	s23 =	simm.s32 $0x1B8B  }
0xaa: {  	_ =	swait.ge [sflag:s23], $0x1  }
0xab: {  	[sflag:s23] =	ssyncset.done $0x0  }
0xac: {  	s25 =	simm.s32 $0x1B8E;
	s24 =	sld [smem:$0x3FFE];
	[sflag:s23] =	ssyncadd.s32 $0xFFFFFFFF  }
0xad: {  	s26 =	simm.s32 $execute0_lowered;
	[smem:$0x3FD2] =	sst s25  }
0xae: {  	s8 =	sshll.u32 s26, $0x1;
	_ =	strace $0x80000046;
	[dreg:$0x1] =	wrdreg $0xFFFFFFFF  }
0xaf: {  	s28 =	simm.s32 $_size_execute0_lowered;
	s6 =	sadd.s32 s6, s8;
	[dreg:$0x0] =	wrdreg $0x0  }
0xb0: {  	s8 =	sshll.u32 s28, $0x1;
	[dreg:$0x2] =	wrdreg s6  }
0xb1: {  	[dreg:$0x3] =	wrdreg s8  }
0xb2: {  	[dreg:$0x4] =	wrdreg $0xC0  }
0xb3: {  	_ =	task [dreg:s10], $0x5FFFF  }
0xb4: {  	[dreg:$0x1] =	wrdreg $0xFFFFFFFF  }
0xb5: {  	[dreg:$0x0] =	wrdreg $0x60  }
0xb6: {  	[dreg:$0x2] =	wrdreg s16  }
0xb7: {  	[dreg:$0x3] =	wrdreg s5  }
0xb8: {  	[dreg:$0x4] =	wrdreg s4  }
0xb9: {  	[dreg:$0x5] =	wrdreg s15  }
0xba: {  	[dreg:$0x6] =	wrdreg s24  }
0xbb: {  	[dreg:$0x7] =	wrdreg $0x9  }
0xbc: {  	_ =	task.clear_ibuf [dreg:s10], $0x8FFFF;
	_ =	strace $0x90000046  }
0xbd: {  	s29 =	simm.s32 $0x9;
	_ =	strace $0x80000048  }
0xbe: {  	_ =	swait.ge [sflag:s29], $0x1  }
0xbf: {  	[sflag:s29] =	ssyncadd.s32 $0xFFFFFFFF  }
0xc0: {  	_ =	strace $0x90000048  }
0xc1: {  	_ =	sfence  }
0xc2: {  	s30 =	sld [smem:$0x0];
	_ =	sdelay $0x2  }
0xc3: {  	s31 =	sshll.u32 s1, $0xD;
	s1 =	sshrl.u32 s1, $0x2  }
0xc4: {  	s3 =	sand.u32 $0x4000, s31;
	s1 =	sadd.s32 s1, s30  }
0xc5: {  	s0 =	sor.u32 s3, s0;
	s1 =	sshll.u32 s1, $0x11  }
0xc6: {  	s0 =	sor.u32 s1, s0  }
0xc7: {  	s0 =	sadd.s32 $0x8F2B, s0  }
0xc8: {  	[sflag:s0] =	ssyncadd.remote.s32 $0x1  }
0xc9: {  	_ =	sfence.sel $0xFFFF  }
0xca: {  	[dreg:$0x0] =	wrdreg $0xFFFFFFFF;
	(pc) =	sbr.abs _section_cstart, $3  }
0xcb: {  	[dreg:$0x1] =	wrdreg $0xFFFFFFFF  }
0xcc: {  	_ =	task.clear_ibuf [dreg:s10], $0x2FFFF;
	_ =	strace $0x9FFFFFFF  }
0xcd: {  	(tm) =	ssettm $0x7FFFFFFF  }
tec
execute0_lowered:
.L_overlay_start_1:
0x0: {  	(tag) =	ssettag $0x1  }
0x1: {  	s0 =	srdreg.scid;
	s1 =	stileid.u32  }
0x2: {  	s2 =	rddreg [dreg:$0x4];
	s6 =	simm.s32 $0x0;
	s13 =	simm.s32 $0x1  }
0x3: {  	s14 =	simm.s32 $0x10880;
	s15 =	simm.s32 $0x11500;
	s16 =	simm.s32 $0x12180  }
0x4: {  	s17 =	simm.s32 $0x2;
	s0 =	sand.u32 $0x1, s0;
	s1 =	sshll.u32 s1, $0x1  }
0x5: {  	s18 =	simm.s32 $0x3;
	s1 =	sor.u32 s0, s1;
	s0 =	ssub.s32 $0x2, s0  }
0x6: {  	s19 =	simm.s32 $0x4;
	s3 =	smul.u32 $0x320, s1;
	s4 =	sshrl.u32 s0, $0x1  }
0x7: {  	[smem:$0x7FF] =	sst s6;
	s1 =	smul.u32 $0xC80, s1;
	s0 =	ssub.s32 s0, s4  }
0x8: {  	v2 =	vimm.f32 $0.0e+00;
	_ =	strace $0x80000047;
	s2 =	sadd.s32 s3, s2;
	s0 =	smax.u32 s0, $0x1  }
0x9: {  	v3 =	vimm.s32 $0x0;
	v4 =	vlaneseq.u32;
	vm0 =	vcmask $0x3F3C;
	s31 =	sadd.s32 $0xC80, s1;
	s2 =	sadd.s32 $0x800, s2;
	[dreg:$0xb] =	wrdreg s0  }
0xa: {  	vm1 =	vmmov $0x7fff;
	s4 =	simm.s32 $0x5;
	v0 =	vmov s1;
	s1 =	simm.s32 $0x0;
	v1 =	vmov s31;
	[dreg:$0xa] =	wrdreg s2  }
.LBB2_1:
0xb: {  	[dreg:$0xc] =	wrdreg s1;
	s0 =	simm.s32 $0x40;
	s1 =	simm.s32 $0x0  }
.LBB2_2:
0xc: {  	p0 =	sne.s32 s0, $0x31C0;
	[tilespmem:s1+$0x12180] =	vst v2;
	s2 =	smov.u32 s0;
	s0 =	sadd.s32 $0x40, s0  }
.Ltmp0:
0xd: {  	[tilespmem:s1+$0x10880] =	vst v2;
	(pc) =	sbr.rel @p0 .LBB2_2-.Ltmp0, $2  }
0xe: {  	[tilespmem:s1+$0x11500] =	vst v2;
	_ =	sdelay $0x2  }
0xf: {  	s1 =	sshra.s32 s2, $0x2  }
0x10: {  	[tilespmem:s1+$0x12180] =	vst v2  }
0x11: {  	[tilespmem:s1+$0x10880] =	vst v2  }
0x12: {  	[tilespmem:s1+$0x11500] =	vst v2;
	v5 =	vimm.s32 $0x0  }
0x13: {  	[tilespmem:$0x1680] =	vst v5  }
0x14: {  	[tilespmem:$0x5700] =	vst v5  }
0x15: {  	[tilespmem:$0x9780] =	vst v5  }
0x16: {  	s0 =	rddreg [dreg:$0x0];
	[tilespmem:$0xD800] =	vst v5  }
0x17: {  	[tilespmem:s6], [sflag:$0x5] =	stream.linear.gather [hbm4b:s0+s6], $0x680, $0x38;
	[tilespmem:$0x14700] =	vst v63  }
0x18: {  	_ =	swait.ge [sflag:s4], $0x680  }
0x19: {  	[sflag:s4] =	ssyncset.done $0x0  }
0x1a: {  	s31 =	simm.s32 $0x20;
	[sflag:s4] =	ssyncadd.s32 $0xFFFFF980  }
0x1b: {  	v8 =	vld [tilespmem:s31+$0x10]  }
0x1c: {  	v9 =	vld [tilespmem:s31+$0x0]  }
0x1d: {  	v6 =	vld [tilespmem:s31+$0xFFFFFFF0]  }
0x1e: {  	v7 =	vld [tilespmem:s31+$0xFFFFFFE0];
	_ =	sdelay $0x2  }
0x1f: {  	vm4 =	vlt.s32 v8, v0;
	vm5 =	vlt.s32 v9, v0  }
0x20: {  	s1 =	simm.s32 $0x60;
	s0 =	simm.s32 $0x0;
	vm3 =	vlt.s32 v9, v1;
	vm2 =	vlt.s32 v8, v1;
	v8 =	vimm.s32 $0x0  }
.LBB2_4:
0x21: {  	v9 =	vld [tilespmem:s1+$0x10];
	vm6 =	vlt.s32 v7, v0;
	vm7 =	vlt.s32 v6, v0;
	vm8 =	vlt.s32 v6, v1  }
0x22: {  	vm9 =	vlt.s32 v7, v1;
	v11 =	vsel vm5, $0x1, v3;
	v12 =	vsel vm4, $0x1, v3;
	s0 =	sadd.s32 $0x4, s0;
	v10 =	vld [tilespmem:s1+$0x0]  }
0x23: {  	v13 =	vsel vm6, $0x1, v3;
	v14 =	vsel vm9, $0x1, v3;
	v15 =	vsel vm7, $0x1, v3;
	p0 =	slt.u32 s0, $0x5C;
	v6 =	vld [tilespmem:s1+$0xFFFFFFF0]  }
.Ltmp1:
0x24: {  	v5 =	vadd.s32 v13, v5;
	v8 =	vadd.s32 v14, v8;
	v13 =	vsel vm8, $0x1, v3;
	v7 =	vld [tilespmem:s1+$0xFFFFFFE0];
	(pc) =	sbr.rel @p0 .LBB2_4-.Ltmp1, $4  }
0x25: {  	v5 =	vadd.s32 v15, v5;
	v8 =	vadd.s32 v13, v8;
	v13 =	vsel vm3, $0x1, v3  }
0x26: {  	v5 =	vadd.s32 v11, v5;
	v8 =	vadd.s32 v13, v8;
	v11 =	vsel vm2, $0x1, v3  }
0x27: {  	vm4 =	vlt.s32 v9, v0;
	v5 =	vadd.s32 v12, v5;
	v8 =	vadd.s32 v11, v8  }
0x28: {  	s1 =	sadd.s32 $0x40, s1;
	vm2 =	vlt.s32 v9, v1;
	vm5 =	vlt.s32 v10, v0;
	vm3 =	vlt.s32 v10, v1  }
0x29: {  	vm6 =	vlt.s32 v7, v0  }
0x2a: {  	vm15 =	vlt.s32 v7, v1;
	v7 =	vld [tilespmem:$0x600];
	vm7 =	vlt.s32 v6, v0;
	vm8 =	vlt.s32 v6, v1  }
0x2b: {  	v57 =	vsel vm5, $0x1, v3;
	v58 =	vld [tilespmem:$0x610];
	v11 =	vsel vm4, $0x1, v3;
	v60 =	vsel vm3, $0x1, v3  }
0x2c: {  	v9 =	vsel vm6, $0x1, v3;
	v6 =	vsel vm15, $0x1, v3;
	v10 =	vsel vm7, $0x1, v3  }
0x2d: {  	v59 =	vsel vm8, $0x1, v3;
	v5 =	vadd.s32 v9, v5;
	v6 =	vadd.s32 v6, v8  }
0x2e: {  	v61 =	vsel vm2, $0x1, v3;
	v5 =	vadd.s32 v10, v5;
	v6 =	vadd.s32 v59, v6  }
0x2f: {  	v5 =	vadd.s32 v57, v5;
	v6 =	vadd.s32 v60, v6;
	vm2 =	vlt.s32 v7, v0  }
0x30: {  	v5 =	vadd.s32 v11, v5;
	v6 =	vadd.s32 v61, v6;
	vm3 =	vlt.s32 v58, v0  }
0x31: {  	v62 =	vsel vm2, $0x1, v3;
	vm2 =	vlt.s32 v7, v1;
	v63 =	vsel vm3, $0x1, v3  }
0x32: {  	v5 =	vadd.s32 v62, v5;
	v7 =	vsel vm2, $0x1, v3;
	vm2 =	vlt.s32 v58, v1  }
0x33: {  	v6 =	vadd.s32 v7, v6;
	v5 =	vadd.s32 v63, v5;
	v7 =	vsel vm2, $0x1, v3  }
0x34: {  	v6 =	vadd.s32 v7, v6;
	(xrf0) =	vadd.scan.msk.s32 $0xffff, v5  }
0x35: {  	(xrf0) =	vadd.scan.msk.s32 $0xffff, v6;
	_ =	sdelay $0x4  }
0x36: {  	v5, _, _ =	vpop (xrf0)  }
0x37: {  	(v2sf) =	vpush v5, $0xF;
	v5, _, _ =	vpop (xrf0)  }
0x38: {  	(v2sf) =	vpush v5, $0xF;
	_ =	sdelay $0xd  }
0x39: {  	s0 =	spop (v2sf)  }
0x3a: {  	s1 =	spop (v2sf);
	s22 =	sadd.s32 $0xFFFFFFFF, s0  }
0x3b: {  	p0 =	sgt.s32 s22, $0x0;
	s0 =	sshll.u32 s1, $0xC  }
0x3c: {  	s22 =	simm.s32 @!p0 $0x0;
	p0 =	slt.s32 s0, $0x61A800  }
0x3d: {  	s9 =	sshll.u32 s22, $0xC;
	s0 =	simm.s32 @!p0 $0x61A800  }
0x3e: {  	s31 =	ssub.s32 s0, s9  }
0x3f: {  	s1 =	sadd.s32 $0xFFF, s31  }
0x40: {  	s2 =	sshra.s32 s1, $0x1F  }
0x41: {  	s3 =	sshrl.u32 s2, $0x14  }
0x42: {  	s1 =	sadd.s32 s3, s1  }
0x43: {  	s1 =	sshra.s32 s1, $0xC  }
0x44: {  	s24 =	sadd.s32 s2, s1  }
0x45: {  	p0 =	slt.s32 s24, $0x1  }
.Ltmp2:
0x46: {  	_ = 	snop;
	(pc) =	sbr.rel @p0 .LBB2_7-.Ltmp2, $1  }
0x47: {  	_ =	sdelay $0x3  }
0x48: {  	p0 =	slt.s32 s9, $0x619800;
	s1 =	smov.u32 s9  }
0x49: {  	s5 =	rddreg [dreg:$0x1];
	s1 =	simm.s32 @!p0 $0x619800  }
0x4a: {  	s4 =	simm.s32 $0x680;
	s7 =	rddreg [dreg:$0x2];
	s2 =	sshrl.u32 s1, $0x3  }
0x4b: {  	s30 =	simm.s32 $0x1700;
	s1 =	sshrl.u32 s1, $0x2;
	s3 =	sadd.s32 s5, s2  }
0x4c: {  	[tilespmem:s4], [sflag:$0x1] =	stream.linear.gather [hbm4b:s3+s6], $0x1000, $0x38;
	[tilespmem:$0x14700] =	vst v63  }
0x4d: {  	s8 =	rddreg [dreg:$0x3];
	s2 =	sadd.s32 s7, s2;
	s1 =	sand.u32 $0x1FFFFE00, s1  }
0x4e: {  	[tilespmem:s30], [sflag:$0x1] =	stream.linear.gather [hbm4b:s2+s6], $0x1000, $0x38;
	[tilespmem:$0x14700] =	vst v63  }
0x4f: {  	s31 =	simm.s32 $0x2700;
	p0 =	seq.s32 s24, $0x1;
	s1 =	sadd.s32 s8, s1  }
0x50: {  	[tilespmem:s31], [sflag:$0x1] =	stream.linear.gather [hbm4b:s1+s6], $0x2000, $0x38;
	[tilespmem:$0x14700] =	vst v63  }
0x51: {  	s1 =	sadd.s32 @!p0 $0x1000, s9  }
0x52: {  	p1 =	slt.s32 @!p0 s1, $0x619800  }
0x53: {  	p1 =	por !p1, p0  }
0x54: {  	s1 =	simm.s32 @p1 $0x619800  }
0x55: {  	p2 =	slt.u32 @!p0 s24, $0x3;
	s4 =	simm.s32 @!p0 $0x0;
	s2 =	sshrl.u32 @!p0 s1, $0x3  }
0x56: {  	s6 =	simm.s32 @!p0 $0x4700;
	s1 =	sshrl.u32 @!p0 s1, $0x2;
	s3 =	sadd.s32 @!p0 s5, s2  }
0x57: {  	[tilespmem:s6], [sflag:$0x2] =	stream.linear.gather @!p0 [hbm4b:s3+s4], $0x1000, $0x38;
	[tilespmem:$0x14700] =	vst v63  }
0x58: {  	s2 =	sadd.s32 @!p0 s7, s2;
	s1 =	sand.u32 @!p0 $0x1FFFFE00, s1;
	s3 =	simm.s32 @!p0 $0x5780  }
0x59: {  	[tilespmem:s3], [sflag:$0x2] =	stream.linear.gather @!p0 [hbm4b:s2+s4], $0x1000, $0x38;
	[tilespmem:$0x14700] =	vst v63  }
0x5a: {  	p1 =	por p2, p0;
	s1 =	sadd.s32 @!p0 s8, s1;
	s2 =	simm.s32 @!p0 $0x6780  }
0x5b: {  	[tilespmem:s2], [sflag:$0x2] =	stream.linear.gather @!p0 [hbm4b:s1+s4], $0x2000, $0x38;
	[tilespmem:$0x14700] =	vst v63  }
0x5c: {  	s1 =	sadd.s32 @!p1 $0x2000, s9  }
0x5d: {  	p3 =	slt.s32 @!p1 s1, $0x619800  }
0x5e: {  	p2 =	por @!p0 !p3, p2  }
0x5f: {  	p0 =	por !p2, p0  }
0x60: {  	s1 =	simm.s32 @!p0 $0x619800  }
0x61: {  	s6 =	simm.s32 @!p1 $0x8780;
	s2 =	sshrl.u32 @!p1 s1, $0x3  }
0x62: {  	s4 =	simm.s32 @!p1 $0x0;
	s1 =	sshrl.u32 @!p1 s1, $0x2;
	s3 =	sadd.s32 @!p1 s5, s2  }
0x63: {  	[tilespmem:s6], [sflag:$0x3] =	stream.linear.gather @!p1 [hbm4b:s3+s4], $0x1000, $0x38;
	[tilespmem:$0x14700] =	vst v63  }
0x64: {  	s2 =	sadd.s32 @!p1 s7, s2;
	s1 =	sand.u32 @!p1 $0x1FFFFE00, s1;
	s3 =	simm.s32 @!p1 $0x9800  }
0x65: {  	[tilespmem:s3], [sflag:$0x3] =	stream.linear.gather @!p1 [hbm4b:s2+s4], $0x1000, $0x38;
	[tilespmem:$0x14700] =	vst v63  }
0x66: {  	s1 =	sadd.s32 @!p1 s8, s1;
	s2 =	simm.s32 @!p1 $0xA800  }
0x67: {  	[tilespmem:s2], [sflag:$0x3] =	stream.linear.gather @!p1 [hbm4b:s1+s4], $0x2000, $0x38;
	[tilespmem:$0x14700] =	vst v63  }
.LBB2_7:
0x68: {  	s1 =	sadd.s32 $0x3, s24  }
0x69: {  	s2 =	sand.u32 $0x3, s1  }
0x6a: {  	p0 =	slt.s32 s24, $0xFFFFFFFE;
	p1 =	sne.s32 s2, $0x0  }
0x6b: {  	s31 =	sshrl.u32 s1, $0x1E;
	p0 =	por !p0, !p1  }
0x6c: {  	s1 =	sadd.s32 s31, s1;
	s2 =	simm.s32 $0x1;
	p0 =	por !p0, !p0  }
0x6d: {  	s1 =	sshra.s32 s1, $0x2;
	s2 =	simm.s32 @!p0 $0x0  }
0x6e: {  	s1 =	ssub.s32 s1, s2  }
0x6f: {  	p0 =	slt.s32 s1, $0x1  }
.Ltmp3:
0x70: {  	_ = 	snop;
	(pc) =	sbr.rel @p0 .LBB2_34-.Ltmp3, $3  }
0x71: {  	_ =	sdelay $0x1  }
0x72: {  	[dreg:$0xd] =	wrdreg s9  }
0x73: {  	[dreg:$0xe] =	wrdreg s1  }
.Ltmp4:
0x74: {  	(pc) =	sbr.rel .LBB2_9-.Ltmp4, $4  }
0x75: {  	_ = 	snop  }
0x76: {  	s23 =	rddreg [dreg:$0xd]  }
0x77: {  	s28 =	sadd.s32 $0xFFFFF000, s0;
	s31 =	simm.s32 $0x0;
	s4 =	sadd.s32 $0x1000, s23  }
0x78: {  	v5 =	vmov s0;
	s29 =	sadd.s32 $0x2000, s23;
	s30 =	sadd.s32 $0x3000, s23;
	s26 =	smov.u32 s4  }
.LBB2_33:
0x79: {  	s31 =	sadd.s32 $0x1, s31;
	s0 =	rddreg [dreg:$0xe]  }
0x7a: {  	p0 =	sne.s32 s31, s0  }
.Ltmp5:
0x7b: {  	_ = 	snop;
	(pc) =	sbr.rel @!p0 .LBB2_34-.Ltmp5, $3  }
0x7c: {  	_ =	sdelay $0x1  }
0x7d: {  	s23 =	sadd.s32 $0x4000, s23  }
0x7e: {  	s26 =	sadd.s32 $0x4000, s26;
	s29 =	sadd.s32 $0x4000, s29;
	s30 =	sadd.s32 $0x4000, s30  }
.LBB2_9:
0x7f: {  	s10 =	sshll.u32 s31, $0x2  }
0x80: {  	p0 =	sge.s32 s10, s24  }
.Ltmp6:
0x81: {  	_ = 	snop;
	(pc) =	sbr.rel @p0 .LBB2_15-.Ltmp6, $1  }
0x82: {  	_ =	sdelay $0x3  }
0x83: {  	_ =	swait.ge [sflag:s13], $0x1000  }
0x84: {  	[sflag:s13] =	ssyncset.done $0x0  }
0x85: {  	s0 =	sor.u32 $0x3, s10;
	[sflag:s13] =	ssyncadd.s32 $0xFFFFF000  }
0x86: {  	p0 =	sge.s32 s0, s24;
	_ =	swait.ge [sflag:s13], $0x1000  }
0x87: {  	s0 =	sadd.s32 @!p0 s22, s0;
	[sflag:s13] =	ssyncset.done $0x0  }
0x88: {  	s0 =	sshll.u32 @!p0 s0, $0xC;
	[sflag:s13] =	ssyncadd.s32 $0xFFFFF000  }
0x89: {  	p1 =	slt.s32 @!p0 s0, $0x619800;
	_ =	swait.ge [sflag:s13], $0x2000  }
0x8a: {  	p1 =	por !p1, p0;
	[sflag:s13] =	ssyncset.done $0x0  }
0x8b: {  	s0 =	simm.s32 @p1 $0x619800;
	[sflag:s13] =	ssyncadd.s32 $0xFFFFE000  }
0x8c: {  	s1 =	sshrl.u32 @!p0 s0, $0x3;
	s2 =	rddreg [dreg:$0x1]  }
0x8d: {  	s3 =	simm.s32 @!p0 $0x0;
	s6 =	simm.s32 @!p0 $0xC800;
	s2 =	sadd.s32 @!p0 s2, s1  }
0x8e: {  	[tilespmem:s6], [sflag:$0x4] =	stream.linear.gather @!p0 [hbm4b:s2+s3], $0x1000, $0x38;
	[tilespmem:$0x14700] =	vst v63  }
0x8f: {  	s0 =	sshrl.u32 @!p0 s0, $0x2;
	s2 =	rddreg [dreg:$0x2]  }
0x90: {  	s25 =	rddreg [dreg:$0xd];
	s1 =	sadd.s32 @!p0 s2, s1;
	s2 =	simm.s32 @!p0 $0xD880  }
0x91: {  	[tilespmem:s2], [sflag:$0x4] =	stream.linear.gather @!p0 [hbm4b:s1+s3], $0x1000, $0x38;
	[tilespmem:$0x14700] =	vst v63  }
0x92: {  	s21 =	sshll.u32 s31, $0xE;
	s0 =	sand.u32 @!p0 $0x1FFFFE00, s0;
	s1 =	rddreg [dreg:$0x3]  }
0x93: {  	s2 =	sadd.s32 s25, s21;
	s0 =	sadd.s32 @!p0 s1, s0;
	s1 =	simm.s32 @!p0 $0xE880  }
0x94: {  	[tilespmem:s1], [sflag:$0x4] =	stream.linear.gather @!p0 [hbm4b:s0+s3], $0x2000, $0x38;
	[tilespmem:$0x14700] =	vst v63  }
0x95: {  	p0 =	slt.s32 s2, s4;
	s0 =	sadd.s32 $0x1000, s2  }
0x96: {  	p1 =	sle.s32 @!p0 s0, s28  }
0x97: {  	p0 =	por p0, !p1  }
.Ltmp7:
0x98: {  	_ = 	snop;
	(pc) =	sbr.rel @p0 .LBB2_13-.Ltmp7, $1  }
0x99: {  	_ =	sdelay $0x3  }
0x9a: {  	s11 =	simm.s32 $0xFFFFFFFC;
	s12 =	simm.s32 $0x0  }
0x9b: {  	s1 =	simm.s32 $0x2730;
	s20 =	simm.s32 $0x2700;
	p0 =	por $0x0, $0x0  }
0x9c: {  	s7 =	simm.s32 $0x2720;
	s8 =	simm.s32 $0x6A0;
	s6 =	simm.s32 $0x1720  }
0x9d: {  	s9 =	simm.s32 $0x2710;
	s21 =	simm.s32 $0x0;
	s0 =	simm.s32 $0x0  }
.LBB2_12:
0x9e: {  	v6 =	vld [tilespmem:s6+$0xFFFFFFE0];
	_ =	sdelay $0x4  }
0x9f: {  	v6 =	vmul.f32 $1.442695020e+00, v6  }
0xa0: {  	s2 =	simm.s32 $0x1  }
0xa1: {  	s2 =	simm.s32 @!p0 $0x0;
	(erf) = vpow2.f32 v6  }
0xa2: {  	s3 =	sshll.u32 s2, $0x8  }
0xa3: {  	s3 =	ssub.s32 $0x0, s3  }
0xa4: {  	s2 =	sshll.u32 s2, $0x6;
	s3 =	sshra.s32 s3, $0x2  }
0xa5: {  	s2 =	ssub.s32 s21, s2;
	s3 =	sadd.s32 s3, s20  }
0xa6: {  	s2 =	sand.u32 $0xFFFFFFC0, s2;
	v6 =	vld [tilespmem:s3+$0x0]  }
0xa7: {  	v7 =	vld [tilespmem:s2+$0x2780];
	_ =	sdelay $0x2  }
0xa8: {  	v8 =	vld [tilespmem:s8+$0xFFFFFFE0];
	v9 =	vpop (erf)  }
0xa9: {  	v10 =	vld [tilespmem:s8+$0xFFFFFFE1];
	v6 =	vmul.f32 v9, v6  }
0xaa: {  	(xrf2) =	vadd.scan.msk.f32 $0xffff, v9;
	v7 =	vmul.f32 v7, v9  }
0xab: {  	(xrf2) =	vadd.scan.msk.f32 $0xffff, v6  }
0xac: {  	(xrf2) =	vadd.scan.msk.f32 $0xffff, v7;
	_ =	sdelay $0x1  }
0xad: {  	vm2 =	vne.s32 v8, v10;
	v6 =	vsub.s32 v8, v0  }
0xae: {  	vm3 =	vmor vm2, vm0;
	v6 =	vand.u32 $0xFFFFFF80, v6;
	v7 =	vand.u32 $0x7F, v8  }
0xaf: {  	v6 =	vor.u32 v7, v6  }
0xb0: {  	v7 =	vsub.s32 v10, v0  }
0xb1: {  	v38 =	vand.u32 $0x7F, v10;
	vm2 =	vmand vm2, vm1;
	v7 =	vand.u32 $0xFFFFFF80, v7  }
0xb2: {  	v7 =	vor.u32 v38, v7  }
0xb3: {  	v39, _, _ =	vpop (xrf2)  }
0xb4: {  	[tilespmem:v6+s14+$0x0] =	vst.idx.add.f32.msk vm3, v39;
	v40, _, _ =	vpop (xrf2)  }
0xb5: {  	v8 =	vsub.f32 $0.0e+00, v39;
	v41, _, _ =	vpop (xrf2);
	[tilespmem:v6+s15+$0x0] =	vst.idx.add.f32.msk vm3, v40  }
0xb6: {  	[tilespmem:v6+s16+$0x0] =	vst.idx.add.f32.msk vm3, v41;
	v6 =	vsub.f32 $0.0e+00, v40  }
0xb7: {  	v42 =	vsub.f32 $0.0e+00, v41;
	[tilespmem:v7+s14+$0x0] =	vst.idx.add.f32.msk vm2, v8  }
0xb8: {  	[tilespmem:v7+s15+$0x0] =	vst.idx.add.f32.msk vm2, v6  }
0xb9: {  	[tilespmem:v7+s16+$0x0] =	vst.idx.add.f32.msk vm2, v42  }
0xba: {  	v6 =	vld [tilespmem:s6+$0xFFFFFFF0];
	_ =	sdelay $0x4  }
0xbb: {  	v6 =	vmul.f32 $1.442695020e+00, v6;
	_ =	sdelay $0x1  }
0xbc: {  	s5 =	sand.u32 $0x7, s0;
	(erf) = vpow2.f32 v6  }
0xbd: {  	s25 =	sshll.u32 s5, $0x6  }
0xbe: {  	s5 =	sshll.u32 s5, $0x4;
	s3 =	ssub.s32 $0x0, s25  }
0xbf: {  	s2 =	sshra.s32 s3, $0x2;
	s3 =	ssub.s32 s21, s5  }
0xc0: {  	s5 =	sadd.s32 s2, s9;
	s25 =	sadd.s32 $0x10, s3  }
0xc1: {  	s25 =	sand.u32 $0xFFFFFFD0, s25;
	v6 =	vld [tilespmem:s5+$0x0]  }
0xc2: {  	v7 =	vld [tilespmem:s25+$0x2780];
	_ =	sdelay $0x2  }
0xc3: {  	v8 =	vld [tilespmem:s8+$0xFFFFFFF0];
	v43 =	vpop (erf)  }
0xc4: {  	v44 =	vld [tilespmem:s8+$0xFFFFFFF1];
	v6 =	vmul.f32 v43, v6  }
0xc5: {  	(xrf2) =	vadd.scan.msk.f32 $0xffff, v43;
	v7 =	vmul.f32 v7, v43  }
0xc6: {  	(xrf2) =	vadd.scan.msk.f32 $0xffff, v6  }
0xc7: {  	(xrf2) =	vadd.scan.msk.f32 $0xffff, v7;
	_ =	sdelay $0x1  }
0xc8: {  	vm2 =	vne.s32 v8, v44;
	v6 =	vsub.s32 v8, v0  }
0xc9: {  	vm3 =	vmor vm2, vm0;
	v6 =	vand.u32 $0xFFFFFF80, v6;
	v7 =	vand.u32 $0x7F, v8  }
0xca: {  	v6 =	vor.u32 v7, v6  }
0xcb: {  	v7 =	vsub.s32 v44, v0  }
0xcc: {  	v45 =	vand.u32 $0x7F, v44;
	vm2 =	vmand vm2, vm1;
	v7 =	vand.u32 $0xFFFFFF80, v7  }
0xcd: {  	v7 =	vor.u32 v45, v7  }
0xce: {  	v46, _, _ =	vpop (xrf2)  }
0xcf: {  	[tilespmem:v6+s14+$0x0] =	vst.idx.add.f32.msk vm3, v46;
	v47, _, _ =	vpop (xrf2)  }
0xd0: {  	v8 =	vsub.f32 $0.0e+00, v46;
	v48, _, _ =	vpop (xrf2);
	[tilespmem:v6+s15+$0x0] =	vst.idx.add.f32.msk vm3, v47  }
0xd1: {  	[tilespmem:v6+s16+$0x0] =	vst.idx.add.f32.msk vm3, v48;
	v6 =	vsub.f32 $0.0e+00, v47  }
0xd2: {  	v49 =	vsub.f32 $0.0e+00, v48;
	[tilespmem:v7+s14+$0x0] =	vst.idx.add.f32.msk vm2, v8  }
0xd3: {  	[tilespmem:v7+s15+$0x0] =	vst.idx.add.f32.msk vm2, v6  }
0xd4: {  	[tilespmem:v7+s16+$0x0] =	vst.idx.add.f32.msk vm2, v49  }
0xd5: {  	v6 =	vld [tilespmem:s6+$0x0];
	_ =	sdelay $0x4  }
0xd6: {  	v6 =	vmul.f32 $1.442695020e+00, v6;
	_ =	sdelay $0x1  }
0xd7: {  	s5 =	sand.u32 $0x3, s12;
	(erf) = vpow2.f32 v6  }
0xd8: {  	s25 =	sshll.u32 s5, $0x7  }
0xd9: {  	s5 =	sshll.u32 s5, $0x5;
	s25 =	ssub.s32 $0x0, s25  }
0xda: {  	s5 =	ssub.s32 s21, s5;
	s25 =	sshra.s32 s25, $0x2  }
0xdb: {  	s5 =	sadd.s32 $0x20, s5;
	s25 =	sadd.s32 s25, s7  }
0xdc: {  	s5 =	sand.u32 $0xFFFFFFE0, s5;
	v6 =	vld [tilespmem:s25+$0x0]  }
0xdd: {  	v7 =	vld [tilespmem:s5+$0x2780];
	_ =	sdelay $0x2  }
0xde: {  	v8 =	vld [tilespmem:s8+$0x0];
	v50 =	vpop (erf)  }
0xdf: {  	v51 =	vld [tilespmem:s8+$0x1];
	v6 =	vmul.f32 v50, v6  }
0xe0: {  	(xrf2) =	vadd.scan.msk.f32 $0xffff, v50;
	v7 =	vmul.f32 v7, v50  }
0xe1: {  	(xrf2) =	vadd.scan.msk.f32 $0xffff, v6  }
0xe2: {  	(xrf2) =	vadd.scan.msk.f32 $0xffff, v7;
	_ =	sdelay $0x1  }
0xe3: {  	vm2 =	vne.s32 v8, v51;
	v6 =	vsub.s32 v8, v0  }
0xe4: {  	vm3 =	vmor vm2, vm0;
	v6 =	vand.u32 $0xFFFFFF80, v6;
	v7 =	vand.u32 $0x7F, v8  }
0xe5: {  	v6 =	vor.u32 v7, v6  }
0xe6: {  	v7 =	vsub.s32 v51, v0  }
0xe7: {  	v52 =	vand.u32 $0x7F, v51;
	vm2 =	vmand vm2, vm1;
	v7 =	vand.u32 $0xFFFFFF80, v7  }
0xe8: {  	v7 =	vor.u32 v52, v7  }
0xe9: {  	v53, _, _ =	vpop (xrf2)  }
0xea: {  	[tilespmem:v6+s14+$0x0] =	vst.idx.add.f32.msk vm3, v53;
	v54, _, _ =	vpop (xrf2)  }
0xeb: {  	v8 =	vsub.f32 $0.0e+00, v53;
	v55, _, _ =	vpop (xrf2);
	[tilespmem:v6+s15+$0x0] =	vst.idx.add.f32.msk vm3, v54  }
0xec: {  	[tilespmem:v6+s16+$0x0] =	vst.idx.add.f32.msk vm3, v55;
	v6 =	vsub.f32 $0.0e+00, v54  }
0xed: {  	v56 =	vsub.f32 $0.0e+00, v55;
	[tilespmem:v7+s14+$0x0] =	vst.idx.add.f32.msk vm2, v8  }
0xee: {  	[tilespmem:v7+s15+$0x0] =	vst.idx.add.f32.msk vm2, v6  }
0xef: {  	[tilespmem:v7+s16+$0x0] =	vst.idx.add.f32.msk vm2, v56  }
0xf0: {  	v6 =	vld [tilespmem:s6+$0x10];
	_ =	sdelay $0x4  }
0xf1: {  	v6 =	vmul.f32 $1.442695020e+00, v6;
	_ =	sdelay $0x1  }
0xf2: {  	(erf) = vpow2.f32 v6;
	_ =	sdelay $0x3  }
0xf3: {  	s2 =	sadd.s32 s2, s1;
	s3 =	sadd.s32 $0x30, s3  }
0xf4: {  	s25 =	sand.u32 $0xFFFFFFF0, s3;
	v6 =	vld [tilespmem:s2+$0x0]  }
0xf5: {  	v7 =	vld [tilespmem:s25+$0x2780];
	_ =	sdelay $0x2  }
0xf6: {  	v8 =	vld [tilespmem:s8+$0x10];
	v57 =	vpop (erf)  }
0xf7: {  	v58 =	vld [tilespmem:s8+$0x11];
	v6 =	vmul.f32 v57, v6  }
0xf8: {  	(xrf2) =	vadd.scan.msk.f32 $0xffff, v57;
	v7 =	vmul.f32 v7, v57  }
0xf9: {  	(xrf2) =	vadd.scan.msk.f32 $0xffff, v6  }
0xfa: {  	(xrf2) =	vadd.scan.msk.f32 $0xffff, v7;
	_ =	sdelay $0x1  }
0xfb: {  	vm2 =	vne.s32 v8, v58;
	v6 =	vsub.s32 v8, v0  }
0xfc: {  	vm3 =	vmor vm2, vm0;
	v6 =	vand.u32 $0xFFFFFF80, v6;
	v7 =	vand.u32 $0x7F, v8  }
0xfd: {  	v6 =	vor.u32 v7, v6  }
0xfe: {  	v7 =	vsub.s32 v58, v0  }
0xff: {  	v59 =	vand.u32 $0x7F, v58;
	vm2 =	vmand vm2, vm1;
	v7 =	vand.u32 $0xFFFFFF80, v7  }
0x100: {  	v7 =	vor.u32 v59, v7  }
0x101: {  	s11 =	sadd.s32 $0x4, s11;
	v60, _, _ =	vpop (xrf2)  }
0x102: {  	p1 =	slt.u32 s11, $0xFC;
	[tilespmem:v6+s14+$0x0] =	vst.idx.add.f32.msk vm3, v60;
	v61, _, _ =	vpop (xrf2)  }
.Ltmp8:
0x103: {  	v8 =	vsub.f32 $0.0e+00, v60;
	v62, _, _ =	vpop (xrf2);
	[tilespmem:v6+s15+$0x0] =	vst.idx.add.f32.msk vm3, v61;
	(pc) =	sbr.rel @p1 .LBB2_12-.Ltmp8, $4  }
0x104: {  	s0 =	sadd.s32 $0x4, s0;
	[tilespmem:v6+s16+$0x0] =	vst.idx.add.f32.msk vm3, v62;
	v6 =	vsub.f32 $0.0e+00, v61  }
0x105: {  	p0 =	por !p0, !p0;
	s20 =	sadd.s32 $0x80, s20;
	s1 =	sadd.s32 $0x80, s1;
	v63 =	vsub.f32 $0.0e+00, v62;
	[tilespmem:v7+s14+$0x0] =	vst.idx.add.f32.msk vm2, v8  }
0x106: {  	s9 =	sadd.s32 $0x80, s9;
	s12 =	sadd.s32 $0x2, s12;
	s21 =	sadd.s32 $0x80, s21;
	[tilespmem:v7+s15+$0x0] =	vst.idx.add.f32.msk vm2, v6  }
0x107: {  	s7 =	sadd.s32 $0x80, s7;
	s8 =	sadd.s32 $0x40, s8;
	s6 =	sadd.s32 $0x40, s6;
	[tilespmem:v7+s16+$0x0] =	vst.idx.add.f32.msk vm2, v63  }
.Ltmp9:
0x108: {  	_ = 	snop;
	(pc) =	sbr.rel .LBB2_15-.Ltmp9, $1  }
0x109: {  	_ =	sdelay $0x3  }
.LBB2_13:
0x10a: {  	p0 =	slt.s32 s23, $0x619800;
	s0 =	smov.u32 s23  }
0x10b: {  	s1 =	simm.s32 $0x0;
	s6 =	simm.s32 $0x2710;
	s7 =	simm.s32 $0x10  }
0x10c: {  	s8 =	simm.s32 $0x691;
	s9 =	simm.s32 $0x1710;
	s11 =	simm.s32 $0x2700  }
0x10d: {  	s12 =	simm.s32 $0x0;
	s20 =	simm.s32 $0x0;
	s0 =	simm.s32 @!p0 $0x619800  }
0x10e: {  	v6 =	vmov s2;
	s21 =	simm.s32 $0x10;
	[dreg:$0x6] =	wrdreg s0;
	s0 =	simm.s32 $0xFFFFFFFE  }
.LBB2_14:
0x10f: {  	v7 =	vld [tilespmem:s9+$0xFFFFFFF0];
	_ =	sdelay $0x4  }
0x110: {  	v7 =	vmul.f32 $1.442695020e+00, v7;
	_ =	sdelay $0x1  }
0x111: {  	(erf) = vpow2.f32 v7  }
0x112: {  	s2 =	sand.u32 $0x3, s1  }
0x113: {  	s3 =	sshll.u32 s2, $0x7  }
0x114: {  	s3 =	ssub.s32 $0x0, s3  }
0x115: {  	s5 =	rddreg [dreg:$0x6];
	s2 =	sshll.u32 s2, $0x5;
	s3 =	sshra.s32 s3, $0x2  }
0x116: {  	s5 =	sadd.s32 s7, s5;
	s2 =	ssub.s32 s12, s2;
	s3 =	sadd.s32 s3, s11  }
0x117: {  	s25 =	sadd.s32 $0xFFFFFFF0, s5;
	s2 =	sand.u32 $0xFFFFFFE0, s2;
	v7 =	vld [tilespmem:s3+$0x0]  }
0x118: {  	v8 =	vor.u32 s25, v4;
	v9 =	vld [tilespmem:s2+$0x2780]  }
0x119: {  	vm2 =	vge.s32 v8, v6;
	vm3 =	vlt.s32 v8, v5  }
0x11a: {  	v10 =	vld [tilespmem:s8+$0xFFFFFFEF];
	vm2 =	vmand vm2, vm3;
	v11 =	vpop (erf)  }
0x11b: {  	v8 =	vld [tilespmem:s8+$0xFFFFFFF0];
	v11 =	vnsel vm2, $0x0, v11  }
0x11c: {  	v7 =	vmul.f32 v11, v7  }
0x11d: {  	(xrf2) =	vadd.scan.msk.f32 $0xffff, v11;
	v9 =	vmul.f32 v11, v9  }
0x11e: {  	(xrf2) =	vadd.scan.msk.f32 $0xffff, v7  }
0x11f: {  	vm3 =	vge.s32 v10, v0;
	vm4 =	vlt.s32 v10, v1;
	(xrf2) =	vadd.scan.msk.f32 $0xffff, v9  }
0x120: {  	v50 =	vand.u32 $0x7F, v10;
	vm3 =	vmand vm3, vm4;
	vm2 =	vne.s32 v10, v8  }
0x121: {  	vm5 =	vge.s32 v8, v0;
	vm10 =	vmor vm2, vm0;
	v7 =	vsub.s32 v10, v0  }
0x122: {  	vm11 =	vlt.s32 v8, v1;
	vm3 =	vmand vm3, vm10;
	v7 =	vand.u32 $0xFFFFFF80, v7  }
0x123: {  	vm4 =	vmand vm5, vm11;
	v7 =	vor.u32 v50, v7  }
0x124: {  	v51 =	vsub.s32 v8, v0;
	vm2 =	vmand vm2, vm4  }
0x125: {  	v8 =	vand.u32 $0x7F, v8;
	vm2 =	vmand vm2, vm1;
	v9 =	vand.u32 $0xFFFFFF80, v51  }
0x126: {  	v8 =	vor.u32 v8, v9  }
0x127: {  	v52, _, _ =	vpop (xrf2)  }
0x128: {  	[tilespmem:v7+s14+$0x0] =	vst.idx.add.f32.msk vm3, v52;
	v53, _, _ =	vpop (xrf2)  }
0x129: {  	v9 =	vsub.f32 $0.0e+00, v52;
	v54, _, _ =	vpop (xrf2);
	[tilespmem:v7+s15+$0x0] =	vst.idx.add.f32.msk vm3, v53  }
0x12a: {  	[tilespmem:v7+s16+$0x0] =	vst.idx.add.f32.msk vm3, v54;
	v7 =	vsub.f32 $0.0e+00, v53  }
0x12b: {  	v55 =	vsub.f32 $0.0e+00, v54;
	[tilespmem:v8+s14+$0x0] =	vst.idx.add.f32.msk vm2, v9  }
0x12c: {  	[tilespmem:v8+s15+$0x0] =	vst.idx.add.f32.msk vm2, v7  }
0x12d: {  	[tilespmem:v8+s16+$0x0] =	vst.idx.add.f32.msk vm2, v55  }
0x12e: {  	v7 =	vld [tilespmem:s9+$0x0];
	_ =	sdelay $0x4  }
0x12f: {  	v7 =	vmul.f32 $1.442695020e+00, v7;
	_ =	sdelay $0x1  }
0x130: {  	(erf) = vpow2.f32 v7  }
0x131: {  	s2 =	sand.u32 $0x7, s20  }
0x132: {  	s25 =	sshll.u32 s2, $0x6  }
0x133: {  	s3 =	ssub.s32 $0x0, s25  }
0x134: {  	s2 =	sshll.u32 s2, $0x4;
	s3 =	sshra.s32 s3, $0x2  }
0x135: {  	s2 =	ssub.s32 s21, s2;
	s3 =	sadd.s32 s3, s6  }
0x136: {  	s2 =	sand.u32 $0xFFFFFFF0, s2;
	v7 =	vld [tilespmem:s3+$0x0]  }
0x137: {  	v8 =	vor.u32 s5, v4;
	v9 =	vld [tilespmem:s2+$0x2780]  }
0x138: {  	vm2 =	vge.s32 v8, v6;
	vm3 =	vlt.s32 v8, v5  }
0x139: {  	v56 =	vld [tilespmem:s8+$0xFFFFFFFF];
	vm2 =	vmand vm2, vm3;
	v57 =	vpop (erf)  }
0x13a: {  	v8 =	vld [tilespmem:s8+$0x0];
	v11 =	vnsel vm2, $0x0, v57  }
0x13b: {  	v7 =	vmul.f32 v11, v7  }
0x13c: {  	(xrf2) =	vadd.scan.msk.f32 $0xffff, v11;
	v9 =	vmul.f32 v11, v9  }
0x13d: {  	(xrf2) =	vadd.scan.msk.f32 $0xffff, v7  }
0x13e: {  	vm3 =	vge.s32 v56, v0;
	vm12 =	vlt.s32 v56, v1;
	(xrf2) =	vadd.scan.msk.f32 $0xffff, v9  }
0x13f: {  	vm14 =	vge.s32 v8, v0;
	vm15 =	vlt.s32 v8, v1;
	vm2 =	vne.s32 v56, v8  }
0x140: {  	vm3 =	vmand vm3, vm12;
	vm13 =	vmor vm2, vm0;
	v7 =	vsub.s32 v56, v0  }
0x141: {  	v58 =	vand.u32 $0x7F, v56;
	vm3 =	vmand vm3, vm13;
	v7 =	vand.u32 $0xFFFFFF80, v7  }
0x142: {  	vm4 =	vmand vm14, vm15;
	v7 =	vor.u32 v58, v7  }
0x143: {  	v59 =	vsub.s32 v8, v0;
	vm2 =	vmand vm2, vm4  }
0x144: {  	v8 =	vand.u32 $0x7F, v8;
	vm2 =	vmand vm2, vm1;
	v9 =	vand.u32 $0xFFFFFF80, v59  }
0x145: {  	v8 =	vor.u32 v8, v9  }
0x146: {  	s0 =	sadd.s32 $0x2, s0;
	v60, _, _ =	vpop (xrf2)  }
0x147: {  	p0 =	slt.u32 s0, $0xFE;
	[tilespmem:v7+s14+$0x0] =	vst.idx.add.f32.msk vm3, v60;
	v61, _, _ =	vpop (xrf2)  }
.Ltmp10:
0x148: {  	v9 =	vsub.f32 $0.0e+00, v60;
	v62, _, _ =	vpop (xrf2);
	[tilespmem:v7+s15+$0x0] =	vst.idx.add.f32.msk vm3, v61;
	(pc) =	sbr.rel @p0 .LBB2_14-.Ltmp10, $4  }
0x149: {  	[tilespmem:v7+s16+$0x0] =	vst.idx.add.f32.msk vm3, v62;
	v7 =	vsub.f32 $0.0e+00, v61  }
0x14a: {  	s1 =	sadd.s32 $0x1, s1;
	s7 =	sadd.s32 $0x20, s7;
	s12 =	sadd.s32 $0x40, s12;
	v63 =	vsub.f32 $0.0e+00, v62;
	[tilespmem:v8+s14+$0x0] =	vst.idx.add.f32.msk vm2, v9  }
0x14b: {  	s20 =	sadd.s32 $0x2, s20;
	s11 =	sadd.s32 $0x40, s11;
	s21 =	sadd.s32 $0x40, s21;
	[tilespmem:v8+s15+$0x0] =	vst.idx.add.f32.msk vm2, v7  }
0x14c: {  	s6 =	sadd.s32 $0x40, s6;
	s8 =	sadd.s32 $0x20, s8;
	s9 =	sadd.s32 $0x20, s9;
	[tilespmem:v8+s16+$0x0] =	vst.idx.add.f32.msk vm2, v63  }
.LBB2_15:
0x14d: {  	s0 =	sor.u32 $0x1, s10  }
0x14e: {  	p0 =	sge.s32 s0, s24  }
.Ltmp11:
0x14f: {  	_ = 	snop;
	(pc) =	sbr.rel @p0 .LBB2_21-.Ltmp11, $1  }
0x150: {  	_ =	sdelay $0x3  }
0x151: {  	_ =	swait.ge [sflag:s17], $0x1000  }
0x152: {  	[sflag:s17] =	ssyncset.done $0x0  }
0x153: {  	s1 =	sadd.s32 $0x4, s10;
	[sflag:s17] =	ssyncadd.s32 $0xFFFFF000  }
0x154: {  	p0 =	sge.s32 s1, s24;
	_ =	swait.ge [sflag:s17], $0x1000  }
0x155: {  	s1 =	sadd.s32 @!p0 s22, s1;
	[sflag:s17] =	ssyncset.done $0x0  }
0x156: {  	s1 =	sshll.u32 @!p0 s1, $0xC;
	[sflag:s17] =	ssyncadd.s32 $0xFFFFF000  }
0x157: {  	p1 =	slt.s32 @!p0 s1, $0x619800;
	_ =	swait.ge [sflag:s17], $0x2000  }
0x158: {  	p1 =	por !p1, p0;
	[sflag:s17] =	ssyncset.done $0x0  }
0x159: {  	s1 =	simm.s32 @p1 $0x619800;
	[sflag:s17] =	ssyncadd.s32 $0xFFFFE000  }
0x15a: {  	s2 =	sshrl.u32 @!p0 s1, $0x3;
	s3 =	rddreg [dreg:$0x1]  }
0x15b: {  	s5 =	simm.s32 @!p0 $0x0;
	s6 =	simm.s32 @!p0 $0x680;
	s3 =	sadd.s32 @!p0 s3, s2  }
0x15c: {  	[tilespmem:s6], [sflag:$0x1] =	stream.linear.gather @!p0 [hbm4b:s3+s5], $0x1000, $0x38;
	[tilespmem:$0x14700] =	vst v63  }
0x15d: {  	s3 =	rddreg [dreg:$0x2]  }
0x15e: {  	s1 =	sshrl.u32 @!p0 s1, $0x2;
	s2 =	sadd.s32 @!p0 s3, s2;
	s3 =	simm.s32 @!p0 $0x1700  }
0x15f: {  	[tilespmem:s3], [sflag:$0x1] =	stream.linear.gather @!p0 [hbm4b:s2+s5], $0x1000, $0x38;
	[tilespmem:$0x14700] =	vst v63  }
0x160: {  	s1 =	sand.u32 @!p0 $0x1FFFFE00, s1;
	s2 =	rddreg [dreg:$0x3]  }
0x161: {  	s0 =	sadd.s32 s22, s0;
	s1 =	sadd.s32 @!p0 s2, s1;
	s2 =	simm.s32 @!p0 $0x2700  }
0x162: {  	[tilespmem:s2], [sflag:$0x1] =	stream.linear.gather @!p0 [hbm4b:s1+s5], $0x2000, $0x38;
	[tilespmem:$0x14700] =	vst v63  }
0x163: {  	s2 =	sshll.u32 s0, $0xC  }
0x164: {  	p0 =	slt.s32 s2, s4;
	s0 =	sadd.s32 $0x1000, s2  }
0x165: {  	p1 =	sle.s32 @!p0 s0, s28  }
0x166: {  	p0 =	por p0, !p1  }
.Ltmp12:
0x167: {  	_ = 	snop;
	(pc) =	sbr.rel @p0 .LBB2_19-.Ltmp12, $1  }
0x168: {  	_ =	sdelay $0x3  }
0x169: {  	s11 =	simm.s32 $0xFFFFFFFC;
	s12 =	simm.s32 $0x0  }
0x16a: {  	s1 =	simm.s32 $0x67B0;
	s20 =	simm.s32 $0x6780;
	p0 =	por $0x0, $0x0  }
0x16b: {  	s7 =	simm.s32 $0x67A0;
	s8 =	simm.s32 $0x4720;
	s6 =	simm.s32 $0x57A0  }
0x16c: {  	s9 =	simm.s32 $0x6790;
	s21 =	simm.s32 $0x0;
	s0 =	simm.s32 $0x0  }
.LBB2_18:
0x16d: {  	v6 =	vld [tilespmem:s6+$0xFFFFFFE0];
	_ =	sdelay $0x4  }
0x16e: {  	v6 =	vmul.f32 $1.442695020e+00, v6  }
0x16f: {  	s2 =	simm.s32 $0x1  }
0x170: {  	s2 =	simm.s32 @!p0 $0x0;
	(erf) = vpow2.f32 v6  }
0x171: {  	s3 =	sshll.u32 s2, $0x8  }
0x172: {  	s3 =	ssub.s32 $0x0, s3  }
0x173: {  	s2 =	sshll.u32 s2, $0x6;
	s3 =	sshra.s32 s3, $0x2  }
0x174: {  	s2 =	ssub.s32 s21, s2;
	s3 =	sadd.s32 s3, s20  }
0x175: {  	s2 =	sand.u32 $0xFFFFFFC0, s2;
	v6 =	vld [tilespmem:s3+$0x0]  }
0x176: {  	v7 =	vld [tilespmem:s2+$0x6800];
	_ =	sdelay $0x2  }
0x177: {  	v8 =	vld [tilespmem:s8+$0xFFFFFFE0];
	v9 =	vpop (erf)  }
0x178: {  	v10 =	vld [tilespmem:s8+$0xFFFFFFE1];
	v6 =	vmul.f32 v9, v6  }
0x179: {  	(xrf2) =	vadd.scan.msk.f32 $0xffff, v9;
	v7 =	vmul.f32 v7, v9  }
0x17a: {  	(xrf2) =	vadd.scan.msk.f32 $0xffff, v6  }
0x17b: {  	(xrf2) =	vadd.scan.msk.f32 $0xffff, v7;
	_ =	sdelay $0x1  }
0x17c: {  	vm2 =	vne.s32 v8, v10;
	v6 =	vsub.s32 v8, v0  }
0x17d: {  	vm3 =	vmor vm2, vm0;
	v6 =	vand.u32 $0xFFFFFF80, v6;
	v7 =	vand.u32 $0x7F, v8  }
0x17e: {  	v6 =	vor.u32 v7, v6  }
0x17f: {  	v7 =	vsub.s32 v10, v0  }
0x180: {  	v38 =	vand.u32 $0x7F, v10;
	vm2 =	vmand vm2, vm1;
	v7 =	vand.u32 $0xFFFFFF80, v7  }
0x181: {  	v7 =	vor.u32 v38, v7  }
0x182: {  	v39, _, _ =	vpop (xrf2)  }
0x183: {  	[tilespmem:v6+s14+$0x0] =	vst.idx.add.f32.msk vm3, v39;
	v40, _, _ =	vpop (xrf2)  }
0x184: {  	v8 =	vsub.f32 $0.0e+00, v39;
	v41, _, _ =	vpop (xrf2);
	[tilespmem:v6+s15+$0x0] =	vst.idx.add.f32.msk vm3, v40  }
0x185: {  	[tilespmem:v6+s16+$0x0] =	vst.idx.add.f32.msk vm3, v41;
	v6 =	vsub.f32 $0.0e+00, v40  }
0x186: {  	v42 =	vsub.f32 $0.0e+00, v41;
	[tilespmem:v7+s14+$0x0] =	vst.idx.add.f32.msk vm2, v8  }
0x187: {  	[tilespmem:v7+s15+$0x0] =	vst.idx.add.f32.msk vm2, v6  }
0x188: {  	[tilespmem:v7+s16+$0x0] =	vst.idx.add.f32.msk vm2, v42  }
0x189: {  	v6 =	vld [tilespmem:s6+$0xFFFFFFF0];
	_ =	sdelay $0x4  }
0x18a: {  	v6 =	vmul.f32 $1.442695020e+00, v6;
	_ =	sdelay $0x1  }
0x18b: {  	s5 =	sand.u32 $0x7, s0;
	(erf) = vpow2.f32 v6  }
0x18c: {  	s25 =	sshll.u32 s5, $0x6  }
0x18d: {  	s5 =	sshll.u32 s5, $0x4;
	s3 =	ssub.s32 $0x0, s25  }
0x18e: {  	s2 =	sshra.s32 s3, $0x2;
	s3 =	ssub.s32 s21, s5  }
0x18f: {  	s5 =	sadd.s32 s2, s9;
	s25 =	sadd.s32 $0x10, s3  }
0x190: {  	s25 =	sand.u32 $0xFFFFFFD0, s25;
	v6 =	vld [tilespmem:s5+$0x0]  }
0x191: {  	v7 =	vld [tilespmem:s25+$0x6800];
	_ =	sdelay $0x2  }
0x192: {  	v8 =	vld [tilespmem:s8+$0xFFFFFFF0];
	v43 =	vpop (erf)  }
0x193: {  	v44 =	vld [tilespmem:s8+$0xFFFFFFF1];
	v6 =	vmul.f32 v43, v6  }
0x194: {  	(xrf2) =	vadd.scan.msk.f32 $0xffff, v43;
	v7 =	vmul.f32 v7, v43  }
0x195: {  	(xrf2) =	vadd.scan.msk.f32 $0xffff, v6  }
0x196: {  	(xrf2) =	vadd.scan.msk.f32 $0xffff, v7;
	_ =	sdelay $0x1  }
0x197: {  	vm2 =	vne.s32 v8, v44;
	v6 =	vsub.s32 v8, v0  }
0x198: {  	vm3 =	vmor vm2, vm0;
	v6 =	vand.u32 $0xFFFFFF80, v6;
	v7 =	vand.u32 $0x7F, v8  }
0x199: {  	v6 =	vor.u32 v7, v6  }
0x19a: {  	v7 =	vsub.s32 v44, v0  }
0x19b: {  	v45 =	vand.u32 $0x7F, v44;
	vm2 =	vmand vm2, vm1;
	v7 =	vand.u32 $0xFFFFFF80, v7  }
0x19c: {  	v7 =	vor.u32 v45, v7  }
0x19d: {  	v46, _, _ =	vpop (xrf2)  }
0x19e: {  	[tilespmem:v6+s14+$0x0] =	vst.idx.add.f32.msk vm3, v46;
	v47, _, _ =	vpop (xrf2)  }
0x19f: {  	v8 =	vsub.f32 $0.0e+00, v46;
	v48, _, _ =	vpop (xrf2);
	[tilespmem:v6+s15+$0x0] =	vst.idx.add.f32.msk vm3, v47  }
0x1a0: {  	[tilespmem:v6+s16+$0x0] =	vst.idx.add.f32.msk vm3, v48;
	v6 =	vsub.f32 $0.0e+00, v47  }
0x1a1: {  	v49 =	vsub.f32 $0.0e+00, v48;
	[tilespmem:v7+s14+$0x0] =	vst.idx.add.f32.msk vm2, v8  }
0x1a2: {  	[tilespmem:v7+s15+$0x0] =	vst.idx.add.f32.msk vm2, v6  }
0x1a3: {  	[tilespmem:v7+s16+$0x0] =	vst.idx.add.f32.msk vm2, v49  }
0x1a4: {  	v6 =	vld [tilespmem:s6+$0x0];
	_ =	sdelay $0x4  }
0x1a5: {  	v6 =	vmul.f32 $1.442695020e+00, v6;
	_ =	sdelay $0x1  }
0x1a6: {  	s5 =	sand.u32 $0x3, s12;
	(erf) = vpow2.f32 v6  }
0x1a7: {  	s25 =	sshll.u32 s5, $0x7  }
0x1a8: {  	s5 =	sshll.u32 s5, $0x5;
	s25 =	ssub.s32 $0x0, s25  }
0x1a9: {  	s5 =	ssub.s32 s21, s5;
	s25 =	sshra.s32 s25, $0x2  }
0x1aa: {  	s5 =	sadd.s32 $0x20, s5;
	s25 =	sadd.s32 s25, s7  }
0x1ab: {  	s5 =	sand.u32 $0xFFFFFFE0, s5;
	v6 =	vld [tilespmem:s25+$0x0]  }
0x1ac: {  	v7 =	vld [tilespmem:s5+$0x6800];
	_ =	sdelay $0x2  }
0x1ad: {  	v8 =	vld [tilespmem:s8+$0x0];
	v50 =	vpop (erf)  }
0x1ae: {  	v51 =	vld [tilespmem:s8+$0x1];
	v6 =	vmul.f32 v50, v6  }
0x1af: {  	(xrf2) =	vadd.scan.msk.f32 $0xffff, v50;
	v7 =	vmul.f32 v7, v50  }
0x1b0: {  	(xrf2) =	vadd.scan.msk.f32 $0xffff, v6  }
0x1b1: {  	(xrf2) =	vadd.scan.msk.f32 $0xffff, v7;
	_ =	sdelay $0x1  }
0x1b2: {  	vm2 =	vne.s32 v8, v51;
	v6 =	vsub.s32 v8, v0  }
0x1b3: {  	vm3 =	vmor vm2, vm0;
	v6 =	vand.u32 $0xFFFFFF80, v6;
	v7 =	vand.u32 $0x7F, v8  }
0x1b4: {  	v6 =	vor.u32 v7, v6  }
0x1b5: {  	v7 =	vsub.s32 v51, v0  }
0x1b6: {  	v52 =	vand.u32 $0x7F, v51;
	vm2 =	vmand vm2, vm1;
	v7 =	vand.u32 $0xFFFFFF80, v7  }
0x1b7: {  	v7 =	vor.u32 v52, v7  }
0x1b8: {  	v53, _, _ =	vpop (xrf2)  }
0x1b9: {  	[tilespmem:v6+s14+$0x0] =	vst.idx.add.f32.msk vm3, v53;
	v54, _, _ =	vpop (xrf2)  }
0x1ba: {  	v8 =	vsub.f32 $0.0e+00, v53;
	v55, _, _ =	vpop (xrf2);
	[tilespmem:v6+s15+$0x0] =	vst.idx.add.f32.msk vm3, v54  }
0x1bb: {  	[tilespmem:v6+s16+$0x0] =	vst.idx.add.f32.msk vm3, v55;
	v6 =	vsub.f32 $0.0e+00, v54  }
0x1bc: {  	v56 =	vsub.f32 $0.0e+00, v55;
	[tilespmem:v7+s14+$0x0] =	vst.idx.add.f32.msk vm2, v8  }
0x1bd: {  	[tilespmem:v7+s15+$0x0] =	vst.idx.add.f32.msk vm2, v6  }
0x1be: {  	[tilespmem:v7+s16+$0x0] =	vst.idx.add.f32.msk vm2, v56  }
0x1bf: {  	v6 =	vld [tilespmem:s6+$0x10];
	_ =	sdelay $0x4  }
0x1c0: {  	v6 =	vmul.f32 $1.442695020e+00, v6;
	_ =	sdelay $0x1  }
0x1c1: {  	(erf) = vpow2.f32 v6;
	_ =	sdelay $0x3  }
0x1c2: {  	s2 =	sadd.s32 s2, s1;
	s3 =	sadd.s32 $0x30, s3  }
0x1c3: {  	s25 =	sand.u32 $0xFFFFFFF0, s3;
	v6 =	vld [tilespmem:s2+$0x0]  }
0x1c4: {  	v7 =	vld [tilespmem:s25+$0x6800];
	_ =	sdelay $0x2  }
0x1c5: {  	v8 =	vld [tilespmem:s8+$0x10];
	v57 =	vpop (erf)  }
0x1c6: {  	v58 =	vld [tilespmem:s8+$0x11];
	v6 =	vmul.f32 v57, v6  }
0x1c7: {  	(xrf2) =	vadd.scan.msk.f32 $0xffff, v57;
	v7 =	vmul.f32 v7, v57  }
0x1c8: {  	(xrf2) =	vadd.scan.msk.f32 $0xffff, v6  }
0x1c9: {  	(xrf2) =	vadd.scan.msk.f32 $0xffff, v7;
	_ =	sdelay $0x1  }
0x1ca: {  	vm2 =	vne.s32 v8, v58;
	v6 =	vsub.s32 v8, v0  }
0x1cb: {  	vm3 =	vmor vm2, vm0;
	v6 =	vand.u32 $0xFFFFFF80, v6;
	v7 =	vand.u32 $0x7F, v8  }
0x1cc: {  	v6 =	vor.u32 v7, v6  }
0x1cd: {  	v7 =	vsub.s32 v58, v0  }
0x1ce: {  	v59 =	vand.u32 $0x7F, v58;
	vm2 =	vmand vm2, vm1;
	v7 =	vand.u32 $0xFFFFFF80, v7  }
0x1cf: {  	v7 =	vor.u32 v59, v7  }
0x1d0: {  	s11 =	sadd.s32 $0x4, s11;
	v60, _, _ =	vpop (xrf2)  }
0x1d1: {  	p1 =	slt.u32 s11, $0xFC;
	[tilespmem:v6+s14+$0x0] =	vst.idx.add.f32.msk vm3, v60;
	v61, _, _ =	vpop (xrf2)  }
.Ltmp13:
0x1d2: {  	v8 =	vsub.f32 $0.0e+00, v60;
	v62, _, _ =	vpop (xrf2);
	[tilespmem:v6+s15+$0x0] =	vst.idx.add.f32.msk vm3, v61;
	(pc) =	sbr.rel @p1 .LBB2_18-.Ltmp13, $4  }
0x1d3: {  	s0 =	sadd.s32 $0x4, s0;
	[tilespmem:v6+s16+$0x0] =	vst.idx.add.f32.msk vm3, v62;
	v6 =	vsub.f32 $0.0e+00, v61  }
0x1d4: {  	p0 =	por !p0, !p0;
	s20 =	sadd.s32 $0x80, s20;
	s1 =	sadd.s32 $0x80, s1;
	v63 =	vsub.f32 $0.0e+00, v62;
	[tilespmem:v7+s14+$0x0] =	vst.idx.add.f32.msk vm2, v8  }
0x1d5: {  	s9 =	sadd.s32 $0x80, s9;
	s12 =	sadd.s32 $0x2, s12;
	s21 =	sadd.s32 $0x80, s21;
	[tilespmem:v7+s15+$0x0] =	vst.idx.add.f32.msk vm2, v6  }
0x1d6: {  	s7 =	sadd.s32 $0x80, s7;
	s8 =	sadd.s32 $0x40, s8;
	s6 =	sadd.s32 $0x40, s6;
	[tilespmem:v7+s16+$0x0] =	vst.idx.add.f32.msk vm2, v63  }
.Ltmp14:
0x1d7: {  	_ = 	snop;
	(pc) =	sbr.rel .LBB2_21-.Ltmp14, $1  }
0x1d8: {  	_ =	sdelay $0x3  }
.LBB2_19:
0x1d9: {  	p0 =	slt.s32 s26, $0x619800;
	s0 =	smov.u32 s26  }
0x1da: {  	s1 =	simm.s32 $0x0;
	s6 =	simm.s32 $0x6790;
	s7 =	simm.s32 $0x10  }
0x1db: {  	s8 =	simm.s32 $0x4711;
	s9 =	simm.s32 $0x5790;
	s11 =	simm.s32 $0x6780  }
0x1dc: {  	s12 =	simm.s32 $0x0;
	s20 =	simm.s32 $0x0;
	s0 =	simm.s32 @!p0 $0x619800  }
0x1dd: {  	v6 =	vmov s2;
	s21 =	simm.s32 $0x10;
	[dreg:$0x7] =	wrdreg s0;
	s0 =	simm.s32 $0xFFFFFFFE  }
.LBB2_20:
0x1de: {  	v7 =	vld [tilespmem:s9+$0xFFFFFFF0];
	_ =	sdelay $0x4  }
0x1df: {  	v7 =	vmul.f32 $1.442695020e+00, v7;
	_ =	sdelay $0x1  }
0x1e0: {  	(erf) = vpow2.f32 v7  }
0x1e1: {  	s2 =	sand.u32 $0x3, s1  }
0x1e2: {  	s3 =	sshll.u32 s2, $0x7  }
0x1e3: {  	s3 =	ssub.s32 $0x0, s3  }
0x1e4: {  	s5 =	rddreg [dreg:$0x7];
	s2 =	sshll.u32 s2, $0x5;
	s3 =	sshra.s32 s3, $0x2  }
0x1e5: {  	s5 =	sadd.s32 s7, s5;
	s2 =	ssub.s32 s12, s2;
	s3 =	sadd.s32 s3, s11  }
0x1e6: {  	s25 =	sadd.s32 $0xFFFFFFF0, s5;
	s2 =	sand.u32 $0xFFFFFFE0, s2;
	v7 =	vld [tilespmem:s3+$0x0]  }
0x1e7: {  	v8 =	vor.u32 s25, v4;
	v9 =	vld [tilespmem:s2+$0x6800]  }
0x1e8: {  	vm2 =	vge.s32 v8, v6;
	vm3 =	vlt.s32 v8, v5  }
0x1e9: {  	v10 =	vld [tilespmem:s8+$0xFFFFFFEF];
	vm2 =	vmand vm2, vm3;
	v11 =	vpop (erf)  }
0x1ea: {  	v8 =	vld [tilespmem:s8+$0xFFFFFFF0];
	v11 =	vnsel vm2, $0x0, v11  }
0x1eb: {  	v7 =	vmul.f32 v11, v7  }
0x1ec: {  	(xrf2) =	vadd.scan.msk.f32 $0xffff, v11;
	v9 =	vmul.f32 v11, v9  }
0x1ed: {  	(xrf2) =	vadd.scan.msk.f32 $0xffff, v7  }
0x1ee: {  	vm3 =	vge.s32 v10, v0;
	vm4 =	vlt.s32 v10, v1;
	(xrf2) =	vadd.scan.msk.f32 $0xffff, v9  }
0x1ef: {  	v50 =	vand.u32 $0x7F, v10;
	vm3 =	vmand vm3, vm4;
	vm2 =	vne.s32 v10, v8  }
0x1f0: {  	vm5 =	vge.s32 v8, v0;
	vm10 =	vmor vm2, vm0;
	v7 =	vsub.s32 v10, v0  }
0x1f1: {  	vm11 =	vlt.s32 v8, v1;
	vm3 =	vmand vm3, vm10;
	v7 =	vand.u32 $0xFFFFFF80, v7  }
0x1f2: {  	vm4 =	vmand vm5, vm11;
	v7 =	vor.u32 v50, v7  }
0x1f3: {  	v51 =	vsub.s32 v8, v0;
	vm2 =	vmand vm2, vm4  }
0x1f4: {  	v8 =	vand.u32 $0x7F, v8;
	vm2 =	vmand vm2, vm1;
	v9 =	vand.u32 $0xFFFFFF80, v51  }
0x1f5: {  	v8 =	vor.u32 v8, v9  }
0x1f6: {  	v52, _, _ =	vpop (xrf2)  }
0x1f7: {  	[tilespmem:v7+s14+$0x0] =	vst.idx.add.f32.msk vm3, v52;
	v53, _, _ =	vpop (xrf2)  }
0x1f8: {  	v9 =	vsub.f32 $0.0e+00, v52;
	v54, _, _ =	vpop (xrf2);
	[tilespmem:v7+s15+$0x0] =	vst.idx.add.f32.msk vm3, v53  }
0x1f9: {  	[tilespmem:v7+s16+$0x0] =	vst.idx.add.f32.msk vm3, v54;
	v7 =	vsub.f32 $0.0e+00, v53  }
0x1fa: {  	v55 =	vsub.f32 $0.0e+00, v54;
	[tilespmem:v8+s14+$0x0] =	vst.idx.add.f32.msk vm2, v9  }
0x1fb: {  	[tilespmem:v8+s15+$0x0] =	vst.idx.add.f32.msk vm2, v7  }
0x1fc: {  	[tilespmem:v8+s16+$0x0] =	vst.idx.add.f32.msk vm2, v55  }
0x1fd: {  	v7 =	vld [tilespmem:s9+$0x0];
	_ =	sdelay $0x4  }
0x1fe: {  	v7 =	vmul.f32 $1.442695020e+00, v7;
	_ =	sdelay $0x1  }
0x1ff: {  	(erf) = vpow2.f32 v7  }
0x200: {  	s2 =	sand.u32 $0x7, s20  }
0x201: {  	s25 =	sshll.u32 s2, $0x6  }
0x202: {  	s3 =	ssub.s32 $0x0, s25  }
0x203: {  	s2 =	sshll.u32 s2, $0x4;
	s3 =	sshra.s32 s3, $0x2  }
0x204: {  	s2 =	ssub.s32 s21, s2;
	s3 =	sadd.s32 s3, s6  }
0x205: {  	s2 =	sand.u32 $0xFFFFFFF0, s2;
	v7 =	vld [tilespmem:s3+$0x0]  }
0x206: {  	v8 =	vor.u32 s5, v4;
	v9 =	vld [tilespmem:s2+$0x6800]  }
0x207: {  	vm2 =	vge.s32 v8, v6;
	vm3 =	vlt.s32 v8, v5  }
0x208: {  	v56 =	vld [tilespmem:s8+$0xFFFFFFFF];
	vm2 =	vmand vm2, vm3;
	v57 =	vpop (erf)  }
0x209: {  	v8 =	vld [tilespmem:s8+$0x0];
	v11 =	vnsel vm2, $0x0, v57  }
0x20a: {  	v7 =	vmul.f32 v11, v7  }
0x20b: {  	(xrf2) =	vadd.scan.msk.f32 $0xffff, v11;
	v9 =	vmul.f32 v11, v9  }
0x20c: {  	(xrf2) =	vadd.scan.msk.f32 $0xffff, v7  }
0x20d: {  	vm3 =	vge.s32 v56, v0;
	vm12 =	vlt.s32 v56, v1;
	(xrf2) =	vadd.scan.msk.f32 $0xffff, v9  }
0x20e: {  	vm14 =	vge.s32 v8, v0;
	vm15 =	vlt.s32 v8, v1;
	vm2 =	vne.s32 v56, v8  }
0x20f: {  	vm3 =	vmand vm3, vm12;
	vm13 =	vmor vm2, vm0;
	v7 =	vsub.s32 v56, v0  }
0x210: {  	v58 =	vand.u32 $0x7F, v56;
	vm3 =	vmand vm3, vm13;
	v7 =	vand.u32 $0xFFFFFF80, v7  }
0x211: {  	vm4 =	vmand vm14, vm15;
	v7 =	vor.u32 v58, v7  }
0x212: {  	v59 =	vsub.s32 v8, v0;
	vm2 =	vmand vm2, vm4  }
0x213: {  	v8 =	vand.u32 $0x7F, v8;
	vm2 =	vmand vm2, vm1;
	v9 =	vand.u32 $0xFFFFFF80, v59  }
0x214: {  	v8 =	vor.u32 v8, v9  }
0x215: {  	s0 =	sadd.s32 $0x2, s0;
	v60, _, _ =	vpop (xrf2)  }
0x216: {  	p0 =	slt.u32 s0, $0xFE;
	[tilespmem:v7+s14+$0x0] =	vst.idx.add.f32.msk vm3, v60;
	v61, _, _ =	vpop (xrf2)  }
.Ltmp15:
0x217: {  	v9 =	vsub.f32 $0.0e+00, v60;
	v62, _, _ =	vpop (xrf2);
	[tilespmem:v7+s15+$0x0] =	vst.idx.add.f32.msk vm3, v61;
	(pc) =	sbr.rel @p0 .LBB2_20-.Ltmp15, $4  }
0x218: {  	[tilespmem:v7+s16+$0x0] =	vst.idx.add.f32.msk vm3, v62;
	v7 =	vsub.f32 $0.0e+00, v61  }
0x219: {  	s1 =	sadd.s32 $0x1, s1;
	s7 =	sadd.s32 $0x20, s7;
	s12 =	sadd.s32 $0x40, s12;
	v63 =	vsub.f32 $0.0e+00, v62;
	[tilespmem:v8+s14+$0x0] =	vst.idx.add.f32.msk vm2, v9  }
0x21a: {  	s20 =	sadd.s32 $0x2, s20;
	s11 =	sadd.s32 $0x40, s11;
	s21 =	sadd.s32 $0x40, s21;
	[tilespmem:v8+s15+$0x0] =	vst.idx.add.f32.msk vm2, v7  }
0x21b: {  	s6 =	sadd.s32 $0x40, s6;
	s8 =	sadd.s32 $0x20, s8;
	s9 =	sadd.s32 $0x20, s9;
	[tilespmem:v8+s16+$0x0] =	vst.idx.add.f32.msk vm2, v63  }
.LBB2_21:
0x21c: {  	s0 =	sor.u32 $0x2, s10  }
0x21d: {  	p0 =	sge.s32 s0, s24  }
.Ltmp16:
0x21e: {  	_ = 	snop;
	(pc) =	sbr.rel @p0 .LBB2_27-.Ltmp16, $1  }
0x21f: {  	_ =	sdelay $0x3  }
0x220: {  	_ =	swait.ge [sflag:s18], $0x1000  }
0x221: {  	[sflag:s18] =	ssyncset.done $0x0  }
0x222: {  	s1 =	sadd.s32 $0x5, s10;
	[sflag:s18] =	ssyncadd.s32 $0xFFFFF000  }
0x223: {  	p0 =	sge.s32 s1, s24;
	_ =	swait.ge [sflag:s18], $0x1000  }
0x224: {  	s1 =	sadd.s32 @!p0 s22, s1;
	[sflag:s18] =	ssyncset.done $0x0  }
0x225: {  	s1 =	sshll.u32 @!p0 s1, $0xC;
	[sflag:s18] =	ssyncadd.s32 $0xFFFFF000  }
0x226: {  	p1 =	slt.s32 @!p0 s1, $0x619800;
	_ =	swait.ge [sflag:s18], $0x2000  }
0x227: {  	p1 =	por !p1, p0;
	[sflag:s18] =	ssyncset.done $0x0  }
0x228: {  	s1 =	simm.s32 @p1 $0x619800;
	[sflag:s18] =	ssyncadd.s32 $0xFFFFE000  }
0x229: {  	s2 =	sshrl.u32 @!p0 s1, $0x3;
	s3 =	rddreg [dreg:$0x1]  }
0x22a: {  	s5 =	simm.s32 @!p0 $0x0;
	s6 =	simm.s32 @!p0 $0x4700;
	s3 =	sadd.s32 @!p0 s3, s2  }
0x22b: {  	[tilespmem:s6], [sflag:$0x2] =	stream.linear.gather @!p0 [hbm4b:s3+s5], $0x1000, $0x38;
	[tilespmem:$0x14700] =	vst v63  }
0x22c: {  	s3 =	rddreg [dreg:$0x2]  }
0x22d: {  	s1 =	sshrl.u32 @!p0 s1, $0x2;
	s2 =	sadd.s32 @!p0 s3, s2;
	s3 =	simm.s32 @!p0 $0x5780  }
0x22e: {  	[tilespmem:s3], [sflag:$0x2] =	stream.linear.gather @!p0 [hbm4b:s2+s5], $0x1000, $0x38;
	[tilespmem:$0x14700] =	vst v63  }
0x22f: {  	s1 =	sand.u32 @!p0 $0x1FFFFE00, s1;
	s2 =	rddreg [dreg:$0x3]  }
0x230: {  	s0 =	sadd.s32 s22, s0;
	s1 =	sadd.s32 @!p0 s2, s1;
	s2 =	simm.s32 @!p0 $0x6780  }
0x231: {  	[tilespmem:s2], [sflag:$0x2] =	stream.linear.gather @!p0 [hbm4b:s1+s5], $0x2000, $0x38;
	[tilespmem:$0x14700] =	vst v63  }
0x232: {  	s2 =	sshll.u32 s0, $0xC  }
0x233: {  	p0 =	slt.s32 s2, s4;
	s0 =	sadd.s32 $0x1000, s2  }
0x234: {  	p1 =	sle.s32 @!p0 s0, s28  }
0x235: {  	p0 =	por p0, !p1  }
.Ltmp17:
0x236: {  	_ = 	snop;
	(pc) =	sbr.rel @p0 .LBB2_25-.Ltmp17, $1  }
0x237: {  	_ =	sdelay $0x3  }
0x238: {  	s11 =	simm.s32 $0xFFFFFFFC;
	s12 =	simm.s32 $0x0  }
0x239: {  	s1 =	simm.s32 $0xA830;
	s20 =	simm.s32 $0xA800;
	p0 =	por $0x0, $0x0  }
0x23a: {  	s7 =	simm.s32 $0xA820;
	s8 =	simm.s32 $0x87A0;
	s6 =	simm.s32 $0x9820  }
0x23b: {  	s9 =	simm.s32 $0xA810;
	s21 =	simm.s32 $0x0;
	s0 =	simm.s32 $0x0  }
.LBB2_24:
0x23c: {  	v6 =	vld [tilespmem:s6+$0xFFFFFFE0];
	_ =	sdelay $0x4  }
0x23d: {  	v6 =	vmul.f32 $1.442695020e+00, v6  }
0x23e: {  	s2 =	simm.s32 $0x1  }
0x23f: {  	s2 =	simm.s32 @!p0 $0x0;
	(erf) = vpow2.f32 v6  }
0x240: {  	s3 =	sshll.u32 s2, $0x8  }
0x241: {  	s3 =	ssub.s32 $0x0, s3  }
0x242: {  	s2 =	sshll.u32 s2, $0x6;
	s3 =	sshra.s32 s3, $0x2  }
0x243: {  	s2 =	ssub.s32 s21, s2;
	s3 =	sadd.s32 s3, s20  }
0x244: {  	s2 =	sand.u32 $0xFFFFFFC0, s2;
	v6 =	vld [tilespmem:s3+$0x0]  }
0x245: {  	v7 =	vld [tilespmem:s2+$0xA880];
	_ =	sdelay $0x2  }
0x246: {  	v8 =	vld [tilespmem:s8+$0xFFFFFFE0];
	v9 =	vpop (erf)  }
0x247: {  	v10 =	vld [tilespmem:s8+$0xFFFFFFE1];
	v6 =	vmul.f32 v9, v6  }
0x248: {  	(xrf2) =	vadd.scan.msk.f32 $0xffff, v9;
	v7 =	vmul.f32 v7, v9  }
0x249: {  	(xrf2) =	vadd.scan.msk.f32 $0xffff, v6  }
0x24a: {  	(xrf2) =	vadd.scan.msk.f32 $0xffff, v7;
	_ =	sdelay $0x1  }
0x24b: {  	vm2 =	vne.s32 v8, v10;
	v6 =	vsub.s32 v8, v0  }
0x24c: {  	vm3 =	vmor vm2, vm0;
	v6 =	vand.u32 $0xFFFFFF80, v6;
	v7 =	vand.u32 $0x7F, v8  }
0x24d: {  	v6 =	vor.u32 v7, v6  }
0x24e: {  	v7 =	vsub.s32 v10, v0  }
0x24f: {  	v38 =	vand.u32 $0x7F, v10;
	vm2 =	vmand vm2, vm1;
	v7 =	vand.u32 $0xFFFFFF80, v7  }
0x250: {  	v7 =	vor.u32 v38, v7  }
0x251: {  	v39, _, _ =	vpop (xrf2)  }
0x252: {  	[tilespmem:v6+s14+$0x0] =	vst.idx.add.f32.msk vm3, v39;
	v40, _, _ =	vpop (xrf2)  }
0x253: {  	v8 =	vsub.f32 $0.0e+00, v39;
	v41, _, _ =	vpop (xrf2);
	[tilespmem:v6+s15+$0x0] =	vst.idx.add.f32.msk vm3, v40  }
0x254: {  	[tilespmem:v6+s16+$0x0] =	vst.idx.add.f32.msk vm3, v41;
	v6 =	vsub.f32 $0.0e+00, v40  }
0x255: {  	v42 =	vsub.f32 $0.0e+00, v41;
	[tilespmem:v7+s14+$0x0] =	vst.idx.add.f32.msk vm2, v8  }
0x256: {  	[tilespmem:v7+s15+$0x0] =	vst.idx.add.f32.msk vm2, v6  }
0x257: {  	[tilespmem:v7+s16+$0x0] =	vst.idx.add.f32.msk vm2, v42  }
0x258: {  	v6 =	vld [tilespmem:s6+$0xFFFFFFF0];
	_ =	sdelay $0x4  }
0x259: {  	v6 =	vmul.f32 $1.442695020e+00, v6;
	_ =	sdelay $0x1  }
0x25a: {  	s5 =	sand.u32 $0x7, s0;
	(erf) = vpow2.f32 v6  }
0x25b: {  	s25 =	sshll.u32 s5, $0x6  }
0x25c: {  	s5 =	sshll.u32 s5, $0x4;
	s3 =	ssub.s32 $0x0, s25  }
0x25d: {  	s2 =	sshra.s32 s3, $0x2;
	s3 =	ssub.s32 s21, s5  }
0x25e: {  	s5 =	sadd.s32 s2, s9;
	s25 =	sadd.s32 $0x10, s3  }
0x25f: {  	s25 =	sand.u32 $0xFFFFFFD0, s25;
	v6 =	vld [tilespmem:s5+$0x0]  }
0x260: {  	v7 =	vld [tilespmem:s25+$0xA880];
	_ =	sdelay $0x2  }
0x261: {  	v8 =	vld [tilespmem:s8+$0xFFFFFFF0];
	v43 =	vpop (erf)  }
0x262: {  	v44 =	vld [tilespmem:s8+$0xFFFFFFF1];
	v6 =	vmul.f32 v43, v6  }
0x263: {  	(xrf2) =	vadd.scan.msk.f32 $0xffff, v43;
	v7 =	vmul.f32 v7, v43  }
0x264: {  	(xrf2) =	vadd.scan.msk.f32 $0xffff, v6  }
0x265: {  	(xrf2) =	vadd.scan.msk.f32 $0xffff, v7;
	_ =	sdelay $0x1  }
0x266: {  	vm2 =	vne.s32 v8, v44;
	v6 =	vsub.s32 v8, v0  }
0x267: {  	vm3 =	vmor vm2, vm0;
	v6 =	vand.u32 $0xFFFFFF80, v6;
	v7 =	vand.u32 $0x7F, v8  }
0x268: {  	v6 =	vor.u32 v7, v6  }
0x269: {  	v7 =	vsub.s32 v44, v0  }
0x26a: {  	v45 =	vand.u32 $0x7F, v44;
	vm2 =	vmand vm2, vm1;
	v7 =	vand.u32 $0xFFFFFF80, v7  }
0x26b: {  	v7 =	vor.u32 v45, v7  }
0x26c: {  	v46, _, _ =	vpop (xrf2)  }
0x26d: {  	[tilespmem:v6+s14+$0x0] =	vst.idx.add.f32.msk vm3, v46;
	v47, _, _ =	vpop (xrf2)  }
0x26e: {  	v8 =	vsub.f32 $0.0e+00, v46;
	v48, _, _ =	vpop (xrf2);
	[tilespmem:v6+s15+$0x0] =	vst.idx.add.f32.msk vm3, v47  }
0x26f: {  	[tilespmem:v6+s16+$0x0] =	vst.idx.add.f32.msk vm3, v48;
	v6 =	vsub.f32 $0.0e+00, v47  }
0x270: {  	v49 =	vsub.f32 $0.0e+00, v48;
	[tilespmem:v7+s14+$0x0] =	vst.idx.add.f32.msk vm2, v8  }
0x271: {  	[tilespmem:v7+s15+$0x0] =	vst.idx.add.f32.msk vm2, v6  }
0x272: {  	[tilespmem:v7+s16+$0x0] =	vst.idx.add.f32.msk vm2, v49  }
0x273: {  	v6 =	vld [tilespmem:s6+$0x0];
	_ =	sdelay $0x4  }
0x274: {  	v6 =	vmul.f32 $1.442695020e+00, v6;
	_ =	sdelay $0x1  }
0x275: {  	s5 =	sand.u32 $0x3, s12;
	(erf) = vpow2.f32 v6  }
0x276: {  	s25 =	sshll.u32 s5, $0x7  }
0x277: {  	s5 =	sshll.u32 s5, $0x5;
	s25 =	ssub.s32 $0x0, s25  }
0x278: {  	s5 =	ssub.s32 s21, s5;
	s25 =	sshra.s32 s25, $0x2  }
0x279: {  	s5 =	sadd.s32 $0x20, s5;
	s25 =	sadd.s32 s25, s7  }
0x27a: {  	s5 =	sand.u32 $0xFFFFFFE0, s5;
	v6 =	vld [tilespmem:s25+$0x0]  }
0x27b: {  	v7 =	vld [tilespmem:s5+$0xA880];
	_ =	sdelay $0x2  }
0x27c: {  	v8 =	vld [tilespmem:s8+$0x0];
	v50 =	vpop (erf)  }
0x27d: {  	v51 =	vld [tilespmem:s8+$0x1];
	v6 =	vmul.f32 v50, v6  }
0x27e: {  	(xrf2) =	vadd.scan.msk.f32 $0xffff, v50;
	v7 =	vmul.f32 v7, v50  }
0x27f: {  	(xrf2) =	vadd.scan.msk.f32 $0xffff, v6  }
0x280: {  	(xrf2) =	vadd.scan.msk.f32 $0xffff, v7;
	_ =	sdelay $0x1  }
0x281: {  	vm2 =	vne.s32 v8, v51;
	v6 =	vsub.s32 v8, v0  }
0x282: {  	vm3 =	vmor vm2, vm0;
	v6 =	vand.u32 $0xFFFFFF80, v6;
	v7 =	vand.u32 $0x7F, v8  }
0x283: {  	v6 =	vor.u32 v7, v6  }
0x284: {  	v7 =	vsub.s32 v51, v0  }
0x285: {  	v52 =	vand.u32 $0x7F, v51;
	vm2 =	vmand vm2, vm1;
	v7 =	vand.u32 $0xFFFFFF80, v7  }
0x286: {  	v7 =	vor.u32 v52, v7  }
0x287: {  	v53, _, _ =	vpop (xrf2)  }
0x288: {  	[tilespmem:v6+s14+$0x0] =	vst.idx.add.f32.msk vm3, v53;
	v54, _, _ =	vpop (xrf2)  }
0x289: {  	v8 =	vsub.f32 $0.0e+00, v53;
	v55, _, _ =	vpop (xrf2);
	[tilespmem:v6+s15+$0x0] =	vst.idx.add.f32.msk vm3, v54  }
0x28a: {  	[tilespmem:v6+s16+$0x0] =	vst.idx.add.f32.msk vm3, v55;
	v6 =	vsub.f32 $0.0e+00, v54  }
0x28b: {  	v56 =	vsub.f32 $0.0e+00, v55;
	[tilespmem:v7+s14+$0x0] =	vst.idx.add.f32.msk vm2, v8  }
0x28c: {  	[tilespmem:v7+s15+$0x0] =	vst.idx.add.f32.msk vm2, v6  }
0x28d: {  	[tilespmem:v7+s16+$0x0] =	vst.idx.add.f32.msk vm2, v56  }
0x28e: {  	v6 =	vld [tilespmem:s6+$0x10];
	_ =	sdelay $0x4  }
0x28f: {  	v6 =	vmul.f32 $1.442695020e+00, v6;
	_ =	sdelay $0x1  }
0x290: {  	(erf) = vpow2.f32 v6;
	_ =	sdelay $0x3  }
0x291: {  	s2 =	sadd.s32 s2, s1;
	s3 =	sadd.s32 $0x30, s3  }
0x292: {  	s25 =	sand.u32 $0xFFFFFFF0, s3;
	v6 =	vld [tilespmem:s2+$0x0]  }
0x293: {  	v7 =	vld [tilespmem:s25+$0xA880];
	_ =	sdelay $0x2  }
0x294: {  	v8 =	vld [tilespmem:s8+$0x10];
	v57 =	vpop (erf)  }
0x295: {  	v58 =	vld [tilespmem:s8+$0x11];
	v6 =	vmul.f32 v57, v6  }
0x296: {  	(xrf2) =	vadd.scan.msk.f32 $0xffff, v57;
	v7 =	vmul.f32 v7, v57  }
0x297: {  	(xrf2) =	vadd.scan.msk.f32 $0xffff, v6  }
0x298: {  	(xrf2) =	vadd.scan.msk.f32 $0xffff, v7;
	_ =	sdelay $0x1  }
0x299: {  	vm2 =	vne.s32 v8, v58;
	v6 =	vsub.s32 v8, v0  }
0x29a: {  	vm3 =	vmor vm2, vm0;
	v6 =	vand.u32 $0xFFFFFF80, v6;
	v7 =	vand.u32 $0x7F, v8  }
0x29b: {  	v6 =	vor.u32 v7, v6  }
0x29c: {  	v7 =	vsub.s32 v58, v0  }
0x29d: {  	v59 =	vand.u32 $0x7F, v58;
	vm2 =	vmand vm2, vm1;
	v7 =	vand.u32 $0xFFFFFF80, v7  }
0x29e: {  	v7 =	vor.u32 v59, v7  }
0x29f: {  	s11 =	sadd.s32 $0x4, s11;
	v60, _, _ =	vpop (xrf2)  }
0x2a0: {  	p1 =	slt.u32 s11, $0xFC;
	[tilespmem:v6+s14+$0x0] =	vst.idx.add.f32.msk vm3, v60;
	v61, _, _ =	vpop (xrf2)  }
.Ltmp18:
0x2a1: {  	v8 =	vsub.f32 $0.0e+00, v60;
	v62, _, _ =	vpop (xrf2);
	[tilespmem:v6+s15+$0x0] =	vst.idx.add.f32.msk vm3, v61;
	(pc) =	sbr.rel @p1 .LBB2_24-.Ltmp18, $4  }
0x2a2: {  	s0 =	sadd.s32 $0x4, s0;
	[tilespmem:v6+s16+$0x0] =	vst.idx.add.f32.msk vm3, v62;
	v6 =	vsub.f32 $0.0e+00, v61  }
0x2a3: {  	p0 =	por !p0, !p0;
	s20 =	sadd.s32 $0x80, s20;
	s1 =	sadd.s32 $0x80, s1;
	v63 =	vsub.f32 $0.0e+00, v62;
	[tilespmem:v7+s14+$0x0] =	vst.idx.add.f32.msk vm2, v8  }
0x2a4: {  	s9 =	sadd.s32 $0x80, s9;
	s12 =	sadd.s32 $0x2, s12;
	s21 =	sadd.s32 $0x80, s21;
	[tilespmem:v7+s15+$0x0] =	vst.idx.add.f32.msk vm2, v6  }
0x2a5: {  	s7 =	sadd.s32 $0x80, s7;
	s8 =	sadd.s32 $0x40, s8;
	s6 =	sadd.s32 $0x40, s6;
	[tilespmem:v7+s16+$0x0] =	vst.idx.add.f32.msk vm2, v63  }
.Ltmp19:
0x2a6: {  	_ = 	snop;
	(pc) =	sbr.rel .LBB2_27-.Ltmp19, $1  }
0x2a7: {  	_ =	sdelay $0x3  }
.LBB2_25:
0x2a8: {  	p0 =	slt.s32 s29, $0x619800;
	s0 =	smov.u32 s29  }
0x2a9: {  	s1 =	simm.s32 $0x0;
	s6 =	simm.s32 $0xA810;
	s7 =	simm.s32 $0x10  }
0x2aa: {  	s8 =	simm.s32 $0x8791;
	s9 =	simm.s32 $0x9810;
	s11 =	simm.s32 $0xA800  }
0x2ab: {  	s12 =	simm.s32 $0x0;
	s20 =	simm.s32 $0x0;
	s0 =	simm.s32 @!p0 $0x619800  }
0x2ac: {  	v6 =	vmov s2;
	s21 =	simm.s32 $0x10;
	[dreg:$0x8] =	wrdreg s0;
	s0 =	simm.s32 $0xFFFFFFFE  }
.LBB2_26:
0x2ad: {  	v7 =	vld [tilespmem:s9+$0xFFFFFFF0];
	_ =	sdelay $0x4  }
0x2ae: {  	v7 =	vmul.f32 $1.442695020e+00, v7;
	_ =	sdelay $0x1  }
0x2af: {  	(erf) = vpow2.f32 v7  }
0x2b0: {  	s2 =	sand.u32 $0x3, s1  }
0x2b1: {  	s3 =	sshll.u32 s2, $0x7  }
0x2b2: {  	s3 =	ssub.s32 $0x0, s3  }
0x2b3: {  	s5 =	rddreg [dreg:$0x8];
	s2 =	sshll.u32 s2, $0x5;
	s3 =	sshra.s32 s3, $0x2  }
0x2b4: {  	s5 =	sadd.s32 s7, s5;
	s2 =	ssub.s32 s12, s2;
	s3 =	sadd.s32 s3, s11  }
0x2b5: {  	s25 =	sadd.s32 $0xFFFFFFF0, s5;
	s2 =	sand.u32 $0xFFFFFFE0, s2;
	v7 =	vld [tilespmem:s3+$0x0]  }
0x2b6: {  	v8 =	vor.u32 s25, v4;
	v9 =	vld [tilespmem:s2+$0xA880]  }
0x2b7: {  	vm2 =	vge.s32 v8, v6;
	vm3 =	vlt.s32 v8, v5  }
0x2b8: {  	v10 =	vld [tilespmem:s8+$0xFFFFFFEF];
	vm2 =	vmand vm2, vm3;
	v11 =	vpop (erf)  }
0x2b9: {  	v8 =	vld [tilespmem:s8+$0xFFFFFFF0];
	v11 =	vnsel vm2, $0x0, v11  }
0x2ba: {  	v7 =	vmul.f32 v11, v7  }
0x2bb: {  	(xrf2) =	vadd.scan.msk.f32 $0xffff, v11;
	v9 =	vmul.f32 v11, v9  }
0x2bc: {  	(xrf2) =	vadd.scan.msk.f32 $0xffff, v7  }
0x2bd: {  	vm3 =	vge.s32 v10, v0;
	vm4 =	vlt.s32 v10, v1;
	(xrf2) =	vadd.scan.msk.f32 $0xffff, v9  }
0x2be: {  	v50 =	vand.u32 $0x7F, v10;
	vm3 =	vmand vm3, vm4;
	vm2 =	vne.s32 v10, v8  }
0x2bf: {  	vm5 =	vge.s32 v8, v0;
	vm10 =	vmor vm2, vm0;
	v7 =	vsub.s32 v10, v0  }
0x2c0: {  	vm11 =	vlt.s32 v8, v1;
	vm3 =	vmand vm3, vm10;
	v7 =	vand.u32 $0xFFFFFF80, v7  }
0x2c1: {  	vm4 =	vmand vm5, vm11;
	v7 =	vor.u32 v50, v7  }
0x2c2: {  	v51 =	vsub.s32 v8, v0;
	vm2 =	vmand vm2, vm4  }
0x2c3: {  	v8 =	vand.u32 $0x7F, v8;
	vm2 =	vmand vm2, vm1;
	v9 =	vand.u32 $0xFFFFFF80, v51  }
0x2c4: {  	v8 =	vor.u32 v8, v9  }
0x2c5: {  	v52, _, _ =	vpop (xrf2)  }
0x2c6: {  	[tilespmem:v7+s14+$0x0] =	vst.idx.add.f32.msk vm3, v52;
	v53, _, _ =	vpop (xrf2)  }
0x2c7: {  	v9 =	vsub.f32 $0.0e+00, v52;
	v54, _, _ =	vpop (xrf2);
	[tilespmem:v7+s15+$0x0] =	vst.idx.add.f32.msk vm3, v53  }
0x2c8: {  	[tilespmem:v7+s16+$0x0] =	vst.idx.add.f32.msk vm3, v54;
	v7 =	vsub.f32 $0.0e+00, v53  }
0x2c9: {  	v55 =	vsub.f32 $0.0e+00, v54;
	[tilespmem:v8+s14+$0x0] =	vst.idx.add.f32.msk vm2, v9  }
0x2ca: {  	[tilespmem:v8+s15+$0x0] =	vst.idx.add.f32.msk vm2, v7  }
0x2cb: {  	[tilespmem:v8+s16+$0x0] =	vst.idx.add.f32.msk vm2, v55  }
0x2cc: {  	v7 =	vld [tilespmem:s9+$0x0];
	_ =	sdelay $0x4  }
0x2cd: {  	v7 =	vmul.f32 $1.442695020e+00, v7;
	_ =	sdelay $0x1  }
0x2ce: {  	(erf) = vpow2.f32 v7  }
0x2cf: {  	s2 =	sand.u32 $0x7, s20  }
0x2d0: {  	s25 =	sshll.u32 s2, $0x6  }
0x2d1: {  	s3 =	ssub.s32 $0x0, s25  }
0x2d2: {  	s2 =	sshll.u32 s2, $0x4;
	s3 =	sshra.s32 s3, $0x2  }
0x2d3: {  	s2 =	ssub.s32 s21, s2;
	s3 =	sadd.s32 s3, s6  }
0x2d4: {  	s2 =	sand.u32 $0xFFFFFFF0, s2;
	v7 =	vld [tilespmem:s3+$0x0]  }
0x2d5: {  	v8 =	vor.u32 s5, v4;
	v9 =	vld [tilespmem:s2+$0xA880]  }
0x2d6: {  	vm2 =	vge.s32 v8, v6;
	vm3 =	vlt.s32 v8, v5  }
0x2d7: {  	v56 =	vld [tilespmem:s8+$0xFFFFFFFF];
	vm2 =	vmand vm2, vm3;
	v57 =	vpop (erf)  }
0x2d8: {  	v8 =	vld [tilespmem:s8+$0x0];
	v11 =	vnsel vm2, $0x0, v57  }
0x2d9: {  	v7 =	vmul.f32 v11, v7  }
0x2da: {  	(xrf2) =	vadd.scan.msk.f32 $0xffff, v11;
	v9 =	vmul.f32 v11, v9  }
0x2db: {  	(xrf2) =	vadd.scan.msk.f32 $0xffff, v7  }
0x2dc: {  	vm3 =	vge.s32 v56, v0;
	vm12 =	vlt.s32 v56, v1;
	(xrf2) =	vadd.scan.msk.f32 $0xffff, v9  }
0x2dd: {  	vm14 =	vge.s32 v8, v0;
	vm15 =	vlt.s32 v8, v1;
	vm2 =	vne.s32 v56, v8  }
0x2de: {  	vm3 =	vmand vm3, vm12;
	vm13 =	vmor vm2, vm0;
	v7 =	vsub.s32 v56, v0  }
0x2df: {  	v58 =	vand.u32 $0x7F, v56;
	vm3 =	vmand vm3, vm13;
	v7 =	vand.u32 $0xFFFFFF80, v7  }
0x2e0: {  	vm4 =	vmand vm14, vm15;
	v7 =	vor.u32 v58, v7  }
0x2e1: {  	v59 =	vsub.s32 v8, v0;
	vm2 =	vmand vm2, vm4  }
0x2e2: {  	v8 =	vand.u32 $0x7F, v8;
	vm2 =	vmand vm2, vm1;
	v9 =	vand.u32 $0xFFFFFF80, v59  }
0x2e3: {  	v8 =	vor.u32 v8, v9  }
0x2e4: {  	s0 =	sadd.s32 $0x2, s0;
	v60, _, _ =	vpop (xrf2)  }
0x2e5: {  	p0 =	slt.u32 s0, $0xFE;
	[tilespmem:v7+s14+$0x0] =	vst.idx.add.f32.msk vm3, v60;
	v61, _, _ =	vpop (xrf2)  }
.Ltmp20:
0x2e6: {  	v9 =	vsub.f32 $0.0e+00, v60;
	v62, _, _ =	vpop (xrf2);
	[tilespmem:v7+s15+$0x0] =	vst.idx.add.f32.msk vm3, v61;
	(pc) =	sbr.rel @p0 .LBB2_26-.Ltmp20, $4  }
0x2e7: {  	[tilespmem:v7+s16+$0x0] =	vst.idx.add.f32.msk vm3, v62;
	v7 =	vsub.f32 $0.0e+00, v61  }
0x2e8: {  	s1 =	sadd.s32 $0x1, s1;
	s7 =	sadd.s32 $0x20, s7;
	s12 =	sadd.s32 $0x40, s12;
	v63 =	vsub.f32 $0.0e+00, v62;
	[tilespmem:v8+s14+$0x0] =	vst.idx.add.f32.msk vm2, v9  }
0x2e9: {  	s20 =	sadd.s32 $0x2, s20;
	s11 =	sadd.s32 $0x40, s11;
	s21 =	sadd.s32 $0x40, s21;
	[tilespmem:v8+s15+$0x0] =	vst.idx.add.f32.msk vm2, v7  }
0x2ea: {  	s6 =	sadd.s32 $0x40, s6;
	s8 =	sadd.s32 $0x20, s8;
	s9 =	sadd.s32 $0x20, s9;
	[tilespmem:v8+s16+$0x0] =	vst.idx.add.f32.msk vm2, v63  }
.LBB2_27:
0x2eb: {  	s0 =	sor.u32 $0x3, s10  }
0x2ec: {  	p0 =	sge.s32 s0, s24  }
.Ltmp21:
0x2ed: {  	_ = 	snop;
	(pc) =	sbr.rel @p0 .LBB2_33-.Ltmp21, $1  }
0x2ee: {  	_ =	sdelay $0x3  }
0x2ef: {  	_ =	swait.ge [sflag:s19], $0x1000  }
0x2f0: {  	[sflag:s19] =	ssyncset.done $0x0  }
0x2f1: {  	s1 =	sadd.s32 $0x6, s10;
	[sflag:s19] =	ssyncadd.s32 $0xFFFFF000  }
0x2f2: {  	p0 =	sge.s32 s1, s24;
	_ =	swait.ge [sflag:s19], $0x1000  }
0x2f3: {  	s1 =	sadd.s32 @!p0 s22, s1;
	[sflag:s19] =	ssyncset.done $0x0  }
0x2f4: {  	s1 =	sshll.u32 @!p0 s1, $0xC;
	[sflag:s19] =	ssyncadd.s32 $0xFFFFF000  }
0x2f5: {  	p1 =	slt.s32 @!p0 s1, $0x619800;
	_ =	swait.ge [sflag:s19], $0x2000  }
0x2f6: {  	p1 =	por !p1, p0;
	[sflag:s19] =	ssyncset.done $0x0  }
0x2f7: {  	s1 =	simm.s32 @p1 $0x619800;
	[sflag:s19] =	ssyncadd.s32 $0xFFFFE000  }
0x2f8: {  	s2 =	sshrl.u32 @!p0 s1, $0x3;
	s3 =	rddreg [dreg:$0x1]  }
0x2f9: {  	s5 =	simm.s32 @!p0 $0x0;
	s6 =	simm.s32 @!p0 $0x8780;
	s3 =	sadd.s32 @!p0 s3, s2  }
0x2fa: {  	[tilespmem:s6], [sflag:$0x3] =	stream.linear.gather @!p0 [hbm4b:s3+s5], $0x1000, $0x38;
	[tilespmem:$0x14700] =	vst v63  }
0x2fb: {  	s3 =	rddreg [dreg:$0x2]  }
0x2fc: {  	s1 =	sshrl.u32 @!p0 s1, $0x2;
	s2 =	sadd.s32 @!p0 s3, s2;
	s3 =	simm.s32 @!p0 $0x9800  }
0x2fd: {  	[tilespmem:s3], [sflag:$0x3] =	stream.linear.gather @!p0 [hbm4b:s2+s5], $0x1000, $0x38;
	[tilespmem:$0x14700] =	vst v63  }
0x2fe: {  	s1 =	sand.u32 @!p0 $0x1FFFFE00, s1;
	s2 =	rddreg [dreg:$0x3]  }
0x2ff: {  	s0 =	sadd.s32 s22, s0;
	s1 =	sadd.s32 @!p0 s2, s1;
	s2 =	simm.s32 @!p0 $0xA800  }
0x300: {  	[tilespmem:s2], [sflag:$0x3] =	stream.linear.gather @!p0 [hbm4b:s1+s5], $0x2000, $0x38;
	[tilespmem:$0x14700] =	vst v63  }
0x301: {  	s2 =	sshll.u32 s0, $0xC  }
0x302: {  	p0 =	slt.s32 s2, s4;
	s0 =	sadd.s32 $0x1000, s2  }
0x303: {  	p1 =	sle.s32 @!p0 s0, s28  }
0x304: {  	p0 =	por p0, !p1  }
.Ltmp22:
0x305: {  	_ = 	snop;
	(pc) =	sbr.rel @p0 .LBB2_31-.Ltmp22, $1  }
0x306: {  	_ =	sdelay $0x3  }
0x307: {  	s10 =	simm.s32 $0xFFFFFFFC;
	s11 =	simm.s32 $0x0  }
0x308: {  	s1 =	simm.s32 $0xE8B0;
	s12 =	simm.s32 $0xE880;
	p0 =	por $0x0, $0x0  }
0x309: {  	s7 =	simm.s32 $0xE8A0;
	s8 =	simm.s32 $0xC820;
	s6 =	simm.s32 $0xD8A0  }
0x30a: {  	s9 =	simm.s32 $0xE890;
	s20 =	simm.s32 $0x0;
	s0 =	simm.s32 $0x0  }
.LBB2_30:
0x30b: {  	v6 =	vld [tilespmem:s6+$0xFFFFFFE0];
	_ =	sdelay $0x4  }
0x30c: {  	v6 =	vmul.f32 $1.442695020e+00, v6  }
0x30d: {  	s2 =	simm.s32 $0x1  }
0x30e: {  	s2 =	simm.s32 @!p0 $0x0;
	(erf) = vpow2.f32 v6  }
0x30f: {  	s3 =	sshll.u32 s2, $0x8  }
0x310: {  	s3 =	ssub.s32 $0x0, s3  }
0x311: {  	s2 =	sshll.u32 s2, $0x6;
	s3 =	sshra.s32 s3, $0x2  }
0x312: {  	s2 =	ssub.s32 s20, s2;
	s3 =	sadd.s32 s3, s12  }
0x313: {  	s2 =	sand.u32 $0xFFFFFFC0, s2;
	v6 =	vld [tilespmem:s3+$0x0]  }
0x314: {  	v7 =	vld [tilespmem:s2+$0xE900];
	_ =	sdelay $0x2  }
0x315: {  	v8 =	vld [tilespmem:s8+$0xFFFFFFE0];
	v9 =	vpop (erf)  }
0x316: {  	v10 =	vld [tilespmem:s8+$0xFFFFFFE1];
	v6 =	vmul.f32 v9, v6  }
0x317: {  	(xrf2) =	vadd.scan.msk.f32 $0xffff, v9;
	v7 =	vmul.f32 v7, v9  }
0x318: {  	(xrf2) =	vadd.scan.msk.f32 $0xffff, v6  }
0x319: {  	(xrf2) =	vadd.scan.msk.f32 $0xffff, v7;
	_ =	sdelay $0x1  }
0x31a: {  	vm2 =	vne.s32 v8, v10;
	v6 =	vsub.s32 v8, v0  }
0x31b: {  	vm3 =	vmor vm2, vm0;
	v6 =	vand.u32 $0xFFFFFF80, v6;
	v7 =	vand.u32 $0x7F, v8  }
0x31c: {  	v6 =	vor.u32 v7, v6  }
0x31d: {  	v7 =	vsub.s32 v10, v0  }
0x31e: {  	v38 =	vand.u32 $0x7F, v10;
	vm2 =	vmand vm2, vm1;
	v7 =	vand.u32 $0xFFFFFF80, v7  }
0x31f: {  	v7 =	vor.u32 v38, v7  }
0x320: {  	v39, _, _ =	vpop (xrf2)  }
0x321: {  	[tilespmem:v6+s14+$0x0] =	vst.idx.add.f32.msk vm3, v39;
	v40, _, _ =	vpop (xrf2)  }
0x322: {  	v8 =	vsub.f32 $0.0e+00, v39;
	v41, _, _ =	vpop (xrf2);
	[tilespmem:v6+s15+$0x0] =	vst.idx.add.f32.msk vm3, v40  }
0x323: {  	[tilespmem:v6+s16+$0x0] =	vst.idx.add.f32.msk vm3, v41;
	v6 =	vsub.f32 $0.0e+00, v40  }
0x324: {  	v42 =	vsub.f32 $0.0e+00, v41;
	[tilespmem:v7+s14+$0x0] =	vst.idx.add.f32.msk vm2, v8  }
0x325: {  	[tilespmem:v7+s15+$0x0] =	vst.idx.add.f32.msk vm2, v6  }
0x326: {  	[tilespmem:v7+s16+$0x0] =	vst.idx.add.f32.msk vm2, v42  }
0x327: {  	v6 =	vld [tilespmem:s6+$0xFFFFFFF0];
	_ =	sdelay $0x4  }
0x328: {  	v6 =	vmul.f32 $1.442695020e+00, v6;
	_ =	sdelay $0x1  }
0x329: {  	s21 =	sand.u32 $0x7, s0;
	(erf) = vpow2.f32 v6  }
0x32a: {  	s25 =	sshll.u32 s21, $0x6  }
0x32b: {  	s5 =	sshll.u32 s21, $0x4;
	s21 =	ssub.s32 $0x0, s25  }
0x32c: {  	s2 =	sshra.s32 s21, $0x2;
	s3 =	ssub.s32 s20, s5  }
0x32d: {  	s25 =	sadd.s32 s2, s9;
	s21 =	sadd.s32 $0x10, s3  }
0x32e: {  	v6 =	vld [tilespmem:s25+$0x0];
	s25 =	sand.u32 $0xFFFFFFD0, s21  }
0x32f: {  	v7 =	vld [tilespmem:s25+$0xE900];
	_ =	sdelay $0x2  }
0x330: {  	v8 =	vld [tilespmem:s8+$0xFFFFFFF0];
	v43 =	vpop (erf)  }
0x331: {  	v44 =	vld [tilespmem:s8+$0xFFFFFFF1];
	v6 =	vmul.f32 v43, v6  }
0x332: {  	(xrf2) =	vadd.scan.msk.f32 $0xffff, v43;
	v7 =	vmul.f32 v7, v43  }
0x333: {  	(xrf2) =	vadd.scan.msk.f32 $0xffff, v6  }
0x334: {  	(xrf2) =	vadd.scan.msk.f32 $0xffff, v7;
	_ =	sdelay $0x1  }
0x335: {  	vm2 =	vne.s32 v8, v44;
	v6 =	vsub.s32 v8, v0  }
0x336: {  	vm3 =	vmor vm2, vm0;
	v6 =	vand.u32 $0xFFFFFF80, v6;
	v7 =	vand.u32 $0x7F, v8  }
0x337: {  	v6 =	vor.u32 v7, v6  }
0x338: {  	v7 =	vsub.s32 v44, v0  }
0x339: {  	v45 =	vand.u32 $0x7F, v44;
	vm2 =	vmand vm2, vm1;
	v7 =	vand.u32 $0xFFFFFF80, v7  }
0x33a: {  	v7 =	vor.u32 v45, v7  }
0x33b: {  	v46, _, _ =	vpop (xrf2)  }
0x33c: {  	[tilespmem:v6+s14+$0x0] =	vst.idx.add.f32.msk vm3, v46;
	v47, _, _ =	vpop (xrf2)  }
0x33d: {  	v8 =	vsub.f32 $0.0e+00, v46;
	v48, _, _ =	vpop (xrf2);
	[tilespmem:v6+s15+$0x0] =	vst.idx.add.f32.msk vm3, v47  }
0x33e: {  	[tilespmem:v6+s16+$0x0] =	vst.idx.add.f32.msk vm3, v48;
	v6 =	vsub.f32 $0.0e+00, v47  }
0x33f: {  	v49 =	vsub.f32 $0.0e+00, v48;
	[tilespmem:v7+s14+$0x0] =	vst.idx.add.f32.msk vm2, v8  }
0x340: {  	[tilespmem:v7+s15+$0x0] =	vst.idx.add.f32.msk vm2, v6  }
0x341: {  	[tilespmem:v7+s16+$0x0] =	vst.idx.add.f32.msk vm2, v49  }
0x342: {  	v6 =	vld [tilespmem:s6+$0x0];
	_ =	sdelay $0x4  }
0x343: {  	v6 =	vmul.f32 $1.442695020e+00, v6;
	_ =	sdelay $0x1  }
0x344: {  	s21 =	sand.u32 $0x3, s11;
	(erf) = vpow2.f32 v6  }
0x345: {  	s25 =	sshll.u32 s21, $0x7  }
0x346: {  	s5 =	sshll.u32 s21, $0x5;
	s21 =	ssub.s32 $0x0, s25  }
0x347: {  	s5 =	ssub.s32 s20, s5;
	s21 =	sshra.s32 s21, $0x2  }
0x348: {  	s5 =	sadd.s32 $0x20, s5;
	s21 =	sadd.s32 s21, s7  }
0x349: {  	s5 =	sand.u32 $0xFFFFFFE0, s5;
	v6 =	vld [tilespmem:s21+$0x0]  }
0x34a: {  	v7 =	vld [tilespmem:s5+$0xE900];
	_ =	sdelay $0x2  }
0x34b: {  	v8 =	vld [tilespmem:s8+$0x0];
	v50 =	vpop (erf)  }
0x34c: {  	v51 =	vld [tilespmem:s8+$0x1];
	v6 =	vmul.f32 v50, v6  }
0x34d: {  	(xrf2) =	vadd.scan.msk.f32 $0xffff, v50;
	v7 =	vmul.f32 v7, v50  }
0x34e: {  	(xrf2) =	vadd.scan.msk.f32 $0xffff, v6  }
0x34f: {  	(xrf2) =	vadd.scan.msk.f32 $0xffff, v7;
	_ =	sdelay $0x1  }
0x350: {  	vm2 =	vne.s32 v8, v51;
	v6 =	vsub.s32 v8, v0  }
0x351: {  	vm3 =	vmor vm2, vm0;
	v6 =	vand.u32 $0xFFFFFF80, v6;
	v7 =	vand.u32 $0x7F, v8  }
0x352: {  	v6 =	vor.u32 v7, v6  }
0x353: {  	v7 =	vsub.s32 v51, v0  }
0x354: {  	v52 =	vand.u32 $0x7F, v51;
	vm2 =	vmand vm2, vm1;
	v7 =	vand.u32 $0xFFFFFF80, v7  }
0x355: {  	v7 =	vor.u32 v52, v7  }
0x356: {  	v53, _, _ =	vpop (xrf2)  }
0x357: {  	[tilespmem:v6+s14+$0x0] =	vst.idx.add.f32.msk vm3, v53;
	v54, _, _ =	vpop (xrf2)  }
0x358: {  	v8 =	vsub.f32 $0.0e+00, v53;
	v55, _, _ =	vpop (xrf2);
	[tilespmem:v6+s15+$0x0] =	vst.idx.add.f32.msk vm3, v54  }
0x359: {  	[tilespmem:v6+s16+$0x0] =	vst.idx.add.f32.msk vm3, v55;
	v6 =	vsub.f32 $0.0e+00, v54  }
0x35a: {  	v56 =	vsub.f32 $0.0e+00, v55;
	[tilespmem:v7+s14+$0x0] =	vst.idx.add.f32.msk vm2, v8  }
0x35b: {  	[tilespmem:v7+s15+$0x0] =	vst.idx.add.f32.msk vm2, v6  }
0x35c: {  	[tilespmem:v7+s16+$0x0] =	vst.idx.add.f32.msk vm2, v56  }
0x35d: {  	v6 =	vld [tilespmem:s6+$0x10];
	_ =	sdelay $0x4  }
0x35e: {  	v6 =	vmul.f32 $1.442695020e+00, v6;
	_ =	sdelay $0x1  }
0x35f: {  	(erf) = vpow2.f32 v6;
	_ =	sdelay $0x3  }
0x360: {  	s2 =	sadd.s32 s2, s1;
	s3 =	sadd.s32 $0x30, s3  }
0x361: {  	s25 =	sand.u32 $0xFFFFFFF0, s3;
	v6 =	vld [tilespmem:s2+$0x0]  }
0x362: {  	v7 =	vld [tilespmem:s25+$0xE900];
	_ =	sdelay $0x2  }
0x363: {  	v8 =	vld [tilespmem:s8+$0x10];
	v57 =	vpop (erf)  }
0x364: {  	v58 =	vld [tilespmem:s8+$0x11];
	v6 =	vmul.f32 v57, v6  }
0x365: {  	(xrf2) =	vadd.scan.msk.f32 $0xffff, v57;
	v7 =	vmul.f32 v7, v57  }
0x366: {  	(xrf2) =	vadd.scan.msk.f32 $0xffff, v6  }
0x367: {  	(xrf2) =	vadd.scan.msk.f32 $0xffff, v7;
	_ =	sdelay $0x1  }
0x368: {  	vm2 =	vne.s32 v8, v58;
	v6 =	vsub.s32 v8, v0  }
0x369: {  	vm3 =	vmor vm2, vm0;
	v6 =	vand.u32 $0xFFFFFF80, v6;
	v7 =	vand.u32 $0x7F, v8  }
0x36a: {  	v6 =	vor.u32 v7, v6  }
0x36b: {  	v7 =	vsub.s32 v58, v0  }
0x36c: {  	v59 =	vand.u32 $0x7F, v58;
	vm2 =	vmand vm2, vm1;
	v7 =	vand.u32 $0xFFFFFF80, v7  }
0x36d: {  	v7 =	vor.u32 v59, v7  }
0x36e: {  	s10 =	sadd.s32 $0x4, s10;
	v60, _, _ =	vpop (xrf2)  }
0x36f: {  	p1 =	slt.u32 s10, $0xFC;
	[tilespmem:v6+s14+$0x0] =	vst.idx.add.f32.msk vm3, v60;
	v61, _, _ =	vpop (xrf2)  }
.Ltmp23:
0x370: {  	v8 =	vsub.f32 $0.0e+00, v60;
	v62, _, _ =	vpop (xrf2);
	[tilespmem:v6+s15+$0x0] =	vst.idx.add.f32.msk vm3, v61;
	(pc) =	sbr.rel @p1 .LBB2_30-.Ltmp23, $4  }
0x371: {  	s0 =	sadd.s32 $0x4, s0;
	[tilespmem:v6+s16+$0x0] =	vst.idx.add.f32.msk vm3, v62;
	v6 =	vsub.f32 $0.0e+00, v61  }
0x372: {  	p0 =	por !p0, !p0;
	s12 =	sadd.s32 $0x80, s12;
	s1 =	sadd.s32 $0x80, s1;
	v63 =	vsub.f32 $0.0e+00, v62;
	[tilespmem:v7+s14+$0x0] =	vst.idx.add.f32.msk vm2, v8  }
0x373: {  	s9 =	sadd.s32 $0x80, s9;
	s11 =	sadd.s32 $0x2, s11;
	s20 =	sadd.s32 $0x80, s20;
	[tilespmem:v7+s15+$0x0] =	vst.idx.add.f32.msk vm2, v6  }
0x374: {  	s7 =	sadd.s32 $0x80, s7;
	s8 =	sadd.s32 $0x40, s8;
	s6 =	sadd.s32 $0x40, s6;
	[tilespmem:v7+s16+$0x0] =	vst.idx.add.f32.msk vm2, v63  }
.Ltmp24:
0x375: {  	_ = 	snop;
	(pc) =	sbr.rel .LBB2_33-.Ltmp24, $1  }
0x376: {  	_ =	sdelay $0x3  }
.LBB2_31:
0x377: {  	p0 =	slt.s32 s30, $0x619800;
	s0 =	smov.u32 s30  }
0x378: {  	s1 =	simm.s32 $0x0;
	s6 =	simm.s32 $0xE890;
	s7 =	simm.s32 $0x10  }
0x379: {  	s8 =	simm.s32 $0xC811;
	s9 =	simm.s32 $0xD890;
	s10 =	simm.s32 $0xE880  }
0x37a: {  	s11 =	simm.s32 $0x0;
	s12 =	simm.s32 $0x0;
	s0 =	simm.s32 @!p0 $0x619800  }
0x37b: {  	v6 =	vmov s2;
	s20 =	simm.s32 $0x10;
	[dreg:$0x9] =	wrdreg s0;
	s0 =	simm.s32 $0xFFFFFFFE  }
.LBB2_32:
0x37c: {  	v7 =	vld [tilespmem:s9+$0xFFFFFFF0];
	_ =	sdelay $0x4  }
0x37d: {  	v7 =	vmul.f32 $1.442695020e+00, v7;
	_ =	sdelay $0x1  }
0x37e: {  	(erf) = vpow2.f32 v7  }
0x37f: {  	s2 =	sand.u32 $0x3, s1  }
0x380: {  	s3 =	sshll.u32 s2, $0x7  }
0x381: {  	s3 =	ssub.s32 $0x0, s3  }
0x382: {  	s5 =	rddreg [dreg:$0x9];
	s2 =	sshll.u32 s2, $0x5;
	s3 =	sshra.s32 s3, $0x2  }
0x383: {  	s5 =	sadd.s32 s7, s5;
	s2 =	ssub.s32 s11, s2;
	s3 =	sadd.s32 s3, s10  }
0x384: {  	s21 =	sadd.s32 $0xFFFFFFF0, s5;
	s2 =	sand.u32 $0xFFFFFFE0, s2;
	v7 =	vld [tilespmem:s3+$0x0]  }
0x385: {  	v8 =	vor.u32 s21, v4;
	v9 =	vld [tilespmem:s2+$0xE900]  }
0x386: {  	vm2 =	vge.s32 v8, v6;
	vm3 =	vlt.s32 v8, v5  }
0x387: {  	v10 =	vld [tilespmem:s8+$0xFFFFFFEF];
	vm2 =	vmand vm2, vm3;
	v11 =	vpop (erf)  }
0x388: {  	v8 =	vld [tilespmem:s8+$0xFFFFFFF0];
	v11 =	vnsel vm2, $0x0, v11  }
0x389: {  	v7 =	vmul.f32 v11, v7  }
0x38a: {  	(xrf2) =	vadd.scan.msk.f32 $0xffff, v11;
	v9 =	vmul.f32 v11, v9  }
0x38b: {  	(xrf2) =	vadd.scan.msk.f32 $0xffff, v7  }
0x38c: {  	vm3 =	vge.s32 v10, v0;
	vm4 =	vlt.s32 v10, v1;
	(xrf2) =	vadd.scan.msk.f32 $0xffff, v9  }
0x38d: {  	v50 =	vand.u32 $0x7F, v10;
	vm3 =	vmand vm3, vm4;
	vm2 =	vne.s32 v10, v8  }
0x38e: {  	vm5 =	vge.s32 v8, v0;
	vm10 =	vmor vm2, vm0;
	v7 =	vsub.s32 v10, v0  }
0x38f: {  	vm11 =	vlt.s32 v8, v1;
	vm3 =	vmand vm3, vm10;
	v7 =	vand.u32 $0xFFFFFF80, v7  }
0x390: {  	vm4 =	vmand vm5, vm11;
	v7 =	vor.u32 v50, v7  }
0x391: {  	v51 =	vsub.s32 v8, v0;
	vm2 =	vmand vm2, vm4  }
0x392: {  	v8 =	vand.u32 $0x7F, v8;
	vm2 =	vmand vm2, vm1;
	v9 =	vand.u32 $0xFFFFFF80, v51  }
0x393: {  	v8 =	vor.u32 v8, v9  }
0x394: {  	v52, _, _ =	vpop (xrf2)  }
0x395: {  	[tilespmem:v7+s14+$0x0] =	vst.idx.add.f32.msk vm3, v52;
	v53, _, _ =	vpop (xrf2)  }
0x396: {  	v9 =	vsub.f32 $0.0e+00, v52;
	v54, _, _ =	vpop (xrf2);
	[tilespmem:v7+s15+$0x0] =	vst.idx.add.f32.msk vm3, v53  }
0x397: {  	[tilespmem:v7+s16+$0x0] =	vst.idx.add.f32.msk vm3, v54;
	v7 =	vsub.f32 $0.0e+00, v53  }
0x398: {  	v55 =	vsub.f32 $0.0e+00, v54;
	[tilespmem:v8+s14+$0x0] =	vst.idx.add.f32.msk vm2, v9  }
0x399: {  	[tilespmem:v8+s15+$0x0] =	vst.idx.add.f32.msk vm2, v7  }
0x39a: {  	[tilespmem:v8+s16+$0x0] =	vst.idx.add.f32.msk vm2, v55  }
0x39b: {  	v7 =	vld [tilespmem:s9+$0x0];
	_ =	sdelay $0x4  }
0x39c: {  	v7 =	vmul.f32 $1.442695020e+00, v7;
	_ =	sdelay $0x1  }
0x39d: {  	(erf) = vpow2.f32 v7  }
0x39e: {  	s21 =	sand.u32 $0x7, s12  }
0x39f: {  	s25 =	sshll.u32 s21, $0x6  }
0x3a0: {  	s3 =	ssub.s32 $0x0, s25  }
0x3a1: {  	s2 =	sshll.u32 s21, $0x4;
	s3 =	sshra.s32 s3, $0x2  }
0x3a2: {  	s2 =	ssub.s32 s20, s2;
	s3 =	sadd.s32 s3, s6  }
0x3a3: {  	s2 =	sand.u32 $0xFFFFFFF0, s2;
	v7 =	vld [tilespmem:s3+$0x0]  }
0x3a4: {  	v8 =	vor.u32 s5, v4;
	v9 =	vld [tilespmem:s2+$0xE900]  }
0x3a5: {  	vm2 =	vge.s32 v8, v6;
	vm3 =	vlt.s32 v8, v5  }
0x3a6: {  	v56 =	vld [tilespmem:s8+$0xFFFFFFFF];
	vm2 =	vmand vm2, vm3;
	v57 =	vpop (erf)  }
0x3a7: {  	v8 =	vld [tilespmem:s8+$0x0];
	v11 =	vnsel vm2, $0x0, v57  }
0x3a8: {  	v7 =	vmul.f32 v11, v7  }
0x3a9: {  	(xrf2) =	vadd.scan.msk.f32 $0xffff, v11;
	v9 =	vmul.f32 v11, v9  }
0x3aa: {  	(xrf2) =	vadd.scan.msk.f32 $0xffff, v7  }
0x3ab: {  	vm3 =	vge.s32 v56, v0;
	vm12 =	vlt.s32 v56, v1;
	(xrf2) =	vadd.scan.msk.f32 $0xffff, v9  }
0x3ac: {  	vm14 =	vge.s32 v8, v0;
	vm15 =	vlt.s32 v8, v1;
	vm2 =	vne.s32 v56, v8  }
0x3ad: {  	vm3 =	vmand vm3, vm12;
	vm13 =	vmor vm2, vm0;
	v7 =	vsub.s32 v56, v0  }
0x3ae: {  	v58 =	vand.u32 $0x7F, v56;
	vm3 =	vmand vm3, vm13;
	v7 =	vand.u32 $0xFFFFFF80, v7  }
0x3af: {  	vm4 =	vmand vm14, vm15;
	v7 =	vor.u32 v58, v7  }
0x3b0: {  	v59 =	vsub.s32 v8, v0;
	vm2 =	vmand vm2, vm4  }
0x3b1: {  	v8 =	vand.u32 $0x7F, v8;
	vm2 =	vmand vm2, vm1;
	v9 =	vand.u32 $0xFFFFFF80, v59  }
0x3b2: {  	v8 =	vor.u32 v8, v9  }
0x3b3: {  	s0 =	sadd.s32 $0x2, s0;
	v60, _, _ =	vpop (xrf2)  }
0x3b4: {  	p0 =	slt.u32 s0, $0xFE;
	[tilespmem:v7+s14+$0x0] =	vst.idx.add.f32.msk vm3, v60;
	v61, _, _ =	vpop (xrf2)  }
.Ltmp25:
0x3b5: {  	v9 =	vsub.f32 $0.0e+00, v60;
	v62, _, _ =	vpop (xrf2);
	[tilespmem:v7+s15+$0x0] =	vst.idx.add.f32.msk vm3, v61;
	(pc) =	sbr.rel @p0 .LBB2_32-.Ltmp25, $4  }
0x3b6: {  	[tilespmem:v7+s16+$0x0] =	vst.idx.add.f32.msk vm3, v62;
	v7 =	vsub.f32 $0.0e+00, v61  }
0x3b7: {  	s1 =	sadd.s32 $0x1, s1;
	s7 =	sadd.s32 $0x20, s7;
	s11 =	sadd.s32 $0x40, s11;
	v63 =	vsub.f32 $0.0e+00, v62;
	[tilespmem:v8+s14+$0x0] =	vst.idx.add.f32.msk vm2, v9  }
0x3b8: {  	s12 =	sadd.s32 $0x2, s12;
	s10 =	sadd.s32 $0x40, s10;
	s20 =	sadd.s32 $0x40, s20;
	[tilespmem:v8+s15+$0x0] =	vst.idx.add.f32.msk vm2, v7  }
0x3b9: {  	s6 =	sadd.s32 $0x40, s6;
	s8 =	sadd.s32 $0x20, s8;
	s9 =	sadd.s32 $0x20, s9;
	[tilespmem:v8+s16+$0x0] =	vst.idx.add.f32.msk vm2, v63  }
.Ltmp26:
0x3ba: {  	_ = 	snop;
	(pc) =	sbr.rel .LBB2_33-.Ltmp26, $1  }
0x3bb: {  	_ =	sdelay $0x3  }
.LBB2_34:
0x3bc: {  	s0 =	simm.s32 $0x10880  }
0x3bd: {  	v5 =	vld [tilespmem:s0+$0x0];
	_ =	sdelay $0x4  }
0x3be: {  	vm2 =	vlt.f32 v5, $0.0e+00;
	vm3 =	vgt.f32 v5, $0.0e+00  }
0x3bf: {  	vm2 =	vmor vm3, vm2  }
0x3c0: {  	v5 =	vnsel vm2, $0x3F800000, v5  }
0x3c1: {  	(erf) = vrcp.f32 v5;
	_ =	sdelay $0x2  }
0x3c2: {  	s1 =	simm.s32 $0x11500  }
0x3c3: {  	s2 =	simm.s32 $0x12180;
	v6 =	vld [tilespmem:s1+$0x0]  }
0x3c4: {  	v5 =	vld [tilespmem:s2+$0x0];
	_ =	sdelay $0x3  }
0x3c5: {  	s2 =	simm.s32 $0x0;
	v7 =	vpop (erf)  }
0x3c6: {  	s3 =	sand.u32 $0x1F00, s2;
	s4 =	sand.u32 $0x70, s2;
	v6 =	vmul.f32 v7, v6;
	v5 =	vmul.f32 v7, v5  }
0x3c7: {  	s6 =	sor.u32 s4, s3  }
0x3c8: {  	s3 =	simm.s32 $0x20;
	s4 =	simm.s32 $0x12190;
	s7 =	sadd.s32 $0x12E00, s6;
	v6 =	vnsel vm2, $0x0, v6;
	v5 =	vnsel vm2, $0x0, v5  }
.LBB2_35:
0x3c9: {  	[tilespmem:s6+$0x12E00] =	vst v6;
	s2 =	sadd.s32 $0x10, s2;
	s0 =	sadd.s32 $0x10, s0;
	s1 =	sadd.s32 $0x10, s1  }
0x3ca: {  	p0 =	sne.s32 s3, $0x18E0;
	s5 =	smov.u32 s3;
	s3 =	sadd.s32 $0x20, s3;
	[tilespmem:s7+$0x80] =	vst v5  }
0x3cb: {  	v5 =	vld [tilespmem:s0+$0x0];
	_ =	sdelay $0x4  }
0x3cc: {  	vm2 =	vlt.f32 v5, $0.0e+00;
	vm3 =	vgt.f32 v5, $0.0e+00  }
0x3cd: {  	vm2 =	vmor vm3, vm2  }
0x3ce: {  	v5 =	vnsel vm2, $0x3F800000, v5  }
0x3cf: {  	(erf) = vrcp.f32 v5;
	_ =	sdelay $0x3  }
0x3d0: {  	v5 =	vld [tilespmem:s4+$0x0]  }
0x3d1: {  	v6 =	vld [tilespmem:s1+$0x0];
	_ =	sdelay $0x2  }
.Ltmp27:
0x3d2: {  	(pc) =	sbr.rel @p0 .LBB2_35-.Ltmp27, $4  }
0x3d3: {  	v7 =	vpop (erf)  }
0x3d4: {  	s5 =	sand.u32 $0x1F00, s5;
	s6 =	sand.u32 $0x70, s2;
	v6 =	vmul.f32 v7, v6;
	v5 =	vmul.f32 v7, v5  }
0x3d5: {  	s6 =	sor.u32 s6, s5  }
0x3d6: {  	s7 =	sadd.s32 $0x12E00, s6;
	s4 =	sadd.s32 $0x10, s4;
	v6 =	vnsel vm2, $0x0, v6;
	v5 =	vnsel vm2, $0x0, v5  }
0x3d7: {  	[tilespmem:s6+$0x12E00] =	vst v6;
	s6 =	simm.s32 $0x0  }
0x3d8: {  	[tilespmem:s7+$0x80] =	vst v5;
	s0 =	rddreg [dreg:$0xa];
	s1 =	simm.s32 $0x12E00;
	s4 =	simm.s32 $0x5  }
0x3d9: {  	[hbm4b:s0+s6] =	stream.linear.scatter [tilespmem:s1], [sflag:$0x5], $0x1900, $0x38;
	[tilespmem:$0x14700] =	vst v63  }
0x3da: {  	_ =	swait.ge [sflag:s4], $0x1900  }
0x3db: {  	s30 =	rddreg [dreg:$0xc]  }
0x3dc: {  	s31 =	rddreg [dreg:$0xb];
	s1 =	sadd.s32 $0x1, s30  }
0x3dd: {  	p0 =	sne.s32 s1, s31  }
.Ltmp28:
0x3de: {  	_ = 	snop;
	(pc) =	sbr.rel @p0 .LBB2_1-.Ltmp28, $3  }
0x3df: {  	_ =	sdelay $0x1  }
0x3e0: {  	[sflag:s4] =	ssyncset.done $0x0  }
0x3e1: {  	[sflag:s4] =	ssyncadd.s32 $0xFFFFE700  }
0x3e2: {  	_ =	sfence.sel $0x180000  }
0x3e3: {  	[bflag:$0x0] =	sbarrier.arrive $0xFFFF  }
0x3e4: {  	_ =	strace $0x90000047  }
0x3e5: {  	s0 =	stileid.u32;
	[bflag:$0x2] =	sbarrier.arrive $0xFFFF  }
0x3e6: {  	p0 =	sne.s32 s0, $0x0;
	s0 =	rddreg [dreg:$0x5]  }
0x3e7: {  	s0 =	sadd.s32 @!p0 $0x100000, s0  }
0x3e8: {  	[sflag:s0] =	ssyncadd.tile.s32 @!p0 $0x1;
	_ =	shalt  }
.Lfunc_end2:
_tile_overlayer_lowered:
.L_overlay_start_2:
0x3e9: {  	(tag) =	ssettag $0x2  }
0x3ea: {  	s0 =	rddreg [dreg:$0x0];
	s2 =	stileid.u32  }
0x3eb: {  	s1 =	rddreg [dreg:$0x1];
	p0 =	sne.s32 s2, $0x0  }
0x3ec: {  	s3 =	rddreg [dreg:$0x2];
	[bflag:$0x3] =	sbarrier.arrive $0xFFFF;
	s2 =	simm.s32 @!p0 $0x1C05  }
0x3ed: {  	[timem:s3], [sflag:s2] =	dma.local @!p0 [hbm:s0], s1  }
0x3ee: {  	s0 =	simm.s32 @!p0 $0x5  }
0x3ef: {  	_ =	swait.ge @!p0 [sflag:s0], s1  }
0x3f0: {  	s1 =	ssub.s32 @!p0 $0x0, s1;
	[sflag:s0] =	ssyncset.done @!p0 $0x0  }
0x3f1: {  	[sflag:s0] =	ssyncadd.s32 @!p0 s1  }
0x3f2: {  	[bflag:$0x3] =	sbarrier.arrive $0xFFFF  }
0x3f3: {  	_ =	shalt  }

</sc_bundles>
